<compile_context>
chip_gen: v7x
topology: tpu7x:2x2x1
jax: 0.10.2.dev20260603
libtpu: 0.0.44.dev20260713+nightly
codegen_flags: <defaults>
</compile_context>

<pallas_src>
import functools

import jax
import jax.numpy as jnp
from jax import lax
from jax.experimental import pallas as pl
from jax.experimental.pallas import tpu as pltpu
from jax.experimental.pallas import tpu_sc as plsc

_B = 1024
_D = 32
_R = 1000
_NIDX = 2 * _B

_NC = 2
_NS = 16
_GPT = _NIDX // 16
_CH = 8

_sc_mesh = plsc.VectorSubcoreMesh(core_axis_name="c", subcore_axis_name="s")


@functools.partial(
    pl.kernel,
    mesh=_sc_mesh,
    out_type=jax.ShapeDtypeStruct((_D, _NIDX), jnp.float32),
    scratch_types=[
        pltpu.VMEM((_GPT,), jnp.int32),
        [pltpu.VMEM((_D // 2, 128), jnp.float32) for _ in range(_CH)],
        [pltpu.VMEM((_D // 2, 128), jnp.float32) for _ in range(_CH)],
        pltpu.VMEM((_D // 2, _GPT), jnp.float32),
        pltpu.SemaphoreType.DMA,
        pltpu.SemaphoreType.DMA,
    ],
)
def _sc_gather(heads_hbm, tails_hbm, table_hbm, out_hbm,
               idx_v, blks0, blks1, cols_v, sem0, sem1):
    wid = lax.axis_index("s") * _NC + lax.axis_index("c")
    group = wid % 16

    @pl.when(group < 8)
    def _():
        pltpu.sync_copy(heads_hbm.at[pl.ds(group * _GPT, _GPT)], idx_v)

    @pl.when(group >= 8)
    def _():
        pltpu.sync_copy(tails_hbm.at[pl.ds((group - 8) * _GPT, _GPT)], idx_v)

    def run(rowoff):
        def fire(c, blks, sem):
            v = idx_v[pl.ds(c, _CH)]
            for j in range(_CH):
                blk = lax.shift_right_logical(v[j], 7) * 128
                pltpu.async_copy(
                    table_hbm.at[pl.ds(rowoff, _D // 2),
                                 pl.ds(pl.multiple_of(blk, 128), 128)],
                    blks[j], sem)

        def select(c, blks, sem):
            v = idx_v[pl.ds(c, _CH)]
            for j in range(_CH):
                pltpu.make_async_copy(
                    table_hbm.at[pl.ds(rowoff, _D // 2), pl.ds(0, 128)],
                    blks[j], sem).wait()
                q = v[j] & 127
                cols_v[pl.ds(0, 16), pl.ds(c + j, 1)] = (
                    blks[j][pl.ds(0, 16), pl.ds(q, 1)])

        fire(0, blks0, sem0)
        fire(_CH, blks1, sem1)

        def pair(g, carry):
            c0 = g * (2 * _CH)
            select(c0, blks0, sem0)

            @pl.when(c0 + 2 * _CH < _GPT)
            def _():
                fire(c0 + 2 * _CH, blks0, sem0)

            select(c0 + _CH, blks1, sem1)

            @pl.when(c0 + 3 * _CH < _GPT)
            def _():
                fire(c0 + 3 * _CH, blks1, sem1)

            return carry

        lax.fori_loop(0, _GPT // (2 * _CH), pair, 0)
        pltpu.sync_copy(
            cols_v,
            out_hbm.at[pl.ds(rowoff, _D // 2), pl.ds(group * _GPT, _GPT)])

    @pl.when(wid < 16)
    def _():
        run(0)

    @pl.when(wid >= 16)
    def _():
        run(16)


_BBL = 512


def _tc_distance_body(h_ref, t_ref, rel_ref, out_ref):
    d = (h_ref[...] - t_ref[...]).astype(jnp.bfloat16)
    rel = rel_ref[...].astype(jnp.bfloat16)
    acc = jnp.abs(rel[:, 0:1] + d[0:1, :])
    for k in range(1, _D):
        acc = acc + jnp.abs(rel[:, k:k + 1] + d[k:k + 1, :])
    out_ref[...] = -acc.astype(jnp.float32)


def _tc_distance(rows_t, rel):
    nblk = _B // _BBL
    return pl.pallas_call(
        _tc_distance_body,
        grid=(nblk,),
        in_specs=[
            pl.BlockSpec((_D, _BBL), lambda i: (0, i)),
            pl.BlockSpec((_D, _BBL), lambda i: (0, i + nblk)),
            pl.BlockSpec((_R, _D), lambda i: (0, 0)),
        ],
        out_specs=pl.BlockSpec((_R, _BBL), lambda i: (0, i)),
        out_shape=jax.ShapeDtypeStruct((_R, _B), jnp.float32),
    )(rows_t, rows_t, rel)


def kernel(heads, tails, entity_emb, relation_emb):
    table_t = entity_emb.T
    rows_t = _sc_gather(heads.astype(jnp.int32), tails.astype(jnp.int32),
                        table_t)
    out_t = _tc_distance(rows_t, relation_emb)
    return out_t.T

# --- scband reference (transcript-rebuilt; emitter-appended) ---
"""Pipeline reference for scband-relation-predictor-43241730736184 (READ-ONLY COPY).

The authoritative reference and input builder live on the scoring server;
editing this copy changes nothing except your own understanding.
"""

import jax, jax.numpy as jnp
import numpy as np

NUM_ENTITIES = 1000000
NUM_RELATIONS = 1000
EMBED_DIM = 32
BATCH = 1024


def setup_inputs(seed: int = 0) -> dict:
    key = jax.random.key(seed)
    k1, k2, k3, k4 = jax.random.split(key, 4)
    heads = jax.random.randint(k1, (BATCH,), 0, NUM_ENTITIES, dtype=jnp.int64 if jax.config.jax_enable_x64 else jnp.int32).astype(jnp.int32)
    tails = jax.random.randint(k2, (BATCH,), 0, NUM_ENTITIES, dtype=jnp.int32)
    # xavier_uniform-style init: uniform in [-a, a], a = sqrt(6/(fan_in+fan_out))
    a_e = float(np.sqrt(6.0 / (NUM_ENTITIES + EMBED_DIM)))
    a_r = float(np.sqrt(6.0 / (NUM_RELATIONS + EMBED_DIM)))
    entity_emb = jax.random.uniform(k3, (NUM_ENTITIES, EMBED_DIM), dtype=jnp.float32, minval=-a_e, maxval=a_e)
    relation_emb = jax.random.uniform(k4, (NUM_RELATIONS, EMBED_DIM), dtype=jnp.float32, minval=-a_r, maxval=a_r)
    return {"heads": heads, "tails": tails, "entity_emb": entity_emb, "relation_emb": relation_emb}


def reference(heads, tails, entity_emb, relation_emb):
    # h_embed = entity_embeddings(heads); t_embed = entity_embeddings(tails)
    h_embed = jnp.take(entity_emb, heads, axis=0)  # [B, D]
    t_embed = jnp.take(entity_emb, tails, axis=0)  # [B, D]
    h_expand = h_embed[:, None, :]                 # [B, 1, D]
    r_expand = relation_emb[None, :, :]            # [1, R, D]
    t_expand = t_embed[:, None, :]                 # [B, 1, D]
    diff = h_expand + r_expand - t_expand          # [B, R, D]
    # torch.norm(diff, p=1, dim=2) == sum(|diff|, axis=2)
    distance = jnp.sum(jnp.abs(diff), axis=2)      # [B, R]
    logits = -distance
    return logits

if __name__ == "__main__":
    import jax
    _d = setup_inputs()
    print(jax.jit(kernel)(*tuple(_d.values())))

</pallas_src>

<mosaic_0001>
#map = affine_map<(d0, d1) -> (0)>
#map1 = affine_map<(d0, d1) -> (0, 0)>
module attributes {stable_mosaic.version = 14 : i64} {
  func.func @_sc_gather(%arg0: i32, %arg1: i32, %arg2: memref<1024xi32, #tpu.memory_space<hbm>>, %arg3: memref<1024xi32, #tpu.memory_space<hbm>>, %arg4: memref<32x1000000xf32, #tpu.memory_space<hbm>>, %arg5: memref<32x2048xf32, #tpu.memory_space<hbm>>, %arg6: memref<128xi32, #tpu.memory_space<vmem>>, %arg7: memref<16x128xf32, #tpu.memory_space<vmem>>, %arg8: memref<16x128xf32, #tpu.memory_space<vmem>>, %arg9: memref<16x128xf32, #tpu.memory_space<vmem>>, %arg10: memref<16x128xf32, #tpu.memory_space<vmem>>, %arg11: memref<16x128xf32, #tpu.memory_space<vmem>>, %arg12: memref<16x128xf32, #tpu.memory_space<vmem>>, %arg13: memref<16x128xf32, #tpu.memory_space<vmem>>, %arg14: memref<16x128xf32, #tpu.memory_space<vmem>>, %arg15: memref<16x128xf32, #tpu.memory_space<vmem>>, %arg16: memref<16x128xf32, #tpu.memory_space<vmem>>, %arg17: memref<16x128xf32, #tpu.memory_space<vmem>>, %arg18: memref<16x128xf32, #tpu.memory_space<vmem>>, %arg19: memref<16x128xf32, #tpu.memory_space<vmem>>, %arg20: memref<16x128xf32, #tpu.memory_space<vmem>>, %arg21: memref<16x128xf32, #tpu.memory_space<vmem>>, %arg22: memref<16x128xf32, #tpu.memory_space<vmem>>, %arg23: memref<16x128xf32, #tpu.memory_space<vmem>>, %arg24: memref<!tpu.dma_semaphore, #tpu.memory_space<semaphore_mem>>, %arg25: memref<!tpu.dma_semaphore, #tpu.memory_space<semaphore_mem>>) attributes {dimension_semantics = [#tpu.dimension_semantics<core_parallel>, #tpu.dimension_semantics<subcore_parallel>], iteration_bounds = array<i64: 2, 16>, scalar_prefetch = 0 : i64, scratch_operands = 20 : i64, tpu.core_type = #tpu.core_type<sc_vector_subcore>, window_params = [{transform_indices = #map}, {transform_indices = #map}, {transform_indices = #map1}, {transform_indices = #map1}]} {
    %mul3A = arith.constant 2 : i32
    %mul3A_0 = arith.muli %arg1, %mul3A : i32
    %add3A = arith.addi %mul3A_0, %arg0 : i32
    %jit3A = arith.constant 16 : i32
    %eq3A = arith.constant 0 : i32
    %eq3A_1 = arith.cmpi eq, %jit3A, %eq3A : i32
    %jit3A_2 = arith.constant 1 : i32
    %select_n3A = arith.select %eq3A_1, %jit3A_2, %jit3A : i32
    %rem3A = arith.remsi %add3A, %select_n3A : i32
    %ne3A = arith.constant 0 : i32
    %ne3A_3 = arith.cmpi ne, %rem3A, %ne3A : i32
    %lt3A = arith.constant 0 : i32
    %lt3A_4 = arith.cmpi slt, %rem3A, %lt3A : i32
    %lt3A_5 = arith.constant 0 : i32
    %lt3A_6 = arith.cmpi slt, %select_n3A, %lt3A_5 : i32
    %ne3A_7 = arith.xori %lt3A_4, %lt3A_6 : i1
    %and3A = arith.andi %ne3A_7, %ne3A_3 : i1
    %add3A_8 = arith.addi %rem3A, %select_n3A : i32
    %select_n3A_9 = arith.select %and3A, %add3A_8, %rem3A : i32
    %lt3A_10 = arith.constant 8 : i32
    %lt3A_11 = arith.cmpi slt, %select_n3A_9, %lt3A_10 : i32
    %convert_element_type3A = arith.extui %lt3A_11 : i1 to i32
    %cond3A = arith.constant 0 : i32
    %cond3A_12 = arith.cmpi ne, %convert_element_type3A, %cond3A : i32
    scf.if %cond3A_12 {
      %mul3A_27 = arith.constant 128 : i32
      %mul3A_28 = arith.muli %select_n3A_9, %mul3A_27 : i32
      "tpu.region"() ({
        %run_scoped3A = tpu.sem_alloc : memref<!tpu.dma_semaphore, #tpu.memory_space<semaphore_mem>>
        %dma_start3A = tpu.memref_slice %arg2[%mul3A_28] : memref<1024xi32, #tpu.memory_space<hbm>> -> memref<128xi32, #tpu.memory_space<hbm>>
        %dma_start3A_29 = tpu.memref_slice %arg2[%mul3A_28] : memref<1024xi32, #tpu.memory_space<hbm>> -> memref<128xi32, #tpu.memory_space<hbm>>
        tpu.enqueue_dma source(%dma_start3A_29 : memref<128xi32, #tpu.memory_space<hbm>>) target(%arg6 : memref<128xi32, #tpu.memory_space<vmem>>) target_semaphore(%run_scoped3A : memref<!tpu.dma_semaphore, #tpu.memory_space<semaphore_mem>>)
        %dma_wait3A = tpu.memref_slice %arg2[%mul3A_28] : memref<1024xi32, #tpu.memory_space<hbm>> -> memref<128xi32, #tpu.memory_space<hbm>>
        %dma_wait3A_30 = tpu.memref_slice %arg2[%mul3A_28] : memref<1024xi32, #tpu.memory_space<hbm>> -> memref<128xi32, #tpu.memory_space<hbm>>
        tpu.wait_dma2 semaphore(%run_scoped3A : memref<!tpu.dma_semaphore, #tpu.memory_space<semaphore_mem>>) src(%dma_wait3A_30 : memref<128xi32, #tpu.memory_space<hbm>>) dst(%arg6 : memref<128xi32, #tpu.memory_space<vmem>>)
        tpu.yield
      }) : () -> ()
    } else {
    }
    %ge3A = arith.constant 8 : i32
    %ge3A_13 = arith.cmpi sge, %select_n3A_9, %ge3A : i32
    %convert_element_type3A_14 = arith.extui %ge3A_13 : i1 to i32
    %cond3A_15 = arith.constant 0 : i32
    %cond3A_16 = arith.cmpi ne, %convert_element_type3A_14, %cond3A_15 : i32
    scf.if %cond3A_16 {
      %sub3A = arith.constant 8 : i32
      %sub3A_27 = arith.subi %select_n3A_9, %sub3A : i32
      %mul3A_28 = arith.constant 128 : i32
      %mul3A_29 = arith.muli %sub3A_27, %mul3A_28 : i32
      "tpu.region"() ({
        %run_scoped3A = tpu.sem_alloc : memref<!tpu.dma_semaphore, #tpu.memory_space<semaphore_mem>>
        %dma_start3A = tpu.memref_slice %arg3[%mul3A_29] : memref<1024xi32, #tpu.memory_space<hbm>> -> memref<128xi32, #tpu.memory_space<hbm>>
        %dma_start3A_30 = tpu.memref_slice %arg3[%mul3A_29] : memref<1024xi32, #tpu.memory_space<hbm>> -> memref<128xi32, #tpu.memory_space<hbm>>
        tpu.enqueue_dma source(%dma_start3A_30 : memref<128xi32, #tpu.memory_space<hbm>>) target(%arg6 : memref<128xi32, #tpu.memory_space<vmem>>) target_semaphore(%run_scoped3A : memref<!tpu.dma_semaphore, #tpu.memory_space<semaphore_mem>>)
        %dma_wait3A = tpu.memref_slice %arg3[%mul3A_29] : memref<1024xi32, #tpu.memory_space<hbm>> -> memref<128xi32, #tpu.memory_space<hbm>>
        %dma_wait3A_31 = tpu.memref_slice %arg3[%mul3A_29] : memref<1024xi32, #tpu.memory_space<hbm>> -> memref<128xi32, #tpu.memory_space<hbm>>
        tpu.wait_dma2 semaphore(%run_scoped3A : memref<!tpu.dma_semaphore, #tpu.memory_space<semaphore_mem>>) src(%dma_wait3A_31 : memref<128xi32, #tpu.memory_space<hbm>>) dst(%arg6 : memref<128xi32, #tpu.memory_space<vmem>>)
        tpu.yield
      }) : () -> ()
    } else {
    }
    %lt3A_17 = arith.constant 16 : i32
    %lt3A_18 = arith.cmpi slt, %add3A, %lt3A_17 : i32
    %convert_element_type3A_19 = arith.extui %lt3A_18 : i1 to i32
    %cond3A_20 = arith.constant 0 : i32
    %cond3A_21 = arith.cmpi ne, %convert_element_type3A_19, %cond3A_20 : i32
    scf.if %cond3A_21 {
      %get3A = arith.constant 0 : index
      %get3A_27 = tpu.vector_load %arg6[%get3A] {strides = array<i32>} : memref<128xi32, #tpu.memory_space<vmem>>, vector<8xi32>,
      %get3A_28 = vector.shape_cast %get3A_27 : vector<8xi32> to vector<8xi32>
      %slice3A = vector.extract_strided_slice %get3A_28 {offsets = [0], sizes = [1], strides = [1]} : vector<8xi32> to vector<1xi32>
      %squeeze3A = vector.extract %slice3A[0] : i32 from vector<1xi32>
      %shift_right_logical3A = arith.constant 7 : i32
      %shift_right_logical3A_29 = arith.shrui %squeeze3A, %shift_right_logical3A : i32
      %mul3A_30 = arith.constant 128 : i32
      %mul3A_31 = arith.muli %shift_right_logical3A_29, %mul3A_30 : i32
      %multiple_of3A = tpu.assume_multiple %mul3A_31, 128 : i32
      %dma_start3A = arith.constant 0 : i32
      %dma_start3A_32 = tpu.memref_slice %arg4[%dma_start3A, %multiple_of3A] : memref<32x1000000xf32, #tpu.memory_space<hbm>> -> memref<16x128xf32, #tpu.memory_space<hbm>>
      %dma_start3A_33 = arith.constant 0 : i32
      %dma_start3A_34 = tpu.memref_slice %arg4[%dma_start3A_33, %multiple_of3A] : memref<32x1000000xf32, #tpu.memory_space<hbm>> -> memref<16x128xf32, #tpu.memory_space<hbm>>
      tpu.enqueue_dma source(%dma_start3A_34 : memref<16x128xf32, #tpu.memory_space<hbm>>) target(%arg7 : memref<16x128xf32, #tpu.memory_space<vmem>>) target_semaphore(%arg24 : memref<!tpu.dma_semaphore, #tpu.memory_space<semaphore_mem>>)
      %slice3A_35 = vector.extract_strided_slice %get3A_28 {offsets = [1], sizes = [1], strides = [1]} : vector<8xi32> to vector<1xi32>
      %squeeze3A_36 = vector.extract %slice3A_35[0] : i32 from vector<1xi32>
      %shift_right_logical3A_37 = arith.constant 7 : i32
      %shift_right_logical3A_38 = arith.shrui %squeeze3A_36, %shift_right_logical3A_37 : i32
      %mul3A_39 = arith.constant 128 : i32
      %mul3A_40 = arith.muli %shift_right_logical3A_38, %mul3A_39 : i32
      %multiple_of3A_41 = tpu.assume_multiple %mul3A_40, 128 : i32
      %dma_start3A_42 = arith.constant 0 : i32
      %dma_start3A_43 = tpu.memref_slice %arg4[%dma_start3A_42, %multiple_of3A_41] : memref<32x1000000xf32, #tpu.memory_space<hbm>> -> memref<16x128xf32, #tpu.memory_space<hbm>>
      %dma_start3A_44 = arith.constant 0 : i32
      %dma_start3A_45 = tpu.memref_slice %arg4[%dma_start3A_44, %multiple_of3A_41] : memref<32x1000000xf32, #tpu.memory_space<hbm>> -> memref<16x128xf32, #tpu.memory_space<hbm>>
      tpu.enqueue_dma source(%dma_start3A_45 : memref<16x128xf32, #tpu.memory_space<hbm>>) target(%arg8 : memref<16x128xf32, #tpu.memory_space<vmem>>) target_semaphore(%arg24 : memref<!tpu.dma_semaphore, #tpu.memory_space<semaphore_mem>>)
      %slice3A_46 = vector.extract_strided_slice %get3A_28 {offsets = [2], sizes = [1], strides = [1]} : vector<8xi32> to vector<1xi32>
      %squeeze3A_47 = vector.extract %slice3A_46[0] : i32 from vector<1xi32>
      %shift_right_logical3A_48 = arith.constant 7 : i32
      %shift_right_logical3A_49 = arith.shrui %squeeze3A_47, %shift_right_logical3A_48 : i32
      %mul3A_50 = arith.constant 128 : i32
      %mul3A_51 = arith.muli %shift_right_logical3A_49, %mul3A_50 : i32
      %multiple_of3A_52 = tpu.assume_multiple %mul3A_51, 128 : i32
      %dma_start3A_53 = arith.constant 0 : i32
      %dma_start3A_54 = tpu.memref_slice %arg4[%dma_start3A_53, %multiple_of3A_52] : memref<32x1000000xf32, #tpu.memory_space<hbm>> -> memref<16x128xf32, #tpu.memory_space<hbm>>
      %dma_start3A_55 = arith.constant 0 : i32
      %dma_start3A_56 = tpu.memref_slice %arg4[%dma_start3A_55, %multiple_of3A_52] : memref<32x1000000xf32, #tpu.memory_space<hbm>> -> memref<16x128xf32, #tpu.memory_space<hbm>>
      tpu.enqueue_dma source(%dma_start3A_56 : memref<16x128xf32, #tpu.memory_space<hbm>>) target(%arg9 : memref<16x128xf32, #tpu.memory_space<vmem>>) target_semaphore(%arg24 : memref<!tpu.dma_semaphore, #tpu.memory_space<semaphore_mem>>)
      %slice3A_57 = vector.extract_strided_slice %get3A_28 {offsets = [3], sizes = [1], strides = [1]} : vector<8xi32> to vector<1xi32>
      %squeeze3A_58 = vector.extract %slice3A_57[0] : i32 from vector<1xi32>
      %shift_right_logical3A_59 = arith.constant 7 : i32
      %shift_right_logical3A_60 = arith.shrui %squeeze3A_58, %shift_right_logical3A_59 : i32
      %mul3A_61 = arith.constant 128 : i32
      %mul3A_62 = arith.muli %shift_right_logical3A_60, %mul3A_61 : i32
      %multiple_of3A_63 = tpu.assume_multiple %mul3A_62, 128 : i32
      %dma_start3A_64 = arith.constant 0 : i32
      %dma_start3A_65 = tpu.memref_slice %arg4[%dma_start3A_64, %multiple_of3A_63] : memref<32x1000000xf32, #tpu.memory_space<hbm>> -> memref<16x128xf32, #tpu.memory_space<hbm>>
      %dma_start3A_66 = arith.constant 0 : i32
      %dma_start3A_67 = tpu.memref_slice %arg4[%dma_start3A_66, %multiple_of3A_63] : memref<32x1000000xf32, #tpu.memory_space<hbm>> -> memref<16x128xf32, #tpu.memory_space<hbm>>
      tpu.enqueue_dma source(%dma_start3A_67 : memref<16x128xf32, #tpu.memory_space<hbm>>) target(%arg10 : memref<16x128xf32, #tpu.memory_space<vmem>>) target_semaphore(%arg24 : memref<!tpu.dma_semaphore, #tpu.memory_space<semaphore_mem>>)
      %slice3A_68 = vector.extract_strided_slice %get3A_28 {offsets = [4], sizes = [1], strides = [1]} : vector<8xi32> to vector<1xi32>
      %squeeze3A_69 = vector.extract %slice3A_68[0] : i32 from vector<1xi32>
      %shift_right_logical3A_70 = arith.constant 7 : i32
      %shift_right_logical3A_71 = arith.shrui %squeeze3A_69, %shift_right_logical3A_70 : i32
      %mul3A_72 = arith.constant 128 : i32
      %mul3A_73 = arith.muli %shift_right_logical3A_71, %mul3A_72 : i32
      %multiple_of3A_74 = tpu.assume_multiple %mul3A_73, 128 : i32
      %dma_start3A_75 = arith.constant 0 : i32
      %dma_start3A_76 = tpu.memref_slice %arg4[%dma_start3A_75, %multiple_of3A_74] : memref<32x1000000xf32, #tpu.memory_space<hbm>> -> memref<16x128xf32, #tpu.memory_space<hbm>>
      %dma_start3A_77 = arith.constant 0 : i32
      %dma_start3A_78 = tpu.memref_slice %arg4[%dma_start3A_77, %multiple_of3A_74] : memref<32x1000000xf32, #tpu.memory_space<hbm>> -> memref<16x128xf32, #tpu.memory_space<hbm>>
      tpu.enqueue_dma source(%dma_start3A_78 : memref<16x128xf32, #tpu.memory_space<hbm>>) target(%arg11 : memref<16x128xf32, #tpu.memory_space<vmem>>) target_semaphore(%arg24 : memref<!tpu.dma_semaphore, #tpu.memory_space<semaphore_mem>>)
      %slice3A_79 = vector.extract_strided_slice %get3A_28 {offsets = [5], sizes = [1], strides = [1]} : vector<8xi32> to vector<1xi32>
      %squeeze3A_80 = vector.extract %slice3A_79[0] : i32 from vector<1xi32>
      %shift_right_logical3A_81 = arith.constant 7 : i32
      %shift_right_logical3A_82 = arith.shrui %squeeze3A_80, %shift_right_logical3A_81 : i32
      %mul3A_83 = arith.constant 128 : i32
      %mul3A_84 = arith.muli %shift_right_logical3A_82, %mul3A_83 : i32
      %multiple_of3A_85 = tpu.assume_multiple %mul3A_84, 128 : i32
      %dma_start3A_86 = arith.constant 0 : i32
      %dma_start3A_87 = tpu.memref_slice %arg4[%dma_start3A_86, %multiple_of3A_85] : memref<32x1000000xf32, #tpu.memory_space<hbm>> -> memref<16x128xf32, #tpu.memory_space<hbm>>
      %dma_start3A_88 = arith.constant 0 : i32
      %dma_start3A_89 = tpu.memref_slice %arg4[%dma_start3A_88, %multiple_of3A_85] : memref<32x1000000xf32, #tpu.memory_space<hbm>> -> memref<16x128xf32, #tpu.memory_space<hbm>>
      tpu.enqueue_dma source(%dma_start3A_89 : memref<16x128xf32, #tpu.memory_space<hbm>>) target(%arg12 : memref<16x128xf32, #tpu.memory_space<vmem>>) target_semaphore(%arg24 : memref<!tpu.dma_semaphore, #tpu.memory_space<semaphore_mem>>)
      %slice3A_90 = vector.extract_strided_slice %get3A_28 {offsets = [6], sizes = [1], strides = [1]} : vector<8xi32> to vector<1xi32>
      %squeeze3A_91 = vector.extract %slice3A_90[0] : i32 from vector<1xi32>
      %shift_right_logical3A_92 = arith.constant 7 : i32
      %shift_right_logical3A_93 = arith.shrui %squeeze3A_91, %shift_right_logical3A_92 : i32
      %mul3A_94 = arith.constant 128 : i32
      %mul3A_95 = arith.muli %shift_right_logical3A_93, %mul3A_94 : i32
      %multiple_of3A_96 = tpu.assume_multiple %mul3A_95, 128 : i32
      %dma_start3A_97 = arith.constant 0 : i32
      %dma_start3A_98 = tpu.memref_slice %arg4[%dma_start3A_97, %multiple_of3A_96] : memref<32x1000000xf32, #tpu.memory_space<hbm>> -> memref<16x128xf32, #tpu.memory_space<hbm>>
      %dma_start3A_99 = arith.constant 0 : i32
      %dma_start3A_100 = tpu.memref_slice %arg4[%dma_start3A_99, %multiple_of3A_96] : memref<32x1000000xf32, #tpu.memory_space<hbm>> -> memref<16x128xf32, #tpu.memory_space<hbm>>
      tpu.enqueue_dma source(%dma_start3A_100 : memref<16x128xf32, #tpu.memory_space<hbm>>) target(%arg13 : memref<16x128xf32, #tpu.memory_space<vmem>>) target_semaphore(%arg24 : memref<!tpu.dma_semaphore, #tpu.memory_space<semaphore_mem>>)
      %slice3A_101 = vector.extract_strided_slice %get3A_28 {offsets = [7], sizes = [1], strides = [1]} : vector<8xi32> to vector<1xi32>
      %squeeze3A_102 = vector.extract %slice3A_101[0] : i32 from vector<1xi32>
      %shift_right_logical3A_103 = arith.constant 7 : i32
      %shift_right_logical3A_104 = arith.shrui %squeeze3A_102, %shift_right_logical3A_103 : i32
      %mul3A_105 = arith.constant 128 : i32
      %mul3A_106 = arith.muli %shift_right_logical3A_104, %mul3A_105 : i32
      %multiple_of3A_107 = tpu.assume_multiple %mul3A_106, 128 : i32
      %dma_start3A_108 = arith.constant 0 : i32
      %dma_start3A_109 = tpu.memref_slice %arg4[%dma_start3A_108, %multiple_of3A_107] : memref<32x1000000xf32, #tpu.memory_space<hbm>> -> memref<16x128xf32, #tpu.memory_space<hbm>>
      %dma_start3A_110 = arith.constant 0 : i32
      %dma_start3A_111 = tpu.memref_slice %arg4[%dma_start3A_110, %multiple_of3A_107] : memref<32x1000000xf32, #tpu.memory_space<hbm>> -> memref<16x128xf32, #tpu.memory_space<hbm>>
      tpu.enqueue_dma source(%dma_start3A_111 : memref<16x128xf32, #tpu.memory_space<hbm>>) target(%arg14 : memref<16x128xf32, #tpu.memory_space<vmem>>) target_semaphore(%arg24 : memref<!tpu.dma_semaphore, #tpu.memory_space<semaphore_mem>>)
      %get3A_112 = arith.constant 8 : index
      %get3A_113 = tpu.vector_load %arg6[%get3A_112] {strides = array<i32>} : memref<128xi32, #tpu.memory_space<vmem>>, vector<8xi32>,
      %get3A_114 = vector.shape_cast %get3A_113 : vector<8xi32> to vector<8xi32>
      %slice3A_115 = vector.extract_strided_slice %get3A_114 {offsets = [0], sizes = [1], strides = [1]} : vector<8xi32> to vector<1xi32>
      %squeeze3A_116 = vector.extract %slice3A_115[0] : i32 from vector<1xi32>
      %shift_right_logical3A_117 = arith.constant 7 : i32
      %shift_right_logical3A_118 = arith.shrui %squeeze3A_116, %shift_right_logical3A_117 : i32
      %mul3A_119 = arith.constant 128 : i32
      %mul3A_120 = arith.muli %shift_right_logical3A_118, %mul3A_119 : i32
      %multiple_of3A_121 = tpu.assume_multiple %mul3A_120, 128 : i32
      %dma_start3A_122 = arith.constant 0 : i32
      %dma_start3A_123 = tpu.memref_slice %arg4[%dma_start3A_122, %multiple_of3A_121] : memref<32x1000000xf32, #tpu.memory_space<hbm>> -> memref<16x128xf32, #tpu.memory_space<hbm>>
      %dma_start3A_124 = arith.constant 0 : i32
      %dma_start3A_125 = tpu.memref_slice %arg4[%dma_start3A_124, %multiple_of3A_121] : memref<32x1000000xf32, #tpu.memory_space<hbm>> -> memref<16x128xf32, #tpu.memory_space<hbm>>
      tpu.enqueue_dma source(%dma_start3A_125 : memref<16x128xf32, #tpu.memory_space<hbm>>) target(%arg15 : memref<16x128xf32, #tpu.memory_space<vmem>>) target_semaphore(%arg25 : memref<!tpu.dma_semaphore, #tpu.memory_space<semaphore_mem>>)
      %slice3A_126 = vector.extract_strided_slice %get3A_114 {offsets = [1], sizes = [1], strides = [1]} : vector<8xi32> to vector<1xi32>
      %squeeze3A_127 = vector.extract %slice3A_126[0] : i32 from vector<1xi32>
      %shift_right_logical3A_128 = arith.constant 7 : i32
      %shift_right_logical3A_129 = arith.shrui %squeeze3A_127, %shift_right_logical3A_128 : i32
      %mul3A_130 = arith.constant 128 : i32
      %mul3A_131 = arith.muli %shift_right_logical3A_129, %mul3A_130 : i32
      %multiple_of3A_132 = tpu.assume_multiple %mul3A_131, 128 : i32
      %dma_start3A_133 = arith.constant 0 : i32
      %dma_start3A_134 = tpu.memref_slice %arg4[%dma_start3A_133, %multiple_of3A_132] : memref<32x1000000xf32, #tpu.memory_space<hbm>> -> memref<16x128xf32, #tpu.memory_space<hbm>>
      %dma_start3A_135 = arith.constant 0 : i32
      %dma_start3A_136 = tpu.memref_slice %arg4[%dma_start3A_135, %multiple_of3A_132] : memref<32x1000000xf32, #tpu.memory_space<hbm>> -> memref<16x128xf32, #tpu.memory_space<hbm>>
      tpu.enqueue_dma source(%dma_start3A_136 : memref<16x128xf32, #tpu.memory_space<hbm>>) target(%arg16 : memref<16x128xf32, #tpu.memory_space<vmem>>) target_semaphore(%arg25 : memref<!tpu.dma_semaphore, #tpu.memory_space<semaphore_mem>>)
      %slice3A_137 = vector.extract_strided_slice %get3A_114 {offsets = [2], sizes = [1], strides = [1]} : vector<8xi32> to vector<1xi32>
      %squeeze3A_138 = vector.extract %slice3A_137[0] : i32 from vector<1xi32>
      %shift_right_logical3A_139 = arith.constant 7 : i32
      %shift_right_logical3A_140 = arith.shrui %squeeze3A_138, %shift_right_logical3A_139 : i32
      %mul3A_141 = arith.constant 128 : i32
      %mul3A_142 = arith.muli %shift_right_logical3A_140, %mul3A_141 : i32
      %multiple_of3A_143 = tpu.assume_multiple %mul3A_142, 128 : i32
      %dma_start3A_144 = arith.constant 0 : i32
      %dma_start3A_145 = tpu.memref_slice %arg4[%dma_start3A_144, %multiple_of3A_143] : memref<32x1000000xf32, #tpu.memory_space<hbm>> -> memref<16x128xf32, #tpu.memory_space<hbm>>
      %dma_start3A_146 = arith.constant 0 : i32
      %dma_start3A_147 = tpu.memref_slice %arg4[%dma_start3A_146, %multiple_of3A_143] : memref<32x1000000xf32, #tpu.memory_space<hbm>> -> memref<16x128xf32, #tpu.memory_space<hbm>>
      tpu.enqueue_dma source(%dma_start3A_147 : memref<16x128xf32, #tpu.memory_space<hbm>>) target(%arg17 : memref<16x128xf32, #tpu.memory_space<vmem>>) target_semaphore(%arg25 : memref<!tpu.dma_semaphore, #tpu.memory_space<semaphore_mem>>)
      %slice3A_148 = vector.extract_strided_slice %get3A_114 {offsets = [3], sizes = [1], strides = [1]} : vector<8xi32> to vector<1xi32>
      %squeeze3A_149 = vector.extract %slice3A_148[0] : i32 from vector<1xi32>
      %shift_right_logical3A_150 = arith.constant 7 : i32
      %shift_right_logical3A_151 = arith.shrui %squeeze3A_149, %shift_right_logical3A_150 : i32
      %mul3A_152 = arith.constant 128 : i32
      %mul3A_153 = arith.muli %shift_right_logical3A_151, %mul3A_152 : i32
      %multiple_of3A_154 = tpu.assume_multiple %mul3A_153, 128 : i32
      %dma_start3A_155 = arith.constant 0 : i32
      %dma_start3A_156 = tpu.memref_slice %arg4[%dma_start3A_155, %multiple_of3A_154] : memref<32x1000000xf32, #tpu.memory_space<hbm>> -> memref<16x128xf32, #tpu.memory_space<hbm>>
      %dma_start3A_157 = arith.constant 0 : i32
      %dma_start3A_158 = tpu.memref_slice %arg4[%dma_start3A_157, %multiple_of3A_154] : memref<32x1000000xf32, #tpu.memory_space<hbm>> -> memref<16x128xf32, #tpu.memory_space<hbm>>
      tpu.enqueue_dma source(%dma_start3A_158 : memref<16x128xf32, #tpu.memory_space<hbm>>) target(%arg18 : memref<16x128xf32, #tpu.memory_space<vmem>>) target_semaphore(%arg25 : memref<!tpu.dma_semaphore, #tpu.memory_space<semaphore_mem>>)
      %slice3A_159 = vector.extract_strided_slice %get3A_114 {offsets = [4], sizes = [1], strides = [1]} : vector<8xi32> to vector<1xi32>
      %squeeze3A_160 = vector.extract %slice3A_159[0] : i32 from vector<1xi32>
      %shift_right_logical3A_161 = arith.constant 7 : i32
      %shift_right_logical3A_162 = arith.shrui %squeeze3A_160, %shift_right_logical3A_161 : i32
      %mul3A_163 = arith.constant 128 : i32
      %mul3A_164 = arith.muli %shift_right_logical3A_162, %mul3A_163 : i32
      %multiple_of3A_165 = tpu.assume_multiple %mul3A_164, 128 : i32
      %dma_start3A_166 = arith.constant 0 : i32
      %dma_start3A_167 = tpu.memref_slice %arg4[%dma_start3A_166, %multiple_of3A_165] : memref<32x1000000xf32, #tpu.memory_space<hbm>> -> memref<16x128xf32, #tpu.memory_space<hbm>>
      %dma_start3A_168 = arith.constant 0 : i32
      %dma_start3A_169 = tpu.memref_slice %arg4[%dma_start3A_168, %multiple_of3A_165] : memref<32x1000000xf32, #tpu.memory_space<hbm>> -> memref<16x128xf32, #tpu.memory_space<hbm>>
      tpu.enqueue_dma source(%dma_start3A_169 : memref<16x128xf32, #tpu.memory_space<hbm>>) target(%arg19 : memref<16x128xf32, #tpu.memory_space<vmem>>) target_semaphore(%arg25 : memref<!tpu.dma_semaphore, #tpu.memory_space<semaphore_mem>>)
      %slice3A_170 = vector.extract_strided_slice %get3A_114 {offsets = [5], sizes = [1], strides = [1]} : vector<8xi32> to vector<1xi32>
      %squeeze3A_171 = vector.extract %slice3A_170[0] : i32 from vector<1xi32>
      %shift_right_logical3A_172 = arith.constant 7 : i32
      %shift_right_logical3A_173 = arith.shrui %squeeze3A_171, %shift_right_logical3A_172 : i32
      %mul3A_174 = arith.constant 128 : i32
      %mul3A_175 = arith.muli %shift_right_logical3A_173, %mul3A_174 : i32
      %multiple_of3A_176 = tpu.assume_multiple %mul3A_175, 128 : i32
      %dma_start3A_177 = arith.constant 0 : i32
      %dma_start3A_178 = tpu.memref_slice %arg4[%dma_start3A_177, %multiple_of3A_176] : memref<32x1000000xf32, #tpu.memory_space<hbm>> -> memref<16x128xf32, #tpu.memory_space<hbm>>
      %dma_start3A_179 = arith.constant 0 : i32
      %dma_start3A_180 = tpu.memref_slice %arg4[%dma_start3A_179, %multiple_of3A_176] : memref<32x1000000xf32, #tpu.memory_space<hbm>> -> memref<16x128xf32, #tpu.memory_space<hbm>>
      tpu.enqueue_dma source(%dma_start3A_180 : memref<16x128xf32, #tpu.memory_space<hbm>>) target(%arg20 : memref<16x128xf32, #tpu.memory_space<vmem>>) target_semaphore(%arg25 : memref<!tpu.dma_semaphore, #tpu.memory_space<semaphore_mem>>)
      %slice3A_181 = vector.extract_strided_slice %get3A_114 {offsets = [6], sizes = [1], strides = [1]} : vector<8xi32> to vector<1xi32>
      %squeeze3A_182 = vector.extract %slice3A_181[0] : i32 from vector<1xi32>
      %shift_right_logical3A_183 = arith.constant 7 : i32
      %shift_right_logical3A_184 = arith.shrui %squeeze3A_182, %shift_right_logical3A_183 : i32
      %mul3A_185 = arith.constant 128 : i32
      %mul3A_186 = arith.muli %shift_right_logical3A_184, %mul3A_185 : i32
      %multiple_of3A_187 = tpu.assume_multiple %mul3A_186, 128 : i32
      %dma_start3A_188 = arith.constant 0 : i32
      %dma_start3A_189 = tpu.memref_slice %arg4[%dma_start3A_188, %multiple_of3A_187] : memref<32x1000000xf32, #tpu.memory_space<hbm>> -> memref<16x128xf32, #tpu.memory_space<hbm>>
      %dma_start3A_190 = arith.constant 0 : i32
      %dma_start3A_191 = tpu.memref_slice %arg4[%dma_start3A_190, %multiple_of3A_187] : memref<32x1000000xf32, #tpu.memory_space<hbm>> -> memref<16x128xf32, #tpu.memory_space<hbm>>
      tpu.enqueue_dma source(%dma_start3A_191 : memref<16x128xf32, #tpu.memory_space<hbm>>) target(%arg21 : memref<16x128xf32, #tpu.memory_space<vmem>>) target_semaphore(%arg25 : memref<!tpu.dma_semaphore, #tpu.memory_space<semaphore_mem>>)
      %slice3A_192 = vector.extract_strided_slice %get3A_114 {offsets = [7], sizes = [1], strides = [1]} : vector<8xi32> to vector<1xi32>
      %squeeze3A_193 = vector.extract %slice3A_192[0] : i32 from vector<1xi32>
      %shift_right_logical3A_194 = arith.constant 7 : i32
      %shift_right_logical3A_195 = arith.shrui %squeeze3A_193, %shift_right_logical3A_194 : i32
      %mul3A_196 = arith.constant 128 : i32
      %mul3A_197 = arith.muli %shift_right_logical3A_195, %mul3A_196 : i32
      %multiple_of3A_198 = tpu.assume_multiple %mul3A_197, 128 : i32
      %dma_start3A_199 = arith.constant 0 : i32
      %dma_start3A_200 = tpu.memref_slice %arg4[%dma_start3A_199, %multiple_of3A_198] : memref<32x1000000xf32, #tpu.memory_space<hbm>> -> memref<16x128xf32, #tpu.memory_space<hbm>>
      %dma_start3A_201 = arith.constant 0 : i32
      %dma_start3A_202 = tpu.memref_slice %arg4[%dma_start3A_201, %multiple_of3A_198] : memref<32x1000000xf32, #tpu.memory_space<hbm>> -> memref<16x128xf32, #tpu.memory_space<hbm>>
      tpu.enqueue_dma source(%dma_start3A_202 : memref<16x128xf32, #tpu.memory_space<hbm>>) target(%arg22 : memref<16x128xf32, #tpu.memory_space<vmem>>) target_semaphore(%arg25 : memref<!tpu.dma_semaphore, #tpu.memory_space<semaphore_mem>>)
      %scan3A = arith.constant 0 : i32
      %scan3A_203 = arith.constant 0 : i32
      %scan3A_204 = arith.constant 8 : i32
      %scan3A_205 = arith.addi %scan3A_203, %scan3A_204 : i32
      %scan3A_206 = arith.constant 1 : i32
      scf.for %scan3A_210 = %scan3A_203 to %scan3A_205 step %scan3A_206  : i32 {
        %mul3A_211 = arith.constant 16 : i32
        %mul3A_212 = arith.muli %scan3A_210, %mul3A_211 : i32
        %get3A_213 = arith.index_cast %mul3A_212 : i32 to index
        %get3A_214 = tpu.vector_load %arg6[%get3A_213] {strides = array<i32>} : memref<128xi32, #tpu.memory_space<vmem>>, vector<8xi32>,
        %get3A_215 = vector.shape_cast %get3A_214 : vector<8xi32> to vector<8xi32>
        %dma_wait3A = arith.constant 0 : i32
        %dma_wait3A_216 = arith.constant 0 : i32
        %dma_wait3A_217 = tpu.memref_slice %arg4[%dma_wait3A, %dma_wait3A_216] : memref<32x1000000xf32, #tpu.memory_space<hbm>> -> memref<16x128xf32, #tpu.memory_space<hbm>>
        %dma_wait3A_218 = arith.constant 0 : i32
        %dma_wait3A_219 = arith.constant 0 : i32
        %dma_wait3A_220 = tpu.memref_slice %arg4[%dma_wait3A_218, %dma_wait3A_219] : memref<32x1000000xf32, #tpu.memory_space<hbm>> -> memref<16x128xf32, #tpu.memory_space<hbm>>
        tpu.wait_dma2 semaphore(%arg24 : memref<!tpu.dma_semaphore, #tpu.memory_space<semaphore_mem>>) src(%dma_wait3A_220 : memref<16x128xf32, #tpu.memory_space<hbm>>) dst(%arg7 : memref<16x128xf32, #tpu.memory_space<vmem>>)
        %slice3A_221 = vector.extract_strided_slice %get3A_215 {offsets = [0], sizes = [1], strides = [1]} : vector<8xi32> to vector<1xi32>
        %squeeze3A_222 = vector.extract %slice3A_221[0] : i32 from vector<1xi32>
        %and3A_223 = arith.constant 127 : i32
        %and3A_224 = arith.andi %squeeze3A_222, %and3A_223 : i32
        %get3A_225 = arith.constant 0 : index
        %get3A_226 = arith.index_cast %and3A_224 : i32 to index
        %get3A_227 = tpu.vector_load %arg7[%get3A_225, %get3A_226] {strides = array<i32>} : memref<16x128xf32, #tpu.memory_space<vmem>>, vector<16x1xf32>,
        %get3A_228 = vector.shape_cast %get3A_227 : vector<16x1xf32> to vector<16x1xf32>
        %add3A_229 = arith.constant 0 : i32
        %add3A_230 = arith.addi %mul3A_212, %add3A_229 : i32
        %swap3A = arith.constant 0 : index
        %swap3A_231 = arith.index_cast %add3A_230 : i32 to index
        %swap3A_232 = tpu.vector_load %arg23[%swap3A, %swap3A_231] {strides = array<i32>} : memref<16x128xf32, #tpu.memory_space<vmem>>, vector<16x1xf32>,
        %swap3A_233 = vector.shape_cast %swap3A_232 : vector<16x1xf32> to vector<16x1xf32>
        %swap3A_234 = vector.shape_cast %get3A_228 : vector<16x1xf32> to vector<16x1xf32>
        tpu.vector_store %arg23[%swap3A, %swap3A_231], %swap3A_234 {strides = array<i32>} : memref<16x128xf32, #tpu.memory_space<vmem>>, vector<16x1xf32>,
        %dma_wait3A_235 = arith.constant 0 : i32
        %dma_wait3A_236 = arith.constant 0 : i32
        %dma_wait3A_237 = tpu.memref_slice %arg4[%dma_wait3A_235, %dma_wait3A_236] : memref<32x1000000xf32, #tpu.memory_space<hbm>> -> memref<16x128xf32, #tpu.memory_space<hbm>>
        %dma_wait3A_238 = arith.constant 0 : i32
        %dma_wait3A_239 = arith.constant 0 : i32
        %dma_wait3A_240 = tpu.memref_slice %arg4[%dma_wait3A_238, %dma_wait3A_239] : memref<32x1000000xf32, #tpu.memory_space<hbm>> -> memref<16x128xf32, #tpu.memory_space<hbm>>
        tpu.wait_dma2 semaphore(%arg24 : memref<!tpu.dma_semaphore, #tpu.memory_space<semaphore_mem>>) src(%dma_wait3A_240 : memref<16x128xf32, #tpu.memory_space<hbm>>) dst(%arg8 : memref<16x128xf32, #tpu.memory_space<vmem>>)
        %slice3A_241 = vector.extract_strided_slice %get3A_215 {offsets = [1], sizes = [1], strides = [1]} : vector<8xi32> to vector<1xi32>
        %squeeze3A_242 = vector.extract %slice3A_241[0] : i32 from vector<1xi32>
        %and3A_243 = arith.constant 127 : i32
        %and3A_244 = arith.andi %squeeze3A_242, %and3A_243 : i32
        %get3A_245 = arith.constant 0 : index
        %get3A_246 = arith.index_cast %and3A_244 : i32 to index
        %get3A_247 = tpu.vector_load %arg8[%get3A_245, %get3A_246] {strides = array<i32>} : memref<16x128xf32, #tpu.memory_space<vmem>>, vector<16x1xf32>,
        %get3A_248 = vector.shape_cast %get3A_247 : vector<16x1xf32> to vector<16x1xf32>
        %add3A_249 = arith.constant 1 : i32
        %add3A_250 = arith.addi %mul3A_212, %add3A_249 : i32
        %swap3A_251 = arith.constant 0 : index
        %swap3A_252 = arith.index_cast %add3A_250 : i32 to index
        %swap3A_253 = tpu.vector_load %arg23[%swap3A_251, %swap3A_252] {strides = array<i32>} : memref<16x128xf32, #tpu.memory_space<vmem>>, vector<16x1xf32>,
        %swap3A_254 = vector.shape_cast %swap3A_253 : vector<16x1xf32> to vector<16x1xf32>
        %swap3A_255 = vector.shape_cast %get3A_248 : vector<16x1xf32> to vector<16x1xf32>
        tpu.vector_store %arg23[%swap3A_251, %swap3A_252], %swap3A_255 {strides = array<i32>} : memref<16x128xf32, #tpu.memory_space<vmem>>, vector<16x1xf32>,
        %dma_wait3A_256 = arith.constant 0 : i32
        %dma_wait3A_257 = arith.constant 0 : i32
        %dma_wait3A_258 = tpu.memref_slice %arg4[%dma_wait3A_256, %dma_wait3A_257] : memref<32x1000000xf32, #tpu.memory_space<hbm>> -> memref<16x128xf32, #tpu.memory_space<hbm>>
        %dma_wait3A_259 = arith.constant 0 : i32
        %dma_wait3A_260 = arith.constant 0 : i32
        %dma_wait3A_261 = tpu.memref_slice %arg4[%dma_wait3A_259, %dma_wait3A_260] : memref<32x1000000xf32, #tpu.memory_space<hbm>> -> memref<16x128xf32, #tpu.memory_space<hbm>>
        tpu.wait_dma2 semaphore(%arg24 : memref<!tpu.dma_semaphore, #tpu.memory_space<semaphore_mem>>) src(%dma_wait3A_261 : memref<16x128xf32, #tpu.memory_space<hbm>>) dst(%arg9 : memref<16x128xf32, #tpu.memory_space<vmem>>)
        %slice3A_262 = vector.extract_strided_slice %get3A_215 {offsets = [2], sizes = [1], strides = [1]} : vector<8xi32> to vector<1xi32>
        %squeeze3A_263 = vector.extract %slice3A_262[0] : i32 from vector<1xi32>
        %and3A_264 = arith.constant 127 : i32
        %and3A_265 = arith.andi %squeeze3A_263, %and3A_264 : i32
        %get3A_266 = arith.constant 0 : index
        %get3A_267 = arith.index_cast %and3A_265 : i32 to index
        %get3A_268 = tpu.vector_load %arg9[%get3A_266, %get3A_267] {strides = array<i32>} : memref<16x128xf32, #tpu.memory_space<vmem>>, vector<16x1xf32>,
        %get3A_269 = vector.shape_cast %get3A_268 : vector<16x1xf32> to vector<16x1xf32>
        %add3A_270 = arith.constant 2 : i32
        %add3A_271 = arith.addi %mul3A_212, %add3A_270 : i32
        %swap3A_272 = arith.constant 0 : index
        %swap3A_273 = arith.index_cast %add3A_271 : i32 to index
        %swap3A_274 = tpu.vector_load %arg23[%swap3A_272, %swap3A_273] {strides = array<i32>} : memref<16x128xf32, #tpu.memory_space<vmem>>, vector<16x1xf32>,
        %swap3A_275 = vector.shape_cast %swap3A_274 : vector<16x1xf32> to vector<16x1xf32>
        %swap3A_276 = vector.shape_cast %get3A_269 : vector<16x1xf32> to vector<16x1xf32>
        tpu.vector_store %arg23[%swap3A_272, %swap3A_273], %swap3A_276 {strides = array<i32>} : memref<16x128xf32, #tpu.memory_space<vmem>>, vector<16x1xf32>,
        %dma_wait3A_277 = arith.constant 0 : i32
        %dma_wait3A_278 = arith.constant 0 : i32
        %dma_wait3A_279 = tpu.memref_slice %arg4[%dma_wait3A_277, %dma_wait3A_278] : memref<32x1000000xf32, #tpu.memory_space<hbm>> -> memref<16x128xf32, #tpu.memory_space<hbm>>
        %dma_wait3A_280 = arith.constant 0 : i32
        %dma_wait3A_281 = arith.constant 0 : i32
        %dma_wait3A_282 = tpu.memref_slice %arg4[%dma_wait3A_280, %dma_wait3A_281] : memref<32x1000000xf32, #tpu.memory_space<hbm>> -> memref<16x128xf32, #tpu.memory_space<hbm>>
        tpu.wait_dma2 semaphore(%arg24 : memref<!tpu.dma_semaphore, #tpu.memory_space<semaphore_mem>>) src(%dma_wait3A_282 : memref<16x128xf32, #tpu.memory_space<hbm>>) dst(%arg10 : memref<16x128xf32, #tpu.memory_space<vmem>>)
        %slice3A_283 = vector.extract_strided_slice %get3A_215 {offsets = [3], sizes = [1], strides = [1]} : vector<8xi32> to vector<1xi32>
        %squeeze3A_284 = vector.extract %slice3A_283[0] : i32 from vector<1xi32>
        %and3A_285 = arith.constant 127 : i32
        %and3A_286 = arith.andi %squeeze3A_284, %and3A_285 : i32
        %get3A_287 = arith.constant 0 : index
        %get3A_288 = arith.index_cast %and3A_286 : i32 to index
        %get3A_289 = tpu.vector_load %arg10[%get3A_287, %get3A_288] {strides = array<i32>} : memref<16x128xf32, #tpu.memory_space<vmem>>, vector<16x1xf32>,
        %get3A_290 = vector.shape_cast %get3A_289 : vector<16x1xf32> to vector<16x1xf32>
        %add3A_291 = arith.constant 3 : i32
        %add3A_292 = arith.addi %mul3A_212, %add3A_291 : i32
        %swap3A_293 = arith.constant 0 : index
        %swap3A_294 = arith.index_cast %add3A_292 : i32 to index
        %swap3A_295 = tpu.vector_load %arg23[%swap3A_293, %swap3A_294] {strides = array<i32>} : memref<16x128xf32, #tpu.memory_space<vmem>>, vector<16x1xf32>,
        %swap3A_296 = vector.shape_cast %swap3A_295 : vector<16x1xf32> to vector<16x1xf32>
        %swap3A_297 = vector.shape_cast %get3A_290 : vector<16x1xf32> to vector<16x1xf32>
        tpu.vector_store %arg23[%swap3A_293, %swap3A_294], %swap3A_297 {strides = array<i32>} : memref<16x128xf32, #tpu.memory_space<vmem>>, vector<16x1xf32>,
        %dma_wait3A_298 = arith.constant 0 : i32
        %dma_wait3A_299 = arith.constant 0 : i32
        %dma_wait3A_300 = tpu.memref_slice %arg4[%dma_wait3A_298, %dma_wait3A_299] : memref<32x1000000xf32, #tpu.memory_space<hbm>> -> memref<16x128xf32, #tpu.memory_space<hbm>>
        %dma_wait3A_301 = arith.constant 0 : i32
        %dma_wait3A_302 = arith.constant 0 : i32
        %dma_wait3A_303 = tpu.memref_slice %arg4[%dma_wait3A_301, %dma_wait3A_302] : memref<32x1000000xf32, #tpu.memory_space<hbm>> -> memref<16x128xf32, #tpu.memory_space<hbm>>
        tpu.wait_dma2 semaphore(%arg24 : memref<!tpu.dma_semaphore, #tpu.memory_space<semaphore_mem>>) src(%dma_wait3A_303 : memref<16x128xf32, #tpu.memory_space<hbm>>) dst(%arg11 : memref<16x128xf32, #tpu.memory_space<vmem>>)
        %slice3A_304 = vector.extract_strided_slice %get3A_215 {offsets = [4], sizes = [1], strides = [1]} : vector<8xi32> to vector<1xi32>
        %squeeze3A_305 = vector.extract %slice3A_304[0] : i32 from vector<1xi32>
        %and3A_306 = arith.constant 127 : i32
        %and3A_307 = arith.andi %squeeze3A_305, %and3A_306 : i32
        %get3A_308 = arith.constant 0 : index
        %get3A_309 = arith.index_cast %and3A_307 : i32 to index
        %get3A_310 = tpu.vector_load %arg11[%get3A_308, %get3A_309] {strides = array<i32>} : memref<16x128xf32, #tpu.memory_space<vmem>>, vector<16x1xf32>,
        %get3A_311 = vector.shape_cast %get3A_310 : vector<16x1xf32> to vector<16x1xf32>
        %add3A_312 = arith.constant 4 : i32
        %add3A_313 = arith.addi %mul3A_212, %add3A_312 : i32
        %swap3A_314 = arith.constant 0 : index
        %swap3A_315 = arith.index_cast %add3A_313 : i32 to index
        %swap3A_316 = tpu.vector_load %arg23[%swap3A_314, %swap3A_315] {strides = array<i32>} : memref<16x128xf32, #tpu.memory_space<vmem>>, vector<16x1xf32>,
        %swap3A_317 = vector.shape_cast %swap3A_316 : vector<16x1xf32> to vector<16x1xf32>
        %swap3A_318 = vector.shape_cast %get3A_311 : vector<16x1xf32> to vector<16x1xf32>
        tpu.vector_store %arg23[%swap3A_314, %swap3A_315], %swap3A_318 {strides = array<i32>} : memref<16x128xf32, #tpu.memory_space<vmem>>, vector<16x1xf32>,
        %dma_wait3A_319 = arith.constant 0 : i32
        %dma_wait3A_320 = arith.constant 0 : i32
        %dma_wait3A_321 = tpu.memref_slice %arg4[%dma_wait3A_319, %dma_wait3A_320] : memref<32x1000000xf32, #tpu.memory_space<hbm>> -> memref<16x128xf32, #tpu.memory_space<hbm>>
        %dma_wait3A_322 = arith.constant 0 : i32
        %dma_wait3A_323 = arith.constant 0 : i32
        %dma_wait3A_324 = tpu.memref_slice %arg4[%dma_wait3A_322, %dma_wait3A_323] : memref<32x1000000xf32, #tpu.memory_space<hbm>> -> memref<16x128xf32, #tpu.memory_space<hbm>>
        tpu.wait_dma2 semaphore(%arg24 : memref<!tpu.dma_semaphore, #tpu.memory_space<semaphore_mem>>) src(%dma_wait3A_324 : memref<16x128xf32, #tpu.memory_space<hbm>>) dst(%arg12 : memref<16x128xf32, #tpu.memory_space<vmem>>)
        %slice3A_325 = vector.extract_strided_slice %get3A_215 {offsets = [5], sizes = [1], strides = [1]} : vector<8xi32> to vector<1xi32>
        %squeeze3A_326 = vector.extract %slice3A_325[0] : i32 from vector<1xi32>
        %and3A_327 = arith.constant 127 : i32
        %and3A_328 = arith.andi %squeeze3A_326, %and3A_327 : i32
        %get3A_329 = arith.constant 0 : index
        %get3A_330 = arith.index_cast %and3A_328 : i32 to index
        %get3A_331 = tpu.vector_load %arg12[%get3A_329, %get3A_330] {strides = array<i32>} : memref<16x128xf32, #tpu.memory_space<vmem>>, vector<16x1xf32>,
        %get3A_332 = vector.shape_cast %get3A_331 : vector<16x1xf32> to vector<16x1xf32>
        %add3A_333 = arith.constant 5 : i32
        %add3A_334 = arith.addi %mul3A_212, %add3A_333 : i32
        %swap3A_335 = arith.constant 0 : index
        %swap3A_336 = arith.index_cast %add3A_334 : i32 to index
        %swap3A_337 = tpu.vector_load %arg23[%swap3A_335, %swap3A_336] {strides = array<i32>} : memref<16x128xf32, #tpu.memory_space<vmem>>, vector<16x1xf32>,
        %swap3A_338 = vector.shape_cast %swap3A_337 : vector<16x1xf32> to vector<16x1xf32>
        %swap3A_339 = vector.shape_cast %get3A_332 : vector<16x1xf32> to vector<16x1xf32>
        tpu.vector_store %arg23[%swap3A_335, %swap3A_336], %swap3A_339 {strides = array<i32>} : memref<16x128xf32, #tpu.memory_space<vmem>>, vector<16x1xf32>,
        %dma_wait3A_340 = arith.constant 0 : i32
        %dma_wait3A_341 = arith.constant 0 : i32
        %dma_wait3A_342 = tpu.memref_slice %arg4[%dma_wait3A_340, %dma_wait3A_341] : memref<32x1000000xf32, #tpu.memory_space<hbm>> -> memref<16x128xf32, #tpu.memory_space<hbm>>
        %dma_wait3A_343 = arith.constant 0 : i32
        %dma_wait3A_344 = arith.constant 0 : i32
        %dma_wait3A_345 = tpu.memref_slice %arg4[%dma_wait3A_343, %dma_wait3A_344] : memref<32x1000000xf32, #tpu.memory_space<hbm>> -> memref<16x128xf32, #tpu.memory_space<hbm>>
        tpu.wait_dma2 semaphore(%arg24 : memref<!tpu.dma_semaphore, #tpu.memory_space<semaphore_mem>>) src(%dma_wait3A_345 : memref<16x128xf32, #tpu.memory_space<hbm>>) dst(%arg13 : memref<16x128xf32, #tpu.memory_space<vmem>>)
        %slice3A_346 = vector.extract_strided_slice %get3A_215 {offsets = [6], sizes = [1], strides = [1]} : vector<8xi32> to vector<1xi32>
        %squeeze3A_347 = vector.extract %slice3A_346[0] : i32 from vector<1xi32>
        %and3A_348 = arith.constant 127 : i32
        %and3A_349 = arith.andi %squeeze3A_347, %and3A_348 : i32
        %get3A_350 = arith.constant 0 : index
        %get3A_351 = arith.index_cast %and3A_349 : i32 to index
        %get3A_352 = tpu.vector_load %arg13[%get3A_350, %get3A_351] {strides = array<i32>} : memref<16x128xf32, #tpu.memory_space<vmem>>, vector<16x1xf32>,
        %get3A_353 = vector.shape_cast %get3A_352 : vector<16x1xf32> to vector<16x1xf32>
        %add3A_354 = arith.constant 6 : i32
        %add3A_355 = arith.addi %mul3A_212, %add3A_354 : i32
        %swap3A_356 = arith.constant 0 : index
        %swap3A_357 = arith.index_cast %add3A_355 : i32 to index
        %swap3A_358 = tpu.vector_load %arg23[%swap3A_356, %swap3A_357] {strides = array<i32>} : memref<16x128xf32, #tpu.memory_space<vmem>>, vector<16x1xf32>,
        %swap3A_359 = vector.shape_cast %swap3A_358 : vector<16x1xf32> to vector<16x1xf32>
        %swap3A_360 = vector.shape_cast %get3A_353 : vector<16x1xf32> to vector<16x1xf32>
        tpu.vector_store %arg23[%swap3A_356, %swap3A_357], %swap3A_360 {strides = array<i32>} : memref<16x128xf32, #tpu.memory_space<vmem>>, vector<16x1xf32>,
        %dma_wait3A_361 = arith.constant 0 : i32
        %dma_wait3A_362 = arith.constant 0 : i32
        %dma_wait3A_363 = tpu.memref_slice %arg4[%dma_wait3A_361, %dma_wait3A_362] : memref<32x1000000xf32, #tpu.memory_space<hbm>> -> memref<16x128xf32, #tpu.memory_space<hbm>>
        %dma_wait3A_364 = arith.constant 0 : i32
        %dma_wait3A_365 = arith.constant 0 : i32
        %dma_wait3A_366 = tpu.memref_slice %arg4[%dma_wait3A_364, %dma_wait3A_365] : memref<32x1000000xf32, #tpu.memory_space<hbm>> -> memref<16x128xf32, #tpu.memory_space<hbm>>
        tpu.wait_dma2 semaphore(%arg24 : memref<!tpu.dma_semaphore, #tpu.memory_space<semaphore_mem>>) src(%dma_wait3A_366 : memref<16x128xf32, #tpu.memory_space<hbm>>) dst(%arg14 : memref<16x128xf32, #tpu.memory_space<vmem>>)
        %slice3A_367 = vector.extract_strided_slice %get3A_215 {offsets = [7], sizes = [1], strides = [1]} : vector<8xi32> to vector<1xi32>
        %squeeze3A_368 = vector.extract %slice3A_367[0] : i32 from vector<1xi32>
        %and3A_369 = arith.constant 127 : i32
        %and3A_370 = arith.andi %squeeze3A_368, %and3A_369 : i32
        %get3A_371 = arith.constant 0 : index
        %get3A_372 = arith.index_cast %and3A_370 : i32 to index
        %get3A_373 = tpu.vector_load %arg14[%get3A_371, %get3A_372] {strides = array<i32>} : memref<16x128xf32, #tpu.memory_space<vmem>>, vector<16x1xf32>,
        %get3A_374 = vector.shape_cast %get3A_373 : vector<16x1xf32> to vector<16x1xf32>
        %add3A_375 = arith.constant 7 : i32
        %add3A_376 = arith.addi %mul3A_212, %add3A_375 : i32
        %swap3A_377 = arith.constant 0 : index
        %swap3A_378 = arith.index_cast %add3A_376 : i32 to index
        %swap3A_379 = tpu.vector_load %arg23[%swap3A_377, %swap3A_378] {strides = array<i32>} : memref<16x128xf32, #tpu.memory_space<vmem>>, vector<16x1xf32>,
        %swap3A_380 = vector.shape_cast %swap3A_379 : vector<16x1xf32> to vector<16x1xf32>
        %swap3A_381 = vector.shape_cast %get3A_374 : vector<16x1xf32> to vector<16x1xf32>
        tpu.vector_store %arg23[%swap3A_377, %swap3A_378], %swap3A_381 {strides = array<i32>} : memref<16x128xf32, #tpu.memory_space<vmem>>, vector<16x1xf32>,
        %add3A_382 = arith.constant 16 : i32
        %add3A_383 = arith.addi %mul3A_212, %add3A_382 : i32
        %lt3A_384 = arith.constant 128 : i32
        %lt3A_385 = arith.cmpi slt, %add3A_383, %lt3A_384 : i32
        %convert_element_type3A_386 = arith.extui %lt3A_385 : i1 to i32
        %cond3A_387 = arith.constant 0 : i32
        %cond3A_388 = arith.cmpi ne, %convert_element_type3A_386, %cond3A_387 : i32
        scf.if %cond3A_388 {
          %add3A_569 = arith.constant 16 : i32
          %add3A_570 = arith.addi %mul3A_212, %add3A_569 : i32
          %get3A_571 = arith.index_cast %add3A_570 : i32 to index
          %get3A_572 = tpu.vector_load %arg6[%get3A_571] {strides = array<i32>} : memref<128xi32, #tpu.memory_space<vmem>>, vector<8xi32>,
          %get3A_573 = vector.shape_cast %get3A_572 : vector<8xi32> to vector<8xi32>
          %slice3A_574 = vector.extract_strided_slice %get3A_573 {offsets = [0], sizes = [1], strides = [1]} : vector<8xi32> to vector<1xi32>
          %squeeze3A_575 = vector.extract %slice3A_574[0] : i32 from vector<1xi32>
          %shift_right_logical3A_576 = arith.constant 7 : i32
          %shift_right_logical3A_577 = arith.shrui %squeeze3A_575, %shift_right_logical3A_576 : i32
          %mul3A_578 = arith.constant 128 : i32
          %mul3A_579 = arith.muli %shift_right_logical3A_577, %mul3A_578 : i32
          %multiple_of3A_580 = tpu.assume_multiple %mul3A_579, 128 : i32
          %dma_start3A_581 = arith.constant 0 : i32
          %dma_start3A_582 = tpu.memref_slice %arg4[%dma_start3A_581, %multiple_of3A_580] : memref<32x1000000xf32, #tpu.memory_space<hbm>> -> memref<16x128xf32, #tpu.memory_space<hbm>>
          %dma_start3A_583 = arith.constant 0 : i32
          %dma_start3A_584 = tpu.memref_slice %arg4[%dma_start3A_583, %multiple_of3A_580] : memref<32x1000000xf32, #tpu.memory_space<hbm>> -> memref<16x128xf32, #tpu.memory_space<hbm>>
          tpu.enqueue_dma source(%dma_start3A_584 : memref<16x128xf32, #tpu.memory_space<hbm>>) target(%arg7 : memref<16x128xf32, #tpu.memory_space<vmem>>) target_semaphore(%arg24 : memref<!tpu.dma_semaphore, #tpu.memory_space<semaphore_mem>>)
          %slice3A_585 = vector.extract_strided_slice %get3A_573 {offsets = [1], sizes = [1], strides = [1]} : vector<8xi32> to vector<1xi32>
          %squeeze3A_586 = vector.extract %slice3A_585[0] : i32 from vector<1xi32>
          %shift_right_logical3A_587 = arith.constant 7 : i32
          %shift_right_logical3A_588 = arith.shrui %squeeze3A_586, %shift_right_logical3A_587 : i32
          %mul3A_589 = arith.constant 128 : i32
          %mul3A_590 = arith.muli %shift_right_logical3A_588, %mul3A_589 : i32
          %multiple_of3A_591 = tpu.assume_multiple %mul3A_590, 128 : i32
          %dma_start3A_592 = arith.constant 0 : i32
          %dma_start3A_593 = tpu.memref_slice %arg4[%dma_start3A_592, %multiple_of3A_591] : memref<32x1000000xf32, #tpu.memory_space<hbm>> -> memref<16x128xf32, #tpu.memory_space<hbm>>
          %dma_start3A_594 = arith.constant 0 : i32
          %dma_start3A_595 = tpu.memref_slice %arg4[%dma_start3A_594, %multiple_of3A_591] : memref<32x1000000xf32, #tpu.memory_space<hbm>> -> memref<16x128xf32, #tpu.memory_space<hbm>>
          tpu.enqueue_dma source(%dma_start3A_595 : memref<16x128xf32, #tpu.memory_space<hbm>>) target(%arg8 : memref<16x128xf32, #tpu.memory_space<vmem>>) target_semaphore(%arg24 : memref<!tpu.dma_semaphore, #tpu.memory_space<semaphore_mem>>)
          %slice3A_596 = vector.extract_strided_slice %get3A_573 {offsets = [2], sizes = [1], strides = [1]} : vector<8xi32> to vector<1xi32>
          %squeeze3A_597 = vector.extract %slice3A_596[0] : i32 from vector<1xi32>
          %shift_right_logical3A_598 = arith.constant 7 : i32
          %shift_right_logical3A_599 = arith.shrui %squeeze3A_597, %shift_right_logical3A_598 : i32
          %mul3A_600 = arith.constant 128 : i32
          %mul3A_601 = arith.muli %shift_right_logical3A_599, %mul3A_600 : i32
          %multiple_of3A_602 = tpu.assume_multiple %mul3A_601, 128 : i32
          %dma_start3A_603 = arith.constant 0 : i32
          %dma_start3A_604 = tpu.memref_slice %arg4[%dma_start3A_603, %multiple_of3A_602] : memref<32x1000000xf32, #tpu.memory_space<hbm>> -> memref<16x128xf32, #tpu.memory_space<hbm>>
          %dma_start3A_605 = arith.constant 0 : i32
          %dma_start3A_606 = tpu.memref_slice %arg4[%dma_start3A_605, %multiple_of3A_602] : memref<32x1000000xf32, #tpu.memory_space<hbm>> -> memref<16x128xf32, #tpu.memory_space<hbm>>
          tpu.enqueue_dma source(%dma_start3A_606 : memref<16x128xf32, #tpu.memory_space<hbm>>) target(%arg9 : memref<16x128xf32, #tpu.memory_space<vmem>>) target_semaphore(%arg24 : memref<!tpu.dma_semaphore, #tpu.memory_space<semaphore_mem>>)
          %slice3A_607 = vector.extract_strided_slice %get3A_573 {offsets = [3], sizes = [1], strides = [1]} : vector<8xi32> to vector<1xi32>
          %squeeze3A_608 = vector.extract %slice3A_607[0] : i32 from vector<1xi32>
          %shift_right_logical3A_609 = arith.constant 7 : i32
          %shift_right_logical3A_610 = arith.shrui %squeeze3A_608, %shift_right_logical3A_609 : i32
          %mul3A_611 = arith.constant 128 : i32
          %mul3A_612 = arith.muli %shift_right_logical3A_610, %mul3A_611 : i32
          %multiple_of3A_613 = tpu.assume_multiple %mul3A_612, 128 : i32
          %dma_start3A_614 = arith.constant 0 : i32
          %dma_start3A_615 = tpu.memref_slice %arg4[%dma_start3A_614, %multiple_of3A_613] : memref<32x1000000xf32, #tpu.memory_space<hbm>> -> memref<16x128xf32, #tpu.memory_space<hbm>>
          %dma_start3A_616 = arith.constant 0 : i32
          %dma_start3A_617 = tpu.memref_slice %arg4[%dma_start3A_616, %multiple_of3A_613] : memref<32x1000000xf32, #tpu.memory_space<hbm>> -> memref<16x128xf32, #tpu.memory_space<hbm>>
          tpu.enqueue_dma source(%dma_start3A_617 : memref<16x128xf32, #tpu.memory_space<hbm>>) target(%arg10 : memref<16x128xf32, #tpu.memory_space<vmem>>) target_semaphore(%arg24 : memref<!tpu.dma_semaphore, #tpu.memory_space<semaphore_mem>>)
          %slice3A_618 = vector.extract_strided_slice %get3A_573 {offsets = [4], sizes = [1], strides = [1]} : vector<8xi32> to vector<1xi32>
          %squeeze3A_619 = vector.extract %slice3A_618[0] : i32 from vector<1xi32>
          %shift_right_logical3A_620 = arith.constant 7 : i32
          %shift_right_logical3A_621 = arith.shrui %squeeze3A_619, %shift_right_logical3A_620 : i32
          %mul3A_622 = arith.constant 128 : i32
          %mul3A_623 = arith.muli %shift_right_logical3A_621, %mul3A_622 : i32
          %multiple_of3A_624 = tpu.assume_multiple %mul3A_623, 128 : i32
          %dma_start3A_625 = arith.constant 0 : i32
          %dma_start3A_626 = tpu.memref_slice %arg4[%dma_start3A_625, %multiple_of3A_624] : memref<32x1000000xf32, #tpu.memory_space<hbm>> -> memref<16x128xf32, #tpu.memory_space<hbm>>
          %dma_start3A_627 = arith.constant 0 : i32
          %dma_start3A_628 = tpu.memref_slice %arg4[%dma_start3A_627, %multiple_of3A_624] : memref<32x1000000xf32, #tpu.memory_space<hbm>> -> memref<16x128xf32, #tpu.memory_space<hbm>>
          tpu.enqueue_dma source(%dma_start3A_628 : memref<16x128xf32, #tpu.memory_space<hbm>>) target(%arg11 : memref<16x128xf32, #tpu.memory_space<vmem>>) target_semaphore(%arg24 : memref<!tpu.dma_semaphore, #tpu.memory_space<semaphore_mem>>)
          %slice3A_629 = vector.extract_strided_slice %get3A_573 {offsets = [5], sizes = [1], strides = [1]} : vector<8xi32> to vector<1xi32>
          %squeeze3A_630 = vector.extract %slice3A_629[0] : i32 from vector<1xi32>
          %shift_right_logical3A_631 = arith.constant 7 : i32
          %shift_right_logical3A_632 = arith.shrui %squeeze3A_630, %shift_right_logical3A_631 : i32
          %mul3A_633 = arith.constant 128 : i32
          %mul3A_634 = arith.muli %shift_right_logical3A_632, %mul3A_633 : i32
          %multiple_of3A_635 = tpu.assume_multiple %mul3A_634, 128 : i32
          %dma_start3A_636 = arith.constant 0 : i32
          %dma_start3A_637 = tpu.memref_slice %arg4[%dma_start3A_636, %multiple_of3A_635] : memref<32x1000000xf32, #tpu.memory_space<hbm>> -> memref<16x128xf32, #tpu.memory_space<hbm>>
          %dma_start3A_638 = arith.constant 0 : i32
          %dma_start3A_639 = tpu.memref_slice %arg4[%dma_start3A_638, %multiple_of3A_635] : memref<32x1000000xf32, #tpu.memory_space<hbm>> -> memref<16x128xf32, #tpu.memory_space<hbm>>
          tpu.enqueue_dma source(%dma_start3A_639 : memref<16x128xf32, #tpu.memory_space<hbm>>) target(%arg12 : memref<16x128xf32, #tpu.memory_space<vmem>>) target_semaphore(%arg24 : memref<!tpu.dma_semaphore, #tpu.memory_space<semaphore_mem>>)
          %slice3A_640 = vector.extract_strided_slice %get3A_573 {offsets = [6], sizes = [1], strides = [1]} : vector<8xi32> to vector<1xi32>
          %squeeze3A_641 = vector.extract %slice3A_640[0] : i32 from vector<1xi32>
          %shift_right_logical3A_642 = arith.constant 7 : i32
          %shift_right_logical3A_643 = arith.shrui %squeeze3A_641, %shift_right_logical3A_642 : i32
          %mul3A_644 = arith.constant 128 : i32
          %mul3A_645 = arith.muli %shift_right_logical3A_643, %mul3A_644 : i32
          %multiple_of3A_646 = tpu.assume_multiple %mul3A_645, 128 : i32
          %dma_start3A_647 = arith.constant 0 : i32
          %dma_start3A_648 = tpu.memref_slice %arg4[%dma_start3A_647, %multiple_of3A_646] : memref<32x1000000xf32, #tpu.memory_space<hbm>> -> memref<16x128xf32, #tpu.memory_space<hbm>>
          %dma_start3A_649 = arith.constant 0 : i32
          %dma_start3A_650 = tpu.memref_slice %arg4[%dma_start3A_649, %multiple_of3A_646] : memref<32x1000000xf32, #tpu.memory_space<hbm>> -> memref<16x128xf32, #tpu.memory_space<hbm>>
          tpu.enqueue_dma source(%dma_start3A_650 : memref<16x128xf32, #tpu.memory_space<hbm>>) target(%arg13 : memref<16x128xf32, #tpu.memory_space<vmem>>) target_semaphore(%arg24 : memref<!tpu.dma_semaphore, #tpu.memory_space<semaphore_mem>>)
          %slice3A_651 = vector.extract_strided_slice %get3A_573 {offsets = [7], sizes = [1], strides = [1]} : vector<8xi32> to vector<1xi32>
          %squeeze3A_652 = vector.extract %slice3A_651[0] : i32 from vector<1xi32>
          %shift_right_logical3A_653 = arith.constant 7 : i32
          %shift_right_logical3A_654 = arith.shrui %squeeze3A_652, %shift_right_logical3A_653 : i32
          %mul3A_655 = arith.constant 128 : i32
          %mul3A_656 = arith.muli %shift_right_logical3A_654, %mul3A_655 : i32
          %multiple_of3A_657 = tpu.assume_multiple %mul3A_656, 128 : i32
          %dma_start3A_658 = arith.constant 0 : i32
          %dma_start3A_659 = tpu.memref_slice %arg4[%dma_start3A_658, %multiple_of3A_657] : memref<32x1000000xf32, #tpu.memory_space<hbm>> -> memref<16x128xf32, #tpu.memory_space<hbm>>
          %dma_start3A_660 = arith.constant 0 : i32
          %dma_start3A_661 = tpu.memref_slice %arg4[%dma_start3A_660, %multiple_of3A_657] : memref<32x1000000xf32, #tpu.memory_space<hbm>> -> memref<16x128xf32, #tpu.memory_space<hbm>>
          tpu.enqueue_dma source(%dma_start3A_661 : memref<16x128xf32, #tpu.memory_space<hbm>>) target(%arg14 : memref<16x128xf32, #tpu.memory_space<vmem>>) target_semaphore(%arg24 : memref<!tpu.dma_semaphore, #tpu.memory_space<semaphore_mem>>)
        } else {
        }
        %add3A_389 = arith.constant 8 : i32
        %add3A_390 = arith.addi %mul3A_212, %add3A_389 : i32
        %get3A_391 = arith.index_cast %add3A_390 : i32 to index
        %get3A_392 = tpu.vector_load %arg6[%get3A_391] {strides = array<i32>} : memref<128xi32, #tpu.memory_space<vmem>>, vector<8xi32>,
        %get3A_393 = vector.shape_cast %get3A_392 : vector<8xi32> to vector<8xi32>
        %dma_wait3A_394 = arith.constant 0 : i32
        %dma_wait3A_395 = arith.constant 0 : i32
        %dma_wait3A_396 = tpu.memref_slice %arg4[%dma_wait3A_394, %dma_wait3A_395] : memref<32x1000000xf32, #tpu.memory_space<hbm>> -> memref<16x128xf32, #tpu.memory_space<hbm>>
        %dma_wait3A_397 = arith.constant 0 : i32
        %dma_wait3A_398 = arith.constant 0 : i32
        %dma_wait3A_399 = tpu.memref_slice %arg4[%dma_wait3A_397, %dma_wait3A_398] : memref<32x1000000xf32, #tpu.memory_space<hbm>> -> memref<16x128xf32, #tpu.memory_space<hbm>>
        tpu.wait_dma2 semaphore(%arg25 : memref<!tpu.dma_semaphore, #tpu.memory_space<semaphore_mem>>) src(%dma_wait3A_399 : memref<16x128xf32, #tpu.memory_space<hbm>>) dst(%arg15 : memref<16x128xf32, #tpu.memory_space<vmem>>)
        %slice3A_400 = vector.extract_strided_slice %get3A_393 {offsets = [0], sizes = [1], strides = [1]} : vector<8xi32> to vector<1xi32>
        %squeeze3A_401 = vector.extract %slice3A_400[0] : i32 from vector<1xi32>
        %and3A_402 = arith.constant 127 : i32
        %and3A_403 = arith.andi %squeeze3A_401, %and3A_402 : i32
        %get3A_404 = arith.constant 0 : index
        %get3A_405 = arith.index_cast %and3A_403 : i32 to index
        %get3A_406 = tpu.vector_load %arg15[%get3A_404, %get3A_405] {strides = array<i32>} : memref<16x128xf32, #tpu.memory_space<vmem>>, vector<16x1xf32>,
        %get3A_407 = vector.shape_cast %get3A_406 : vector<16x1xf32> to vector<16x1xf32>
        %add3A_408 = arith.constant 0 : i32
        %add3A_409 = arith.addi %add3A_390, %add3A_408 : i32
        %swap3A_410 = arith.constant 0 : index
        %swap3A_411 = arith.index_cast %add3A_409 : i32 to index
        %swap3A_412 = tpu.vector_load %arg23[%swap3A_410, %swap3A_411] {strides = array<i32>} : memref<16x128xf32, #tpu.memory_space<vmem>>, vector<16x1xf32>,
        %swap3A_413 = vector.shape_cast %swap3A_412 : vector<16x1xf32> to vector<16x1xf32>
        %swap3A_414 = vector.shape_cast %get3A_407 : vector<16x1xf32> to vector<16x1xf32>
        tpu.vector_store %arg23[%swap3A_410, %swap3A_411], %swap3A_414 {strides = array<i32>} : memref<16x128xf32, #tpu.memory_space<vmem>>, vector<16x1xf32>,
        %dma_wait3A_415 = arith.constant 0 : i32
        %dma_wait3A_416 = arith.constant 0 : i32
        %dma_wait3A_417 = tpu.memref_slice %arg4[%dma_wait3A_415, %dma_wait3A_416] : memref<32x1000000xf32, #tpu.memory_space<hbm>> -> memref<16x128xf32, #tpu.memory_space<hbm>>
        %dma_wait3A_418 = arith.constant 0 : i32
        %dma_wait3A_419 = arith.constant 0 : i32
        %dma_wait3A_420 = tpu.memref_slice %arg4[%dma_wait3A_418, %dma_wait3A_419] : memref<32x1000000xf32, #tpu.memory_space<hbm>> -> memref<16x128xf32, #tpu.memory_space<hbm>>
        tpu.wait_dma2 semaphore(%arg25 : memref<!tpu.dma_semaphore, #tpu.memory_space<semaphore_mem>>) src(%dma_wait3A_420 : memref<16x128xf32, #tpu.memory_space<hbm>>) dst(%arg16 : memref<16x128xf32, #tpu.memory_space<vmem>>)
        %slice3A_421 = vector.extract_strided_slice %get3A_393 {offsets = [1], sizes = [1], strides = [1]} : vector<8xi32> to vector<1xi32>
        %squeeze3A_422 = vector.extract %slice3A_421[0] : i32 from vector<1xi32>
        %and3A_423 = arith.constant 127 : i32
        %and3A_424 = arith.andi %squeeze3A_422, %and3A_423 : i32
        %get3A_425 = arith.constant 0 : index
        %get3A_426 = arith.index_cast %and3A_424 : i32 to index
        %get3A_427 = tpu.vector_load %arg16[%get3A_425, %get3A_426] {strides = array<i32>} : memref<16x128xf32, #tpu.memory_space<vmem>>, vector<16x1xf32>,
        %get3A_428 = vector.shape_cast %get3A_427 : vector<16x1xf32> to vector<16x1xf32>
        %add3A_429 = arith.constant 1 : i32
        %add3A_430 = arith.addi %add3A_390, %add3A_429 : i32
        %swap3A_431 = arith.constant 0 : index
        %swap3A_432 = arith.index_cast %add3A_430 : i32 to index
        %swap3A_433 = tpu.vector_load %arg23[%swap3A_431, %swap3A_432] {strides = array<i32>} : memref<16x128xf32, #tpu.memory_space<vmem>>, vector<16x1xf32>,
        %swap3A_434 = vector.shape_cast %swap3A_433 : vector<16x1xf32> to vector<16x1xf32>
        %swap3A_435 = vector.shape_cast %get3A_428 : vector<16x1xf32> to vector<16x1xf32>
        tpu.vector_store %arg23[%swap3A_431, %swap3A_432], %swap3A_435 {strides = array<i32>} : memref<16x128xf32, #tpu.memory_space<vmem>>, vector<16x1xf32>,
        %dma_wait3A_436 = arith.constant 0 : i32
        %dma_wait3A_437 = arith.constant 0 : i32
        %dma_wait3A_438 = tpu.memref_slice %arg4[%dma_wait3A_436, %dma_wait3A_437] : memref<32x1000000xf32, #tpu.memory_space<hbm>> -> memref<16x128xf32, #tpu.memory_space<hbm>>
        %dma_wait3A_439 = arith.constant 0 : i32
        %dma_wait3A_440 = arith.constant 0 : i32
        %dma_wait3A_441 = tpu.memref_slice %arg4[%dma_wait3A_439, %dma_wait3A_440] : memref<32x1000000xf32, #tpu.memory_space<hbm>> -> memref<16x128xf32, #tpu.memory_space<hbm>>
        tpu.wait_dma2 semaphore(%arg25 : memref<!tpu.dma_semaphore, #tpu.memory_space<semaphore_mem>>) src(%dma_wait3A_441 : memref<16x128xf32, #tpu.memory_space<hbm>>) dst(%arg17 : memref<16x128xf32, #tpu.memory_space<vmem>>)
        %slice3A_442 = vector.extract_strided_slice %get3A_393 {offsets = [2], sizes = [1], strides = [1]} : vector<8xi32> to vector<1xi32>
        %squeeze3A_443 = vector.extract %slice3A_442[0] : i32 from vector<1xi32>
        %and3A_444 = arith.constant 127 : i32
        %and3A_445 = arith.andi %squeeze3A_443, %and3A_444 : i32
        %get3A_446 = arith.constant 0 : index
        %get3A_447 = arith.index_cast %and3A_445 : i32 to index
        %get3A_448 = tpu.vector_load %arg17[%get3A_446, %get3A_447] {strides = array<i32>} : memref<16x128xf32, #tpu.memory_space<vmem>>, vector<16x1xf32>,
        %get3A_449 = vector.shape_cast %get3A_448 : vector<16x1xf32> to vector<16x1xf32>
        %add3A_450 = arith.constant 2 : i32
        %add3A_451 = arith.addi %add3A_390, %add3A_450 : i32
        %swap3A_452 = arith.constant 0 : index
        %swap3A_453 = arith.index_cast %add3A_451 : i32 to index
        %swap3A_454 = tpu.vector_load %arg23[%swap3A_452, %swap3A_453] {strides = array<i32>} : memref<16x128xf32, #tpu.memory_space<vmem>>, vector<16x1xf32>,
        %swap3A_455 = vector.shape_cast %swap3A_454 : vector<16x1xf32> to vector<16x1xf32>
        %swap3A_456 = vector.shape_cast %get3A_449 : vector<16x1xf32> to vector<16x1xf32>
        tpu.vector_store %arg23[%swap3A_452, %swap3A_453], %swap3A_456 {strides = array<i32>} : memref<16x128xf32, #tpu.memory_space<vmem>>, vector<16x1xf32>,
        %dma_wait3A_457 = arith.constant 0 : i32
        %dma_wait3A_458 = arith.constant 0 : i32
        %dma_wait3A_459 = tpu.memref_slice %arg4[%dma_wait3A_457, %dma_wait3A_458] : memref<32x1000000xf32, #tpu.memory_space<hbm>> -> memref<16x128xf32, #tpu.memory_space<hbm>>
        %dma_wait3A_460 = arith.constant 0 : i32
        %dma_wait3A_461 = arith.constant 0 : i32
        %dma_wait3A_462 = tpu.memref_slice %arg4[%dma_wait3A_460, %dma_wait3A_461] : memref<32x1000000xf32, #tpu.memory_space<hbm>> -> memref<16x128xf32, #tpu.memory_space<hbm>>
        tpu.wait_dma2 semaphore(%arg25 : memref<!tpu.dma_semaphore, #tpu.memory_space<semaphore_mem>>) src(%dma_wait3A_462 : memref<16x128xf32, #tpu.memory_space<hbm>>) dst(%arg18 : memref<16x128xf32, #tpu.memory_space<vmem>>)
        %slice3A_463 = vector.extract_strided_slice %get3A_393 {offsets = [3], sizes = [1], strides = [1]} : vector<8xi32> to vector<1xi32>
        %squeeze3A_464 = vector.extract %slice3A_463[0] : i32 from vector<1xi32>
        %and3A_465 = arith.constant 127 : i32
        %and3A_466 = arith.andi %squeeze3A_464, %and3A_465 : i32
        %get3A_467 = arith.constant 0 : index
        %get3A_468 = arith.index_cast %and3A_466 : i32 to index
        %get3A_469 = tpu.vector_load %arg18[%get3A_467, %get3A_468] {strides = array<i32>} : memref<16x128xf32, #tpu.memory_space<vmem>>, vector<16x1xf32>,
        %get3A_470 = vector.shape_cast %get3A_469 : vector<16x1xf32> to vector<16x1xf32>
        %add3A_471 = arith.constant 3 : i32
        %add3A_472 = arith.addi %add3A_390, %add3A_471 : i32
        %swap3A_473 = arith.constant 0 : index
        %swap3A_474 = arith.index_cast %add3A_472 : i32 to index
        %swap3A_475 = tpu.vector_load %arg23[%swap3A_473, %swap3A_474] {strides = array<i32>} : memref<16x128xf32, #tpu.memory_space<vmem>>, vector<16x1xf32>,
        %swap3A_476 = vector.shape_cast %swap3A_475 : vector<16x1xf32> to vector<16x1xf32>
        %swap3A_477 = vector.shape_cast %get3A_470 : vector<16x1xf32> to vector<16x1xf32>
        tpu.vector_store %arg23[%swap3A_473, %swap3A_474], %swap3A_477 {strides = array<i32>} : memref<16x128xf32, #tpu.memory_space<vmem>>, vector<16x1xf32>,
        %dma_wait3A_478 = arith.constant 0 : i32
        %dma_wait3A_479 = arith.constant 0 : i32
        %dma_wait3A_480 = tpu.memref_slice %arg4[%dma_wait3A_478, %dma_wait3A_479] : memref<32x1000000xf32, #tpu.memory_space<hbm>> -> memref<16x128xf32, #tpu.memory_space<hbm>>
        %dma_wait3A_481 = arith.constant 0 : i32
        %dma_wait3A_482 = arith.constant 0 : i32
        %dma_wait3A_483 = tpu.memref_slice %arg4[%dma_wait3A_481, %dma_wait3A_482] : memref<32x1000000xf32, #tpu.memory_space<hbm>> -> memref<16x128xf32, #tpu.memory_space<hbm>>
        tpu.wait_dma2 semaphore(%arg25 : memref<!tpu.dma_semaphore, #tpu.memory_space<semaphore_mem>>) src(%dma_wait3A_483 : memref<16x128xf32, #tpu.memory_space<hbm>>) dst(%arg19 : memref<16x128xf32, #tpu.memory_space<vmem>>)
        %slice3A_484 = vector.extract_strided_slice %get3A_393 {offsets = [4], sizes = [1], strides = [1]} : vector<8xi32> to vector<1xi32>
        %squeeze3A_485 = vector.extract %slice3A_484[0] : i32 from vector<1xi32>
        %and3A_486 = arith.constant 127 : i32
        %and3A_487 = arith.andi %squeeze3A_485, %and3A_486 : i32
        %get3A_488 = arith.constant 0 : index
        %get3A_489 = arith.index_cast %and3A_487 : i32 to index
        %get3A_490 = tpu.vector_load %arg19[%get3A_488, %get3A_489] {strides = array<i32>} : memref<16x128xf32, #tpu.memory_space<vmem>>, vector<16x1xf32>,
        %get3A_491 = vector.shape_cast %get3A_490 : vector<16x1xf32> to vector<16x1xf32>
        %add3A_492 = arith.constant 4 : i32
        %add3A_493 = arith.addi %add3A_390, %add3A_492 : i32
        %swap3A_494 = arith.constant 0 : index
        %swap3A_495 = arith.index_cast %add3A_493 : i32 to index
        %swap3A_496 = tpu.vector_load %arg23[%swap3A_494, %swap3A_495] {strides = array<i32>} : memref<16x128xf32, #tpu.memory_space<vmem>>, vector<16x1xf32>,
        %swap3A_497 = vector.shape_cast %swap3A_496 : vector<16x1xf32> to vector<16x1xf32>
        %swap3A_498 = vector.shape_cast %get3A_491 : vector<16x1xf32> to vector<16x1xf32>
        tpu.vector_store %arg23[%swap3A_494, %swap3A_495], %swap3A_498 {strides = array<i32>} : memref<16x128xf32, #tpu.memory_space<vmem>>, vector<16x1xf32>,
        %dma_wait3A_499 = arith.constant 0 : i32
        %dma_wait3A_500 = arith.constant 0 : i32
        %dma_wait3A_501 = tpu.memref_slice %arg4[%dma_wait3A_499, %dma_wait3A_500] : memref<32x1000000xf32, #tpu.memory_space<hbm>> -> memref<16x128xf32, #tpu.memory_space<hbm>>
        %dma_wait3A_502 = arith.constant 0 : i32
        %dma_wait3A_503 = arith.constant 0 : i32
        %dma_wait3A_504 = tpu.memref_slice %arg4[%dma_wait3A_502, %dma_wait3A_503] : memref<32x1000000xf32, #tpu.memory_space<hbm>> -> memref<16x128xf32, #tpu.memory_space<hbm>>
        tpu.wait_dma2 semaphore(%arg25 : memref<!tpu.dma_semaphore, #tpu.memory_space<semaphore_mem>>) src(%dma_wait3A_504 : memref<16x128xf32, #tpu.memory_space<hbm>>) dst(%arg20 : memref<16x128xf32, #tpu.memory_space<vmem>>)
        %slice3A_505 = vector.extract_strided_slice %get3A_393 {offsets = [5], sizes = [1], strides = [1]} : vector<8xi32> to vector<1xi32>
        %squeeze3A_506 = vector.extract %slice3A_505[0] : i32 from vector<1xi32>
        %and3A_507 = arith.constant 127 : i32
        %and3A_508 = arith.andi %squeeze3A_506, %and3A_507 : i32
        %get3A_509 = arith.constant 0 : index
        %get3A_510 = arith.index_cast %and3A_508 : i32 to index
        %get3A_511 = tpu.vector_load %arg20[%get3A_509, %get3A_510] {strides = array<i32>} : memref<16x128xf32, #tpu.memory_space<vmem>>, vector<16x1xf32>,
        %get3A_512 = vector.shape_cast %get3A_511 : vector<16x1xf32> to vector<16x1xf32>
        %add3A_513 = arith.constant 5 : i32
        %add3A_514 = arith.addi %add3A_390, %add3A_513 : i32
        %swap3A_515 = arith.constant 0 : index
        %swap3A_516 = arith.index_cast %add3A_514 : i32 to index
        %swap3A_517 = tpu.vector_load %arg23[%swap3A_515, %swap3A_516] {strides = array<i32>} : memref<16x128xf32, #tpu.memory_space<vmem>>, vector<16x1xf32>,
        %swap3A_518 = vector.shape_cast %swap3A_517 : vector<16x1xf32> to vector<16x1xf32>
        %swap3A_519 = vector.shape_cast %get3A_512 : vector<16x1xf32> to vector<16x1xf32>
        tpu.vector_store %arg23[%swap3A_515, %swap3A_516], %swap3A_519 {strides = array<i32>} : memref<16x128xf32, #tpu.memory_space<vmem>>, vector<16x1xf32>,
        %dma_wait3A_520 = arith.constant 0 : i32
        %dma_wait3A_521 = arith.constant 0 : i32
        %dma_wait3A_522 = tpu.memref_slice %arg4[%dma_wait3A_520, %dma_wait3A_521] : memref<32x1000000xf32, #tpu.memory_space<hbm>> -> memref<16x128xf32, #tpu.memory_space<hbm>>
        %dma_wait3A_523 = arith.constant 0 : i32
        %dma_wait3A_524 = arith.constant 0 : i32
        %dma_wait3A_525 = tpu.memref_slice %arg4[%dma_wait3A_523, %dma_wait3A_524] : memref<32x1000000xf32, #tpu.memory_space<hbm>> -> memref<16x128xf32, #tpu.memory_space<hbm>>
        tpu.wait_dma2 semaphore(%arg25 : memref<!tpu.dma_semaphore, #tpu.memory_space<semaphore_mem>>) src(%dma_wait3A_525 : memref<16x128xf32, #tpu.memory_space<hbm>>) dst(%arg21 : memref<16x128xf32, #tpu.memory_space<vmem>>)
        %slice3A_526 = vector.extract_strided_slice %get3A_393 {offsets = [6], sizes = [1], strides = [1]} : vector<8xi32> to vector<1xi32>
        %squeeze3A_527 = vector.extract %slice3A_526[0] : i32 from vector<1xi32>
        %and3A_528 = arith.constant 127 : i32
        %and3A_529 = arith.andi %squeeze3A_527, %and3A_528 : i32
        %get3A_530 = arith.constant 0 : index
        %get3A_531 = arith.index_cast %and3A_529 : i32 to index
        %get3A_532 = tpu.vector_load %arg21[%get3A_530, %get3A_531] {strides = array<i32>} : memref<16x128xf32, #tpu.memory_space<vmem>>, vector<16x1xf32>,
        %get3A_533 = vector.shape_cast %get3A_532 : vector<16x1xf32> to vector<16x1xf32>
        %add3A_534 = arith.constant 6 : i32
        %add3A_535 = arith.addi %add3A_390, %add3A_534 : i32
        %swap3A_536 = arith.constant 0 : index
        %swap3A_537 = arith.index_cast %add3A_535 : i32 to index
        %swap3A_538 = tpu.vector_load %arg23[%swap3A_536, %swap3A_537] {strides = array<i32>} : memref<16x128xf32, #tpu.memory_space<vmem>>, vector<16x1xf32>,
        %swap3A_539 = vector.shape_cast %swap3A_538 : vector<16x1xf32> to vector<16x1xf32>
        %swap3A_540 = vector.shape_cast %get3A_533 : vector<16x1xf32> to vector<16x1xf32>
        tpu.vector_store %arg23[%swap3A_536, %swap3A_537], %swap3A_540 {strides = array<i32>} : memref<16x128xf32, #tpu.memory_space<vmem>>, vector<16x1xf32>,
        %dma_wait3A_541 = arith.constant 0 : i32
        %dma_wait3A_542 = arith.constant 0 : i32
        %dma_wait3A_543 = tpu.memref_slice %arg4[%dma_wait3A_541, %dma_wait3A_542] : memref<32x1000000xf32, #tpu.memory_space<hbm>> -> memref<16x128xf32, #tpu.memory_space<hbm>>
        %dma_wait3A_544 = arith.constant 0 : i32
        %dma_wait3A_545 = arith.constant 0 : i32
        %dma_wait3A_546 = tpu.memref_slice %arg4[%dma_wait3A_544, %dma_wait3A_545] : memref<32x1000000xf32, #tpu.memory_space<hbm>> -> memref<16x128xf32, #tpu.memory_space<hbm>>
        tpu.wait_dma2 semaphore(%arg25 : memref<!tpu.dma_semaphore, #tpu.memory_space<semaphore_mem>>) src(%dma_wait3A_546 : memref<16x128xf32, #tpu.memory_space<hbm>>) dst(%arg22 : memref<16x128xf32, #tpu.memory_space<vmem>>)
        %slice3A_547 = vector.extract_strided_slice %get3A_393 {offsets = [7], sizes = [1], strides = [1]} : vector<8xi32> to vector<1xi32>
        %squeeze3A_548 = vector.extract %slice3A_547[0] : i32 from vector<1xi32>
        %and3A_549 = arith.constant 127 : i32
        %and3A_550 = arith.andi %squeeze3A_548, %and3A_549 : i32
        %get3A_551 = arith.constant 0 : index
        %get3A_552 = arith.index_cast %and3A_550 : i32 to index
        %get3A_553 = tpu.vector_load %arg22[%get3A_551, %get3A_552] {strides = array<i32>} : memref<16x128xf32, #tpu.memory_space<vmem>>, vector<16x1xf32>,
        %get3A_554 = vector.shape_cast %get3A_553 : vector<16x1xf32> to vector<16x1xf32>
        %add3A_555 = arith.constant 7 : i32
        %add3A_556 = arith.addi %add3A_390, %add3A_555 : i32
        %swap3A_557 = arith.constant 0 : index
        %swap3A_558 = arith.index_cast %add3A_556 : i32 to index
        %swap3A_559 = tpu.vector_load %arg23[%swap3A_557, %swap3A_558] {strides = array<i32>} : memref<16x128xf32, #tpu.memory_space<vmem>>, vector<16x1xf32>,
        %swap3A_560 = vector.shape_cast %swap3A_559 : vector<16x1xf32> to vector<16x1xf32>
        %swap3A_561 = vector.shape_cast %get3A_554 : vector<16x1xf32> to vector<16x1xf32>
        tpu.vector_store %arg23[%swap3A_557, %swap3A_558], %swap3A_561 {strides = array<i32>} : memref<16x128xf32, #tpu.memory_space<vmem>>, vector<16x1xf32>,
        %add3A_562 = arith.constant 24 : i32
        %add3A_563 = arith.addi %mul3A_212, %add3A_562 : i32
        %lt3A_564 = arith.constant 128 : i32
        %lt3A_565 = arith.cmpi slt, %add3A_563, %lt3A_564 : i32
        %convert_element_type3A_566 = arith.extui %lt3A_565 : i1 to i32
        %cond3A_567 = arith.constant 0 : i32
        %cond3A_568 = arith.cmpi ne, %convert_element_type3A_566, %cond3A_567 : i32
        scf.if %cond3A_568 {
          %add3A_569 = arith.constant 24 : i32
          %add3A_570 = arith.addi %mul3A_212, %add3A_569 : i32
          %get3A_571 = arith.index_cast %add3A_570 : i32 to index
          %get3A_572 = tpu.vector_load %arg6[%get3A_571] {strides = array<i32>} : memref<128xi32, #tpu.memory_space<vmem>>, vector<8xi32>,
          %get3A_573 = vector.shape_cast %get3A_572 : vector<8xi32> to vector<8xi32>
          %slice3A_574 = vector.extract_strided_slice %get3A_573 {offsets = [0], sizes = [1], strides = [1]} : vector<8xi32> to vector<1xi32>
          %squeeze3A_575 = vector.extract %slice3A_574[0] : i32 from vector<1xi32>
          %shift_right_logical3A_576 = arith.constant 7 : i32
          %shift_right_logical3A_577 = arith.shrui %squeeze3A_575, %shift_right_logical3A_576 : i32
          %mul3A_578 = arith.constant 128 : i32
          %mul3A_579 = arith.muli %shift_right_logical3A_577, %mul3A_578 : i32
          %multiple_of3A_580 = tpu.assume_multiple %mul3A_579, 128 : i32
          %dma_start3A_581 = arith.constant 0 : i32
          %dma_start3A_582 = tpu.memref_slice %arg4[%dma_start3A_581, %multiple_of3A_580] : memref<32x1000000xf32, #tpu.memory_space<hbm>> -> memref<16x128xf32, #tpu.memory_space<hbm>>
          %dma_start3A_583 = arith.constant 0 : i32
          %dma_start3A_584 = tpu.memref_slice %arg4[%dma_start3A_583, %multiple_of3A_580] : memref<32x1000000xf32, #tpu.memory_space<hbm>> -> memref<16x128xf32, #tpu.memory_space<hbm>>
          tpu.enqueue_dma source(%dma_start3A_584 : memref<16x128xf32, #tpu.memory_space<hbm>>) target(%arg15 : memref<16x128xf32, #tpu.memory_space<vmem>>) target_semaphore(%arg25 : memref<!tpu.dma_semaphore, #tpu.memory_space<semaphore_mem>>)
          %slice3A_585 = vector.extract_strided_slice %get3A_573 {offsets = [1], sizes = [1], strides = [1]} : vector<8xi32> to vector<1xi32>
          %squeeze3A_586 = vector.extract %slice3A_585[0] : i32 from vector<1xi32>
          %shift_right_logical3A_587 = arith.constant 7 : i32
          %shift_right_logical3A_588 = arith.shrui %squeeze3A_586, %shift_right_logical3A_587 : i32
          %mul3A_589 = arith.constant 128 : i32
          %mul3A_590 = arith.muli %shift_right_logical3A_588, %mul3A_589 : i32
          %multiple_of3A_591 = tpu.assume_multiple %mul3A_590, 128 : i32
          %dma_start3A_592 = arith.constant 0 : i32
          %dma_start3A_593 = tpu.memref_slice %arg4[%dma_start3A_592, %multiple_of3A_591] : memref<32x1000000xf32, #tpu.memory_space<hbm>> -> memref<16x128xf32, #tpu.memory_space<hbm>>
          %dma_start3A_594 = arith.constant 0 : i32
          %dma_start3A_595 = tpu.memref_slice %arg4[%dma_start3A_594, %multiple_of3A_591] : memref<32x1000000xf32, #tpu.memory_space<hbm>> -> memref<16x128xf32, #tpu.memory_space<hbm>>
          tpu.enqueue_dma source(%dma_start3A_595 : memref<16x128xf32, #tpu.memory_space<hbm>>) target(%arg16 : memref<16x128xf32, #tpu.memory_space<vmem>>) target_semaphore(%arg25 : memref<!tpu.dma_semaphore, #tpu.memory_space<semaphore_mem>>)
          %slice3A_596 = vector.extract_strided_slice %get3A_573 {offsets = [2], sizes = [1], strides = [1]} : vector<8xi32> to vector<1xi32>
          %squeeze3A_597 = vector.extract %slice3A_596[0] : i32 from vector<1xi32>
          %shift_right_logical3A_598 = arith.constant 7 : i32
          %shift_right_logical3A_599 = arith.shrui %squeeze3A_597, %shift_right_logical3A_598 : i32
          %mul3A_600 = arith.constant 128 : i32
          %mul3A_601 = arith.muli %shift_right_logical3A_599, %mul3A_600 : i32
          %multiple_of3A_602 = tpu.assume_multiple %mul3A_601, 128 : i32
          %dma_start3A_603 = arith.constant 0 : i32
          %dma_start3A_604 = tpu.memref_slice %arg4[%dma_start3A_603, %multiple_of3A_602] : memref<32x1000000xf32, #tpu.memory_space<hbm>> -> memref<16x128xf32, #tpu.memory_space<hbm>>
          %dma_start3A_605 = arith.constant 0 : i32
          %dma_start3A_606 = tpu.memref_slice %arg4[%dma_start3A_605, %multiple_of3A_602] : memref<32x1000000xf32, #tpu.memory_space<hbm>> -> memref<16x128xf32, #tpu.memory_space<hbm>>
          tpu.enqueue_dma source(%dma_start3A_606 : memref<16x128xf32, #tpu.memory_space<hbm>>) target(%arg17 : memref<16x128xf32, #tpu.memory_space<vmem>>) target_semaphore(%arg25 : memref<!tpu.dma_semaphore, #tpu.memory_space<semaphore_mem>>)
          %slice3A_607 = vector.extract_strided_slice %get3A_573 {offsets = [3], sizes = [1], strides = [1]} : vector<8xi32> to vector<1xi32>
          %squeeze3A_608 = vector.extract %slice3A_607[0] : i32 from vector<1xi32>
          %shift_right_logical3A_609 = arith.constant 7 : i32
          %shift_right_logical3A_610 = arith.shrui %squeeze3A_608, %shift_right_logical3A_609 : i32
          %mul3A_611 = arith.constant 128 : i32
          %mul3A_612 = arith.muli %shift_right_logical3A_610, %mul3A_611 : i32
          %multiple_of3A_613 = tpu.assume_multiple %mul3A_612, 128 : i32
          %dma_start3A_614 = arith.constant 0 : i32
          %dma_start3A_615 = tpu.memref_slice %arg4[%dma_start3A_614, %multiple_of3A_613] : memref<32x1000000xf32, #tpu.memory_space<hbm>> -> memref<16x128xf32, #tpu.memory_space<hbm>>
          %dma_start3A_616 = arith.constant 0 : i32
          %dma_start3A_617 = tpu.memref_slice %arg4[%dma_start3A_616, %multiple_of3A_613] : memref<32x1000000xf32, #tpu.memory_space<hbm>> -> memref<16x128xf32, #tpu.memory_space<hbm>>
          tpu.enqueue_dma source(%dma_start3A_617 : memref<16x128xf32, #tpu.memory_space<hbm>>) target(%arg18 : memref<16x128xf32, #tpu.memory_space<vmem>>) target_semaphore(%arg25 : memref<!tpu.dma_semaphore, #tpu.memory_space<semaphore_mem>>)
          %slice3A_618 = vector.extract_strided_slice %get3A_573 {offsets = [4], sizes = [1], strides = [1]} : vector<8xi32> to vector<1xi32>
          %squeeze3A_619 = vector.extract %slice3A_618[0] : i32 from vector<1xi32>
          %shift_right_logical3A_620 = arith.constant 7 : i32
          %shift_right_logical3A_621 = arith.shrui %squeeze3A_619, %shift_right_logical3A_620 : i32
          %mul3A_622 = arith.constant 128 : i32
          %mul3A_623 = arith.muli %shift_right_logical3A_621, %mul3A_622 : i32
          %multiple_of3A_624 = tpu.assume_multiple %mul3A_623, 128 : i32
          %dma_start3A_625 = arith.constant 0 : i32
          %dma_start3A_626 = tpu.memref_slice %arg4[%dma_start3A_625, %multiple_of3A_624] : memref<32x1000000xf32, #tpu.memory_space<hbm>> -> memref<16x128xf32, #tpu.memory_space<hbm>>
          %dma_start3A_627 = arith.constant 0 : i32
          %dma_start3A_628 = tpu.memref_slice %arg4[%dma_start3A_627, %multiple_of3A_624] : memref<32x1000000xf32, #tpu.memory_space<hbm>> -> memref<16x128xf32, #tpu.memory_space<hbm>>
          tpu.enqueue_dma source(%dma_start3A_628 : memref<16x128xf32, #tpu.memory_space<hbm>>) target(%arg19 : memref<16x128xf32, #tpu.memory_space<vmem>>) target_semaphore(%arg25 : memref<!tpu.dma_semaphore, #tpu.memory_space<semaphore_mem>>)
          %slice3A_629 = vector.extract_strided_slice %get3A_573 {offsets = [5], sizes = [1], strides = [1]} : vector<8xi32> to vector<1xi32>
          %squeeze3A_630 = vector.extract %slice3A_629[0] : i32 from vector<1xi32>
          %shift_right_logical3A_631 = arith.constant 7 : i32
          %shift_right_logical3A_632 = arith.shrui %squeeze3A_630, %shift_right_logical3A_631 : i32
          %mul3A_633 = arith.constant 128 : i32
          %mul3A_634 = arith.muli %shift_right_logical3A_632, %mul3A_633 : i32
          %multiple_of3A_635 = tpu.assume_multiple %mul3A_634, 128 : i32
          %dma_start3A_636 = arith.constant 0 : i32
          %dma_start3A_637 = tpu.memref_slice %arg4[%dma_start3A_636, %multiple_of3A_635] : memref<32x1000000xf32, #tpu.memory_space<hbm>> -> memref<16x128xf32, #tpu.memory_space<hbm>>
          %dma_start3A_638 = arith.constant 0 : i32
          %dma_start3A_639 = tpu.memref_slice %arg4[%dma_start3A_638, %multiple_of3A_635] : memref<32x1000000xf32, #tpu.memory_space<hbm>> -> memref<16x128xf32, #tpu.memory_space<hbm>>
          tpu.enqueue_dma source(%dma_start3A_639 : memref<16x128xf32, #tpu.memory_space<hbm>>) target(%arg20 : memref<16x128xf32, #tpu.memory_space<vmem>>) target_semaphore(%arg25 : memref<!tpu.dma_semaphore, #tpu.memory_space<semaphore_mem>>)
          %slice3A_640 = vector.extract_strided_slice %get3A_573 {offsets = [6], sizes = [1], strides = [1]} : vector<8xi32> to vector<1xi32>
          %squeeze3A_641 = vector.extract %slice3A_640[0] : i32 from vector<1xi32>
          %shift_right_logical3A_642 = arith.constant 7 : i32
          %shift_right_logical3A_643 = arith.shrui %squeeze3A_641, %shift_right_logical3A_642 : i32
          %mul3A_644 = arith.constant 128 : i32
          %mul3A_645 = arith.muli %shift_right_logical3A_643, %mul3A_644 : i32
          %multiple_of3A_646 = tpu.assume_multiple %mul3A_645, 128 : i32
          %dma_start3A_647 = arith.constant 0 : i32
          %dma_start3A_648 = tpu.memref_slice %arg4[%dma_start3A_647, %multiple_of3A_646] : memref<32x1000000xf32, #tpu.memory_space<hbm>> -> memref<16x128xf32, #tpu.memory_space<hbm>>
          %dma_start3A_649 = arith.constant 0 : i32
          %dma_start3A_650 = tpu.memref_slice %arg4[%dma_start3A_649, %multiple_of3A_646] : memref<32x1000000xf32, #tpu.memory_space<hbm>> -> memref<16x128xf32, #tpu.memory_space<hbm>>
          tpu.enqueue_dma source(%dma_start3A_650 : memref<16x128xf32, #tpu.memory_space<hbm>>) target(%arg21 : memref<16x128xf32, #tpu.memory_space<vmem>>) target_semaphore(%arg25 : memref<!tpu.dma_semaphore, #tpu.memory_space<semaphore_mem>>)
          %slice3A_651 = vector.extract_strided_slice %get3A_573 {offsets = [7], sizes = [1], strides = [1]} : vector<8xi32> to vector<1xi32>
          %squeeze3A_652 = vector.extract %slice3A_651[0] : i32 from vector<1xi32>
          %shift_right_logical3A_653 = arith.constant 7 : i32
          %shift_right_logical3A_654 = arith.shrui %squeeze3A_652, %shift_right_logical3A_653 : i32
          %mul3A_655 = arith.constant 128 : i32
          %mul3A_656 = arith.muli %shift_right_logical3A_654, %mul3A_655 : i32
          %multiple_of3A_657 = tpu.assume_multiple %mul3A_656, 128 : i32
          %dma_start3A_658 = arith.constant 0 : i32
          %dma_start3A_659 = tpu.memref_slice %arg4[%dma_start3A_658, %multiple_of3A_657] : memref<32x1000000xf32, #tpu.memory_space<hbm>> -> memref<16x128xf32, #tpu.memory_space<hbm>>
          %dma_start3A_660 = arith.constant 0 : i32
          %dma_start3A_661 = tpu.memref_slice %arg4[%dma_start3A_660, %multiple_of3A_657] : memref<32x1000000xf32, #tpu.memory_space<hbm>> -> memref<16x128xf32, #tpu.memory_space<hbm>>
          tpu.enqueue_dma source(%dma_start3A_661 : memref<16x128xf32, #tpu.memory_space<hbm>>) target(%arg22 : memref<16x128xf32, #tpu.memory_space<vmem>>) target_semaphore(%arg25 : memref<!tpu.dma_semaphore, #tpu.memory_space<semaphore_mem>>)
        } else {
        }
      }
      %scan3A_207 = arith.constant 8 : i32
      %mul3A_208 = arith.constant 128 : i32
      %mul3A_209 = arith.muli %select_n3A_9, %mul3A_208 : i32
      "tpu.region"() ({
        %run_scoped3A = tpu.sem_alloc : memref<!tpu.dma_semaphore, #tpu.memory_space<semaphore_mem>>
        %dma_start3A_210 = arith.constant 0 : i32
        %dma_start3A_211 = tpu.memref_slice %arg5[%dma_start3A_210, %mul3A_209] : memref<32x2048xf32, #tpu.memory_space<hbm>> -> memref<16x128xf32, #tpu.memory_space<hbm>>
        %dma_start3A_212 = arith.constant 0 : i32
        %dma_start3A_213 = tpu.memref_slice %arg5[%dma_start3A_212, %mul3A_209] : memref<32x2048xf32, #tpu.memory_space<hbm>> -> memref<16x128xf32, #tpu.memory_space<hbm>>
        tpu.enqueue_dma source(%arg23 : memref<16x128xf32, #tpu.memory_space<vmem>>) target(%dma_start3A_213 : memref<16x128xf32, #tpu.memory_space<hbm>>) target_semaphore(%run_scoped3A : memref<!tpu.dma_semaphore, #tpu.memory_space<semaphore_mem>>)
        %dma_wait3A = arith.constant 0 : i32
        %dma_wait3A_214 = tpu.memref_slice %arg5[%dma_wait3A, %mul3A_209] : memref<32x2048xf32, #tpu.memory_space<hbm>> -> memref<16x128xf32, #tpu.memory_space<hbm>>
        %dma_wait3A_215 = arith.constant 0 : i32
        %dma_wait3A_216 = tpu.memref_slice %arg5[%dma_wait3A_215, %mul3A_209] : memref<32x2048xf32, #tpu.memory_space<hbm>> -> memref<16x128xf32, #tpu.memory_space<hbm>>
        tpu.wait_dma2 semaphore(%run_scoped3A : memref<!tpu.dma_semaphore, #tpu.memory_space<semaphore_mem>>) src(%arg23 : memref<16x128xf32, #tpu.memory_space<vmem>>) dst(%dma_wait3A_216 : memref<16x128xf32, #tpu.memory_space<hbm>>)
        tpu.yield
      }) : () -> ()
    } else {
    }
    %ge3A_22 = arith.constant 16 : i32
    %ge3A_23 = arith.cmpi sge, %add3A, %ge3A_22 : i32
    %convert_element_type3A_24 = arith.extui %ge3A_23 : i1 to i32
    %cond3A_25 = arith.constant 0 : i32
    %cond3A_26 = arith.cmpi ne, %convert_element_type3A_24, %cond3A_25 : i32
    scf.if %cond3A_26 {
      %get3A = arith.constant 0 : index
      %get3A_27 = tpu.vector_load %arg6[%get3A] {strides = array<i32>} : memref<128xi32, #tpu.memory_space<vmem>>, vector<8xi32>,
      %get3A_28 = vector.shape_cast %get3A_27 : vector<8xi32> to vector<8xi32>
      %slice3A = vector.extract_strided_slice %get3A_28 {offsets = [0], sizes = [1], strides = [1]} : vector<8xi32> to vector<1xi32>
      %squeeze3A = vector.extract %slice3A[0] : i32 from vector<1xi32>
      %shift_right_logical3A = arith.constant 7 : i32
      %shift_right_logical3A_29 = arith.shrui %squeeze3A, %shift_right_logical3A : i32
      %mul3A_30 = arith.constant 128 : i32
      %mul3A_31 = arith.muli %shift_right_logical3A_29, %mul3A_30 : i32
      %multiple_of3A = tpu.assume_multiple %mul3A_31, 128 : i32
      %dma_start3A = arith.constant 16 : i32
      %dma_start3A_32 = tpu.memref_slice %arg4[%dma_start3A, %multiple_of3A] : memref<32x1000000xf32, #tpu.memory_space<hbm>> -> memref<16x128xf32, #tpu.memory_space<hbm>>
      %dma_start3A_33 = arith.constant 16 : i32
      %dma_start3A_34 = tpu.memref_slice %arg4[%dma_start3A_33, %multiple_of3A] : memref<32x1000000xf32, #tpu.memory_space<hbm>> -> memref<16x128xf32, #tpu.memory_space<hbm>>
      tpu.enqueue_dma source(%dma_start3A_34 : memref<16x128xf32, #tpu.memory_space<hbm>>) target(%arg7 : memref<16x128xf32, #tpu.memory_space<vmem>>) target_semaphore(%arg24 : memref<!tpu.dma_semaphore, #tpu.memory_space<semaphore_mem>>)
      %slice3A_35 = vector.extract_strided_slice %get3A_28 {offsets = [1], sizes = [1], strides = [1]} : vector<8xi32> to vector<1xi32>
      %squeeze3A_36 = vector.extract %slice3A_35[0] : i32 from vector<1xi32>
      %shift_right_logical3A_37 = arith.constant 7 : i32
      %shift_right_logical3A_38 = arith.shrui %squeeze3A_36, %shift_right_logical3A_37 : i32
      %mul3A_39 = arith.constant 128 : i32
      %mul3A_40 = arith.muli %shift_right_logical3A_38, %mul3A_39 : i32
      %multiple_of3A_41 = tpu.assume_multiple %mul3A_40, 128 : i32
      %dma_start3A_42 = arith.constant 16 : i32
      %dma_start3A_43 = tpu.memref_slice %arg4[%dma_start3A_42, %multiple_of3A_41] : memref<32x1000000xf32, #tpu.memory_space<hbm>> -> memref<16x128xf32, #tpu.memory_space<hbm>>
      %dma_start3A_44 = arith.constant 16 : i32
      %dma_start3A_45 = tpu.memref_slice %arg4[%dma_start3A_44, %multiple_of3A_41] : memref<32x1000000xf32, #tpu.memory_space<hbm>> -> memref<16x128xf32, #tpu.memory_space<hbm>>
      tpu.enqueue_dma source(%dma_start3A_45 : memref<16x128xf32, #tpu.memory_space<hbm>>) target(%arg8 : memref<16x128xf32, #tpu.memory_space<vmem>>) target_semaphore(%arg24 : memref<!tpu.dma_semaphore, #tpu.memory_space<semaphore_mem>>)
      %slice3A_46 = vector.extract_strided_slice %get3A_28 {offsets = [2], sizes = [1], strides = [1]} : vector<8xi32> to vector<1xi32>
      %squeeze3A_47 = vector.extract %slice3A_46[0] : i32 from vector<1xi32>
      %shift_right_logical3A_48 = arith.constant 7 : i32
      %shift_right_logical3A_49 = arith.shrui %squeeze3A_47, %shift_right_logical3A_48 : i32
      %mul3A_50 = arith.constant 128 : i32
      %mul3A_51 = arith.muli %shift_right_logical3A_49, %mul3A_50 : i32
      %multiple_of3A_52 = tpu.assume_multiple %mul3A_51, 128 : i32
      %dma_start3A_53 = arith.constant 16 : i32
      %dma_start3A_54 = tpu.memref_slice %arg4[%dma_start3A_53, %multiple_of3A_52] : memref<32x1000000xf32, #tpu.memory_space<hbm>> -> memref<16x128xf32, #tpu.memory_space<hbm>>
      %dma_start3A_55 = arith.constant 16 : i32
      %dma_start3A_56 = tpu.memref_slice %arg4[%dma_start3A_55, %multiple_of3A_52] : memref<32x1000000xf32, #tpu.memory_space<hbm>> -> memref<16x128xf32, #tpu.memory_space<hbm>>
      tpu.enqueue_dma source(%dma_start3A_56 : memref<16x128xf32, #tpu.memory_space<hbm>>) target(%arg9 : memref<16x128xf32, #tpu.memory_space<vmem>>) target_semaphore(%arg24 : memref<!tpu.dma_semaphore, #tpu.memory_space<semaphore_mem>>)
      %slice3A_57 = vector.extract_strided_slice %get3A_28 {offsets = [3], sizes = [1], strides = [1]} : vector<8xi32> to vector<1xi32>
      %squeeze3A_58 = vector.extract %slice3A_57[0] : i32 from vector<1xi32>
      %shift_right_logical3A_59 = arith.constant 7 : i32
      %shift_right_logical3A_60 = arith.shrui %squeeze3A_58, %shift_right_logical3A_59 : i32
      %mul3A_61 = arith.constant 128 : i32
      %mul3A_62 = arith.muli %shift_right_logical3A_60, %mul3A_61 : i32
      %multiple_of3A_63 = tpu.assume_multiple %mul3A_62, 128 : i32
      %dma_start3A_64 = arith.constant 16 : i32
      %dma_start3A_65 = tpu.memref_slice %arg4[%dma_start3A_64, %multiple_of3A_63] : memref<32x1000000xf32, #tpu.memory_space<hbm>> -> memref<16x128xf32, #tpu.memory_space<hbm>>
      %dma_start3A_66 = arith.constant 16 : i32
      %dma_start3A_67 = tpu.memref_slice %arg4[%dma_start3A_66, %multiple_of3A_63] : memref<32x1000000xf32, #tpu.memory_space<hbm>> -> memref<16x128xf32, #tpu.memory_space<hbm>>
      tpu.enqueue_dma source(%dma_start3A_67 : memref<16x128xf32, #tpu.memory_space<hbm>>) target(%arg10 : memref<16x128xf32, #tpu.memory_space<vmem>>) target_semaphore(%arg24 : memref<!tpu.dma_semaphore, #tpu.memory_space<semaphore_mem>>)
      %slice3A_68 = vector.extract_strided_slice %get3A_28 {offsets = [4], sizes = [1], strides = [1]} : vector<8xi32> to vector<1xi32>
      %squeeze3A_69 = vector.extract %slice3A_68[0] : i32 from vector<1xi32>
      %shift_right_logical3A_70 = arith.constant 7 : i32
      %shift_right_logical3A_71 = arith.shrui %squeeze3A_69, %shift_right_logical3A_70 : i32
      %mul3A_72 = arith.constant 128 : i32
      %mul3A_73 = arith.muli %shift_right_logical3A_71, %mul3A_72 : i32
      %multiple_of3A_74 = tpu.assume_multiple %mul3A_73, 128 : i32
      %dma_start3A_75 = arith.constant 16 : i32
      %dma_start3A_76 = tpu.memref_slice %arg4[%dma_start3A_75, %multiple_of3A_74] : memref<32x1000000xf32, #tpu.memory_space<hbm>> -> memref<16x128xf32, #tpu.memory_space<hbm>>
      %dma_start3A_77 = arith.constant 16 : i32
      %dma_start3A_78 = tpu.memref_slice %arg4[%dma_start3A_77, %multiple_of3A_74] : memref<32x1000000xf32, #tpu.memory_space<hbm>> -> memref<16x128xf32, #tpu.memory_space<hbm>>
      tpu.enqueue_dma source(%dma_start3A_78 : memref<16x128xf32, #tpu.memory_space<hbm>>) target(%arg11 : memref<16x128xf32, #tpu.memory_space<vmem>>) target_semaphore(%arg24 : memref<!tpu.dma_semaphore, #tpu.memory_space<semaphore_mem>>)
      %slice3A_79 = vector.extract_strided_slice %get3A_28 {offsets = [5], sizes = [1], strides = [1]} : vector<8xi32> to vector<1xi32>
      %squeeze3A_80 = vector.extract %slice3A_79[0] : i32 from vector<1xi32>
      %shift_right_logical3A_81 = arith.constant 7 : i32
      %shift_right_logical3A_82 = arith.shrui %squeeze3A_80, %shift_right_logical3A_81 : i32
      %mul3A_83 = arith.constant 128 : i32
      %mul3A_84 = arith.muli %shift_right_logical3A_82, %mul3A_83 : i32
      %multiple_of3A_85 = tpu.assume_multiple %mul3A_84, 128 : i32
      %dma_start3A_86 = arith.constant 16 : i32
      %dma_start3A_87 = tpu.memref_slice %arg4[%dma_start3A_86, %multiple_of3A_85] : memref<32x1000000xf32, #tpu.memory_space<hbm>> -> memref<16x128xf32, #tpu.memory_space<hbm>>
      %dma_start3A_88 = arith.constant 16 : i32
      %dma_start3A_89 = tpu.memref_slice %arg4[%dma_start3A_88, %multiple_of3A_85] : memref<32x1000000xf32, #tpu.memory_space<hbm>> -> memref<16x128xf32, #tpu.memory_space<hbm>>
      tpu.enqueue_dma source(%dma_start3A_89 : memref<16x128xf32, #tpu.memory_space<hbm>>) target(%arg12 : memref<16x128xf32, #tpu.memory_space<vmem>>) target_semaphore(%arg24 : memref<!tpu.dma_semaphore, #tpu.memory_space<semaphore_mem>>)
      %slice3A_90 = vector.extract_strided_slice %get3A_28 {offsets = [6], sizes = [1], strides = [1]} : vector<8xi32> to vector<1xi32>
      %squeeze3A_91 = vector.extract %slice3A_90[0] : i32 from vector<1xi32>
      %shift_right_logical3A_92 = arith.constant 7 : i32
      %shift_right_logical3A_93 = arith.shrui %squeeze3A_91, %shift_right_logical3A_92 : i32
      %mul3A_94 = arith.constant 128 : i32
      %mul3A_95 = arith.muli %shift_right_logical3A_93, %mul3A_94 : i32
      %multiple_of3A_96 = tpu.assume_multiple %mul3A_95, 128 : i32
      %dma_start3A_97 = arith.constant 16 : i32
      %dma_start3A_98 = tpu.memref_slice %arg4[%dma_start3A_97, %multiple_of3A_96] : memref<32x1000000xf32, #tpu.memory_space<hbm>> -> memref<16x128xf32, #tpu.memory_space<hbm>>
      %dma_start3A_99 = arith.constant 16 : i32
      %dma_start3A_100 = tpu.memref_slice %arg4[%dma_start3A_99, %multiple_of3A_96] : memref<32x1000000xf32, #tpu.memory_space<hbm>> -> memref<16x128xf32, #tpu.memory_space<hbm>>
      tpu.enqueue_dma source(%dma_start3A_100 : memref<16x128xf32, #tpu.memory_space<hbm>>) target(%arg13 : memref<16x128xf32, #tpu.memory_space<vmem>>) target_semaphore(%arg24 : memref<!tpu.dma_semaphore, #tpu.memory_space<semaphore_mem>>)
      %slice3A_101 = vector.extract_strided_slice %get3A_28 {offsets = [7], sizes = [1], strides = [1]} : vector<8xi32> to vector<1xi32>
      %squeeze3A_102 = vector.extract %slice3A_101[0] : i32 from vector<1xi32>
      %shift_right_logical3A_103 = arith.constant 7 : i32
      %shift_right_logical3A_104 = arith.shrui %squeeze3A_102, %shift_right_logical3A_103 : i32
      %mul3A_105 = arith.constant 128 : i32
      %mul3A_106 = arith.muli %shift_right_logical3A_104, %mul3A_105 : i32
      %multiple_of3A_107 = tpu.assume_multiple %mul3A_106, 128 : i32
      %dma_start3A_108 = arith.constant 16 : i32
      %dma_start3A_109 = tpu.memref_slice %arg4[%dma_start3A_108, %multiple_of3A_107] : memref<32x1000000xf32, #tpu.memory_space<hbm>> -> memref<16x128xf32, #tpu.memory_space<hbm>>
      %dma_start3A_110 = arith.constant 16 : i32
      %dma_start3A_111 = tpu.memref_slice %arg4[%dma_start3A_110, %multiple_of3A_107] : memref<32x1000000xf32, #tpu.memory_space<hbm>> -> memref<16x128xf32, #tpu.memory_space<hbm>>
      tpu.enqueue_dma source(%dma_start3A_111 : memref<16x128xf32, #tpu.memory_space<hbm>>) target(%arg14 : memref<16x128xf32, #tpu.memory_space<vmem>>) target_semaphore(%arg24 : memref<!tpu.dma_semaphore, #tpu.memory_space<semaphore_mem>>)
      %get3A_112 = arith.constant 8 : index
      %get3A_113 = tpu.vector_load %arg6[%get3A_112] {strides = array<i32>} : memref<128xi32, #tpu.memory_space<vmem>>, vector<8xi32>,
      %get3A_114 = vector.shape_cast %get3A_113 : vector<8xi32> to vector<8xi32>
      %slice3A_115 = vector.extract_strided_slice %get3A_114 {offsets = [0], sizes = [1], strides = [1]} : vector<8xi32> to vector<1xi32>
      %squeeze3A_116 = vector.extract %slice3A_115[0] : i32 from vector<1xi32>
      %shift_right_logical3A_117 = arith.constant 7 : i32
      %shift_right_logical3A_118 = arith.shrui %squeeze3A_116, %shift_right_logical3A_117 : i32
      %mul3A_119 = arith.constant 128 : i32
      %mul3A_120 = arith.muli %shift_right_logical3A_118, %mul3A_119 : i32
      %multiple_of3A_121 = tpu.assume_multiple %mul3A_120, 128 : i32
      %dma_start3A_122 = arith.constant 16 : i32
      %dma_start3A_123 = tpu.memref_slice %arg4[%dma_start3A_122, %multiple_of3A_121] : memref<32x1000000xf32, #tpu.memory_space<hbm>> -> memref<16x128xf32, #tpu.memory_space<hbm>>
      %dma_start3A_124 = arith.constant 16 : i32
      %dma_start3A_125 = tpu.memref_slice %arg4[%dma_start3A_124, %multiple_of3A_121] : memref<32x1000000xf32, #tpu.memory_space<hbm>> -> memref<16x128xf32, #tpu.memory_space<hbm>>
      tpu.enqueue_dma source(%dma_start3A_125 : memref<16x128xf32, #tpu.memory_space<hbm>>) target(%arg15 : memref<16x128xf32, #tpu.memory_space<vmem>>) target_semaphore(%arg25 : memref<!tpu.dma_semaphore, #tpu.memory_space<semaphore_mem>>)
      %slice3A_126 = vector.extract_strided_slice %get3A_114 {offsets = [1], sizes = [1], strides = [1]} : vector<8xi32> to vector<1xi32>
      %squeeze3A_127 = vector.extract %slice3A_126[0] : i32 from vector<1xi32>
      %shift_right_logical3A_128 = arith.constant 7 : i32
      %shift_right_logical3A_129 = arith.shrui %squeeze3A_127, %shift_right_logical3A_128 : i32
      %mul3A_130 = arith.constant 128 : i32
      %mul3A_131 = arith.muli %shift_right_logical3A_129, %mul3A_130 : i32
      %multiple_of3A_132 = tpu.assume_multiple %mul3A_131, 128 : i32
      %dma_start3A_133 = arith.constant 16 : i32
      %dma_start3A_134 = tpu.memref_slice %arg4[%dma_start3A_133, %multiple_of3A_132] : memref<32x1000000xf32, #tpu.memory_space<hbm>> -> memref<16x128xf32, #tpu.memory_space<hbm>>
      %dma_start3A_135 = arith.constant 16 : i32
      %dma_start3A_136 = tpu.memref_slice %arg4[%dma_start3A_135, %multiple_of3A_132] : memref<32x1000000xf32, #tpu.memory_space<hbm>> -> memref<16x128xf32, #tpu.memory_space<hbm>>
      tpu.enqueue_dma source(%dma_start3A_136 : memref<16x128xf32, #tpu.memory_space<hbm>>) target(%arg16 : memref<16x128xf32, #tpu.memory_space<vmem>>) target_semaphore(%arg25 : memref<!tpu.dma_semaphore, #tpu.memory_space<semaphore_mem>>)
      %slice3A_137 = vector.extract_strided_slice %get3A_114 {offsets = [2], sizes = [1], strides = [1]} : vector<8xi32> to vector<1xi32>
      %squeeze3A_138 = vector.extract %slice3A_137[0] : i32 from vector<1xi32>
      %shift_right_logical3A_139 = arith.constant 7 : i32
      %shift_right_logical3A_140 = arith.shrui %squeeze3A_138, %shift_right_logical3A_139 : i32
      %mul3A_141 = arith.constant 128 : i32
      %mul3A_142 = arith.muli %shift_right_logical3A_140, %mul3A_141 : i32
      %multiple_of3A_143 = tpu.assume_multiple %mul3A_142, 128 : i32
      %dma_start3A_144 = arith.constant 16 : i32
      %dma_start3A_145 = tpu.memref_slice %arg4[%dma_start3A_144, %multiple_of3A_143] : memref<32x1000000xf32, #tpu.memory_space<hbm>> -> memref<16x128xf32, #tpu.memory_space<hbm>>
      %dma_start3A_146 = arith.constant 16 : i32
      %dma_start3A_147 = tpu.memref_slice %arg4[%dma_start3A_146, %multiple_of3A_143] : memref<32x1000000xf32, #tpu.memory_space<hbm>> -> memref<16x128xf32, #tpu.memory_space<hbm>>
      tpu.enqueue_dma source(%dma_start3A_147 : memref<16x128xf32, #tpu.memory_space<hbm>>) target(%arg17 : memref<16x128xf32, #tpu.memory_space<vmem>>) target_semaphore(%arg25 : memref<!tpu.dma_semaphore, #tpu.memory_space<semaphore_mem>>)
      %slice3A_148 = vector.extract_strided_slice %get3A_114 {offsets = [3], sizes = [1], strides = [1]} : vector<8xi32> to vector<1xi32>
      %squeeze3A_149 = vector.extract %slice3A_148[0] : i32 from vector<1xi32>
      %shift_right_logical3A_150 = arith.constant 7 : i32
      %shift_right_logical3A_151 = arith.shrui %squeeze3A_149, %shift_right_logical3A_150 : i32
      %mul3A_152 = arith.constant 128 : i32
      %mul3A_153 = arith.muli %shift_right_logical3A_151, %mul3A_152 : i32
      %multiple_of3A_154 = tpu.assume_multiple %mul3A_153, 128 : i32
      %dma_start3A_155 = arith.constant 16 : i32
      %dma_start3A_156 = tpu.memref_slice %arg4[%dma_start3A_155, %multiple_of3A_154] : memref<32x1000000xf32, #tpu.memory_space<hbm>> -> memref<16x128xf32, #tpu.memory_space<hbm>>
      %dma_start3A_157 = arith.constant 16 : i32
      %dma_start3A_158 = tpu.memref_slice %arg4[%dma_start3A_157, %multiple_of3A_154] : memref<32x1000000xf32, #tpu.memory_space<hbm>> -> memref<16x128xf32, #tpu.memory_space<hbm>>
      tpu.enqueue_dma source(%dma_start3A_158 : memref<16x128xf32, #tpu.memory_space<hbm>>) target(%arg18 : memref<16x128xf32, #tpu.memory_space<vmem>>) target_semaphore(%arg25 : memref<!tpu.dma_semaphore, #tpu.memory_space<semaphore_mem>>)
      %slice3A_159 = vector.extract_strided_slice %get3A_114 {offsets = [4], sizes = [1], strides = [1]} : vector<8xi32> to vector<1xi32>
      %squeeze3A_160 = vector.extract %slice3A_159[0] : i32 from vector<1xi32>
      %shift_right_logical3A_161 = arith.constant 7 : i32
      %shift_right_logical3A_162 = arith.shrui %squeeze3A_160, %shift_right_logical3A_161 : i32
      %mul3A_163 = arith.constant 128 : i32
      %mul3A_164 = arith.muli %shift_right_logical3A_162, %mul3A_163 : i32
      %multiple_of3A_165 = tpu.assume_multiple %mul3A_164, 128 : i32
      %dma_start3A_166 = arith.constant 16 : i32
      %dma_start3A_167 = tpu.memref_slice %arg4[%dma_start3A_166, %multiple_of3A_165] : memref<32x1000000xf32, #tpu.memory_space<hbm>> -> memref<16x128xf32, #tpu.memory_space<hbm>>
      %dma_start3A_168 = arith.constant 16 : i32
      %dma_start3A_169 = tpu.memref_slice %arg4[%dma_start3A_168, %multiple_of3A_165] : memref<32x1000000xf32, #tpu.memory_space<hbm>> -> memref<16x128xf32, #tpu.memory_space<hbm>>
      tpu.enqueue_dma source(%dma_start3A_169 : memref<16x128xf32, #tpu.memory_space<hbm>>) target(%arg19 : memref<16x128xf32, #tpu.memory_space<vmem>>) target_semaphore(%arg25 : memref<!tpu.dma_semaphore, #tpu.memory_space<semaphore_mem>>)
      %slice3A_170 = vector.extract_strided_slice %get3A_114 {offsets = [5], sizes = [1], strides = [1]} : vector<8xi32> to vector<1xi32>
      %squeeze3A_171 = vector.extract %slice3A_170[0] : i32 from vector<1xi32>
      %shift_right_logical3A_172 = arith.constant 7 : i32
      %shift_right_logical3A_173 = arith.shrui %squeeze3A_171, %shift_right_logical3A_172 : i32
      %mul3A_174 = arith.constant 128 : i32
      %mul3A_175 = arith.muli %shift_right_logical3A_173, %mul3A_174 : i32
      %multiple_of3A_176 = tpu.assume_multiple %mul3A_175, 128 : i32
      %dma_start3A_177 = arith.constant 16 : i32
      %dma_start3A_178 = tpu.memref_slice %arg4[%dma_start3A_177, %multiple_of3A_176] : memref<32x1000000xf32, #tpu.memory_space<hbm>> -> memref<16x128xf32, #tpu.memory_space<hbm>>
      %dma_start3A_179 = arith.constant 16 : i32
      %dma_start3A_180 = tpu.memref_slice %arg4[%dma_start3A_179, %multiple_of3A_176] : memref<32x1000000xf32, #tpu.memory_space<hbm>> -> memref<16x128xf32, #tpu.memory_space<hbm>>
      tpu.enqueue_dma source(%dma_start3A_180 : memref<16x128xf32, #tpu.memory_space<hbm>>) target(%arg20 : memref<16x128xf32, #tpu.memory_space<vmem>>) target_semaphore(%arg25 : memref<!tpu.dma_semaphore, #tpu.memory_space<semaphore_mem>>)
      %slice3A_181 = vector.extract_strided_slice %get3A_114 {offsets = [6], sizes = [1], strides = [1]} : vector<8xi32> to vector<1xi32>
      %squeeze3A_182 = vector.extract %slice3A_181[0] : i32 from vector<1xi32>
      %shift_right_logical3A_183 = arith.constant 7 : i32
      %shift_right_logical3A_184 = arith.shrui %squeeze3A_182, %shift_right_logical3A_183 : i32
      %mul3A_185 = arith.constant 128 : i32
      %mul3A_186 = arith.muli %shift_right_logical3A_184, %mul3A_185 : i32
      %multiple_of3A_187 = tpu.assume_multiple %mul3A_186, 128 : i32
      %dma_start3A_188 = arith.constant 16 : i32
      %dma_start3A_189 = tpu.memref_slice %arg4[%dma_start3A_188, %multiple_of3A_187] : memref<32x1000000xf32, #tpu.memory_space<hbm>> -> memref<16x128xf32, #tpu.memory_space<hbm>>
      %dma_start3A_190 = arith.constant 16 : i32
      %dma_start3A_191 = tpu.memref_slice %arg4[%dma_start3A_190, %multiple_of3A_187] : memref<32x1000000xf32, #tpu.memory_space<hbm>> -> memref<16x128xf32, #tpu.memory_space<hbm>>
      tpu.enqueue_dma source(%dma_start3A_191 : memref<16x128xf32, #tpu.memory_space<hbm>>) target(%arg21 : memref<16x128xf32, #tpu.memory_space<vmem>>) target_semaphore(%arg25 : memref<!tpu.dma_semaphore, #tpu.memory_space<semaphore_mem>>)
      %slice3A_192 = vector.extract_strided_slice %get3A_114 {offsets = [7], sizes = [1], strides = [1]} : vector<8xi32> to vector<1xi32>
      %squeeze3A_193 = vector.extract %slice3A_192[0] : i32 from vector<1xi32>
      %shift_right_logical3A_194 = arith.constant 7 : i32
      %shift_right_logical3A_195 = arith.shrui %squeeze3A_193, %shift_right_logical3A_194 : i32
      %mul3A_196 = arith.constant 128 : i32
      %mul3A_197 = arith.muli %shift_right_logical3A_195, %mul3A_196 : i32
      %multiple_of3A_198 = tpu.assume_multiple %mul3A_197, 128 : i32
      %dma_start3A_199 = arith.constant 16 : i32
      %dma_start3A_200 = tpu.memref_slice %arg4[%dma_start3A_199, %multiple_of3A_198] : memref<32x1000000xf32, #tpu.memory_space<hbm>> -> memref<16x128xf32, #tpu.memory_space<hbm>>
      %dma_start3A_201 = arith.constant 16 : i32
      %dma_start3A_202 = tpu.memref_slice %arg4[%dma_start3A_201, %multiple_of3A_198] : memref<32x1000000xf32, #tpu.memory_space<hbm>> -> memref<16x128xf32, #tpu.memory_space<hbm>>
      tpu.enqueue_dma source(%dma_start3A_202 : memref<16x128xf32, #tpu.memory_space<hbm>>) target(%arg22 : memref<16x128xf32, #tpu.memory_space<vmem>>) target_semaphore(%arg25 : memref<!tpu.dma_semaphore, #tpu.memory_space<semaphore_mem>>)
      %scan3A = arith.constant 0 : i32
      %scan3A_203 = arith.constant 0 : i32
      %scan3A_204 = arith.constant 8 : i32
      %scan3A_205 = arith.addi %scan3A_203, %scan3A_204 : i32
      %scan3A_206 = arith.constant 1 : i32
      scf.for %scan3A_210 = %scan3A_203 to %scan3A_205 step %scan3A_206  : i32 {
        %mul3A_211 = arith.constant 16 : i32
        %mul3A_212 = arith.muli %scan3A_210, %mul3A_211 : i32
        %get3A_213 = arith.index_cast %mul3A_212 : i32 to index
        %get3A_214 = tpu.vector_load %arg6[%get3A_213] {strides = array<i32>} : memref<128xi32, #tpu.memory_space<vmem>>, vector<8xi32>,
        %get3A_215 = vector.shape_cast %get3A_214 : vector<8xi32> to vector<8xi32>
        %dma_wait3A = arith.constant 16 : i32
        %dma_wait3A_216 = arith.constant 0 : i32
        %dma_wait3A_217 = tpu.memref_slice %arg4[%dma_wait3A, %dma_wait3A_216] : memref<32x1000000xf32, #tpu.memory_space<hbm>> -> memref<16x128xf32, #tpu.memory_space<hbm>>
        %dma_wait3A_218 = arith.constant 16 : i32
        %dma_wait3A_219 = arith.constant 0 : i32
        %dma_wait3A_220 = tpu.memref_slice %arg4[%dma_wait3A_218, %dma_wait3A_219] : memref<32x1000000xf32, #tpu.memory_space<hbm>> -> memref<16x128xf32, #tpu.memory_space<hbm>>
        tpu.wait_dma2 semaphore(%arg24 : memref<!tpu.dma_semaphore, #tpu.memory_space<semaphore_mem>>) src(%dma_wait3A_220 : memref<16x128xf32, #tpu.memory_space<hbm>>) dst(%arg7 : memref<16x128xf32, #tpu.memory_space<vmem>>)
        %slice3A_221 = vector.extract_strided_slice %get3A_215 {offsets = [0], sizes = [1], strides = [1]} : vector<8xi32> to vector<1xi32>
        %squeeze3A_222 = vector.extract %slice3A_221[0] : i32 from vector<1xi32>
        %and3A_223 = arith.constant 127 : i32
        %and3A_224 = arith.andi %squeeze3A_222, %and3A_223 : i32
        %get3A_225 = arith.constant 0 : index
        %get3A_226 = arith.index_cast %and3A_224 : i32 to index
        %get3A_227 = tpu.vector_load %arg7[%get3A_225, %get3A_226] {strides = array<i32>} : memref<16x128xf32, #tpu.memory_space<vmem>>, vector<16x1xf32>,
        %get3A_228 = vector.shape_cast %get3A_227 : vector<16x1xf32> to vector<16x1xf32>
        %add3A_229 = arith.constant 0 : i32
        %add3A_230 = arith.addi %mul3A_212, %add3A_229 : i32
        %swap3A = arith.constant 0 : index
        %swap3A_231 = arith.index_cast %add3A_230 : i32 to index
        %swap3A_232 = tpu.vector_load %arg23[%swap3A, %swap3A_231] {strides = array<i32>} : memref<16x128xf32, #tpu.memory_space<vmem>>, vector<16x1xf32>,
        %swap3A_233 = vector.shape_cast %swap3A_232 : vector<16x1xf32> to vector<16x1xf32>
        %swap3A_234 = vector.shape_cast %get3A_228 : vector<16x1xf32> to vector<16x1xf32>
        tpu.vector_store %arg23[%swap3A, %swap3A_231], %swap3A_234 {strides = array<i32>} : memref<16x128xf32, #tpu.memory_space<vmem>>, vector<16x1xf32>,
        %dma_wait3A_235 = arith.constant 16 : i32
        %dma_wait3A_236 = arith.constant 0 : i32
        %dma_wait3A_237 = tpu.memref_slice %arg4[%dma_wait3A_235, %dma_wait3A_236] : memref<32x1000000xf32, #tpu.memory_space<hbm>> -> memref<16x128xf32, #tpu.memory_space<hbm>>
        %dma_wait3A_238 = arith.constant 16 : i32
        %dma_wait3A_239 = arith.constant 0 : i32
        %dma_wait3A_240 = tpu.memref_slice %arg4[%dma_wait3A_238, %dma_wait3A_239] : memref<32x1000000xf32, #tpu.memory_space<hbm>> -> memref<16x128xf32, #tpu.memory_space<hbm>>
        tpu.wait_dma2 semaphore(%arg24 : memref<!tpu.dma_semaphore, #tpu.memory_space<semaphore_mem>>) src(%dma_wait3A_240 : memref<16x128xf32, #tpu.memory_space<hbm>>) dst(%arg8 : memref<16x128xf32, #tpu.memory_space<vmem>>)
        %slice3A_241 = vector.extract_strided_slice %get3A_215 {offsets = [1], sizes = [1], strides = [1]} : vector<8xi32> to vector<1xi32>
        %squeeze3A_242 = vector.extract %slice3A_241[0] : i32 from vector<1xi32>
        %and3A_243 = arith.constant 127 : i32
        %and3A_244 = arith.andi %squeeze3A_242, %and3A_243 : i32
        %get3A_245 = arith.constant 0 : index
        %get3A_246 = arith.index_cast %and3A_244 : i32 to index
        %get3A_247 = tpu.vector_load %arg8[%get3A_245, %get3A_246] {strides = array<i32>} : memref<16x128xf32, #tpu.memory_space<vmem>>, vector<16x1xf32>,
        %get3A_248 = vector.shape_cast %get3A_247 : vector<16x1xf32> to vector<16x1xf32>
        %add3A_249 = arith.constant 1 : i32
        %add3A_250 = arith.addi %mul3A_212, %add3A_249 : i32
        %swap3A_251 = arith.constant 0 : index
        %swap3A_252 = arith.index_cast %add3A_250 : i32 to index
        %swap3A_253 = tpu.vector_load %arg23[%swap3A_251, %swap3A_252] {strides = array<i32>} : memref<16x128xf32, #tpu.memory_space<vmem>>, vector<16x1xf32>,
        %swap3A_254 = vector.shape_cast %swap3A_253 : vector<16x1xf32> to vector<16x1xf32>
        %swap3A_255 = vector.shape_cast %get3A_248 : vector<16x1xf32> to vector<16x1xf32>
        tpu.vector_store %arg23[%swap3A_251, %swap3A_252], %swap3A_255 {strides = array<i32>} : memref<16x128xf32, #tpu.memory_space<vmem>>, vector<16x1xf32>,
        %dma_wait3A_256 = arith.constant 16 : i32
        %dma_wait3A_257 = arith.constant 0 : i32
        %dma_wait3A_258 = tpu.memref_slice %arg4[%dma_wait3A_256, %dma_wait3A_257] : memref<32x1000000xf32, #tpu.memory_space<hbm>> -> memref<16x128xf32, #tpu.memory_space<hbm>>
        %dma_wait3A_259 = arith.constant 16 : i32
        %dma_wait3A_260 = arith.constant 0 : i32
        %dma_wait3A_261 = tpu.memref_slice %arg4[%dma_wait3A_259, %dma_wait3A_260] : memref<32x1000000xf32, #tpu.memory_space<hbm>> -> memref<16x128xf32, #tpu.memory_space<hbm>>
        tpu.wait_dma2 semaphore(%arg24 : memref<!tpu.dma_semaphore, #tpu.memory_space<semaphore_mem>>) src(%dma_wait3A_261 : memref<16x128xf32, #tpu.memory_space<hbm>>) dst(%arg9 : memref<16x128xf32, #tpu.memory_space<vmem>>)
        %slice3A_262 = vector.extract_strided_slice %get3A_215 {offsets = [2], sizes = [1], strides = [1]} : vector<8xi32> to vector<1xi32>
        %squeeze3A_263 = vector.extract %slice3A_262[0] : i32 from vector<1xi32>
        %and3A_264 = arith.constant 127 : i32
        %and3A_265 = arith.andi %squeeze3A_263, %and3A_264 : i32
        %get3A_266 = arith.constant 0 : index
        %get3A_267 = arith.index_cast %and3A_265 : i32 to index
        %get3A_268 = tpu.vector_load %arg9[%get3A_266, %get3A_267] {strides = array<i32>} : memref<16x128xf32, #tpu.memory_space<vmem>>, vector<16x1xf32>,
        %get3A_269 = vector.shape_cast %get3A_268 : vector<16x1xf32> to vector<16x1xf32>
        %add3A_270 = arith.constant 2 : i32
        %add3A_271 = arith.addi %mul3A_212, %add3A_270 : i32
        %swap3A_272 = arith.constant 0 : index
        %swap3A_273 = arith.index_cast %add3A_271 : i32 to index
        %swap3A_274 = tpu.vector_load %arg23[%swap3A_272, %swap3A_273] {strides = array<i32>} : memref<16x128xf32, #tpu.memory_space<vmem>>, vector<16x1xf32>,
        %swap3A_275 = vector.shape_cast %swap3A_274 : vector<16x1xf32> to vector<16x1xf32>
        %swap3A_276 = vector.shape_cast %get3A_269 : vector<16x1xf32> to vector<16x1xf32>
        tpu.vector_store %arg23[%swap3A_272, %swap3A_273], %swap3A_276 {strides = array<i32>} : memref<16x128xf32, #tpu.memory_space<vmem>>, vector<16x1xf32>,
        %dma_wait3A_277 = arith.constant 16 : i32
        %dma_wait3A_278 = arith.constant 0 : i32
        %dma_wait3A_279 = tpu.memref_slice %arg4[%dma_wait3A_277, %dma_wait3A_278] : memref<32x1000000xf32, #tpu.memory_space<hbm>> -> memref<16x128xf32, #tpu.memory_space<hbm>>
        %dma_wait3A_280 = arith.constant 16 : i32
        %dma_wait3A_281 = arith.constant 0 : i32
        %dma_wait3A_282 = tpu.memref_slice %arg4[%dma_wait3A_280, %dma_wait3A_281] : memref<32x1000000xf32, #tpu.memory_space<hbm>> -> memref<16x128xf32, #tpu.memory_space<hbm>>
        tpu.wait_dma2 semaphore(%arg24 : memref<!tpu.dma_semaphore, #tpu.memory_space<semaphore_mem>>) src(%dma_wait3A_282 : memref<16x128xf32, #tpu.memory_space<hbm>>) dst(%arg10 : memref<16x128xf32, #tpu.memory_space<vmem>>)
        %slice3A_283 = vector.extract_strided_slice %get3A_215 {offsets = [3], sizes = [1], strides = [1]} : vector<8xi32> to vector<1xi32>
        %squeeze3A_284 = vector.extract %slice3A_283[0] : i32 from vector<1xi32>
        %and3A_285 = arith.constant 127 : i32
        %and3A_286 = arith.andi %squeeze3A_284, %and3A_285 : i32
        %get3A_287 = arith.constant 0 : index
        %get3A_288 = arith.index_cast %and3A_286 : i32 to index
        %get3A_289 = tpu.vector_load %arg10[%get3A_287, %get3A_288] {strides = array<i32>} : memref<16x128xf32, #tpu.memory_space<vmem>>, vector<16x1xf32>,
        %get3A_290 = vector.shape_cast %get3A_289 : vector<16x1xf32> to vector<16x1xf32>
        %add3A_291 = arith.constant 3 : i32
        %add3A_292 = arith.addi %mul3A_212, %add3A_291 : i32
        %swap3A_293 = arith.constant 0 : index
        %swap3A_294 = arith.index_cast %add3A_292 : i32 to index
        %swap3A_295 = tpu.vector_load %arg23[%swap3A_293, %swap3A_294] {strides = array<i32>} : memref<16x128xf32, #tpu.memory_space<vmem>>, vector<16x1xf32>,
        %swap3A_296 = vector.shape_cast %swap3A_295 : vector<16x1xf32> to vector<16x1xf32>
        %swap3A_297 = vector.shape_cast %get3A_290 : vector<16x1xf32> to vector<16x1xf32>
        tpu.vector_store %arg23[%swap3A_293, %swap3A_294], %swap3A_297 {strides = array<i32>} : memref<16x128xf32, #tpu.memory_space<vmem>>, vector<16x1xf32>,
        %dma_wait3A_298 = arith.constant 16 : i32
        %dma_wait3A_299 = arith.constant 0 : i32
        %dma_wait3A_300 = tpu.memref_slice %arg4[%dma_wait3A_298, %dma_wait3A_299] : memref<32x1000000xf32, #tpu.memory_space<hbm>> -> memref<16x128xf32, #tpu.memory_space<hbm>>
        %dma_wait3A_301 = arith.constant 16 : i32
        %dma_wait3A_302 = arith.constant 0 : i32
        %dma_wait3A_303 = tpu.memref_slice %arg4[%dma_wait3A_301, %dma_wait3A_302] : memref<32x1000000xf32, #tpu.memory_space<hbm>> -> memref<16x128xf32, #tpu.memory_space<hbm>>
        tpu.wait_dma2 semaphore(%arg24 : memref<!tpu.dma_semaphore, #tpu.memory_space<semaphore_mem>>) src(%dma_wait3A_303 : memref<16x128xf32, #tpu.memory_space<hbm>>) dst(%arg11 : memref<16x128xf32, #tpu.memory_space<vmem>>)
        %slice3A_304 = vector.extract_strided_slice %get3A_215 {offsets = [4], sizes = [1], strides = [1]} : vector<8xi32> to vector<1xi32>
        %squeeze3A_305 = vector.extract %slice3A_304[0] : i32 from vector<1xi32>
        %and3A_306 = arith.constant 127 : i32
        %and3A_307 = arith.andi %squeeze3A_305, %and3A_306 : i32
        %get3A_308 = arith.constant 0 : index
        %get3A_309 = arith.index_cast %and3A_307 : i32 to index
        %get3A_310 = tpu.vector_load %arg11[%get3A_308, %get3A_309] {strides = array<i32>} : memref<16x128xf32, #tpu.memory_space<vmem>>, vector<16x1xf32>,
        %get3A_311 = vector.shape_cast %get3A_310 : vector<16x1xf32> to vector<16x1xf32>
        %add3A_312 = arith.constant 4 : i32
        %add3A_313 = arith.addi %mul3A_212, %add3A_312 : i32
        %swap3A_314 = arith.constant 0 : index
        %swap3A_315 = arith.index_cast %add3A_313 : i32 to index
        %swap3A_316 = tpu.vector_load %arg23[%swap3A_314, %swap3A_315] {strides = array<i32>} : memref<16x128xf32, #tpu.memory_space<vmem>>, vector<16x1xf32>,
        %swap3A_317 = vector.shape_cast %swap3A_316 : vector<16x1xf32> to vector<16x1xf32>
        %swap3A_318 = vector.shape_cast %get3A_311 : vector<16x1xf32> to vector<16x1xf32>
        tpu.vector_store %arg23[%swap3A_314, %swap3A_315], %swap3A_318 {strides = array<i32>} : memref<16x128xf32, #tpu.memory_space<vmem>>, vector<16x1xf32>,
        %dma_wait3A_319 = arith.constant 16 : i32
        %dma_wait3A_320 = arith.constant 0 : i32
        %dma_wait3A_321 = tpu.memref_slice %arg4[%dma_wait3A_319, %dma_wait3A_320] : memref<32x1000000xf32, #tpu.memory_space<hbm>> -> memref<16x128xf32, #tpu.memory_space<hbm>>
        %dma_wait3A_322 = arith.constant 16 : i32
        %dma_wait3A_323 = arith.constant 0 : i32
        %dma_wait3A_324 = tpu.memref_slice %arg4[%dma_wait3A_322, %dma_wait3A_323] : memref<32x1000000xf32, #tpu.memory_space<hbm>> -> memref<16x128xf32, #tpu.memory_space<hbm>>
        tpu.wait_dma2 semaphore(%arg24 : memref<!tpu.dma_semaphore, #tpu.memory_space<semaphore_mem>>) src(%dma_wait3A_324 : memref<16x128xf32, #tpu.memory_space<hbm>>) dst(%arg12 : memref<16x128xf32, #tpu.memory_space<vmem>>)
        %slice3A_325 = vector.extract_strided_slice %get3A_215 {offsets = [5], sizes = [1], strides = [1]} : vector<8xi32> to vector<1xi32>
        %squeeze3A_326 = vector.extract %slice3A_325[0] : i32 from vector<1xi32>
        %and3A_327 = arith.constant 127 : i32
        %and3A_328 = arith.andi %squeeze3A_326, %and3A_327 : i32
        %get3A_329 = arith.constant 0 : index
        %get3A_330 = arith.index_cast %and3A_328 : i32 to index
        %get3A_331 = tpu.vector_load %arg12[%get3A_329, %get3A_330] {strides = array<i32>} : memref<16x128xf32, #tpu.memory_space<vmem>>, vector<16x1xf32>,
        %get3A_332 = vector.shape_cast %get3A_331 : vector<16x1xf32> to vector<16x1xf32>
        %add3A_333 = arith.constant 5 : i32
        %add3A_334 = arith.addi %mul3A_212, %add3A_333 : i32
        %swap3A_335 = arith.constant 0 : index
        %swap3A_336 = arith.index_cast %add3A_334 : i32 to index
        %swap3A_337 = tpu.vector_load %arg23[%swap3A_335, %swap3A_336] {strides = array<i32>} : memref<16x128xf32, #tpu.memory_space<vmem>>, vector<16x1xf32>,
        %swap3A_338 = vector.shape_cast %swap3A_337 : vector<16x1xf32> to vector<16x1xf32>
        %swap3A_339 = vector.shape_cast %get3A_332 : vector<16x1xf32> to vector<16x1xf32>
        tpu.vector_store %arg23[%swap3A_335, %swap3A_336], %swap3A_339 {strides = array<i32>} : memref<16x128xf32, #tpu.memory_space<vmem>>, vector<16x1xf32>,
        %dma_wait3A_340 = arith.constant 16 : i32
        %dma_wait3A_341 = arith.constant 0 : i32
        %dma_wait3A_342 = tpu.memref_slice %arg4[%dma_wait3A_340, %dma_wait3A_341] : memref<32x1000000xf32, #tpu.memory_space<hbm>> -> memref<16x128xf32, #tpu.memory_space<hbm>>
        %dma_wait3A_343 = arith.constant 16 : i32
        %dma_wait3A_344 = arith.constant 0 : i32
        %dma_wait3A_345 = tpu.memref_slice %arg4[%dma_wait3A_343, %dma_wait3A_344] : memref<32x1000000xf32, #tpu.memory_space<hbm>> -> memref<16x128xf32, #tpu.memory_space<hbm>>
        tpu.wait_dma2 semaphore(%arg24 : memref<!tpu.dma_semaphore, #tpu.memory_space<semaphore_mem>>) src(%dma_wait3A_345 : memref<16x128xf32, #tpu.memory_space<hbm>>) dst(%arg13 : memref<16x128xf32, #tpu.memory_space<vmem>>)
        %slice3A_346 = vector.extract_strided_slice %get3A_215 {offsets = [6], sizes = [1], strides = [1]} : vector<8xi32> to vector<1xi32>
        %squeeze3A_347 = vector.extract %slice3A_346[0] : i32 from vector<1xi32>
        %and3A_348 = arith.constant 127 : i32
        %and3A_349 = arith.andi %squeeze3A_347, %and3A_348 : i32
        %get3A_350 = arith.constant 0 : index
        %get3A_351 = arith.index_cast %and3A_349 : i32 to index
        %get3A_352 = tpu.vector_load %arg13[%get3A_350, %get3A_351] {strides = array<i32>} : memref<16x128xf32, #tpu.memory_space<vmem>>, vector<16x1xf32>,
        %get3A_353 = vector.shape_cast %get3A_352 : vector<16x1xf32> to vector<16x1xf32>
        %add3A_354 = arith.constant 6 : i32
        %add3A_355 = arith.addi %mul3A_212, %add3A_354 : i32
        %swap3A_356 = arith.constant 0 : index
        %swap3A_357 = arith.index_cast %add3A_355 : i32 to index
        %swap3A_358 = tpu.vector_load %arg23[%swap3A_356, %swap3A_357] {strides = array<i32>} : memref<16x128xf32, #tpu.memory_space<vmem>>, vector<16x1xf32>,
        %swap3A_359 = vector.shape_cast %swap3A_358 : vector<16x1xf32> to vector<16x1xf32>
        %swap3A_360 = vector.shape_cast %get3A_353 : vector<16x1xf32> to vector<16x1xf32>
        tpu.vector_store %arg23[%swap3A_356, %swap3A_357], %swap3A_360 {strides = array<i32>} : memref<16x128xf32, #tpu.memory_space<vmem>>, vector<16x1xf32>,
        %dma_wait3A_361 = arith.constant 16 : i32
        %dma_wait3A_362 = arith.constant 0 : i32
        %dma_wait3A_363 = tpu.memref_slice %arg4[%dma_wait3A_361, %dma_wait3A_362] : memref<32x1000000xf32, #tpu.memory_space<hbm>> -> memref<16x128xf32, #tpu.memory_space<hbm>>
        %dma_wait3A_364 = arith.constant 16 : i32
        %dma_wait3A_365 = arith.constant 0 : i32
        %dma_wait3A_366 = tpu.memref_slice %arg4[%dma_wait3A_364, %dma_wait3A_365] : memref<32x1000000xf32, #tpu.memory_space<hbm>> -> memref<16x128xf32, #tpu.memory_space<hbm>>
        tpu.wait_dma2 semaphore(%arg24 : memref<!tpu.dma_semaphore, #tpu.memory_space<semaphore_mem>>) src(%dma_wait3A_366 : memref<16x128xf32, #tpu.memory_space<hbm>>) dst(%arg14 : memref<16x128xf32, #tpu.memory_space<vmem>>)
        %slice3A_367 = vector.extract_strided_slice %get3A_215 {offsets = [7], sizes = [1], strides = [1]} : vector<8xi32> to vector<1xi32>
        %squeeze3A_368 = vector.extract %slice3A_367[0] : i32 from vector<1xi32>
        %and3A_369 = arith.constant 127 : i32
        %and3A_370 = arith.andi %squeeze3A_368, %and3A_369 : i32
        %get3A_371 = arith.constant 0 : index
        %get3A_372 = arith.index_cast %and3A_370 : i32 to index
        %get3A_373 = tpu.vector_load %arg14[%get3A_371, %get3A_372] {strides = array<i32>} : memref<16x128xf32, #tpu.memory_space<vmem>>, vector<16x1xf32>,
        %get3A_374 = vector.shape_cast %get3A_373 : vector<16x1xf32> to vector<16x1xf32>
        %add3A_375 = arith.constant 7 : i32
        %add3A_376 = arith.addi %mul3A_212, %add3A_375 : i32
        %swap3A_377 = arith.constant 0 : index
        %swap3A_378 = arith.index_cast %add3A_376 : i32 to index
        %swap3A_379 = tpu.vector_load %arg23[%swap3A_377, %swap3A_378] {strides = array<i32>} : memref<16x128xf32, #tpu.memory_space<vmem>>, vector<16x1xf32>,
        %swap3A_380 = vector.shape_cast %swap3A_379 : vector<16x1xf32> to vector<16x1xf32>
        %swap3A_381 = vector.shape_cast %get3A_374 : vector<16x1xf32> to vector<16x1xf32>
        tpu.vector_store %arg23[%swap3A_377, %swap3A_378], %swap3A_381 {strides = array<i32>} : memref<16x128xf32, #tpu.memory_space<vmem>>, vector<16x1xf32>,
        %add3A_382 = arith.constant 16 : i32
        %add3A_383 = arith.addi %mul3A_212, %add3A_382 : i32
        %lt3A_384 = arith.constant 128 : i32
        %lt3A_385 = arith.cmpi slt, %add3A_383, %lt3A_384 : i32
        %convert_element_type3A_386 = arith.extui %lt3A_385 : i1 to i32
        %cond3A_387 = arith.constant 0 : i32
        %cond3A_388 = arith.cmpi ne, %convert_element_type3A_386, %cond3A_387 : i32
        scf.if %cond3A_388 {
          %add3A_569 = arith.constant 16 : i32
          %add3A_570 = arith.addi %mul3A_212, %add3A_569 : i32
          %get3A_571 = arith.index_cast %add3A_570 : i32 to index
          %get3A_572 = tpu.vector_load %arg6[%get3A_571] {strides = array<i32>} : memref<128xi32, #tpu.memory_space<vmem>>, vector<8xi32>,
          %get3A_573 = vector.shape_cast %get3A_572 : vector<8xi32> to vector<8xi32>
          %slice3A_574 = vector.extract_strided_slice %get3A_573 {offsets = [0], sizes = [1], strides = [1]} : vector<8xi32> to vector<1xi32>
          %squeeze3A_575 = vector.extract %slice3A_574[0] : i32 from vector<1xi32>
          %shift_right_logical3A_576 = arith.constant 7 : i32
          %shift_right_logical3A_577 = arith.shrui %squeeze3A_575, %shift_right_logical3A_576 : i32
          %mul3A_578 = arith.constant 128 : i32
          %mul3A_579 = arith.muli %shift_right_logical3A_577, %mul3A_578 : i32
          %multiple_of3A_580 = tpu.assume_multiple %mul3A_579, 128 : i32
          %dma_start3A_581 = arith.constant 16 : i32
          %dma_start3A_582 = tpu.memref_slice %arg4[%dma_start3A_581, %multiple_of3A_580] : memref<32x1000000xf32, #tpu.memory_space<hbm>> -> memref<16x128xf32, #tpu.memory_space<hbm>>
          %dma_start3A_583 = arith.constant 16 : i32
          %dma_start3A_584 = tpu.memref_slice %arg4[%dma_start3A_583, %multiple_of3A_580] : memref<32x1000000xf32, #tpu.memory_space<hbm>> -> memref<16x128xf32, #tpu.memory_space<hbm>>
          tpu.enqueue_dma source(%dma_start3A_584 : memref<16x128xf32, #tpu.memory_space<hbm>>) target(%arg7 : memref<16x128xf32, #tpu.memory_space<vmem>>) target_semaphore(%arg24 : memref<!tpu.dma_semaphore, #tpu.memory_space<semaphore_mem>>)
          %slice3A_585 = vector.extract_strided_slice %get3A_573 {offsets = [1], sizes = [1], strides = [1]} : vector<8xi32> to vector<1xi32>
          %squeeze3A_586 = vector.extract %slice3A_585[0] : i32 from vector<1xi32>
          %shift_right_logical3A_587 = arith.constant 7 : i32
          %shift_right_logical3A_588 = arith.shrui %squeeze3A_586, %shift_right_logical3A_587 : i32
          %mul3A_589 = arith.constant 128 : i32
          %mul3A_590 = arith.muli %shift_right_logical3A_588, %mul3A_589 : i32
          %multiple_of3A_591 = tpu.assume_multiple %mul3A_590, 128 : i32
          %dma_start3A_592 = arith.constant 16 : i32
          %dma_start3A_593 = tpu.memref_slice %arg4[%dma_start3A_592, %multiple_of3A_591] : memref<32x1000000xf32, #tpu.memory_space<hbm>> -> memref<16x128xf32, #tpu.memory_space<hbm>>
          %dma_start3A_594 = arith.constant 16 : i32
          %dma_start3A_595 = tpu.memref_slice %arg4[%dma_start3A_594, %multiple_of3A_591] : memref<32x1000000xf32, #tpu.memory_space<hbm>> -> memref<16x128xf32, #tpu.memory_space<hbm>>
          tpu.enqueue_dma source(%dma_start3A_595 : memref<16x128xf32, #tpu.memory_space<hbm>>) target(%arg8 : memref<16x128xf32, #tpu.memory_space<vmem>>) target_semaphore(%arg24 : memref<!tpu.dma_semaphore, #tpu.memory_space<semaphore_mem>>)
          %slice3A_596 = vector.extract_strided_slice %get3A_573 {offsets = [2], sizes = [1], strides = [1]} : vector<8xi32> to vector<1xi32>
          %squeeze3A_597 = vector.extract %slice3A_596[0] : i32 from vector<1xi32>
          %shift_right_logical3A_598 = arith.constant 7 : i32
          %shift_right_logical3A_599 = arith.shrui %squeeze3A_597, %shift_right_logical3A_598 : i32
          %mul3A_600 = arith.constant 128 : i32
          %mul3A_601 = arith.muli %shift_right_logical3A_599, %mul3A_600 : i32
          %multiple_of3A_602 = tpu.assume_multiple %mul3A_601, 128 : i32
          %dma_start3A_603 = arith.constant 16 : i32
          %dma_start3A_604 = tpu.memref_slice %arg4[%dma_start3A_603, %multiple_of3A_602] : memref<32x1000000xf32, #tpu.memory_space<hbm>> -> memref<16x128xf32, #tpu.memory_space<hbm>>
          %dma_start3A_605 = arith.constant 16 : i32
          %dma_start3A_606 = tpu.memref_slice %arg4[%dma_start3A_605, %multiple_of3A_602] : memref<32x1000000xf32, #tpu.memory_space<hbm>> -> memref<16x128xf32, #tpu.memory_space<hbm>>
          tpu.enqueue_dma source(%dma_start3A_606 : memref<16x128xf32, #tpu.memory_space<hbm>>) target(%arg9 : memref<16x128xf32, #tpu.memory_space<vmem>>) target_semaphore(%arg24 : memref<!tpu.dma_semaphore, #tpu.memory_space<semaphore_mem>>)
          %slice3A_607 = vector.extract_strided_slice %get3A_573 {offsets = [3], sizes = [1], strides = [1]} : vector<8xi32> to vector<1xi32>
          %squeeze3A_608 = vector.extract %slice3A_607[0] : i32 from vector<1xi32>
          %shift_right_logical3A_609 = arith.constant 7 : i32
          %shift_right_logical3A_610 = arith.shrui %squeeze3A_608, %shift_right_logical3A_609 : i32
          %mul3A_611 = arith.constant 128 : i32
          %mul3A_612 = arith.muli %shift_right_logical3A_610, %mul3A_611 : i32
          %multiple_of3A_613 = tpu.assume_multiple %mul3A_612, 128 : i32
          %dma_start3A_614 = arith.constant 16 : i32
          %dma_start3A_615 = tpu.memref_slice %arg4[%dma_start3A_614, %multiple_of3A_613] : memref<32x1000000xf32, #tpu.memory_space<hbm>> -> memref<16x128xf32, #tpu.memory_space<hbm>>
          %dma_start3A_616 = arith.constant 16 : i32
          %dma_start3A_617 = tpu.memref_slice %arg4[%dma_start3A_616, %multiple_of3A_613] : memref<32x1000000xf32, #tpu.memory_space<hbm>> -> memref<16x128xf32, #tpu.memory_space<hbm>>
          tpu.enqueue_dma source(%dma_start3A_617 : memref<16x128xf32, #tpu.memory_space<hbm>>) target(%arg10 : memref<16x128xf32, #tpu.memory_space<vmem>>) target_semaphore(%arg24 : memref<!tpu.dma_semaphore, #tpu.memory_space<semaphore_mem>>)
          %slice3A_618 = vector.extract_strided_slice %get3A_573 {offsets = [4], sizes = [1], strides = [1]} : vector<8xi32> to vector<1xi32>
          %squeeze3A_619 = vector.extract %slice3A_618[0] : i32 from vector<1xi32>
          %shift_right_logical3A_620 = arith.constant 7 : i32
          %shift_right_logical3A_621 = arith.shrui %squeeze3A_619, %shift_right_logical3A_620 : i32
          %mul3A_622 = arith.constant 128 : i32
          %mul3A_623 = arith.muli %shift_right_logical3A_621, %mul3A_622 : i32
          %multiple_of3A_624 = tpu.assume_multiple %mul3A_623, 128 : i32
          %dma_start3A_625 = arith.constant 16 : i32
          %dma_start3A_626 = tpu.memref_slice %arg4[%dma_start3A_625, %multiple_of3A_624] : memref<32x1000000xf32, #tpu.memory_space<hbm>> -> memref<16x128xf32, #tpu.memory_space<hbm>>
          %dma_start3A_627 = arith.constant 16 : i32
          %dma_start3A_628 = tpu.memref_slice %arg4[%dma_start3A_627, %multiple_of3A_624] : memref<32x1000000xf32, #tpu.memory_space<hbm>> -> memref<16x128xf32, #tpu.memory_space<hbm>>
          tpu.enqueue_dma source(%dma_start3A_628 : memref<16x128xf32, #tpu.memory_space<hbm>>) target(%arg11 : memref<16x128xf32, #tpu.memory_space<vmem>>) target_semaphore(%arg24 : memref<!tpu.dma_semaphore, #tpu.memory_space<semaphore_mem>>)
          %slice3A_629 = vector.extract_strided_slice %get3A_573 {offsets = [5], sizes = [1], strides = [1]} : vector<8xi32> to vector<1xi32>
          %squeeze3A_630 = vector.extract %slice3A_629[0] : i32 from vector<1xi32>
          %shift_right_logical3A_631 = arith.constant 7 : i32
          %shift_right_logical3A_632 = arith.shrui %squeeze3A_630, %shift_right_logical3A_631 : i32
          %mul3A_633 = arith.constant 128 : i32
          %mul3A_634 = arith.muli %shift_right_logical3A_632, %mul3A_633 : i32
          %multiple_of3A_635 = tpu.assume_multiple %mul3A_634, 128 : i32
          %dma_start3A_636 = arith.constant 16 : i32
          %dma_start3A_637 = tpu.memref_slice %arg4[%dma_start3A_636, %multiple_of3A_635] : memref<32x1000000xf32, #tpu.memory_space<hbm>> -> memref<16x128xf32, #tpu.memory_space<hbm>>
          %dma_start3A_638 = arith.constant 16 : i32
          %dma_start3A_639 = tpu.memref_slice %arg4[%dma_start3A_638, %multiple_of3A_635] : memref<32x1000000xf32, #tpu.memory_space<hbm>> -> memref<16x128xf32, #tpu.memory_space<hbm>>
          tpu.enqueue_dma source(%dma_start3A_639 : memref<16x128xf32, #tpu.memory_space<hbm>>) target(%arg12 : memref<16x128xf32, #tpu.memory_space<vmem>>) target_semaphore(%arg24 : memref<!tpu.dma_semaphore, #tpu.memory_space<semaphore_mem>>)
          %slice3A_640 = vector.extract_strided_slice %get3A_573 {offsets = [6], sizes = [1], strides = [1]} : vector<8xi32> to vector<1xi32>
          %squeeze3A_641 = vector.extract %slice3A_640[0] : i32 from vector<1xi32>
          %shift_right_logical3A_642 = arith.constant 7 : i32
          %shift_right_logical3A_643 = arith.shrui %squeeze3A_641, %shift_right_logical3A_642 : i32
          %mul3A_644 = arith.constant 128 : i32
          %mul3A_645 = arith.muli %shift_right_logical3A_643, %mul3A_644 : i32
          %multiple_of3A_646 = tpu.assume_multiple %mul3A_645, 128 : i32
          %dma_start3A_647 = arith.constant 16 : i32
          %dma_start3A_648 = tpu.memref_slice %arg4[%dma_start3A_647, %multiple_of3A_646] : memref<32x1000000xf32, #tpu.memory_space<hbm>> -> memref<16x128xf32, #tpu.memory_space<hbm>>
          %dma_start3A_649 = arith.constant 16 : i32
          %dma_start3A_650 = tpu.memref_slice %arg4[%dma_start3A_649, %multiple_of3A_646] : memref<32x1000000xf32, #tpu.memory_space<hbm>> -> memref<16x128xf32, #tpu.memory_space<hbm>>
          tpu.enqueue_dma source(%dma_start3A_650 : memref<16x128xf32, #tpu.memory_space<hbm>>) target(%arg13 : memref<16x128xf32, #tpu.memory_space<vmem>>) target_semaphore(%arg24 : memref<!tpu.dma_semaphore, #tpu.memory_space<semaphore_mem>>)
          %slice3A_651 = vector.extract_strided_slice %get3A_573 {offsets = [7], sizes = [1], strides = [1]} : vector<8xi32> to vector<1xi32>
          %squeeze3A_652 = vector.extract %slice3A_651[0] : i32 from vector<1xi32>
          %shift_right_logical3A_653 = arith.constant 7 : i32
          %shift_right_logical3A_654 = arith.shrui %squeeze3A_652, %shift_right_logical3A_653 : i32
          %mul3A_655 = arith.constant 128 : i32
          %mul3A_656 = arith.muli %shift_right_logical3A_654, %mul3A_655 : i32
          %multiple_of3A_657 = tpu.assume_multiple %mul3A_656, 128 : i32
          %dma_start3A_658 = arith.constant 16 : i32
          %dma_start3A_659 = tpu.memref_slice %arg4[%dma_start3A_658, %multiple_of3A_657] : memref<32x1000000xf32, #tpu.memory_space<hbm>> -> memref<16x128xf32, #tpu.memory_space<hbm>>
          %dma_start3A_660 = arith.constant 16 : i32
          %dma_start3A_661 = tpu.memref_slice %arg4[%dma_start3A_660, %multiple_of3A_657] : memref<32x1000000xf32, #tpu.memory_space<hbm>> -> memref<16x128xf32, #tpu.memory_space<hbm>>
          tpu.enqueue_dma source(%dma_start3A_661 : memref<16x128xf32, #tpu.memory_space<hbm>>) target(%arg14 : memref<16x128xf32, #tpu.memory_space<vmem>>) target_semaphore(%arg24 : memref<!tpu.dma_semaphore, #tpu.memory_space<semaphore_mem>>)
        } else {
        }
        %add3A_389 = arith.constant 8 : i32
        %add3A_390 = arith.addi %mul3A_212, %add3A_389 : i32
        %get3A_391 = arith.index_cast %add3A_390 : i32 to index
        %get3A_392 = tpu.vector_load %arg6[%get3A_391] {strides = array<i32>} : memref<128xi32, #tpu.memory_space<vmem>>, vector<8xi32>,
        %get3A_393 = vector.shape_cast %get3A_392 : vector<8xi32> to vector<8xi32>
        %dma_wait3A_394 = arith.constant 16 : i32
        %dma_wait3A_395 = arith.constant 0 : i32
        %dma_wait3A_396 = tpu.memref_slice %arg4[%dma_wait3A_394, %dma_wait3A_395] : memref<32x1000000xf32, #tpu.memory_space<hbm>> -> memref<16x128xf32, #tpu.memory_space<hbm>>
        %dma_wait3A_397 = arith.constant 16 : i32
        %dma_wait3A_398 = arith.constant 0 : i32
        %dma_wait3A_399 = tpu.memref_slice %arg4[%dma_wait3A_397, %dma_wait3A_398] : memref<32x1000000xf32, #tpu.memory_space<hbm>> -> memref<16x128xf32, #tpu.memory_space<hbm>>
        tpu.wait_dma2 semaphore(%arg25 : memref<!tpu.dma_semaphore, #tpu.memory_space<semaphore_mem>>) src(%dma_wait3A_399 : memref<16x128xf32, #tpu.memory_space<hbm>>) dst(%arg15 : memref<16x128xf32, #tpu.memory_space<vmem>>)
        %slice3A_400 = vector.extract_strided_slice %get3A_393 {offsets = [0], sizes = [1], strides = [1]} : vector<8xi32> to vector<1xi32>
        %squeeze3A_401 = vector.extract %slice3A_400[0] : i32 from vector<1xi32>
        %and3A_402 = arith.constant 127 : i32
        %and3A_403 = arith.andi %squeeze3A_401, %and3A_402 : i32
        %get3A_404 = arith.constant 0 : index
        %get3A_405 = arith.index_cast %and3A_403 : i32 to index
        %get3A_406 = tpu.vector_load %arg15[%get3A_404, %get3A_405] {strides = array<i32>} : memref<16x128xf32, #tpu.memory_space<vmem>>, vector<16x1xf32>,
        %get3A_407 = vector.shape_cast %get3A_406 : vector<16x1xf32> to vector<16x1xf32>
        %add3A_408 = arith.constant 0 : i32
        %add3A_409 = arith.addi %add3A_390, %add3A_408 : i32
        %swap3A_410 = arith.constant 0 : index
        %swap3A_411 = arith.index_cast %add3A_409 : i32 to index
        %swap3A_412 = tpu.vector_load %arg23[%swap3A_410, %swap3A_411] {strides = array<i32>} : memref<16x128xf32, #tpu.memory_space<vmem>>, vector<16x1xf32>,
        %swap3A_413 = vector.shape_cast %swap3A_412 : vector<16x1xf32> to vector<16x1xf32>
        %swap3A_414 = vector.shape_cast %get3A_407 : vector<16x1xf32> to vector<16x1xf32>
        tpu.vector_store %arg23[%swap3A_410, %swap3A_411], %swap3A_414 {strides = array<i32>} : memref<16x128xf32, #tpu.memory_space<vmem>>, vector<16x1xf32>,
        %dma_wait3A_415 = arith.constant 16 : i32
        %dma_wait3A_416 = arith.constant 0 : i32
        %dma_wait3A_417 = tpu.memref_slice %arg4[%dma_wait3A_415, %dma_wait3A_416] : memref<32x1000000xf32, #tpu.memory_space<hbm>> -> memref<16x128xf32, #tpu.memory_space<hbm>>
        %dma_wait3A_418 = arith.constant 16 : i32
        %dma_wait3A_419 = arith.constant 0 : i32
        %dma_wait3A_420 = tpu.memref_slice %arg4[%dma_wait3A_418, %dma_wait3A_419] : memref<32x1000000xf32, #tpu.memory_space<hbm>> -> memref<16x128xf32, #tpu.memory_space<hbm>>
        tpu.wait_dma2 semaphore(%arg25 : memref<!tpu.dma_semaphore, #tpu.memory_space<semaphore_mem>>) src(%dma_wait3A_420 : memref<16x128xf32, #tpu.memory_space<hbm>>) dst(%arg16 : memref<16x128xf32, #tpu.memory_space<vmem>>)
        %slice3A_421 = vector.extract_strided_slice %get3A_393 {offsets = [1], sizes = [1], strides = [1]} : vector<8xi32> to vector<1xi32>
        %squeeze3A_422 = vector.extract %slice3A_421[0] : i32 from vector<1xi32>
        %and3A_423 = arith.constant 127 : i32
        %and3A_424 = arith.andi %squeeze3A_422, %and3A_423 : i32
        %get3A_425 = arith.constant 0 : index
        %get3A_426 = arith.index_cast %and3A_424 : i32 to index
        %get3A_427 = tpu.vector_load %arg16[%get3A_425, %get3A_426] {strides = array<i32>} : memref<16x128xf32, #tpu.memory_space<vmem>>, vector<16x1xf32>,
        %get3A_428 = vector.shape_cast %get3A_427 : vector<16x1xf32> to vector<16x1xf32>
        %add3A_429 = arith.constant 1 : i32
        %add3A_430 = arith.addi %add3A_390, %add3A_429 : i32
        %swap3A_431 = arith.constant 0 : index
        %swap3A_432 = arith.index_cast %add3A_430 : i32 to index
        %swap3A_433 = tpu.vector_load %arg23[%swap3A_431, %swap3A_432] {strides = array<i32>} : memref<16x128xf32, #tpu.memory_space<vmem>>, vector<16x1xf32>,
        %swap3A_434 = vector.shape_cast %swap3A_433 : vector<16x1xf32> to vector<16x1xf32>
        %swap3A_435 = vector.shape_cast %get3A_428 : vector<16x1xf32> to vector<16x1xf32>
        tpu.vector_store %arg23[%swap3A_431, %swap3A_432], %swap3A_435 {strides = array<i32>} : memref<16x128xf32, #tpu.memory_space<vmem>>, vector<16x1xf32>,
        %dma_wait3A_436 = arith.constant 16 : i32
        %dma_wait3A_437 = arith.constant 0 : i32
        %dma_wait3A_438 = tpu.memref_slice %arg4[%dma_wait3A_436, %dma_wait3A_437] : memref<32x1000000xf32, #tpu.memory_space<hbm>> -> memref<16x128xf32, #tpu.memory_space<hbm>>
        %dma_wait3A_439 = arith.constant 16 : i32
        %dma_wait3A_440 = arith.constant 0 : i32
        %dma_wait3A_441 = tpu.memref_slice %arg4[%dma_wait3A_439, %dma_wait3A_440] : memref<32x1000000xf32, #tpu.memory_space<hbm>> -> memref<16x128xf32, #tpu.memory_space<hbm>>
        tpu.wait_dma2 semaphore(%arg25 : memref<!tpu.dma_semaphore, #tpu.memory_space<semaphore_mem>>) src(%dma_wait3A_441 : memref<16x128xf32, #tpu.memory_space<hbm>>) dst(%arg17 : memref<16x128xf32, #tpu.memory_space<vmem>>)
        %slice3A_442 = vector.extract_strided_slice %get3A_393 {offsets = [2], sizes = [1], strides = [1]} : vector<8xi32> to vector<1xi32>
        %squeeze3A_443 = vector.extract %slice3A_442[0] : i32 from vector<1xi32>
        %and3A_444 = arith.constant 127 : i32
        %and3A_445 = arith.andi %squeeze3A_443, %and3A_444 : i32
        %get3A_446 = arith.constant 0 : index
        %get3A_447 = arith.index_cast %and3A_445 : i32 to index
        %get3A_448 = tpu.vector_load %arg17[%get3A_446, %get3A_447] {strides = array<i32>} : memref<16x128xf32, #tpu.memory_space<vmem>>, vector<16x1xf32>,
        %get3A_449 = vector.shape_cast %get3A_448 : vector<16x1xf32> to vector<16x1xf32>
        %add3A_450 = arith.constant 2 : i32
        %add3A_451 = arith.addi %add3A_390, %add3A_450 : i32
        %swap3A_452 = arith.constant 0 : index
        %swap3A_453 = arith.index_cast %add3A_451 : i32 to index
        %swap3A_454 = tpu.vector_load %arg23[%swap3A_452, %swap3A_453] {strides = array<i32>} : memref<16x128xf32, #tpu.memory_space<vmem>>, vector<16x1xf32>,
        %swap3A_455 = vector.shape_cast %swap3A_454 : vector<16x1xf32> to vector<16x1xf32>
        %swap3A_456 = vector.shape_cast %get3A_449 : vector<16x1xf32> to vector<16x1xf32>
        tpu.vector_store %arg23[%swap3A_452, %swap3A_453], %swap3A_456 {strides = array<i32>} : memref<16x128xf32, #tpu.memory_space<vmem>>, vector<16x1xf32>,
        %dma_wait3A_457 = arith.constant 16 : i32
        %dma_wait3A_458 = arith.constant 0 : i32
        %dma_wait3A_459 = tpu.memref_slice %arg4[%dma_wait3A_457, %dma_wait3A_458] : memref<32x1000000xf32, #tpu.memory_space<hbm>> -> memref<16x128xf32, #tpu.memory_space<hbm>>
        %dma_wait3A_460 = arith.constant 16 : i32
        %dma_wait3A_461 = arith.constant 0 : i32
        %dma_wait3A_462 = tpu.memref_slice %arg4[%dma_wait3A_460, %dma_wait3A_461] : memref<32x1000000xf32, #tpu.memory_space<hbm>> -> memref<16x128xf32, #tpu.memory_space<hbm>>
        tpu.wait_dma2 semaphore(%arg25 : memref<!tpu.dma_semaphore, #tpu.memory_space<semaphore_mem>>) src(%dma_wait3A_462 : memref<16x128xf32, #tpu.memory_space<hbm>>) dst(%arg18 : memref<16x128xf32, #tpu.memory_space<vmem>>)
        %slice3A_463 = vector.extract_strided_slice %get3A_393 {offsets = [3], sizes = [1], strides = [1]} : vector<8xi32> to vector<1xi32>
        %squeeze3A_464 = vector.extract %slice3A_463[0] : i32 from vector<1xi32>
        %and3A_465 = arith.constant 127 : i32
        %and3A_466 = arith.andi %squeeze3A_464, %and3A_465 : i32
        %get3A_467 = arith.constant 0 : index
        %get3A_468 = arith.index_cast %and3A_466 : i32 to index
        %get3A_469 = tpu.vector_load %arg18[%get3A_467, %get3A_468] {strides = array<i32>} : memref<16x128xf32, #tpu.memory_space<vmem>>, vector<16x1xf32>,
        %get3A_470 = vector.shape_cast %get3A_469 : vector<16x1xf32> to vector<16x1xf32>
        %add3A_471 = arith.constant 3 : i32
        %add3A_472 = arith.addi %add3A_390, %add3A_471 : i32
        %swap3A_473 = arith.constant 0 : index
        %swap3A_474 = arith.index_cast %add3A_472 : i32 to index
        %swap3A_475 = tpu.vector_load %arg23[%swap3A_473, %swap3A_474] {strides = array<i32>} : memref<16x128xf32, #tpu.memory_space<vmem>>, vector<16x1xf32>,
        %swap3A_476 = vector.shape_cast %swap3A_475 : vector<16x1xf32> to vector<16x1xf32>
        %swap3A_477 = vector.shape_cast %get3A_470 : vector<16x1xf32> to vector<16x1xf32>
        tpu.vector_store %arg23[%swap3A_473, %swap3A_474], %swap3A_477 {strides = array<i32>} : memref<16x128xf32, #tpu.memory_space<vmem>>, vector<16x1xf32>,
        %dma_wait3A_478 = arith.constant 16 : i32
        %dma_wait3A_479 = arith.constant 0 : i32
        %dma_wait3A_480 = tpu.memref_slice %arg4[%dma_wait3A_478, %dma_wait3A_479] : memref<32x1000000xf32, #tpu.memory_space<hbm>> -> memref<16x128xf32, #tpu.memory_space<hbm>>
        %dma_wait3A_481 = arith.constant 16 : i32
        %dma_wait3A_482 = arith.constant 0 : i32
        %dma_wait3A_483 = tpu.memref_slice %arg4[%dma_wait3A_481, %dma_wait3A_482] : memref<32x1000000xf32, #tpu.memory_space<hbm>> -> memref<16x128xf32, #tpu.memory_space<hbm>>
        tpu.wait_dma2 semaphore(%arg25 : memref<!tpu.dma_semaphore, #tpu.memory_space<semaphore_mem>>) src(%dma_wait3A_483 : memref<16x128xf32, #tpu.memory_space<hbm>>) dst(%arg19 : memref<16x128xf32, #tpu.memory_space<vmem>>)
        %slice3A_484 = vector.extract_strided_slice %get3A_393 {offsets = [4], sizes = [1], strides = [1]} : vector<8xi32> to vector<1xi32>
        %squeeze3A_485 = vector.extract %slice3A_484[0] : i32 from vector<1xi32>
        %and3A_486 = arith.constant 127 : i32
        %and3A_487 = arith.andi %squeeze3A_485, %and3A_486 : i32
        %get3A_488 = arith.constant 0 : index
        %get3A_489 = arith.index_cast %and3A_487 : i32 to index
        %get3A_490 = tpu.vector_load %arg19[%get3A_488, %get3A_489] {strides = array<i32>} : memref<16x128xf32, #tpu.memory_space<vmem>>, vector<16x1xf32>,
        %get3A_491 = vector.shape_cast %get3A_490 : vector<16x1xf32> to vector<16x1xf32>
        %add3A_492 = arith.constant 4 : i32
        %add3A_493 = arith.addi %add3A_390, %add3A_492 : i32
        %swap3A_494 = arith.constant 0 : index
        %swap3A_495 = arith.index_cast %add3A_493 : i32 to index
        %swap3A_496 = tpu.vector_load %arg23[%swap3A_494, %swap3A_495] {strides = array<i32>} : memref<16x128xf32, #tpu.memory_space<vmem>>, vector<16x1xf32>,
        %swap3A_497 = vector.shape_cast %swap3A_496 : vector<16x1xf32> to vector<16x1xf32>
        %swap3A_498 = vector.shape_cast %get3A_491 : vector<16x1xf32> to vector<16x1xf32>
        tpu.vector_store %arg23[%swap3A_494, %swap3A_495], %swap3A_498 {strides = array<i32>} : memref<16x128xf32, #tpu.memory_space<vmem>>, vector<16x1xf32>,
        %dma_wait3A_499 = arith.constant 16 : i32
        %dma_wait3A_500 = arith.constant 0 : i32
        %dma_wait3A_501 = tpu.memref_slice %arg4[%dma_wait3A_499, %dma_wait3A_500] : memref<32x1000000xf32, #tpu.memory_space<hbm>> -> memref<16x128xf32, #tpu.memory_space<hbm>>
        %dma_wait3A_502 = arith.constant 16 : i32
        %dma_wait3A_503 = arith.constant 0 : i32
        %dma_wait3A_504 = tpu.memref_slice %arg4[%dma_wait3A_502, %dma_wait3A_503] : memref<32x1000000xf32, #tpu.memory_space<hbm>> -> memref<16x128xf32, #tpu.memory_space<hbm>>
        tpu.wait_dma2 semaphore(%arg25 : memref<!tpu.dma_semaphore, #tpu.memory_space<semaphore_mem>>) src(%dma_wait3A_504 : memref<16x128xf32, #tpu.memory_space<hbm>>) dst(%arg20 : memref<16x128xf32, #tpu.memory_space<vmem>>)
        %slice3A_505 = vector.extract_strided_slice %get3A_393 {offsets = [5], sizes = [1], strides = [1]} : vector<8xi32> to vector<1xi32>
        %squeeze3A_506 = vector.extract %slice3A_505[0] : i32 from vector<1xi32>
        %and3A_507 = arith.constant 127 : i32
        %and3A_508 = arith.andi %squeeze3A_506, %and3A_507 : i32
        %get3A_509 = arith.constant 0 : index
        %get3A_510 = arith.index_cast %and3A_508 : i32 to index
        %get3A_511 = tpu.vector_load %arg20[%get3A_509, %get3A_510] {strides = array<i32>} : memref<16x128xf32, #tpu.memory_space<vmem>>, vector<16x1xf32>,
        %get3A_512 = vector.shape_cast %get3A_511 : vector<16x1xf32> to vector<16x1xf32>
        %add3A_513 = arith.constant 5 : i32
        %add3A_514 = arith.addi %add3A_390, %add3A_513 : i32
        %swap3A_515 = arith.constant 0 : index
        %swap3A_516 = arith.index_cast %add3A_514 : i32 to index
        %swap3A_517 = tpu.vector_load %arg23[%swap3A_515, %swap3A_516] {strides = array<i32>} : memref<16x128xf32, #tpu.memory_space<vmem>>, vector<16x1xf32>,
        %swap3A_518 = vector.shape_cast %swap3A_517 : vector<16x1xf32> to vector<16x1xf32>
        %swap3A_519 = vector.shape_cast %get3A_512 : vector<16x1xf32> to vector<16x1xf32>
        tpu.vector_store %arg23[%swap3A_515, %swap3A_516], %swap3A_519 {strides = array<i32>} : memref<16x128xf32, #tpu.memory_space<vmem>>, vector<16x1xf32>,
        %dma_wait3A_520 = arith.constant 16 : i32
        %dma_wait3A_521 = arith.constant 0 : i32
        %dma_wait3A_522 = tpu.memref_slice %arg4[%dma_wait3A_520, %dma_wait3A_521] : memref<32x1000000xf32, #tpu.memory_space<hbm>> -> memref<16x128xf32, #tpu.memory_space<hbm>>
        %dma_wait3A_523 = arith.constant 16 : i32
        %dma_wait3A_524 = arith.constant 0 : i32
        %dma_wait3A_525 = tpu.memref_slice %arg4[%dma_wait3A_523, %dma_wait3A_524] : memref<32x1000000xf32, #tpu.memory_space<hbm>> -> memref<16x128xf32, #tpu.memory_space<hbm>>
        tpu.wait_dma2 semaphore(%arg25 : memref<!tpu.dma_semaphore, #tpu.memory_space<semaphore_mem>>) src(%dma_wait3A_525 : memref<16x128xf32, #tpu.memory_space<hbm>>) dst(%arg21 : memref<16x128xf32, #tpu.memory_space<vmem>>)
        %slice3A_526 = vector.extract_strided_slice %get3A_393 {offsets = [6], sizes = [1], strides = [1]} : vector<8xi32> to vector<1xi32>
        %squeeze3A_527 = vector.extract %slice3A_526[0] : i32 from vector<1xi32>
        %and3A_528 = arith.constant 127 : i32
        %and3A_529 = arith.andi %squeeze3A_527, %and3A_528 : i32
        %get3A_530 = arith.constant 0 : index
        %get3A_531 = arith.index_cast %and3A_529 : i32 to index
        %get3A_532 = tpu.vector_load %arg21[%get3A_530, %get3A_531] {strides = array<i32>} : memref<16x128xf32, #tpu.memory_space<vmem>>, vector<16x1xf32>,
        %get3A_533 = vector.shape_cast %get3A_532 : vector<16x1xf32> to vector<16x1xf32>
        %add3A_534 = arith.constant 6 : i32
        %add3A_535 = arith.addi %add3A_390, %add3A_534 : i32
        %swap3A_536 = arith.constant 0 : index
        %swap3A_537 = arith.index_cast %add3A_535 : i32 to index
        %swap3A_538 = tpu.vector_load %arg23[%swap3A_536, %swap3A_537] {strides = array<i32>} : memref<16x128xf32, #tpu.memory_space<vmem>>, vector<16x1xf32>,
        %swap3A_539 = vector.shape_cast %swap3A_538 : vector<16x1xf32> to vector<16x1xf32>
        %swap3A_540 = vector.shape_cast %get3A_533 : vector<16x1xf32> to vector<16x1xf32>
        tpu.vector_store %arg23[%swap3A_536, %swap3A_537], %swap3A_540 {strides = array<i32>} : memref<16x128xf32, #tpu.memory_space<vmem>>, vector<16x1xf32>,
        %dma_wait3A_541 = arith.constant 16 : i32
        %dma_wait3A_542 = arith.constant 0 : i32
        %dma_wait3A_543 = tpu.memref_slice %arg4[%dma_wait3A_541, %dma_wait3A_542] : memref<32x1000000xf32, #tpu.memory_space<hbm>> -> memref<16x128xf32, #tpu.memory_space<hbm>>
        %dma_wait3A_544 = arith.constant 16 : i32
        %dma_wait3A_545 = arith.constant 0 : i32
        %dma_wait3A_546 = tpu.memref_slice %arg4[%dma_wait3A_544, %dma_wait3A_545] : memref<32x1000000xf32, #tpu.memory_space<hbm>> -> memref<16x128xf32, #tpu.memory_space<hbm>>
        tpu.wait_dma2 semaphore(%arg25 : memref<!tpu.dma_semaphore, #tpu.memory_space<semaphore_mem>>) src(%dma_wait3A_546 : memref<16x128xf32, #tpu.memory_space<hbm>>) dst(%arg22 : memref<16x128xf32, #tpu.memory_space<vmem>>)
        %slice3A_547 = vector.extract_strided_slice %get3A_393 {offsets = [7], sizes = [1], strides = [1]} : vector<8xi32> to vector<1xi32>
        %squeeze3A_548 = vector.extract %slice3A_547[0] : i32 from vector<1xi32>
        %and3A_549 = arith.constant 127 : i32
        %and3A_550 = arith.andi %squeeze3A_548, %and3A_549 : i32
        %get3A_551 = arith.constant 0 : index
        %get3A_552 = arith.index_cast %and3A_550 : i32 to index
        %get3A_553 = tpu.vector_load %arg22[%get3A_551, %get3A_552] {strides = array<i32>} : memref<16x128xf32, #tpu.memory_space<vmem>>, vector<16x1xf32>,
        %get3A_554 = vector.shape_cast %get3A_553 : vector<16x1xf32> to vector<16x1xf32>
        %add3A_555 = arith.constant 7 : i32
        %add3A_556 = arith.addi %add3A_390, %add3A_555 : i32
        %swap3A_557 = arith.constant 0 : index
        %swap3A_558 = arith.index_cast %add3A_556 : i32 to index
        %swap3A_559 = tpu.vector_load %arg23[%swap3A_557, %swap3A_558] {strides = array<i32>} : memref<16x128xf32, #tpu.memory_space<vmem>>, vector<16x1xf32>,
        %swap3A_560 = vector.shape_cast %swap3A_559 : vector<16x1xf32> to vector<16x1xf32>
        %swap3A_561 = vector.shape_cast %get3A_554 : vector<16x1xf32> to vector<16x1xf32>
        tpu.vector_store %arg23[%swap3A_557, %swap3A_558], %swap3A_561 {strides = array<i32>} : memref<16x128xf32, #tpu.memory_space<vmem>>, vector<16x1xf32>,
        %add3A_562 = arith.constant 24 : i32
        %add3A_563 = arith.addi %mul3A_212, %add3A_562 : i32
        %lt3A_564 = arith.constant 128 : i32
        %lt3A_565 = arith.cmpi slt, %add3A_563, %lt3A_564 : i32
        %convert_element_type3A_566 = arith.extui %lt3A_565 : i1 to i32
        %cond3A_567 = arith.constant 0 : i32
        %cond3A_568 = arith.cmpi ne, %convert_element_type3A_566, %cond3A_567 : i32
        scf.if %cond3A_568 {
          %add3A_569 = arith.constant 24 : i32
          %add3A_570 = arith.addi %mul3A_212, %add3A_569 : i32
          %get3A_571 = arith.index_cast %add3A_570 : i32 to index
          %get3A_572 = tpu.vector_load %arg6[%get3A_571] {strides = array<i32>} : memref<128xi32, #tpu.memory_space<vmem>>, vector<8xi32>,
          %get3A_573 = vector.shape_cast %get3A_572 : vector<8xi32> to vector<8xi32>
          %slice3A_574 = vector.extract_strided_slice %get3A_573 {offsets = [0], sizes = [1], strides = [1]} : vector<8xi32> to vector<1xi32>
          %squeeze3A_575 = vector.extract %slice3A_574[0] : i32 from vector<1xi32>
          %shift_right_logical3A_576 = arith.constant 7 : i32
          %shift_right_logical3A_577 = arith.shrui %squeeze3A_575, %shift_right_logical3A_576 : i32
          %mul3A_578 = arith.constant 128 : i32
          %mul3A_579 = arith.muli %shift_right_logical3A_577, %mul3A_578 : i32
          %multiple_of3A_580 = tpu.assume_multiple %mul3A_579, 128 : i32
          %dma_start3A_581 = arith.constant 16 : i32
          %dma_start3A_582 = tpu.memref_slice %arg4[%dma_start3A_581, %multiple_of3A_580] : memref<32x1000000xf32, #tpu.memory_space<hbm>> -> memref<16x128xf32, #tpu.memory_space<hbm>>
          %dma_start3A_583 = arith.constant 16 : i32
          %dma_start3A_584 = tpu.memref_slice %arg4[%dma_start3A_583, %multiple_of3A_580] : memref<32x1000000xf32, #tpu.memory_space<hbm>> -> memref<16x128xf32, #tpu.memory_space<hbm>>
          tpu.enqueue_dma source(%dma_start3A_584 : memref<16x128xf32, #tpu.memory_space<hbm>>) target(%arg15 : memref<16x128xf32, #tpu.memory_space<vmem>>) target_semaphore(%arg25 : memref<!tpu.dma_semaphore, #tpu.memory_space<semaphore_mem>>)
          %slice3A_585 = vector.extract_strided_slice %get3A_573 {offsets = [1], sizes = [1], strides = [1]} : vector<8xi32> to vector<1xi32>
          %squeeze3A_586 = vector.extract %slice3A_585[0] : i32 from vector<1xi32>
          %shift_right_logical3A_587 = arith.constant 7 : i32
          %shift_right_logical3A_588 = arith.shrui %squeeze3A_586, %shift_right_logical3A_587 : i32
          %mul3A_589 = arith.constant 128 : i32
          %mul3A_590 = arith.muli %shift_right_logical3A_588, %mul3A_589 : i32
          %multiple_of3A_591 = tpu.assume_multiple %mul3A_590, 128 : i32
          %dma_start3A_592 = arith.constant 16 : i32
          %dma_start3A_593 = tpu.memref_slice %arg4[%dma_start3A_592, %multiple_of3A_591] : memref<32x1000000xf32, #tpu.memory_space<hbm>> -> memref<16x128xf32, #tpu.memory_space<hbm>>
          %dma_start3A_594 = arith.constant 16 : i32
          %dma_start3A_595 = tpu.memref_slice %arg4[%dma_start3A_594, %multiple_of3A_591] : memref<32x1000000xf32, #tpu.memory_space<hbm>> -> memref<16x128xf32, #tpu.memory_space<hbm>>
          tpu.enqueue_dma source(%dma_start3A_595 : memref<16x128xf32, #tpu.memory_space<hbm>>) target(%arg16 : memref<16x128xf32, #tpu.memory_space<vmem>>) target_semaphore(%arg25 : memref<!tpu.dma_semaphore, #tpu.memory_space<semaphore_mem>>)
          %slice3A_596 = vector.extract_strided_slice %get3A_573 {offsets = [2], sizes = [1], strides = [1]} : vector<8xi32> to vector<1xi32>
          %squeeze3A_597 = vector.extract %slice3A_596[0] : i32 from vector<1xi32>
          %shift_right_logical3A_598 = arith.constant 7 : i32
          %shift_right_logical3A_599 = arith.shrui %squeeze3A_597, %shift_right_logical3A_598 : i32
          %mul3A_600 = arith.constant 128 : i32
          %mul3A_601 = arith.muli %shift_right_logical3A_599, %mul3A_600 : i32
          %multiple_of3A_602 = tpu.assume_multiple %mul3A_601, 128 : i32
          %dma_start3A_603 = arith.constant 16 : i32
          %dma_start3A_604 = tpu.memref_slice %arg4[%dma_start3A_603, %multiple_of3A_602] : memref<32x1000000xf32, #tpu.memory_space<hbm>> -> memref<16x128xf32, #tpu.memory_space<hbm>>
          %dma_start3A_605 = arith.constant 16 : i32
          %dma_start3A_606 = tpu.memref_slice %arg4[%dma_start3A_605, %multiple_of3A_602] : memref<32x1000000xf32, #tpu.memory_space<hbm>> -> memref<16x128xf32, #tpu.memory_space<hbm>>
          tpu.enqueue_dma source(%dma_start3A_606 : memref<16x128xf32, #tpu.memory_space<hbm>>) target(%arg17 : memref<16x128xf32, #tpu.memory_space<vmem>>) target_semaphore(%arg25 : memref<!tpu.dma_semaphore, #tpu.memory_space<semaphore_mem>>)
          %slice3A_607 = vector.extract_strided_slice %get3A_573 {offsets = [3], sizes = [1], strides = [1]} : vector<8xi32> to vector<1xi32>
          %squeeze3A_608 = vector.extract %slice3A_607[0] : i32 from vector<1xi32>
          %shift_right_logical3A_609 = arith.constant 7 : i32
          %shift_right_logical3A_610 = arith.shrui %squeeze3A_608, %shift_right_logical3A_609 : i32
          %mul3A_611 = arith.constant 128 : i32
          %mul3A_612 = arith.muli %shift_right_logical3A_610, %mul3A_611 : i32
          %multiple_of3A_613 = tpu.assume_multiple %mul3A_612, 128 : i32
          %dma_start3A_614 = arith.constant 16 : i32
          %dma_start3A_615 = tpu.memref_slice %arg4[%dma_start3A_614, %multiple_of3A_613] : memref<32x1000000xf32, #tpu.memory_space<hbm>> -> memref<16x128xf32, #tpu.memory_space<hbm>>
          %dma_start3A_616 = arith.constant 16 : i32
          %dma_start3A_617 = tpu.memref_slice %arg4[%dma_start3A_616, %multiple_of3A_613] : memref<32x1000000xf32, #tpu.memory_space<hbm>> -> memref<16x128xf32, #tpu.memory_space<hbm>>
          tpu.enqueue_dma source(%dma_start3A_617 : memref<16x128xf32, #tpu.memory_space<hbm>>) target(%arg18 : memref<16x128xf32, #tpu.memory_space<vmem>>) target_semaphore(%arg25 : memref<!tpu.dma_semaphore, #tpu.memory_space<semaphore_mem>>)
          %slice3A_618 = vector.extract_strided_slice %get3A_573 {offsets = [4], sizes = [1], strides = [1]} : vector<8xi32> to vector<1xi32>
          %squeeze3A_619 = vector.extract %slice3A_618[0] : i32 from vector<1xi32>
          %shift_right_logical3A_620 = arith.constant 7 : i32
          %shift_right_logical3A_621 = arith.shrui %squeeze3A_619, %shift_right_logical3A_620 : i32
          %mul3A_622 = arith.constant 128 : i32
          %mul3A_623 = arith.muli %shift_right_logical3A_621, %mul3A_622 : i32
          %multiple_of3A_624 = tpu.assume_multiple %mul3A_623, 128 : i32
          %dma_start3A_625 = arith.constant 16 : i32
          %dma_start3A_626 = tpu.memref_slice %arg4[%dma_start3A_625, %multiple_of3A_624] : memref<32x1000000xf32, #tpu.memory_space<hbm>> -> memref<16x128xf32, #tpu.memory_space<hbm>>
          %dma_start3A_627 = arith.constant 16 : i32
          %dma_start3A_628 = tpu.memref_slice %arg4[%dma_start3A_627, %multiple_of3A_624] : memref<32x1000000xf32, #tpu.memory_space<hbm>> -> memref<16x128xf32, #tpu.memory_space<hbm>>
          tpu.enqueue_dma source(%dma_start3A_628 : memref<16x128xf32, #tpu.memory_space<hbm>>) target(%arg19 : memref<16x128xf32, #tpu.memory_space<vmem>>) target_semaphore(%arg25 : memref<!tpu.dma_semaphore, #tpu.memory_space<semaphore_mem>>)
          %slice3A_629 = vector.extract_strided_slice %get3A_573 {offsets = [5], sizes = [1], strides = [1]} : vector<8xi32> to vector<1xi32>
          %squeeze3A_630 = vector.extract %slice3A_629[0] : i32 from vector<1xi32>
          %shift_right_logical3A_631 = arith.constant 7 : i32
          %shift_right_logical3A_632 = arith.shrui %squeeze3A_630, %shift_right_logical3A_631 : i32
          %mul3A_633 = arith.constant 128 : i32
          %mul3A_634 = arith.muli %shift_right_logical3A_632, %mul3A_633 : i32
          %multiple_of3A_635 = tpu.assume_multiple %mul3A_634, 128 : i32
          %dma_start3A_636 = arith.constant 16 : i32
          %dma_start3A_637 = tpu.memref_slice %arg4[%dma_start3A_636, %multiple_of3A_635] : memref<32x1000000xf32, #tpu.memory_space<hbm>> -> memref<16x128xf32, #tpu.memory_space<hbm>>
          %dma_start3A_638 = arith.constant 16 : i32
          %dma_start3A_639 = tpu.memref_slice %arg4[%dma_start3A_638, %multiple_of3A_635] : memref<32x1000000xf32, #tpu.memory_space<hbm>> -> memref<16x128xf32, #tpu.memory_space<hbm>>
          tpu.enqueue_dma source(%dma_start3A_639 : memref<16x128xf32, #tpu.memory_space<hbm>>) target(%arg20 : memref<16x128xf32, #tpu.memory_space<vmem>>) target_semaphore(%arg25 : memref<!tpu.dma_semaphore, #tpu.memory_space<semaphore_mem>>)
          %slice3A_640 = vector.extract_strided_slice %get3A_573 {offsets = [6], sizes = [1], strides = [1]} : vector<8xi32> to vector<1xi32>
          %squeeze3A_641 = vector.extract %slice3A_640[0] : i32 from vector<1xi32>
          %shift_right_logical3A_642 = arith.constant 7 : i32
          %shift_right_logical3A_643 = arith.shrui %squeeze3A_641, %shift_right_logical3A_642 : i32
          %mul3A_644 = arith.constant 128 : i32
          %mul3A_645 = arith.muli %shift_right_logical3A_643, %mul3A_644 : i32
          %multiple_of3A_646 = tpu.assume_multiple %mul3A_645, 128 : i32
          %dma_start3A_647 = arith.constant 16 : i32
          %dma_start3A_648 = tpu.memref_slice %arg4[%dma_start3A_647, %multiple_of3A_646] : memref<32x1000000xf32, #tpu.memory_space<hbm>> -> memref<16x128xf32, #tpu.memory_space<hbm>>
          %dma_start3A_649 = arith.constant 16 : i32
          %dma_start3A_650 = tpu.memref_slice %arg4[%dma_start3A_649, %multiple_of3A_646] : memref<32x1000000xf32, #tpu.memory_space<hbm>> -> memref<16x128xf32, #tpu.memory_space<hbm>>
          tpu.enqueue_dma source(%dma_start3A_650 : memref<16x128xf32, #tpu.memory_space<hbm>>) target(%arg21 : memref<16x128xf32, #tpu.memory_space<vmem>>) target_semaphore(%arg25 : memref<!tpu.dma_semaphore, #tpu.memory_space<semaphore_mem>>)
          %slice3A_651 = vector.extract_strided_slice %get3A_573 {offsets = [7], sizes = [1], strides = [1]} : vector<8xi32> to vector<1xi32>
          %squeeze3A_652 = vector.extract %slice3A_651[0] : i32 from vector<1xi32>
          %shift_right_logical3A_653 = arith.constant 7 : i32
          %shift_right_logical3A_654 = arith.shrui %squeeze3A_652, %shift_right_logical3A_653 : i32
          %mul3A_655 = arith.constant 128 : i32
          %mul3A_656 = arith.muli %shift_right_logical3A_654, %mul3A_655 : i32
          %multiple_of3A_657 = tpu.assume_multiple %mul3A_656, 128 : i32
          %dma_start3A_658 = arith.constant 16 : i32
          %dma_start3A_659 = tpu.memref_slice %arg4[%dma_start3A_658, %multiple_of3A_657] : memref<32x1000000xf32, #tpu.memory_space<hbm>> -> memref<16x128xf32, #tpu.memory_space<hbm>>
          %dma_start3A_660 = arith.constant 16 : i32
          %dma_start3A_661 = tpu.memref_slice %arg4[%dma_start3A_660, %multiple_of3A_657] : memref<32x1000000xf32, #tpu.memory_space<hbm>> -> memref<16x128xf32, #tpu.memory_space<hbm>>
          tpu.enqueue_dma source(%dma_start3A_661 : memref<16x128xf32, #tpu.memory_space<hbm>>) target(%arg22 : memref<16x128xf32, #tpu.memory_space<vmem>>) target_semaphore(%arg25 : memref<!tpu.dma_semaphore, #tpu.memory_space<semaphore_mem>>)
        } else {
        }
      }
      %scan3A_207 = arith.constant 8 : i32
      %mul3A_208 = arith.constant 128 : i32
      %mul3A_209 = arith.muli %select_n3A_9, %mul3A_208 : i32
      "tpu.region"() ({
        %run_scoped3A = tpu.sem_alloc : memref<!tpu.dma_semaphore, #tpu.memory_space<semaphore_mem>>
        %dma_start3A_210 = arith.constant 16 : i32
        %dma_start3A_211 = tpu.memref_slice %arg5[%dma_start3A_210, %mul3A_209] : memref<32x2048xf32, #tpu.memory_space<hbm>> -> memref<16x128xf32, #tpu.memory_space<hbm>>
        %dma_start3A_212 = arith.constant 16 : i32
        %dma_start3A_213 = tpu.memref_slice %arg5[%dma_start3A_212, %mul3A_209] : memref<32x2048xf32, #tpu.memory_space<hbm>> -> memref<16x128xf32, #tpu.memory_space<hbm>>
        tpu.enqueue_dma source(%arg23 : memref<16x128xf32, #tpu.memory_space<vmem>>) target(%dma_start3A_213 : memref<16x128xf32, #tpu.memory_space<hbm>>) target_semaphore(%run_scoped3A : memref<!tpu.dma_semaphore, #tpu.memory_space<semaphore_mem>>)
        %dma_wait3A = arith.constant 16 : i32
        %dma_wait3A_214 = tpu.memref_slice %arg5[%dma_wait3A, %mul3A_209] : memref<32x2048xf32, #tpu.memory_space<hbm>> -> memref<16x128xf32, #tpu.memory_space<hbm>>
        %dma_wait3A_215 = arith.constant 16 : i32
        %dma_wait3A_216 = tpu.memref_slice %arg5[%dma_wait3A_215, %mul3A_209] : memref<32x2048xf32, #tpu.memory_space<hbm>> -> memref<16x128xf32, #tpu.memory_space<hbm>>
        tpu.wait_dma2 semaphore(%run_scoped3A : memref<!tpu.dma_semaphore, #tpu.memory_space<semaphore_mem>>) src(%arg23 : memref<16x128xf32, #tpu.memory_space<vmem>>) dst(%dma_wait3A_216 : memref<16x128xf32, #tpu.memory_space<hbm>>)
        tpu.yield
      }) : () -> ()
    } else {
    }
    return
  }
}

module attributes {stable_mosaic.version = 14 : i64} {
  func.func @_tc_distance_body(%arg0: i32, %arg1: memref<32x512xf32, #tpu.memory_space<vmem>>, %arg2: memref<32x512xf32, #tpu.memory_space<vmem>>, %arg3: memref<1000x32xf32, #tpu.memory_space<vmem>>, %arg4: memref<1000x512xf32, #tpu.memory_space<vmem>>) attributes {dimension_semantics = [#tpu.dimension_semantics<arbitrary>], iteration_bounds = array<i64: 2>, scalar_prefetch = 0 : i64, scratch_operands = 0 : i64, tpu.core_type = #tpu.core_type<tc>, window_params = [{transform_indices = @transform_0, window_bounds = array<i64: 32, 512>}, {transform_indices = @transform_1, window_bounds = array<i64: 32, 512>}, {pipeline_mode = #tpu.pipeline_mode<synchronous>, transform_indices = @transform_2, window_bounds = array<i64: 1000, 32>}, {transform_indices = @transform_3, window_bounds = array<i64: 1000, 512>}]} {
    %get3A = arith.constant 0 : index
    %get3A_0 = arith.constant 0 : index
    %get3A_1 = vector.load %arg1[%get3A, %get3A_0] : memref<32x512xf32, #tpu.memory_space<vmem>>, vector<32x512xf32>
    %get3A_2 = arith.constant 0 : index
    %get3A_3 = arith.constant 0 : index
    %get3A_4 = vector.load %arg2[%get3A_2, %get3A_3] : memref<32x512xf32, #tpu.memory_space<vmem>>, vector<32x512xf32>
    %sub3A = arith.subf %get3A_1, %get3A_4 : vector<32x512xf32>
    %convert_element_type3A = arith.truncf %sub3A : vector<32x512xf32> to vector<32x512xbf16>
    %get3A_5 = arith.constant 0 : index
    %get3A_6 = arith.constant 0 : index
    %get3A_7 = vector.load %arg3[%get3A_5, %get3A_6] : memref<1000x32xf32, #tpu.memory_space<vmem>>, vector<1000x32xf32>
    %convert_element_type3A_8 = arith.truncf %get3A_7 : vector<1000x32xf32> to vector<1000x32xbf16>
    %slice3A = vector.extract_strided_slice %convert_element_type3A_8 {offsets = [0, 0], sizes = [1000, 1], strides = [1, 1]} : vector<1000x32xbf16> to vector<1000x1xbf16>
    %slice3A_9 = vector.extract_strided_slice %convert_element_type3A {offsets = [0, 0], sizes = [1, 512], strides = [1, 1]} : vector<32x512xbf16> to vector<1x512xbf16>
    %add3A = vector.broadcast %slice3A : vector<1000x1xbf16> to vector<1000x512xbf16>
    %add3A_10 = vector.broadcast %slice3A_9 : vector<1x512xbf16> to vector<1000x512xbf16>
    %add3A_11 = arith.addf %add3A, %add3A_10 : vector<1000x512xbf16>
    %abs3A = math.absf %add3A_11 : vector<1000x512xbf16>
    %slice3A_12 = vector.extract_strided_slice %convert_element_type3A_8 {offsets = [0, 1], sizes = [1000, 1], strides = [1, 1]} : vector<1000x32xbf16> to vector<1000x1xbf16>
    %slice3A_13 = vector.extract_strided_slice %convert_element_type3A {offsets = [1, 0], sizes = [1, 512], strides = [1, 1]} : vector<32x512xbf16> to vector<1x512xbf16>
    %add3A_14 = vector.broadcast %slice3A_12 : vector<1000x1xbf16> to vector<1000x512xbf16>
    %add3A_15 = vector.broadcast %slice3A_13 : vector<1x512xbf16> to vector<1000x512xbf16>
    %add3A_16 = arith.addf %add3A_14, %add3A_15 : vector<1000x512xbf16>
    %abs3A_17 = math.absf %add3A_16 : vector<1000x512xbf16>
    %add3A_18 = arith.addf %abs3A, %abs3A_17 : vector<1000x512xbf16>
    %slice3A_19 = vector.extract_strided_slice %convert_element_type3A_8 {offsets = [0, 2], sizes = [1000, 1], strides = [1, 1]} : vector<1000x32xbf16> to vector<1000x1xbf16>
    %slice3A_20 = vector.extract_strided_slice %convert_element_type3A {offsets = [2, 0], sizes = [1, 512], strides = [1, 1]} : vector<32x512xbf16> to vector<1x512xbf16>
    %add3A_21 = vector.broadcast %slice3A_19 : vector<1000x1xbf16> to vector<1000x512xbf16>
    %add3A_22 = vector.broadcast %slice3A_20 : vector<1x512xbf16> to vector<1000x512xbf16>
    %add3A_23 = arith.addf %add3A_21, %add3A_22 : vector<1000x512xbf16>
    %abs3A_24 = math.absf %add3A_23 : vector<1000x512xbf16>
    %add3A_25 = arith.addf %add3A_18, %abs3A_24 : vector<1000x512xbf16>
    %slice3A_26 = vector.extract_strided_slice %convert_element_type3A_8 {offsets = [0, 3], sizes = [1000, 1], strides = [1, 1]} : vector<1000x32xbf16> to vector<1000x1xbf16>
    %slice3A_27 = vector.extract_strided_slice %convert_element_type3A {offsets = [3, 0], sizes = [1, 512], strides = [1, 1]} : vector<32x512xbf16> to vector<1x512xbf16>
    %add3A_28 = vector.broadcast %slice3A_26 : vector<1000x1xbf16> to vector<1000x512xbf16>
    %add3A_29 = vector.broadcast %slice3A_27 : vector<1x512xbf16> to vector<1000x512xbf16>
    %add3A_30 = arith.addf %add3A_28, %add3A_29 : vector<1000x512xbf16>
    %abs3A_31 = math.absf %add3A_30 : vector<1000x512xbf16>
    %add3A_32 = arith.addf %add3A_25, %abs3A_31 : vector<1000x512xbf16>
    %slice3A_33 = vector.extract_strided_slice %convert_element_type3A_8 {offsets = [0, 4], sizes = [1000, 1], strides = [1, 1]} : vector<1000x32xbf16> to vector<1000x1xbf16>
    %slice3A_34 = vector.extract_strided_slice %convert_element_type3A {offsets = [4, 0], sizes = [1, 512], strides = [1, 1]} : vector<32x512xbf16> to vector<1x512xbf16>
    %add3A_35 = vector.broadcast %slice3A_33 : vector<1000x1xbf16> to vector<1000x512xbf16>
    %add3A_36 = vector.broadcast %slice3A_34 : vector<1x512xbf16> to vector<1000x512xbf16>
    %add3A_37 = arith.addf %add3A_35, %add3A_36 : vector<1000x512xbf16>
    %abs3A_38 = math.absf %add3A_37 : vector<1000x512xbf16>
    %add3A_39 = arith.addf %add3A_32, %abs3A_38 : vector<1000x512xbf16>
    %slice3A_40 = vector.extract_strided_slice %convert_element_type3A_8 {offsets = [0, 5], sizes = [1000, 1], strides = [1, 1]} : vector<1000x32xbf16> to vector<1000x1xbf16>
    %slice3A_41 = vector.extract_strided_slice %convert_element_type3A {offsets = [5, 0], sizes = [1, 512], strides = [1, 1]} : vector<32x512xbf16> to vector<1x512xbf16>
    %add3A_42 = vector.broadcast %slice3A_40 : vector<1000x1xbf16> to vector<1000x512xbf16>
    %add3A_43 = vector.broadcast %slice3A_41 : vector<1x512xbf16> to vector<1000x512xbf16>
    %add3A_44 = arith.addf %add3A_42, %add3A_43 : vector<1000x512xbf16>
    %abs3A_45 = math.absf %add3A_44 : vector<1000x512xbf16>
    %add3A_46 = arith.addf %add3A_39, %abs3A_45 : vector<1000x512xbf16>
    %slice3A_47 = vector.extract_strided_slice %convert_element_type3A_8 {offsets = [0, 6], sizes = [1000, 1], strides = [1, 1]} : vector<1000x32xbf16> to vector<1000x1xbf16>
    %slice3A_48 = vector.extract_strided_slice %convert_element_type3A {offsets = [6, 0], sizes = [1, 512], strides = [1, 1]} : vector<32x512xbf16> to vector<1x512xbf16>
    %add3A_49 = vector.broadcast %slice3A_47 : vector<1000x1xbf16> to vector<1000x512xbf16>
    %add3A_50 = vector.broadcast %slice3A_48 : vector<1x512xbf16> to vector<1000x512xbf16>
    %add3A_51 = arith.addf %add3A_49, %add3A_50 : vector<1000x512xbf16>
    %abs3A_52 = math.absf %add3A_51 : vector<1000x512xbf16>
    %add3A_53 = arith.addf %add3A_46, %abs3A_52 : vector<1000x512xbf16>
    %slice3A_54 = vector.extract_strided_slice %convert_element_type3A_8 {offsets = [0, 7], sizes = [1000, 1], strides = [1, 1]} : vector<1000x32xbf16> to vector<1000x1xbf16>
    %slice3A_55 = vector.extract_strided_slice %convert_element_type3A {offsets = [7, 0], sizes = [1, 512], strides = [1, 1]} : vector<32x512xbf16> to vector<1x512xbf16>
    %add3A_56 = vector.broadcast %slice3A_54 : vector<1000x1xbf16> to vector<1000x512xbf16>
    %add3A_57 = vector.broadcast %slice3A_55 : vector<1x512xbf16> to vector<1000x512xbf16>
    %add3A_58 = arith.addf %add3A_56, %add3A_57 : vector<1000x512xbf16>
    %abs3A_59 = math.absf %add3A_58 : vector<1000x512xbf16>
    %add3A_60 = arith.addf %add3A_53, %abs3A_59 : vector<1000x512xbf16>
    %slice3A_61 = vector.extract_strided_slice %convert_element_type3A_8 {offsets = [0, 8], sizes = [1000, 1], strides = [1, 1]} : vector<1000x32xbf16> to vector<1000x1xbf16>
    %slice3A_62 = vector.extract_strided_slice %convert_element_type3A {offsets = [8, 0], sizes = [1, 512], strides = [1, 1]} : vector<32x512xbf16> to vector<1x512xbf16>
    %add3A_63 = vector.broadcast %slice3A_61 : vector<1000x1xbf16> to vector<1000x512xbf16>
    %add3A_64 = vector.broadcast %slice3A_62 : vector<1x512xbf16> to vector<1000x512xbf16>
    %add3A_65 = arith.addf %add3A_63, %add3A_64 : vector<1000x512xbf16>
    %abs3A_66 = math.absf %add3A_65 : vector<1000x512xbf16>
    %add3A_67 = arith.addf %add3A_60, %abs3A_66 : vector<1000x512xbf16>
    %slice3A_68 = vector.extract_strided_slice %convert_element_type3A_8 {offsets = [0, 9], sizes = [1000, 1], strides = [1, 1]} : vector<1000x32xbf16> to vector<1000x1xbf16>
    %slice3A_69 = vector.extract_strided_slice %convert_element_type3A {offsets = [9, 0], sizes = [1, 512], strides = [1, 1]} : vector<32x512xbf16> to vector<1x512xbf16>
    %add3A_70 = vector.broadcast %slice3A_68 : vector<1000x1xbf16> to vector<1000x512xbf16>
    %add3A_71 = vector.broadcast %slice3A_69 : vector<1x512xbf16> to vector<1000x512xbf16>
    %add3A_72 = arith.addf %add3A_70, %add3A_71 : vector<1000x512xbf16>
    %abs3A_73 = math.absf %add3A_72 : vector<1000x512xbf16>
    %add3A_74 = arith.addf %add3A_67, %abs3A_73 : vector<1000x512xbf16>
    %slice3A_75 = vector.extract_strided_slice %convert_element_type3A_8 {offsets = [0, 10], sizes = [1000, 1], strides = [1, 1]} : vector<1000x32xbf16> to vector<1000x1xbf16>
    %slice3A_76 = vector.extract_strided_slice %convert_element_type3A {offsets = [10, 0], sizes = [1, 512], strides = [1, 1]} : vector<32x512xbf16> to vector<1x512xbf16>
    %add3A_77 = vector.broadcast %slice3A_75 : vector<1000x1xbf16> to vector<1000x512xbf16>
    %add3A_78 = vector.broadcast %slice3A_76 : vector<1x512xbf16> to vector<1000x512xbf16>
    %add3A_79 = arith.addf %add3A_77, %add3A_78 : vector<1000x512xbf16>
    %abs3A_80 = math.absf %add3A_79 : vector<1000x512xbf16>
    %add3A_81 = arith.addf %add3A_74, %abs3A_80 : vector<1000x512xbf16>
    %slice3A_82 = vector.extract_strided_slice %convert_element_type3A_8 {offsets = [0, 11], sizes = [1000, 1], strides = [1, 1]} : vector<1000x32xbf16> to vector<1000x1xbf16>
    %slice3A_83 = vector.extract_strided_slice %convert_element_type3A {offsets = [11, 0], sizes = [1, 512], strides = [1, 1]} : vector<32x512xbf16> to vector<1x512xbf16>
    %add3A_84 = vector.broadcast %slice3A_82 : vector<1000x1xbf16> to vector<1000x512xbf16>
    %add3A_85 = vector.broadcast %slice3A_83 : vector<1x512xbf16> to vector<1000x512xbf16>
    %add3A_86 = arith.addf %add3A_84, %add3A_85 : vector<1000x512xbf16>
    %abs3A_87 = math.absf %add3A_86 : vector<1000x512xbf16>
    %add3A_88 = arith.addf %add3A_81, %abs3A_87 : vector<1000x512xbf16>
    %slice3A_89 = vector.extract_strided_slice %convert_element_type3A_8 {offsets = [0, 12], sizes = [1000, 1], strides = [1, 1]} : vector<1000x32xbf16> to vector<1000x1xbf16>
    %slice3A_90 = vector.extract_strided_slice %convert_element_type3A {offsets = [12, 0], sizes = [1, 512], strides = [1, 1]} : vector<32x512xbf16> to vector<1x512xbf16>
    %add3A_91 = vector.broadcast %slice3A_89 : vector<1000x1xbf16> to vector<1000x512xbf16>
    %add3A_92 = vector.broadcast %slice3A_90 : vector<1x512xbf16> to vector<1000x512xbf16>
    %add3A_93 = arith.addf %add3A_91, %add3A_92 : vector<1000x512xbf16>
    %abs3A_94 = math.absf %add3A_93 : vector<1000x512xbf16>
    %add3A_95 = arith.addf %add3A_88, %abs3A_94 : vector<1000x512xbf16>
    %slice3A_96 = vector.extract_strided_slice %convert_element_type3A_8 {offsets = [0, 13], sizes = [1000, 1], strides = [1, 1]} : vector<1000x32xbf16> to vector<1000x1xbf16>
    %slice3A_97 = vector.extract_strided_slice %convert_element_type3A {offsets = [13, 0], sizes = [1, 512], strides = [1, 1]} : vector<32x512xbf16> to vector<1x512xbf16>
    %add3A_98 = vector.broadcast %slice3A_96 : vector<1000x1xbf16> to vector<1000x512xbf16>
    %add3A_99 = vector.broadcast %slice3A_97 : vector<1x512xbf16> to vector<1000x512xbf16>
    %add3A_100 = arith.addf %add3A_98, %add3A_99 : vector<1000x512xbf16>
    %abs3A_101 = math.absf %add3A_100 : vector<1000x512xbf16>
    %add3A_102 = arith.addf %add3A_95, %abs3A_101 : vector<1000x512xbf16>
    %slice3A_103 = vector.extract_strided_slice %convert_element_type3A_8 {offsets = [0, 14], sizes = [1000, 1], strides = [1, 1]} : vector<1000x32xbf16> to vector<1000x1xbf16>
    %slice3A_104 = vector.extract_strided_slice %convert_element_type3A {offsets = [14, 0], sizes = [1, 512], strides = [1, 1]} : vector<32x512xbf16> to vector<1x512xbf16>
    %add3A_105 = vector.broadcast %slice3A_103 : vector<1000x1xbf16> to vector<1000x512xbf16>
    %add3A_106 = vector.broadcast %slice3A_104 : vector<1x512xbf16> to vector<1000x512xbf16>
    %add3A_107 = arith.addf %add3A_105, %add3A_106 : vector<1000x512xbf16>
    %abs3A_108 = math.absf %add3A_107 : vector<1000x512xbf16>
    %add3A_109 = arith.addf %add3A_102, %abs3A_108 : vector<1000x512xbf16>
    %slice3A_110 = vector.extract_strided_slice %convert_element_type3A_8 {offsets = [0, 15], sizes = [1000, 1], strides = [1, 1]} : vector<1000x32xbf16> to vector<1000x1xbf16>
    %slice3A_111 = vector.extract_strided_slice %convert_element_type3A {offsets = [15, 0], sizes = [1, 512], strides = [1, 1]} : vector<32x512xbf16> to vector<1x512xbf16>
    %add3A_112 = vector.broadcast %slice3A_110 : vector<1000x1xbf16> to vector<1000x512xbf16>
    %add3A_113 = vector.broadcast %slice3A_111 : vector<1x512xbf16> to vector<1000x512xbf16>
    %add3A_114 = arith.addf %add3A_112, %add3A_113 : vector<1000x512xbf16>
    %abs3A_115 = math.absf %add3A_114 : vector<1000x512xbf16>
    %add3A_116 = arith.addf %add3A_109, %abs3A_115 : vector<1000x512xbf16>
    %slice3A_117 = vector.extract_strided_slice %convert_element_type3A_8 {offsets = [0, 16], sizes = [1000, 1], strides = [1, 1]} : vector<1000x32xbf16> to vector<1000x1xbf16>
    %slice3A_118 = vector.extract_strided_slice %convert_element_type3A {offsets = [16, 0], sizes = [1, 512], strides = [1, 1]} : vector<32x512xbf16> to vector<1x512xbf16>
    %add3A_119 = vector.broadcast %slice3A_117 : vector<1000x1xbf16> to vector<1000x512xbf16>
    %add3A_120 = vector.broadcast %slice3A_118 : vector<1x512xbf16> to vector<1000x512xbf16>
    %add3A_121 = arith.addf %add3A_119, %add3A_120 : vector<1000x512xbf16>
    %abs3A_122 = math.absf %add3A_121 : vector<1000x512xbf16>
    %add3A_123 = arith.addf %add3A_116, %abs3A_122 : vector<1000x512xbf16>
    %slice3A_124 = vector.extract_strided_slice %convert_element_type3A_8 {offsets = [0, 17], sizes = [1000, 1], strides = [1, 1]} : vector<1000x32xbf16> to vector<1000x1xbf16>
    %slice3A_125 = vector.extract_strided_slice %convert_element_type3A {offsets = [17, 0], sizes = [1, 512], strides = [1, 1]} : vector<32x512xbf16> to vector<1x512xbf16>
    %add3A_126 = vector.broadcast %slice3A_124 : vector<1000x1xbf16> to vector<1000x512xbf16>
    %add3A_127 = vector.broadcast %slice3A_125 : vector<1x512xbf16> to vector<1000x512xbf16>
    %add3A_128 = arith.addf %add3A_126, %add3A_127 : vector<1000x512xbf16>
    %abs3A_129 = math.absf %add3A_128 : vector<1000x512xbf16>
    %add3A_130 = arith.addf %add3A_123, %abs3A_129 : vector<1000x512xbf16>
    %slice3A_131 = vector.extract_strided_slice %convert_element_type3A_8 {offsets = [0, 18], sizes = [1000, 1], strides = [1, 1]} : vector<1000x32xbf16> to vector<1000x1xbf16>
    %slice3A_132 = vector.extract_strided_slice %convert_element_type3A {offsets = [18, 0], sizes = [1, 512], strides = [1, 1]} : vector<32x512xbf16> to vector<1x512xbf16>
    %add3A_133 = vector.broadcast %slice3A_131 : vector<1000x1xbf16> to vector<1000x512xbf16>
    %add3A_134 = vector.broadcast %slice3A_132 : vector<1x512xbf16> to vector<1000x512xbf16>
    %add3A_135 = arith.addf %add3A_133, %add3A_134 : vector<1000x512xbf16>
    %abs3A_136 = math.absf %add3A_135 : vector<1000x512xbf16>
    %add3A_137 = arith.addf %add3A_130, %abs3A_136 : vector<1000x512xbf16>
    %slice3A_138 = vector.extract_strided_slice %convert_element_type3A_8 {offsets = [0, 19], sizes = [1000, 1], strides = [1, 1]} : vector<1000x32xbf16> to vector<1000x1xbf16>
    %slice3A_139 = vector.extract_strided_slice %convert_element_type3A {offsets = [19, 0], sizes = [1, 512], strides = [1, 1]} : vector<32x512xbf16> to vector<1x512xbf16>
    %add3A_140 = vector.broadcast %slice3A_138 : vector<1000x1xbf16> to vector<1000x512xbf16>
    %add3A_141 = vector.broadcast %slice3A_139 : vector<1x512xbf16> to vector<1000x512xbf16>
    %add3A_142 = arith.addf %add3A_140, %add3A_141 : vector<1000x512xbf16>
    %abs3A_143 = math.absf %add3A_142 : vector<1000x512xbf16>
    %add3A_144 = arith.addf %add3A_137, %abs3A_143 : vector<1000x512xbf16>
    %slice3A_145 = vector.extract_strided_slice %convert_element_type3A_8 {offsets = [0, 20], sizes = [1000, 1], strides = [1, 1]} : vector<1000x32xbf16> to vector<1000x1xbf16>
    %slice3A_146 = vector.extract_strided_slice %convert_element_type3A {offsets = [20, 0], sizes = [1, 512], strides = [1, 1]} : vector<32x512xbf16> to vector<1x512xbf16>
    %add3A_147 = vector.broadcast %slice3A_145 : vector<1000x1xbf16> to vector<1000x512xbf16>
    %add3A_148 = vector.broadcast %slice3A_146 : vector<1x512xbf16> to vector<1000x512xbf16>
    %add3A_149 = arith.addf %add3A_147, %add3A_148 : vector<1000x512xbf16>
    %abs3A_150 = math.absf %add3A_149 : vector<1000x512xbf16>
    %add3A_151 = arith.addf %add3A_144, %abs3A_150 : vector<1000x512xbf16>
    %slice3A_152 = vector.extract_strided_slice %convert_element_type3A_8 {offsets = [0, 21], sizes = [1000, 1], strides = [1, 1]} : vector<1000x32xbf16> to vector<1000x1xbf16>
    %slice3A_153 = vector.extract_strided_slice %convert_element_type3A {offsets = [21, 0], sizes = [1, 512], strides = [1, 1]} : vector<32x512xbf16> to vector<1x512xbf16>
    %add3A_154 = vector.broadcast %slice3A_152 : vector<1000x1xbf16> to vector<1000x512xbf16>
    %add3A_155 = vector.broadcast %slice3A_153 : vector<1x512xbf16> to vector<1000x512xbf16>
    %add3A_156 = arith.addf %add3A_154, %add3A_155 : vector<1000x512xbf16>
    %abs3A_157 = math.absf %add3A_156 : vector<1000x512xbf16>
    %add3A_158 = arith.addf %add3A_151, %abs3A_157 : vector<1000x512xbf16>
    %slice3A_159 = vector.extract_strided_slice %convert_element_type3A_8 {offsets = [0, 22], sizes = [1000, 1], strides = [1, 1]} : vector<1000x32xbf16> to vector<1000x1xbf16>
    %slice3A_160 = vector.extract_strided_slice %convert_element_type3A {offsets = [22, 0], sizes = [1, 512], strides = [1, 1]} : vector<32x512xbf16> to vector<1x512xbf16>
    %add3A_161 = vector.broadcast %slice3A_159 : vector<1000x1xbf16> to vector<1000x512xbf16>
    %add3A_162 = vector.broadcast %slice3A_160 : vector<1x512xbf16> to vector<1000x512xbf16>
    %add3A_163 = arith.addf %add3A_161, %add3A_162 : vector<1000x512xbf16>
    %abs3A_164 = math.absf %add3A_163 : vector<1000x512xbf16>
    %add3A_165 = arith.addf %add3A_158, %abs3A_164 : vector<1000x512xbf16>
    %slice3A_166 = vector.extract_strided_slice %convert_element_type3A_8 {offsets = [0, 23], sizes = [1000, 1], strides = [1, 1]} : vector<1000x32xbf16> to vector<1000x1xbf16>
    %slice3A_167 = vector.extract_strided_slice %convert_element_type3A {offsets = [23, 0], sizes = [1, 512], strides = [1, 1]} : vector<32x512xbf16> to vector<1x512xbf16>
    %add3A_168 = vector.broadcast %slice3A_166 : vector<1000x1xbf16> to vector<1000x512xbf16>
    %add3A_169 = vector.broadcast %slice3A_167 : vector<1x512xbf16> to vector<1000x512xbf16>
    %add3A_170 = arith.addf %add3A_168, %add3A_169 : vector<1000x512xbf16>
    %abs3A_171 = math.absf %add3A_170 : vector<1000x512xbf16>
    %add3A_172 = arith.addf %add3A_165, %abs3A_171 : vector<1000x512xbf16>
    %slice3A_173 = vector.extract_strided_slice %convert_element_type3A_8 {offsets = [0, 24], sizes = [1000, 1], strides = [1, 1]} : vector<1000x32xbf16> to vector<1000x1xbf16>
    %slice3A_174 = vector.extract_strided_slice %convert_element_type3A {offsets = [24, 0], sizes = [1, 512], strides = [1, 1]} : vector<32x512xbf16> to vector<1x512xbf16>
    %add3A_175 = vector.broadcast %slice3A_173 : vector<1000x1xbf16> to vector<1000x512xbf16>
    %add3A_176 = vector.broadcast %slice3A_174 : vector<1x512xbf16> to vector<1000x512xbf16>
    %add3A_177 = arith.addf %add3A_175, %add3A_176 : vector<1000x512xbf16>
    %abs3A_178 = math.absf %add3A_177 : vector<1000x512xbf16>
    %add3A_179 = arith.addf %add3A_172, %abs3A_178 : vector<1000x512xbf16>
    %slice3A_180 = vector.extract_strided_slice %convert_element_type3A_8 {offsets = [0, 25], sizes = [1000, 1], strides = [1, 1]} : vector<1000x32xbf16> to vector<1000x1xbf16>
    %slice3A_181 = vector.extract_strided_slice %convert_element_type3A {offsets = [25, 0], sizes = [1, 512], strides = [1, 1]} : vector<32x512xbf16> to vector<1x512xbf16>
    %add3A_182 = vector.broadcast %slice3A_180 : vector<1000x1xbf16> to vector<1000x512xbf16>
    %add3A_183 = vector.broadcast %slice3A_181 : vector<1x512xbf16> to vector<1000x512xbf16>
    %add3A_184 = arith.addf %add3A_182, %add3A_183 : vector<1000x512xbf16>
    %abs3A_185 = math.absf %add3A_184 : vector<1000x512xbf16>
    %add3A_186 = arith.addf %add3A_179, %abs3A_185 : vector<1000x512xbf16>
    %slice3A_187 = vector.extract_strided_slice %convert_element_type3A_8 {offsets = [0, 26], sizes = [1000, 1], strides = [1, 1]} : vector<1000x32xbf16> to vector<1000x1xbf16>
    %slice3A_188 = vector.extract_strided_slice %convert_element_type3A {offsets = [26, 0], sizes = [1, 512], strides = [1, 1]} : vector<32x512xbf16> to vector<1x512xbf16>
    %add3A_189 = vector.broadcast %slice3A_187 : vector<1000x1xbf16> to vector<1000x512xbf16>
    %add3A_190 = vector.broadcast %slice3A_188 : vector<1x512xbf16> to vector<1000x512xbf16>
    %add3A_191 = arith.addf %add3A_189, %add3A_190 : vector<1000x512xbf16>
    %abs3A_192 = math.absf %add3A_191 : vector<1000x512xbf16>
    %add3A_193 = arith.addf %add3A_186, %abs3A_192 : vector<1000x512xbf16>
    %slice3A_194 = vector.extract_strided_slice %convert_element_type3A_8 {offsets = [0, 27], sizes = [1000, 1], strides = [1, 1]} : vector<1000x32xbf16> to vector<1000x1xbf16>
    %slice3A_195 = vector.extract_strided_slice %convert_element_type3A {offsets = [27, 0], sizes = [1, 512], strides = [1, 1]} : vector<32x512xbf16> to vector<1x512xbf16>
    %add3A_196 = vector.broadcast %slice3A_194 : vector<1000x1xbf16> to vector<1000x512xbf16>
    %add3A_197 = vector.broadcast %slice3A_195 : vector<1x512xbf16> to vector<1000x512xbf16>
    %add3A_198 = arith.addf %add3A_196, %add3A_197 : vector<1000x512xbf16>
    %abs3A_199 = math.absf %add3A_198 : vector<1000x512xbf16>
    %add3A_200 = arith.addf %add3A_193, %abs3A_199 : vector<1000x512xbf16>
    %slice3A_201 = vector.extract_strided_slice %convert_element_type3A_8 {offsets = [0, 28], sizes = [1000, 1], strides = [1, 1]} : vector<1000x32xbf16> to vector<1000x1xbf16>
    %slice3A_202 = vector.extract_strided_slice %convert_element_type3A {offsets = [28, 0], sizes = [1, 512], strides = [1, 1]} : vector<32x512xbf16> to vector<1x512xbf16>
    %add3A_203 = vector.broadcast %slice3A_201 : vector<1000x1xbf16> to vector<1000x512xbf16>
    %add3A_204 = vector.broadcast %slice3A_202 : vector<1x512xbf16> to vector<1000x512xbf16>
    %add3A_205 = arith.addf %add3A_203, %add3A_204 : vector<1000x512xbf16>
    %abs3A_206 = math.absf %add3A_205 : vector<1000x512xbf16>
    %add3A_207 = arith.addf %add3A_200, %abs3A_206 : vector<1000x512xbf16>
    %slice3A_208 = vector.extract_strided_slice %convert_element_type3A_8 {offsets = [0, 29], sizes = [1000, 1], strides = [1, 1]} : vector<1000x32xbf16> to vector<1000x1xbf16>
    %slice3A_209 = vector.extract_strided_slice %convert_element_type3A {offsets = [29, 0], sizes = [1, 512], strides = [1, 1]} : vector<32x512xbf16> to vector<1x512xbf16>
    %add3A_210 = vector.broadcast %slice3A_208 : vector<1000x1xbf16> to vector<1000x512xbf16>
    %add3A_211 = vector.broadcast %slice3A_209 : vector<1x512xbf16> to vector<1000x512xbf16>
    %add3A_212 = arith.addf %add3A_210, %add3A_211 : vector<1000x512xbf16>
    %abs3A_213 = math.absf %add3A_212 : vector<1000x512xbf16>
    %add3A_214 = arith.addf %add3A_207, %abs3A_213 : vector<1000x512xbf16>
    %slice3A_215 = vector.extract_strided_slice %convert_element_type3A_8 {offsets = [0, 30], sizes = [1000, 1], strides = [1, 1]} : vector<1000x32xbf16> to vector<1000x1xbf16>
    %slice3A_216 = vector.extract_strided_slice %convert_element_type3A {offsets = [30, 0], sizes = [1, 512], strides = [1, 1]} : vector<32x512xbf16> to vector<1x512xbf16>
    %add3A_217 = vector.broadcast %slice3A_215 : vector<1000x1xbf16> to vector<1000x512xbf16>
    %add3A_218 = vector.broadcast %slice3A_216 : vector<1x512xbf16> to vector<1000x512xbf16>
    %add3A_219 = arith.addf %add3A_217, %add3A_218 : vector<1000x512xbf16>
    %abs3A_220 = math.absf %add3A_219 : vector<1000x512xbf16>
    %add3A_221 = arith.addf %add3A_214, %abs3A_220 : vector<1000x512xbf16>
    %slice3A_222 = vector.extract_strided_slice %convert_element_type3A_8 {offsets = [0, 31], sizes = [1000, 1], strides = [1, 1]} : vector<1000x32xbf16> to vector<1000x1xbf16>
    %slice3A_223 = vector.extract_strided_slice %convert_element_type3A {offsets = [31, 0], sizes = [1, 512], strides = [1, 1]} : vector<32x512xbf16> to vector<1x512xbf16>
    %add3A_224 = vector.broadcast %slice3A_222 : vector<1000x1xbf16> to vector<1000x512xbf16>
    %add3A_225 = vector.broadcast %slice3A_223 : vector<1x512xbf16> to vector<1000x512xbf16>
    %add3A_226 = arith.addf %add3A_224, %add3A_225 : vector<1000x512xbf16>
    %abs3A_227 = math.absf %add3A_226 : vector<1000x512xbf16>
    %add3A_228 = arith.addf %add3A_221, %abs3A_227 : vector<1000x512xbf16>
    %convert_element_type3A_229 = arith.extf %add3A_228 : vector<1000x512xbf16> to vector<1000x512xf32>
    %neg3A = arith.constant 0.000000e+00 : f32
    %neg3A_230 = vector.broadcast %neg3A : f32 to vector<1000x512xf32>
    %neg3A_231 = arith.subf %neg3A_230, %convert_element_type3A_229 : vector<1000x512xf32>
    %swap3A = arith.constant 0 : index
    %swap3A_232 = arith.constant 0 : index
    %swap3A_233 = vector.load %arg4[%swap3A, %swap3A_232] : memref<1000x512xf32, #tpu.memory_space<vmem>>, vector<1000x512xf32>
    tpu.vector_store %arg4[%swap3A, %swap3A_232], %neg3A_231 {strides = array<i32>} : memref<1000x512xf32, #tpu.memory_space<vmem>>, vector<1000x512xf32>,
    return
  }
  func.func @transform_0(%arg0: i32) -> (i32, i32) {
    %c0_i32 = arith.constant 0 : i32
    %c0_i32_0 = arith.constant 0 : i32
    return %c0_i32, %arg0 : i32, i32
  }
  func.func @transform_1(%arg0: i32) -> (i32, i32) {
    %add3A = arith.constant 2 : i32
    %add3A_0 = arith.addi %arg0, %add3A : i32
    %c0_i32 = arith.constant 0 : i32
    %c0_i32_1 = arith.constant 0 : i32
    return %c0_i32, %add3A_0 : i32, i32
  }
  func.func @transform_2(%arg0: i32) -> (i32, i32) {
    %c0_i32 = arith.constant 0 : i32
    %c0_i32_0 = arith.constant 0 : i32
    %c0_i32_1 = arith.constant 0 : i32
    return %c0_i32, %c0_i32_0 : i32, i32
  }
  func.func @transform_3(%arg0: i32) -> (i32, i32) {
    %c0_i32 = arith.constant 0 : i32
    %c0_i32_0 = arith.constant 0 : i32
    return %c0_i32, %arg0 : i32, i32
  }
}

</mosaic_0001>

<sc_bundles>
// kernel: kernel.4.cloned.1.call-start
scs
__scs_entry_jumppad:
0x0: {  	(pc) =	sbr.rel $0x88, $3  }
0x1: {  	(tag) =	ssettag $0x0;
	lr =	simm.s32 $0x1  }
0x2: {  	[smem:$0x3F9D] =	sst lr;
	_ =	strace $0xD0000000  }
0x3: {  	_ = 	snop  }
0x4: {  	_ = 	snop  }
0x5: {  	_ = 	snop  }
0x6: {  	_ = 	snop  }
0x7: {  	_ = 	snop  }
__scs_overlays_trampoline_lowered:
0x8: {  	[smem:$0x3FAC] =	sst s0  }
0x9: {  	[smem:$0x3FAD] =	sst s1  }
0xa: {  	[smem:$0x3FAE] =	sst s2  }
0xb: {  	[smem:$0x3FAF] =	sst s3  }
0xc: {  	[smem:$0x3FB0] =	sst s4  }
0xd: {  	[smem:$0x3FB1] =	sst s5  }
0xe: {  	[smem:$0x3FB2] =	sst s6  }
0xf: {  	[smem:$0x3FB3] =	sst s7  }
0x10: {  	[smem:$0x3FB4] =	sst s8  }
0x11: {  	[smem:$0x3FB5] =	sst s9;
	s0 =	simm.s32 @!p0 $0x0  }
0x12: {  	s1 =	sld [smem:$0x3F9B];
	s0 =	simm.s32 @p0 $0x1  }
0x13: {  	[smem:$0x3FB6] =	sst s0;
	s0 =	simm.s32 @!p1 $0x0  }
0x14: {  	s2 =	sld [smem:$0x3F9A];
	s0 =	simm.s32 @p1 $0x1  }
0x15: {  	[smem:$0x3FB7] =	sst s0;
	s0 =	simm.s32 @!p2 $0x0  }
0x16: {  	s3 =	sld [smem:$0x3FDB];
	s0 =	simm.s32 @p2 $0x1  }
0x17: {  	s4 =	simm.s32 $0x1BF5;
	[smem:$0x3FB9] =	sst s0  }
0x18: {  	s0 =	sld [smem:$0x3F9C];
	_ =	swait.ge [sflag:s4], $0x0  }
0x19: {  	s7 =	sld [smem:$0x3F9D]  }
0x1a: {  	s8 =	sadd.s32 $0xFFFFE003, lr  }
0x1b: {  	s9 =	sadd.s32 $0xFFFFFEF7, lr;
	s5 =	simm.s32 $0xFFFFFFFF;
	p2 =	slt.u32 s8, $0xFFFFF086  }
0x1c: {  	p1 =	slt.u32 s9, $0xF7A;
	s5 =	simm.s32 @!p2 $0x0  }
0x1d: {  	s5 =	simm.s32 @p1 $0x1;
	p0 =	seq.s32 s7, s2  }
0x1e: {  	s7 =	smul.u32 @!p0 $0xF7A, s2;
	p2 =	seq.s32 @!p0 s5, $0x0  }
0x1f: {  	s9 =	smul.u32 $0xF7A, s1;
	s8 =	simm.s32 @!p0 $0x1BF5;
	p2 =	por !p2, p0  }
0x20: {  	[sflag:s8] =	ssyncset.s32 @!p0 $0xFFFFF086;
	s6 =	sadd.s32 @!p0 s3, s7;
	s7 =	simm.s32 @!p0 $0x108  }
0x21: {  	s3 =	sadd.s32 s3, s9;
	s6 =	sadd.s32 @!p0 $0x88, s6;
	s7 =	simm.s32 @p2 $0x1082  }
0x22: {  	[simem:s7], [sflag:s8] =	dma.local @!p0 [hbm:s6], $0xF7A  }
0x23: {  	s9 =	sor.u32 $0xD0000000, s2;
	s6 =	simm.s32 $0x108;
	_ =	swait.ge @!p0 [sflag:s8], $0x0  }
0x24: {  	s3 =	sadd.s32 $0x88, s3;
	s6 =	simm.s32 @!p1 $0x1082;
	[sflag:s4] =	ssyncset.s32 $0xFFFFF086  }
0x25: {  	[simem:s6], [sflag:s4] =	dma.local [hbm:s3], $0xF7A  }
0x26: {  	[smem:$0x3F9D] =	sst s1;
	(tag) =	ssettag s2;
	_ =	strace s9  }
0x27: {  	s1 =	sld [smem:$0x3FAD]  }
0x28: {  	s2 =	sld [smem:$0x3FAE]  }
0x29: {  	s4 =	sld [smem:$0x3FB0]  }
0x2a: {  	p0 =	seq.s32 s5, $0x0;
	s5 =	sld [smem:$0x3FB1]  }
0x2b: {  	s6 =	sld [smem:$0x3FB2]  }
0x2c: {  	s7 =	sld [smem:$0x3FB3]  }
0x2d: {  	s3 =	simm.s32 $0x108;
	s8 =	sld [smem:$0x3FB4]  }
0x2e: {  	s3 =	simm.s32 @!p0 $0x1082;
	s9 =	sld [smem:$0x3FB5]  }
0x2f: {  	lr =	sadd.s32 s0, s3;
	s0 =	sld [smem:$0x3FAC]  }
0x30: {  	s3 =	sld [smem:$0x3FAF]  }
0x31: {  	[smem:$0x3FB8] =	sst s10  }
0x32: {  	s10 =	sld [smem:$0x3FB6];
	_ =	sdelay $0x3  }
0x33: {  	p0 =	seq.s32 s10, $0x1;
	s10 =	sld [smem:$0x3FB8];
	_ =	sdelay $0x3  }
0x34: {  	[smem:$0x3FB8] =	sst s10  }
0x35: {  	s10 =	sld [smem:$0x3FB7];
	_ =	sdelay $0x3  }
0x36: {  	p1 =	seq.s32 s10, $0x1;
	s10 =	sld [smem:$0x3FB8];
	_ =	sdelay $0x3  }
0x37: {  	[smem:$0x3FB8] =	sst s10  }
0x38: {  	s10 =	sld [smem:$0x3FB9]  }
0x39: {  	_ = 	snop;
	(pc) =	sbr.ind lr, $3  }
0x3a: {  	_ = 	snop  }
0x3b: {  	_ = 	snop  }
0x3c: {  	p2 =	seq.s32 s10, $0x1;
	s10 =	sld [smem:$0x3FB8]  }
0x3d: {  	_ =	shalt  }
0x3e: {  	_ =	shalt  }
0x3f: {  	_ =	shalt  }
0x40: {  	_ =	shalt  }
0x41: {  	_ =	shalt  }
0x42: {  	_ =	shalt  }
0x43: {  	_ =	shalt  }
0x44: {  	_ =	shalt  }
0x45: {  	_ =	shalt  }
0x46: {  	_ =	shalt  }
0x47: {  	_ =	shalt  }
0x48: {  	_ =	shalt  }
0x49: {  	_ =	shalt  }
0x4a: {  	_ =	shalt  }
0x4b: {  	_ =	shalt  }
0x4c: {  	_ =	shalt  }
0x4d: {  	_ =	shalt  }
0x4e: {  	_ =	shalt  }
0x4f: {  	_ =	shalt  }
0x50: {  	_ =	shalt  }
0x51: {  	_ =	shalt  }
0x52: {  	_ =	shalt  }
0x53: {  	_ =	shalt  }
0x54: {  	_ =	shalt  }
0x55: {  	_ =	shalt  }
0x56: {  	_ =	shalt  }
0x57: {  	_ =	shalt  }
0x58: {  	_ =	shalt  }
0x59: {  	_ =	shalt  }
0x5a: {  	_ =	shalt  }
0x5b: {  	_ =	shalt  }
0x5c: {  	_ =	shalt  }
0x5d: {  	_ =	shalt  }
0x5e: {  	_ =	shalt  }
0x5f: {  	_ =	shalt  }
0x60: {  	_ =	shalt  }
0x61: {  	_ =	shalt  }
0x62: {  	_ =	shalt  }
0x63: {  	_ =	shalt  }
0x64: {  	_ =	shalt  }
0x65: {  	_ =	shalt  }
0x66: {  	_ =	shalt  }
0x67: {  	_ =	shalt  }
0x68: {  	_ =	shalt  }
0x69: {  	_ =	shalt  }
0x6a: {  	_ =	shalt  }
0x6b: {  	_ =	shalt  }
0x6c: {  	_ =	shalt  }
0x6d: {  	_ =	shalt  }
0x6e: {  	_ =	shalt  }
0x6f: {  	_ =	shalt  }
0x70: {  	_ =	shalt  }
0x71: {  	_ =	shalt  }
0x72: {  	_ =	shalt  }
0x73: {  	_ =	shalt  }
0x74: {  	_ =	shalt  }
0x75: {  	_ =	shalt  }
0x76: {  	_ =	shalt  }
0x77: {  	_ =	shalt  }
0x78: {  	_ =	shalt  }
0x79: {  	_ =	shalt  }
0x7a: {  	_ =	shalt  }
0x7b: {  	_ =	shalt  }
0x7c: {  	_ =	shalt  }
0x7d: {  	_ =	shalt  }
0x7e: {  	_ =	shalt  }
0x7f: {  	_ =	shalt  }
0x80: {  	_ =	shalt  }
0x81: {  	_ =	shalt  }
0x82: {  	_ =	shalt  }
0x83: {  	_ =	shalt  }
0x84: {  	_ =	shalt  }
0x85: {  	_ =	shalt  }
0x86: {  	_ =	shalt  }
0x87: {  	_ =	shalt  }
.Lfunc_end0:
.L_simem_size_0:
called_computation_lowered:
.L_overlay_start_0:
0x88: {  	s2 =	sld [smem:$0x3FD9]  }
0x89: {  	s3 =	sld [smem:$0x3FFE];
	_ =	sdelay $0x1  }
0x8a: {  	s1 =	srdreg.scid  }
0x8b: {  	s0 =	sand.u32 $0x1, s1  }
0x8c: {  	s18 =	sshll.u32 s0, $0xA;
	s2 =	sadd.s32 s3, s2  }
0x8d: {  	s2 =	sadd.s32 s2, s18  }
0x8e: {  	[smem:$0x3FC4] =	sst s2  }
0x8f: {  	_ = 	snop  }
0x90: {  	s2 =	sld [smem:$0x3FC9]  }
0x91: {  	s19 =	sld [smem:$0x3FC8]  }
0x92: {  	s4 =	sld [smem:$0x3FC7]  }
0x93: {  	s5 =	sld [smem:$0x3FD0];
	(tm) =	ssettm $0x1  }
0x94: {  	s6 =	sld [smem:$0x3FFB];
	_ =	sdelay $0x3  }
0x95: {  	_ =	strace s6  }
0x96: {  	s6 =	sld [smem:$0x3FFC];
	_ =	sdelay $0x3  }
0x97: {  	_ =	strace s6  }
0x98: {  	s6 =	sld [smem:$0x3FFD];
	_ =	sdelay $0x3  }
0x99: {  	_ =	strace s6  }
0x9a: {  	_ =	strace $0x8FFFFFFF  }
0x9b: {  	s20 =	sld [smem:$0x3FDB];
	_ =	sdelay $0x1  }
0x9c: {  	s7 =	simm.s32 $_scs_section_size  }
0x9d: {  	s8 =	simm.s32 $_size__tile_overlayer_lowered;
	s9 =	simm.s32 $_tile_overlayer_lowered  }
0x9e: {  	s23 =	simm.s32 $0x1BFF;
	s22 =	sshll.u32 s9, $0x1;
	s6 =	sadd.s32 s7, s20  }
0x9f: {  	s10 =	simm.s32 $0x0;
	s21 =	sshll.u32 s8, $0x1;
	s8 =	sadd.s32 s22, s6  }
0xa0: {  	[timem:s10], [sflag:s23] =	dma.local [hbm:s8], s21  }
0xa1: {  	_ =	swait.ge [sflag:s23], s21  }
0xa2: {  	s7 =	ssub.s32 $0x0, s21;
	[sflag:s23] =	ssyncset.done $0x0  }
0xa3: {  	[sflag:s23] =	ssyncadd.s32 s7;
	_ =	sdelay $0x1  }
0xa4: {  	s24 =	simm.s32 $0x1B8B  }
0xa5: {  	_ =	swait.ge [sflag:s24], $0x1  }
0xa6: {  	[sflag:s24] =	ssyncset.done $0x0  }
0xa7: {  	s25 =	simm.s32 $0x1B8E;
	[sflag:s24] =	ssyncadd.s32 $0xFFFFFFFF  }
0xa8: {  	s26 =	simm.s32 $execute0_lowered;
	[smem:$0x3FD2] =	sst s25  }
0xa9: {  	s7 =	sshll.u32 s26, $0x1;
	_ =	strace $0x80000046;
	[dreg:$0x1] =	wrdreg $0xFFFFFFFF  }
0xaa: {  	s28 =	simm.s32 $_size_execute0_lowered;
	s6 =	sadd.s32 s6, s7;
	[dreg:$0x0] =	wrdreg $0x0  }
0xab: {  	s7 =	sshll.u32 s28, $0x1;
	[dreg:$0x2] =	wrdreg s6  }
0xac: {  	[dreg:$0x3] =	wrdreg s7  }
0xad: {  	[dreg:$0x4] =	wrdreg $0xC0  }
0xae: {  	_ =	task [dreg:s10], $0x5FFFF  }
0xaf: {  	[dreg:$0x1] =	wrdreg $0xFFFFFFFF  }
0xb0: {  	[dreg:$0x0] =	wrdreg $0x60  }
0xb1: {  	[dreg:$0x2] =	wrdreg s2  }
0xb2: {  	[dreg:$0x3] =	wrdreg s19  }
0xb3: {  	[dreg:$0x4] =	wrdreg s4  }
0xb4: {  	[dreg:$0x5] =	wrdreg s5  }
0xb5: {  	[dreg:$0x6] =	wrdreg $0x9  }
0xb6: {  	_ =	task.clear_ibuf [dreg:s10], $0x7FFFF;
	_ =	strace $0x90000046  }
0xb7: {  	s29 =	simm.s32 $0x9;
	_ =	strace $0x80000048  }
0xb8: {  	_ =	swait.ge [sflag:s29], $0x1  }
0xb9: {  	[sflag:s29] =	ssyncadd.s32 $0xFFFFFFFF  }
0xba: {  	_ =	strace $0x90000048  }
0xbb: {  	_ =	sfence  }
0xbc: {  	s30 =	sld [smem:$0x0];
	_ =	sdelay $0x2  }
0xbd: {  	s31 =	sshll.u32 s1, $0xD;
	s1 =	sshrl.u32 s1, $0x2  }
0xbe: {  	s3 =	sand.u32 $0x4000, s31;
	s1 =	sadd.s32 s1, s30  }
0xbf: {  	s0 =	sor.u32 s3, s0;
	s1 =	sshll.u32 s1, $0x11  }
0xc0: {  	s0 =	sor.u32 s1, s0  }
0xc1: {  	s0 =	sadd.s32 $0x8F2B, s0  }
0xc2: {  	[sflag:s0] =	ssyncadd.remote.s32 $0x1  }
0xc3: {  	_ =	sfence.sel $0xFFFF  }
0xc4: {  	[dreg:$0x0] =	wrdreg $0xFFFFFFFF;
	(pc) =	sbr.abs _section_cstart, $3  }
0xc5: {  	[dreg:$0x1] =	wrdreg $0xFFFFFFFF  }
0xc6: {  	_ =	task.clear_ibuf [dreg:s10], $0x2FFFF;
	_ =	strace $0x9FFFFFFF  }
0xc7: {  	(tm) =	ssettm $0x7FFFFFFF  }
tec
execute0_lowered:
.L_overlay_start_1:
0x0: {  	(tag) =	ssettag $0x1  }
0x1: {  	s0 =	rddreg [dreg:$0x0]  }
0x2: {  	s1 =	rddreg [dreg:$0x1]  }
0x3: {  	s11 =	stileid.u32;
	s2 =	rddreg [dreg:$0x2]  }
0x4: {  	s3 =	srdreg.scid;
	s5 =	rddreg [dreg:$0x3]  }
0x5: {  	s18 =	simm.s32 $0x3080;
	s19 =	simm.s32 $0x3880;
	s20 =	simm.s32 $0x4080  }
0x6: {  	s21 =	simm.s32 $0x4880;
	s22 =	simm.s32 $0x5080;
	s23 =	simm.s32 $0x5880  }
0x7: {  	s24 =	simm.s32 $0x6080;
	s28 =	simm.s32 $0x7880;
	s29 =	simm.s32 $0x1  }
0x8: {  	s30 =	simm.s32 $0x2;
	s31 =	simm.s32 $0x4000;
	s4 =	sshll.u32 s11, $0x1  }
0x9: {  	s6 =	sand.u32 $0x1, s3;
	s3 =	simm.s32 $0x0;
	s4 =	sand.u32 $0xE, s4  }
0xa: {  	[smem:$0x7FF] =	sst s3;
	s7 =	sor.u32 s6, s4;
	s6 =	ssub.s32 $0x2, s6  }
0xb: {  	_ =	strace $0x80000047;
	p0 =	slt.u32 s4, $0x8;
	s8 =	sshll.u32 s7, $0x7  }
0xc: {  	s9 =	sshrl.u32 s6, $0x1;
	s26 =	sshll.u32 s7, $0x4;
	s10 =	sadd.s32 $0xFFFFFC00, s8  }
0xd: {  	s9 =	ssub.s32 s6, s9;
	s5 =	sadd.s32 s5, s8;
	s0 =	sadd.s32 s0, s26  }
.Ltmp0:
0xe: {  	s6 =	sadd.s32 $0x1E8500, s2;
	s26 =	simm.s32 $0x7080;
	(pc) =	sbr.rel .LBB2_1-.Ltmp0, $4  }
0xf: {  	s25 =	sshrl.u32 s10, $0x3;
	s7 =	sadd.s32 $0x1000, s5;
	s8 =	smax.u32 s9, $0x1  }
0x10: {  	s9 =	simm.s32 $0x3;
	s10 =	simm.s32 $0x400;
	s4 =	sadd.s32 s1, s25  }
0x11: {  	s25 =	simm.s32 $0x6880;
	s1 =	simm.s32 $0x8080;
	s4 =	smov.u32 @p0 s0  }
0x12: {  	p0 =	sgt.u32 s11, $0x7;
	s11 =	simm.s32 $0x7A1400;
	s0 =	simm.s32 $0x0  }
.LBB2_8:
0x13: {  	s12 =	smov.u32 s7  }
.LBB2_9:
0x14: {  	s0 =	sadd.s32 $0x1, s0  }
0x15: {  	p1 =	sne.s32 s0, s8  }
.Ltmp1:
0x16: {  	_ = 	snop;
	(pc) =	sbr.rel @!p1 .LBB2_10-.Ltmp1, $4  }
0x17: {  	[hbm4b:s12+s10] =	stream.strided.scatter [tilespmem:s1], [sflag:$0x3], $0x800, s31, s10, $0x38;
	[tilespmem:$0x8880] =	vst v63  }
0x18: {  	_ =	swait.ge [sflag:s9], $0x800  }
0x19: {  	[sflag:s9] =	ssyncset.done $0x0  }
0x1a: {  	[sflag:s9] =	ssyncadd.s32 $0xFFFFF800  }
.LBB2_1:
0x1b: {  	[tilespmem:s3], [sflag:$0x3] =	stream.linear.gather [hbm4b:s4+s3], $0x80, $0x38;
	[tilespmem:$0x8880] =	vst v63  }
0x1c: {  	_ =	swait.ge [sflag:s9], $0x80  }
0x1d: {  	[sflag:s9] =	ssyncset.done $0x0  }
0x1e: {  	[sflag:s9] =	ssyncadd.s32 $0xFFFFFF80  }
0x1f: {  	v0 =	vld.msk [tilespmem:$0x0], $0xff;
	_ =	sdelay $0x4  }
0x20: {  	(v2sf) =	vpush v0, $0x0  }
0x21: {  	(v2sf) =	vpush v0, $0x1  }
0x22: {  	(v2sf) =	vpush v0, $0x2  }
0x23: {  	(v2sf) =	vpush v0, $0x3  }
0x24: {  	(v2sf) =	vpush v0, $0x4;
	_ =	sdelay $0xa  }
0x25: {  	s12 =	spop (v2sf)  }
.Ltmp2:
0x26: {  	s13 =	spop (v2sf);
	(pc) =	sbr.rel @p0 .LBB2_6-.Ltmp2, $4  }
0x27: {  	s14 =	spop (v2sf)  }
0x28: {  	s17 =	spop (v2sf)  }
0x29: {  	s16 =	sand.u32 $0xFFFFF80, s12;
	s15 =	sand.u32 $0xFFFFF80, s13;
	s12 =	spop (v2sf)  }
0x2a: {  	s14 =	sand.u32 $0xFFFFF80, s14;
	s13 =	sand.u32 $0xFFFFF80, s17;
	s12 =	sand.u32 $0xFFFFF80, s12  }
0x2b: {  	(v2sf) =	vpush v0, $0x5;
	_ =	sdelay $0x1  }
0x2c: {  	(v2sf) =	vpush v0, $0x6;
	_ =	sdelay $0x2  }
0x2d: {  	s16 =	sadd.s32 s2, s16;
	s17 =	simm.s32 $0x80;
	(v2sf) =	vpush v0, $0x7  }
0x2e: {  	[tilespmem:s17], [sflag:$0x1] =	stream.strided.gather [hbm4b:s16+s10], $0x800, s11, s10, $0x38;
	[tilespmem:$0x8880] =	vst v63  }
0x2f: {  	s15 =	sadd.s32 s2, s15;
	s17 =	simm.s32 $0x880  }
0x30: {  	[tilespmem:s17], [sflag:$0x1] =	stream.strided.gather [hbm4b:s15+s10], $0x800, s11, s10, $0x38;
	[tilespmem:$0x8880] =	vst v63  }
0x31: {  	s14 =	sadd.s32 s2, s14;
	s16 =	simm.s32 $0x1080  }
0x32: {  	[tilespmem:s16], [sflag:$0x1] =	stream.strided.gather [hbm4b:s14+s10], $0x800, s11, s10, $0x38;
	[tilespmem:$0x8880] =	vst v63  }
0x33: {  	s13 =	sadd.s32 s2, s13;
	s17 =	simm.s32 $0x1880  }
0x34: {  	[tilespmem:s17], [sflag:$0x1] =	stream.strided.gather [hbm4b:s13+s10], $0x800, s11, s10, $0x38;
	[tilespmem:$0x8880] =	vst v63  }
0x35: {  	s12 =	sadd.s32 s2, s12;
	s14 =	simm.s32 $0x2080  }
0x36: {  	[tilespmem:s14], [sflag:$0x1] =	stream.strided.gather [hbm4b:s12+s10], $0x800, s11, s10, $0x38;
	[tilespmem:$0x8880] =	vst v63  }
0x37: {  	s15 =	spop (v2sf)  }
0x38: {  	s12 =	sand.u32 $0xFFFFF80, s15  }
0x39: {  	s16 =	simm.s32 $0x2880;
	s17 =	spop (v2sf);
	s12 =	sadd.s32 s2, s12  }
0x3a: {  	[tilespmem:s16], [sflag:$0x1] =	stream.strided.gather [hbm4b:s12+s10], $0x800, s11, s10, $0x38;
	[tilespmem:$0x8880] =	vst v63  }
0x3b: {  	s12 =	sand.u32 $0xFFFFF80, s17  }
0x3c: {  	s13 =	spop (v2sf);
	s12 =	sadd.s32 s2, s12  }
0x3d: {  	[tilespmem:s18], [sflag:$0x1] =	stream.strided.gather [hbm4b:s12+s10], $0x800, s11, s10, $0x38;
	[tilespmem:$0x8880] =	vst v63  }
0x3e: {  	s12 =	sand.u32 $0xFFFFF80, s13  }
0x3f: {  	s12 =	sadd.s32 s2, s12  }
0x40: {  	[tilespmem:s19], [sflag:$0x1] =	stream.strided.gather [hbm4b:s12+s10], $0x800, s11, s10, $0x38;
	[tilespmem:$0x8880] =	vst v63  }
0x41: {  	v63 =	vld.msk [tilespmem:$0x8], $0xff;
	_ =	sdelay $0x4  }
0x42: {  	(v2sf) =	vpush v63, $0x0  }
0x43: {  	(v2sf) =	vpush v63, $0x1;
	_ =	sdelay $0x1  }
0x44: {  	(v2sf) =	vpush v63, $0x2;
	_ =	sdelay $0x4  }
0x45: {  	(v2sf) =	vpush v63, $0x3  }
0x46: {  	(v2sf) =	vpush v63, $0x4;
	_ =	sdelay $0x5  }
0x47: {  	s14 =	spop (v2sf);
	(v2sf) =	vpush v63, $0x5  }
0x48: {  	s15 =	spop (v2sf);
	(v2sf) =	vpush v63, $0x6  }
0x49: {  	s12 =	sand.u32 $0xFFFFF80, s14  }
0x4a: {  	s12 =	sadd.s32 s2, s12;
	s16 =	spop (v2sf)  }
0x4b: {  	(v2sf) =	vpush v63, $0x7;
	[tilespmem:s20], [sflag:$0x2] =	stream.strided.gather [hbm4b:s12+s10], $0x800, s11, s10, $0x38;
	[tilespmem:$0x8880] =	vst v63  }
0x4c: {  	s12 =	sand.u32 $0xFFFFF80, s15  }
0x4d: {  	s12 =	sadd.s32 s2, s12  }
0x4e: {  	[tilespmem:s21], [sflag:$0x2] =	stream.strided.gather [hbm4b:s12+s10], $0x800, s11, s10, $0x38;
	[tilespmem:$0x8880] =	vst v63  }
0x4f: {  	s17 =	spop (v2sf);
	s12 =	sand.u32 $0xFFFFF80, s16  }
0x50: {  	s14 =	sand.u32 $0xFFFFF80, s17;
	s15 =	spop (v2sf);
	s12 =	sadd.s32 s2, s12  }
0x51: {  	[tilespmem:s22], [sflag:$0x2] =	stream.strided.gather [hbm4b:s12+s10], $0x800, s11, s10, $0x38;
	[tilespmem:$0x8880] =	vst v63  }
0x52: {  	s16 =	sand.u32 $0xFFFFF80, s15;
	s12 =	sadd.s32 s2, s14  }
0x53: {  	[tilespmem:s23], [sflag:$0x2] =	stream.strided.gather [hbm4b:s12+s10], $0x800, s11, s10, $0x38;
	[tilespmem:$0x8880] =	vst v63  }
0x54: {  	s12 =	sadd.s32 s2, s16  }
0x55: {  	[tilespmem:s24], [sflag:$0x2] =	stream.strided.gather [hbm4b:s12+s10], $0x800, s11, s10, $0x38;
	[tilespmem:$0x8880] =	vst v63  }
0x56: {  	s17 =	spop (v2sf)  }
0x57: {  	s14 =	sand.u32 $0xFFFFF80, s17;
	s15 =	spop (v2sf)  }
0x58: {  	s12 =	sadd.s32 s2, s14;
	s16 =	sand.u32 $0xFFFFF80, s15  }
0x59: {  	[tilespmem:s25], [sflag:$0x2] =	stream.strided.gather [hbm4b:s12+s10], $0x800, s11, s10, $0x38;
	[tilespmem:$0x8880] =	vst v63  }
0x5a: {  	s17 =	spop (v2sf);
	s12 =	sadd.s32 s2, s16  }
0x5b: {  	[tilespmem:s26], [sflag:$0x2] =	stream.strided.gather [hbm4b:s12+s10], $0x800, s11, s10, $0x38;
	[tilespmem:$0x8880] =	vst v63  }
0x5c: {  	s12 =	sand.u32 $0xFFFFF80, s17  }
0x5d: {  	s12 =	sadd.s32 s2, s12  }
0x5e: {  	[tilespmem:s28], [sflag:$0x2] =	stream.strided.gather [hbm4b:s12+s10], $0x800, s11, s10, $0x38;
	[tilespmem:$0x8880] =	vst v63  }
0x5f: {  	s12 =	simm.s32 $0x0  }
.LBB2_3:
0x60: {  	s13 =	sshll.u32 s12, $0x4  }
0x61: {  	v0 =	vld.msk [tilespmem:s13+$0x0], $0xff;
	_ =	sdelay $0x3  }
0x62: {  	_ =	swait.ge [sflag:s29], $0x800  }
0x63: {  	(v2sf) =	vpush v0, $0x0;
	_ =	sdelay $0xe  }
0x64: {  	s14 =	spop (v2sf)  }
0x65: {  	[sflag:s29] =	ssyncset.done $0x0;
	s14 =	sand.u32 $0x7F, s14  }
0x66: {  	[sflag:s29] =	ssyncadd.s32 $0xFFFFF800;
	s15 =	sor.u32 $0x80, s14  }
0x67: {  	s16 =	sor.u32 $0x100, s14;
	v1 =	vld.msk [tilespmem:s15+$0x0], $0x1  }
0x68: {  	s17 =	sor.u32 $0x180, s14;
	v2 =	vld.msk [tilespmem:s16+$0x0], $0x1  }
0x69: {  	v3 =	vld.msk [tilespmem:s17+$0x0], $0x1;
	s16 =	sor.u32 $0x200, s14  }
0x6a: {  	s17 =	sor.u32 $0x280, s14;
	v4 =	vld.msk [tilespmem:s16+$0x0], $0x1  }
0x6b: {  	v5 =	vld.msk [tilespmem:s17+$0x0], $0x1;
	s16 =	sor.u32 $0x300, s14  }
0x6c: {  	s17 =	sor.u32 $0x380, s14;
	v6 =	vld.msk [tilespmem:s16+$0x0], $0x1  }
0x6d: {  	v7 =	vld.msk [tilespmem:s17+$0x0], $0x1;
	s16 =	sor.u32 $0x400, s14  }
0x6e: {  	s17 =	sor.u32 $0x480, s14;
	v8 =	vld.msk [tilespmem:s16+$0x0], $0x1  }
0x6f: {  	v9 =	vld.msk [tilespmem:s17+$0x0], $0x1;
	s16 =	sor.u32 $0x500, s14  }
0x70: {  	s17 =	sor.u32 $0x580, s14;
	v10 =	vld.msk [tilespmem:s16+$0x0], $0x1  }
0x71: {  	v11 =	vld.msk [tilespmem:s17+$0x0], $0x1;
	s16 =	sor.u32 $0x600, s14  }
0x72: {  	s17 =	sor.u32 $0x680, s14;
	v12 =	vld.msk [tilespmem:s16+$0x0], $0x1  }
0x73: {  	v13 =	vld.msk [tilespmem:s17+$0x0], $0x1;
	s16 =	sor.u32 $0x700, s14  }
0x74: {  	s17 =	sor.u32 $0x780, s14;
	v14 =	vld.msk [tilespmem:s16+$0x0], $0x1  }
0x75: {  	s14 =	sor.u32 $0x800, s14;
	v15 =	vld.msk [tilespmem:s17+$0x0], $0x1  }
0x76: {  	v16 =	vld.msk [tilespmem:s14+$0x0], $0x1;
	[tilespmem:s13+$0x8080] =	vst.msk $0x1, v1  }
0x77: {  	[tilespmem:s13+$0x8100] =	vst.msk $0x1, v2  }
0x78: {  	[tilespmem:s13+$0x8180] =	vst.msk $0x1, v3  }
0x79: {  	[tilespmem:s13+$0x8200] =	vst.msk $0x1, v4  }
0x7a: {  	[tilespmem:s13+$0x8280] =	vst.msk $0x1, v5  }
0x7b: {  	[tilespmem:s13+$0x8300] =	vst.msk $0x1, v6  }
0x7c: {  	[tilespmem:s13+$0x8380] =	vst.msk $0x1, v7  }
0x7d: {  	[tilespmem:s13+$0x8400] =	vst.msk $0x1, v8  }
0x7e: {  	[tilespmem:s13+$0x8480] =	vst.msk $0x1, v9  }
0x7f: {  	[tilespmem:s13+$0x8500] =	vst.msk $0x1, v10  }
0x80: {  	[tilespmem:s13+$0x8580] =	vst.msk $0x1, v11  }
0x81: {  	[tilespmem:s13+$0x8600] =	vst.msk $0x1, v12  }
0x82: {  	[tilespmem:s13+$0x8680] =	vst.msk $0x1, v13  }
0x83: {  	[tilespmem:s13+$0x8700] =	vst.msk $0x1, v14  }
0x84: {  	[tilespmem:s13+$0x8780] =	vst.msk $0x1, v15  }
0x85: {  	[tilespmem:s13+$0x8800] =	vst.msk $0x1, v16  }
0x86: {  	_ =	swait.ge [sflag:s29], $0x800  }
0x87: {  	(v2sf) =	vpush v0, $0x1;
	_ =	sdelay $0xe  }
0x88: {  	s16 =	spop (v2sf)  }
0x89: {  	[sflag:s29] =	ssyncset.done $0x0;
	s14 =	sand.u32 $0x7F, s16  }
0x8a: {  	[sflag:s29] =	ssyncadd.s32 $0xFFFFF800;
	s17 =	sor.u32 $0x880, s14  }
0x8b: {  	s16 =	sor.u32 $0x900, s14;
	v44 =	vld.msk [tilespmem:s17+$0x0], $0x1  }
0x8c: {  	v45 =	vld.msk [tilespmem:s16+$0x0], $0x1;
	s17 =	sor.u32 $0x980, s14  }
0x8d: {  	s16 =	sor.u32 $0xA00, s14;
	v46 =	vld.msk [tilespmem:s17+$0x0], $0x1  }
0x8e: {  	v47 =	vld.msk [tilespmem:s16+$0x0], $0x1;
	s17 =	sor.u32 $0xA80, s14  }
0x8f: {  	s16 =	sor.u32 $0xB00, s14;
	v48 =	vld.msk [tilespmem:s17+$0x0], $0x1  }
0x90: {  	v49 =	vld.msk [tilespmem:s16+$0x0], $0x1;
	s17 =	sor.u32 $0xB80, s14  }
0x91: {  	s16 =	sor.u32 $0xC00, s14;
	v50 =	vld.msk [tilespmem:s17+$0x0], $0x1  }
0x92: {  	v51 =	vld.msk [tilespmem:s16+$0x0], $0x1;
	s17 =	sor.u32 $0xC80, s14  }
0x93: {  	s16 =	sor.u32 $0xD00, s14;
	v52 =	vld.msk [tilespmem:s17+$0x0], $0x1  }
0x94: {  	v53 =	vld.msk [tilespmem:s16+$0x0], $0x1;
	s17 =	sor.u32 $0xD80, s14  }
0x95: {  	s16 =	sor.u32 $0xE00, s14;
	v54 =	vld.msk [tilespmem:s17+$0x0], $0x1  }
0x96: {  	v55 =	vld.msk [tilespmem:s16+$0x0], $0x1;
	s17 =	sor.u32 $0xE80, s14  }
0x97: {  	s16 =	sor.u32 $0xF00, s14;
	v56 =	vld.msk [tilespmem:s17+$0x0], $0x1  }
0x98: {  	v57 =	vld.msk [tilespmem:s16+$0x0], $0x1;
	s17 =	sor.u32 $0xF80, s14  }
0x99: {  	s14 =	sor.u32 $0x1000, s14;
	v58 =	vld.msk [tilespmem:s17+$0x0], $0x1  }
0x9a: {  	v59 =	vld.msk [tilespmem:s14+$0x0], $0x1;
	[tilespmem:s13+$0x8081] =	vst.msk $0x1, v44  }
0x9b: {  	[tilespmem:s13+$0x8101] =	vst.msk $0x1, v45  }
0x9c: {  	[tilespmem:s13+$0x8181] =	vst.msk $0x1, v46  }
0x9d: {  	[tilespmem:s13+$0x8201] =	vst.msk $0x1, v47  }
0x9e: {  	[tilespmem:s13+$0x8281] =	vst.msk $0x1, v48  }
0x9f: {  	[tilespmem:s13+$0x8301] =	vst.msk $0x1, v49  }
0xa0: {  	[tilespmem:s13+$0x8381] =	vst.msk $0x1, v50  }
0xa1: {  	[tilespmem:s13+$0x8401] =	vst.msk $0x1, v51  }
0xa2: {  	[tilespmem:s13+$0x8481] =	vst.msk $0x1, v52  }
0xa3: {  	[tilespmem:s13+$0x8501] =	vst.msk $0x1, v53  }
0xa4: {  	[tilespmem:s13+$0x8581] =	vst.msk $0x1, v54  }
0xa5: {  	[tilespmem:s13+$0x8601] =	vst.msk $0x1, v55  }
0xa6: {  	[tilespmem:s13+$0x8681] =	vst.msk $0x1, v56  }
0xa7: {  	[tilespmem:s13+$0x8701] =	vst.msk $0x1, v57  }
0xa8: {  	[tilespmem:s13+$0x8781] =	vst.msk $0x1, v58  }
0xa9: {  	[tilespmem:s13+$0x8801] =	vst.msk $0x1, v59  }
0xaa: {  	_ =	swait.ge [sflag:s29], $0x800  }
0xab: {  	(v2sf) =	vpush v0, $0x2;
	_ =	sdelay $0xe  }
0xac: {  	s16 =	spop (v2sf)  }
0xad: {  	[sflag:s29] =	ssyncset.done $0x0;
	s14 =	sand.u32 $0x7F, s16  }
0xae: {  	[sflag:s29] =	ssyncadd.s32 $0xFFFFF800;
	s17 =	sor.u32 $0x1080, s14  }
0xaf: {  	s16 =	sor.u32 $0x1100, s14;
	v60 =	vld.msk [tilespmem:s17+$0x0], $0x1  }
0xb0: {  	v61 =	vld.msk [tilespmem:s16+$0x0], $0x1;
	s17 =	sor.u32 $0x1180, s14  }
0xb1: {  	s16 =	sor.u32 $0x1200, s14;
	v62 =	vld.msk [tilespmem:s17+$0x0], $0x1  }
0xb2: {  	v63 =	vld.msk [tilespmem:s16+$0x0], $0x1;
	s17 =	sor.u32 $0x1280, s14  }
0xb3: {  	s16 =	sor.u32 $0x1300, s14;
	v20 =	vld.msk [tilespmem:s17+$0x0], $0x1  }
0xb4: {  	v21 =	vld.msk [tilespmem:s16+$0x0], $0x1;
	s17 =	sor.u32 $0x1380, s14  }
0xb5: {  	s16 =	sor.u32 $0x1400, s14;
	v22 =	vld.msk [tilespmem:s17+$0x0], $0x1  }
0xb6: {  	v23 =	vld.msk [tilespmem:s16+$0x0], $0x1;
	s17 =	sor.u32 $0x1480, s14  }
0xb7: {  	s16 =	sor.u32 $0x1500, s14;
	v24 =	vld.msk [tilespmem:s17+$0x0], $0x1  }
0xb8: {  	v25 =	vld.msk [tilespmem:s16+$0x0], $0x1;
	s17 =	sor.u32 $0x1580, s14  }
0xb9: {  	s16 =	sor.u32 $0x1600, s14;
	v26 =	vld.msk [tilespmem:s17+$0x0], $0x1  }
0xba: {  	v27 =	vld.msk [tilespmem:s16+$0x0], $0x1;
	s17 =	sor.u32 $0x1680, s14  }
0xbb: {  	s16 =	sor.u32 $0x1700, s14;
	v28 =	vld.msk [tilespmem:s17+$0x0], $0x1  }
0xbc: {  	v29 =	vld.msk [tilespmem:s16+$0x0], $0x1;
	s17 =	sor.u32 $0x1780, s14  }
0xbd: {  	s14 =	sor.u32 $0x1800, s14;
	v30 =	vld.msk [tilespmem:s17+$0x0], $0x1  }
0xbe: {  	v31 =	vld.msk [tilespmem:s14+$0x0], $0x1;
	[tilespmem:s13+$0x8082] =	vst.msk $0x1, v60  }
0xbf: {  	[tilespmem:s13+$0x8102] =	vst.msk $0x1, v61  }
0xc0: {  	[tilespmem:s13+$0x8182] =	vst.msk $0x1, v62  }
0xc1: {  	[tilespmem:s13+$0x8202] =	vst.msk $0x1, v63  }
0xc2: {  	[tilespmem:s13+$0x8282] =	vst.msk $0x1, v20  }
0xc3: {  	[tilespmem:s13+$0x8302] =	vst.msk $0x1, v21  }
0xc4: {  	[tilespmem:s13+$0x8382] =	vst.msk $0x1, v22  }
0xc5: {  	[tilespmem:s13+$0x8402] =	vst.msk $0x1, v23  }
0xc6: {  	[tilespmem:s13+$0x8482] =	vst.msk $0x1, v24  }
0xc7: {  	[tilespmem:s13+$0x8502] =	vst.msk $0x1, v25  }
0xc8: {  	[tilespmem:s13+$0x8582] =	vst.msk $0x1, v26  }
0xc9: {  	[tilespmem:s13+$0x8602] =	vst.msk $0x1, v27  }
0xca: {  	[tilespmem:s13+$0x8682] =	vst.msk $0x1, v28  }
0xcb: {  	[tilespmem:s13+$0x8702] =	vst.msk $0x1, v29  }
0xcc: {  	[tilespmem:s13+$0x8782] =	vst.msk $0x1, v30  }
0xcd: {  	[tilespmem:s13+$0x8802] =	vst.msk $0x1, v31  }
0xce: {  	_ =	swait.ge [sflag:s29], $0x800  }
0xcf: {  	(v2sf) =	vpush v0, $0x3;
	_ =	sdelay $0xe  }
0xd0: {  	s16 =	spop (v2sf)  }
0xd1: {  	[sflag:s29] =	ssyncset.done $0x0;
	s14 =	sand.u32 $0x7F, s16  }
0xd2: {  	[sflag:s29] =	ssyncadd.s32 $0xFFFFF800;
	s17 =	sor.u32 $0x1880, s14  }
0xd3: {  	s16 =	sor.u32 $0x1900, s14;
	v32 =	vld.msk [tilespmem:s17+$0x0], $0x1  }
0xd4: {  	v33 =	vld.msk [tilespmem:s16+$0x0], $0x1;
	s17 =	sor.u32 $0x1980, s14  }
0xd5: {  	s16 =	sor.u32 $0x1A00, s14;
	v34 =	vld.msk [tilespmem:s17+$0x0], $0x1  }
0xd6: {  	v35 =	vld.msk [tilespmem:s16+$0x0], $0x1;
	s17 =	sor.u32 $0x1A80, s14  }
0xd7: {  	s16 =	sor.u32 $0x1B00, s14;
	v36 =	vld.msk [tilespmem:s17+$0x0], $0x1  }
0xd8: {  	v37 =	vld.msk [tilespmem:s16+$0x0], $0x1;
	s17 =	sor.u32 $0x1B80, s14  }
0xd9: {  	s16 =	sor.u32 $0x1C00, s14;
	v38 =	vld.msk [tilespmem:s17+$0x0], $0x1  }
0xda: {  	v39 =	vld.msk [tilespmem:s16+$0x0], $0x1;
	s17 =	sor.u32 $0x1C80, s14  }
0xdb: {  	s16 =	sor.u32 $0x1D00, s14;
	v40 =	vld.msk [tilespmem:s17+$0x0], $0x1  }
0xdc: {  	v41 =	vld.msk [tilespmem:s16+$0x0], $0x1;
	s17 =	sor.u32 $0x1D80, s14  }
0xdd: {  	s16 =	sor.u32 $0x1E00, s14;
	v42 =	vld.msk [tilespmem:s17+$0x0], $0x1  }
0xde: {  	v43 =	vld.msk [tilespmem:s16+$0x0], $0x1;
	s17 =	sor.u32 $0x1E80, s14  }
0xdf: {  	s16 =	sor.u32 $0x1F00, s14;
	v44 =	vld.msk [tilespmem:s17+$0x0], $0x1  }
0xe0: {  	v45 =	vld.msk [tilespmem:s16+$0x0], $0x1;
	s17 =	sor.u32 $0x1F80, s14  }
0xe1: {  	s14 =	sor.u32 $0x2000, s14;
	v46 =	vld.msk [tilespmem:s17+$0x0], $0x1  }
0xe2: {  	v47 =	vld.msk [tilespmem:s14+$0x0], $0x1;
	[tilespmem:s13+$0x8083] =	vst.msk $0x1, v32  }
0xe3: {  	[tilespmem:s13+$0x8103] =	vst.msk $0x1, v33  }
0xe4: {  	[tilespmem:s13+$0x8183] =	vst.msk $0x1, v34  }
0xe5: {  	[tilespmem:s13+$0x8203] =	vst.msk $0x1, v35  }
0xe6: {  	[tilespmem:s13+$0x8283] =	vst.msk $0x1, v36  }
0xe7: {  	[tilespmem:s13+$0x8303] =	vst.msk $0x1, v37  }
0xe8: {  	[tilespmem:s13+$0x8383] =	vst.msk $0x1, v38  }
0xe9: {  	[tilespmem:s13+$0x8403] =	vst.msk $0x1, v39  }
0xea: {  	[tilespmem:s13+$0x8483] =	vst.msk $0x1, v40  }
0xeb: {  	[tilespmem:s13+$0x8503] =	vst.msk $0x1, v41  }
0xec: {  	[tilespmem:s13+$0x8583] =	vst.msk $0x1, v42  }
0xed: {  	[tilespmem:s13+$0x8603] =	vst.msk $0x1, v43  }
0xee: {  	[tilespmem:s13+$0x8683] =	vst.msk $0x1, v44  }
0xef: {  	[tilespmem:s13+$0x8703] =	vst.msk $0x1, v45  }
0xf0: {  	[tilespmem:s13+$0x8783] =	vst.msk $0x1, v46  }
0xf1: {  	[tilespmem:s13+$0x8803] =	vst.msk $0x1, v47  }
0xf2: {  	_ =	swait.ge [sflag:s29], $0x800  }
0xf3: {  	(v2sf) =	vpush v0, $0x4;
	_ =	sdelay $0xe  }
0xf4: {  	s16 =	spop (v2sf)  }
0xf5: {  	[sflag:s29] =	ssyncset.done $0x0;
	s14 =	sand.u32 $0x7F, s16  }
0xf6: {  	[sflag:s29] =	ssyncadd.s32 $0xFFFFF800;
	s17 =	sor.u32 $0x2080, s14  }
0xf7: {  	s16 =	sor.u32 $0x2100, s14;
	v48 =	vld.msk [tilespmem:s17+$0x0], $0x1  }
0xf8: {  	v49 =	vld.msk [tilespmem:s16+$0x0], $0x1;
	s17 =	sor.u32 $0x2180, s14  }
0xf9: {  	s16 =	sor.u32 $0x2200, s14;
	v50 =	vld.msk [tilespmem:s17+$0x0], $0x1  }
0xfa: {  	v51 =	vld.msk [tilespmem:s16+$0x0], $0x1;
	s17 =	sor.u32 $0x2280, s14  }
0xfb: {  	s16 =	sor.u32 $0x2300, s14;
	v52 =	vld.msk [tilespmem:s17+$0x0], $0x1  }
0xfc: {  	v53 =	vld.msk [tilespmem:s16+$0x0], $0x1;
	s17 =	sor.u32 $0x2380, s14  }
0xfd: {  	s16 =	sor.u32 $0x2400, s14;
	v54 =	vld.msk [tilespmem:s17+$0x0], $0x1  }
0xfe: {  	v55 =	vld.msk [tilespmem:s16+$0x0], $0x1;
	s17 =	sor.u32 $0x2480, s14  }
0xff: {  	s16 =	sor.u32 $0x2500, s14;
	v56 =	vld.msk [tilespmem:s17+$0x0], $0x1  }
0x100: {  	v57 =	vld.msk [tilespmem:s16+$0x0], $0x1;
	s17 =	sor.u32 $0x2580, s14  }
0x101: {  	s16 =	sor.u32 $0x2600, s14;
	v58 =	vld.msk [tilespmem:s17+$0x0], $0x1  }
0x102: {  	v59 =	vld.msk [tilespmem:s16+$0x0], $0x1;
	s17 =	sor.u32 $0x2680, s14  }
0x103: {  	s16 =	sor.u32 $0x2700, s14;
	v60 =	vld.msk [tilespmem:s17+$0x0], $0x1  }
0x104: {  	v61 =	vld.msk [tilespmem:s16+$0x0], $0x1;
	s17 =	sor.u32 $0x2780, s14  }
0x105: {  	s14 =	sor.u32 $0x2800, s14;
	v62 =	vld.msk [tilespmem:s17+$0x0], $0x1  }
0x106: {  	v63 =	vld.msk [tilespmem:s14+$0x0], $0x1;
	[tilespmem:s13+$0x8084] =	vst.msk $0x1, v48  }
0x107: {  	[tilespmem:s13+$0x8104] =	vst.msk $0x1, v49  }
0x108: {  	[tilespmem:s13+$0x8184] =	vst.msk $0x1, v50  }
0x109: {  	[tilespmem:s13+$0x8204] =	vst.msk $0x1, v51  }
0x10a: {  	[tilespmem:s13+$0x8284] =	vst.msk $0x1, v52  }
0x10b: {  	[tilespmem:s13+$0x8304] =	vst.msk $0x1, v53  }
0x10c: {  	[tilespmem:s13+$0x8384] =	vst.msk $0x1, v54  }
0x10d: {  	[tilespmem:s13+$0x8404] =	vst.msk $0x1, v55  }
0x10e: {  	[tilespmem:s13+$0x8484] =	vst.msk $0x1, v56  }
0x10f: {  	[tilespmem:s13+$0x8504] =	vst.msk $0x1, v57  }
0x110: {  	[tilespmem:s13+$0x8584] =	vst.msk $0x1, v58  }
0x111: {  	[tilespmem:s13+$0x8604] =	vst.msk $0x1, v59  }
0x112: {  	[tilespmem:s13+$0x8684] =	vst.msk $0x1, v60  }
0x113: {  	[tilespmem:s13+$0x8704] =	vst.msk $0x1, v61  }
0x114: {  	[tilespmem:s13+$0x8784] =	vst.msk $0x1, v62  }
0x115: {  	[tilespmem:s13+$0x8804] =	vst.msk $0x1, v63  }
0x116: {  	_ =	swait.ge [sflag:s29], $0x800  }
0x117: {  	(v2sf) =	vpush v0, $0x5;
	_ =	sdelay $0xe  }
0x118: {  	s16 =	spop (v2sf)  }
0x119: {  	[sflag:s29] =	ssyncset.done $0x0;
	s14 =	sand.u32 $0x7F, s16  }
0x11a: {  	[sflag:s29] =	ssyncadd.s32 $0xFFFFF800;
	s17 =	sor.u32 $0x2880, s14  }
0x11b: {  	s16 =	sor.u32 $0x2900, s14;
	v20 =	vld.msk [tilespmem:s17+$0x0], $0x1  }
0x11c: {  	v21 =	vld.msk [tilespmem:s16+$0x0], $0x1;
	s17 =	sor.u32 $0x2980, s14  }
0x11d: {  	s16 =	sor.u32 $0x2A00, s14;
	v22 =	vld.msk [tilespmem:s17+$0x0], $0x1  }
0x11e: {  	v23 =	vld.msk [tilespmem:s16+$0x0], $0x1;
	s17 =	sor.u32 $0x2A80, s14  }
0x11f: {  	s16 =	sor.u32 $0x2B00, s14;
	v24 =	vld.msk [tilespmem:s17+$0x0], $0x1  }
0x120: {  	v25 =	vld.msk [tilespmem:s16+$0x0], $0x1;
	s17 =	sor.u32 $0x2B80, s14  }
0x121: {  	s16 =	sor.u32 $0x2C00, s14;
	v26 =	vld.msk [tilespmem:s17+$0x0], $0x1  }
0x122: {  	v27 =	vld.msk [tilespmem:s16+$0x0], $0x1;
	s17 =	sor.u32 $0x2C80, s14  }
0x123: {  	s16 =	sor.u32 $0x2D00, s14;
	v28 =	vld.msk [tilespmem:s17+$0x0], $0x1  }
0x124: {  	v29 =	vld.msk [tilespmem:s16+$0x0], $0x1;
	s17 =	sor.u32 $0x2D80, s14  }
0x125: {  	s16 =	sor.u32 $0x2E00, s14;
	v30 =	vld.msk [tilespmem:s17+$0x0], $0x1  }
0x126: {  	v31 =	vld.msk [tilespmem:s16+$0x0], $0x1;
	s17 =	sor.u32 $0x2E80, s14  }
0x127: {  	s16 =	sor.u32 $0x2F00, s14;
	v32 =	vld.msk [tilespmem:s17+$0x0], $0x1  }
0x128: {  	v33 =	vld.msk [tilespmem:s16+$0x0], $0x1;
	s17 =	sor.u32 $0x2F80, s14  }
0x129: {  	s14 =	sor.u32 $0x3000, s14;
	v34 =	vld.msk [tilespmem:s17+$0x0], $0x1  }
0x12a: {  	v35 =	vld.msk [tilespmem:s14+$0x0], $0x1;
	[tilespmem:s13+$0x8085] =	vst.msk $0x1, v20  }
0x12b: {  	[tilespmem:s13+$0x8105] =	vst.msk $0x1, v21  }
0x12c: {  	[tilespmem:s13+$0x8185] =	vst.msk $0x1, v22  }
0x12d: {  	[tilespmem:s13+$0x8205] =	vst.msk $0x1, v23  }
0x12e: {  	[tilespmem:s13+$0x8285] =	vst.msk $0x1, v24  }
0x12f: {  	[tilespmem:s13+$0x8305] =	vst.msk $0x1, v25  }
0x130: {  	[tilespmem:s13+$0x8385] =	vst.msk $0x1, v26  }
0x131: {  	[tilespmem:s13+$0x8405] =	vst.msk $0x1, v27  }
0x132: {  	[tilespmem:s13+$0x8485] =	vst.msk $0x1, v28  }
0x133: {  	[tilespmem:s13+$0x8505] =	vst.msk $0x1, v29  }
0x134: {  	[tilespmem:s13+$0x8585] =	vst.msk $0x1, v30  }
0x135: {  	[tilespmem:s13+$0x8605] =	vst.msk $0x1, v31  }
0x136: {  	[tilespmem:s13+$0x8685] =	vst.msk $0x1, v32  }
0x137: {  	[tilespmem:s13+$0x8705] =	vst.msk $0x1, v33  }
0x138: {  	[tilespmem:s13+$0x8785] =	vst.msk $0x1, v34  }
0x139: {  	[tilespmem:s13+$0x8805] =	vst.msk $0x1, v35  }
0x13a: {  	_ =	swait.ge [sflag:s29], $0x800  }
0x13b: {  	(v2sf) =	vpush v0, $0x6;
	_ =	sdelay $0xe  }
0x13c: {  	s16 =	spop (v2sf)  }
0x13d: {  	[sflag:s29] =	ssyncset.done $0x0;
	s14 =	sand.u32 $0x7F, s16  }
0x13e: {  	[sflag:s29] =	ssyncadd.s32 $0xFFFFF800;
	s17 =	sor.u32 $0x3080, s14  }
0x13f: {  	s16 =	sor.u32 $0x3100, s14;
	v36 =	vld.msk [tilespmem:s17+$0x0], $0x1  }
0x140: {  	v37 =	vld.msk [tilespmem:s16+$0x0], $0x1;
	s17 =	sor.u32 $0x3180, s14  }
0x141: {  	s16 =	sor.u32 $0x3200, s14;
	v38 =	vld.msk [tilespmem:s17+$0x0], $0x1  }
0x142: {  	v39 =	vld.msk [tilespmem:s16+$0x0], $0x1;
	s17 =	sor.u32 $0x3280, s14  }
0x143: {  	s16 =	sor.u32 $0x3300, s14;
	v40 =	vld.msk [tilespmem:s17+$0x0], $0x1  }
0x144: {  	v41 =	vld.msk [tilespmem:s16+$0x0], $0x1;
	s17 =	sor.u32 $0x3380, s14  }
0x145: {  	s16 =	sor.u32 $0x3400, s14;
	v42 =	vld.msk [tilespmem:s17+$0x0], $0x1  }
0x146: {  	v43 =	vld.msk [tilespmem:s16+$0x0], $0x1;
	s17 =	sor.u32 $0x3480, s14  }
0x147: {  	s16 =	sor.u32 $0x3500, s14;
	v44 =	vld.msk [tilespmem:s17+$0x0], $0x1  }
0x148: {  	v45 =	vld.msk [tilespmem:s16+$0x0], $0x1;
	s17 =	sor.u32 $0x3580, s14  }
0x149: {  	s16 =	sor.u32 $0x3600, s14;
	v46 =	vld.msk [tilespmem:s17+$0x0], $0x1  }
0x14a: {  	v47 =	vld.msk [tilespmem:s16+$0x0], $0x1;
	s17 =	sor.u32 $0x3680, s14  }
0x14b: {  	s16 =	sor.u32 $0x3700, s14;
	v48 =	vld.msk [tilespmem:s17+$0x0], $0x1  }
0x14c: {  	v49 =	vld.msk [tilespmem:s16+$0x0], $0x1;
	s17 =	sor.u32 $0x3780, s14  }
0x14d: {  	s14 =	sor.u32 $0x3800, s14;
	v50 =	vld.msk [tilespmem:s17+$0x0], $0x1  }
0x14e: {  	v51 =	vld.msk [tilespmem:s14+$0x0], $0x1;
	[tilespmem:s13+$0x8086] =	vst.msk $0x1, v36  }
0x14f: {  	[tilespmem:s13+$0x8106] =	vst.msk $0x1, v37  }
0x150: {  	[tilespmem:s13+$0x8186] =	vst.msk $0x1, v38  }
0x151: {  	[tilespmem:s13+$0x8206] =	vst.msk $0x1, v39  }
0x152: {  	[tilespmem:s13+$0x8286] =	vst.msk $0x1, v40  }
0x153: {  	[tilespmem:s13+$0x8306] =	vst.msk $0x1, v41  }
0x154: {  	[tilespmem:s13+$0x8386] =	vst.msk $0x1, v42  }
0x155: {  	[tilespmem:s13+$0x8406] =	vst.msk $0x1, v43  }
0x156: {  	[tilespmem:s13+$0x8486] =	vst.msk $0x1, v44  }
0x157: {  	[tilespmem:s13+$0x8506] =	vst.msk $0x1, v45  }
0x158: {  	[tilespmem:s13+$0x8586] =	vst.msk $0x1, v46  }
0x159: {  	[tilespmem:s13+$0x8606] =	vst.msk $0x1, v47  }
0x15a: {  	[tilespmem:s13+$0x8686] =	vst.msk $0x1, v48  }
0x15b: {  	[tilespmem:s13+$0x8706] =	vst.msk $0x1, v49  }
0x15c: {  	[tilespmem:s13+$0x8786] =	vst.msk $0x1, v50  }
0x15d: {  	[tilespmem:s13+$0x8806] =	vst.msk $0x1, v51  }
0x15e: {  	_ =	swait.ge [sflag:s29], $0x800  }
0x15f: {  	(v2sf) =	vpush v0, $0x7;
	_ =	sdelay $0xe  }
0x160: {  	[sflag:s29] =	ssyncset.done $0x0;
	s16 =	spop (v2sf)  }
0x161: {  	p1 =	seq.s32 s12, $0x7;
	[sflag:s29] =	ssyncadd.s32 $0xFFFFF800;
	s14 =	sand.u32 $0x7F, s16  }
0x162: {  	v9 =	vld.msk @!p1 [tilespmem:s13+$0x10], $0xff;
	s17 =	sor.u32 $0x3880, s14  }
0x163: {  	s16 =	sor.u32 $0x3900, s14;
	v52 =	vld.msk [tilespmem:s17+$0x0], $0x1  }
0x164: {  	v53 =	vld.msk [tilespmem:s16+$0x0], $0x1;
	s17 =	sor.u32 $0x3980, s14  }
0x165: {  	s16 =	sor.u32 $0x3A00, s14;
	v54 =	vld.msk [tilespmem:s17+$0x0], $0x1  }
0x166: {  	v55 =	vld.msk [tilespmem:s16+$0x0], $0x1;
	s17 =	sor.u32 $0x3A80, s14  }
0x167: {  	s16 =	sor.u32 $0x3B00, s14;
	v56 =	vld.msk [tilespmem:s17+$0x0], $0x1  }
0x168: {  	v57 =	vld.msk [tilespmem:s16+$0x0], $0x1;
	s17 =	sor.u32 $0x3B80, s14  }
0x169: {  	s16 =	sor.u32 $0x3C00, s14;
	v58 =	vld.msk [tilespmem:s17+$0x0], $0x1  }
0x16a: {  	v59 =	vld.msk [tilespmem:s16+$0x0], $0x1;
	s17 =	sor.u32 $0x3C80, s14  }
0x16b: {  	s16 =	sor.u32 $0x3D00, s14;
	v60 =	vld.msk [tilespmem:s17+$0x0], $0x1  }
0x16c: {  	v61 =	vld.msk [tilespmem:s16+$0x0], $0x1;
	s17 =	sor.u32 $0x3D80, s14  }
0x16d: {  	s16 =	sor.u32 $0x3E00, s14;
	v62 =	vld.msk [tilespmem:s17+$0x0], $0x1  }
0x16e: {  	v63 =	vld.msk [tilespmem:s16+$0x0], $0x1;
	s17 =	sor.u32 $0x3E80, s14  }
0x16f: {  	s16 =	sor.u32 $0x3F00, s14;
	v20 =	vld.msk [tilespmem:s17+$0x0], $0x1  }
0x170: {  	(v2sf) =	vpush @!p1 v9, $0x0;
	v21 =	vld.msk [tilespmem:s16+$0x0], $0x1;
	s17 =	sor.u32 $0x3F80, s14  }
0x171: {  	s14 =	sor.u32 $0x4000, s14;
	v22 =	vld.msk [tilespmem:s17+$0x0], $0x1  }
0x172: {  	v23 =	vld.msk [tilespmem:s14+$0x0], $0x1;
	[tilespmem:s13+$0x8087] =	vst.msk $0x1, v52  }
0x173: {  	[tilespmem:s13+$0x8107] =	vst.msk $0x1, v53  }
0x174: {  	(v2sf) =	vpush @!p1 v9, $0x1;
	[tilespmem:s13+$0x8187] =	vst.msk $0x1, v54  }
0x175: {  	[tilespmem:s13+$0x8207] =	vst.msk $0x1, v55  }
0x176: {  	[tilespmem:s13+$0x8287] =	vst.msk $0x1, v56  }
0x177: {  	[tilespmem:s13+$0x8307] =	vst.msk $0x1, v57  }
0x178: {  	(v2sf) =	vpush @!p1 v9, $0x2;
	[tilespmem:s13+$0x8387] =	vst.msk $0x1, v58  }
0x179: {  	[tilespmem:s13+$0x8407] =	vst.msk $0x1, v59  }
0x17a: {  	[tilespmem:s13+$0x8487] =	vst.msk $0x1, v60  }
0x17b: {  	[tilespmem:s13+$0x8507] =	vst.msk $0x1, v61  }
0x17c: {  	(v2sf) =	vpush @!p1 v9, $0x3;
	[tilespmem:s13+$0x8587] =	vst.msk $0x1, v62  }
0x17d: {  	[tilespmem:s13+$0x8607] =	vst.msk $0x1, v63  }
0x17e: {  	[tilespmem:s13+$0x8687] =	vst.msk $0x1, v20  }
0x17f: {  	s14 =	spop @!p1 (v2sf);
	[tilespmem:s13+$0x8707] =	vst.msk $0x1, v21  }
0x180: {  	s15 =	simm.s32 @!p1 $0x400;
	(v2sf) =	vpush @!p1 v9, $0x4;
	s14 =	sand.u32 @!p1 $0xFFFFF80, s14;
	[tilespmem:s13+$0x8787] =	vst.msk $0x1, v22  }
0x181: {  	s16 =	simm.s32 @!p1 $0x7A1400;
	s17 =	simm.s32 @!p1 $0x80;
	s14 =	sadd.s32 @!p1 s2, s14;
	[tilespmem:s13+$0x8807] =	vst.msk $0x1, v23  }
0x182: {  	[tilespmem:s17], [sflag:$0x1] =	stream.strided.gather @!p1 [hbm4b:s14+s15], $0x800, s16, s15, $0x38;
	[tilespmem:$0x8880] =	vst v63  }
0x183: {  	s14 =	spop @!p1 (v2sf)  }
0x184: {  	(v2sf) =	vpush @!p1 v9, $0x5;
	s14 =	sand.u32 @!p1 $0xFFFFF80, s14  }
0x185: {  	s17 =	simm.s32 @!p1 $0x880;
	s14 =	sadd.s32 @!p1 s2, s14  }
0x186: {  	[tilespmem:s17], [sflag:$0x1] =	stream.strided.gather @!p1 [hbm4b:s14+s15], $0x800, s16, s15, $0x38;
	[tilespmem:$0x8880] =	vst v63  }
0x187: {  	s14 =	spop @!p1 (v2sf)  }
0x188: {  	(v2sf) =	vpush @!p1 v9, $0x6;
	s14 =	sand.u32 @!p1 $0xFFFFF80, s14  }
0x189: {  	s17 =	simm.s32 @!p1 $0x1080;
	s14 =	sadd.s32 @!p1 s2, s14  }
0x18a: {  	[tilespmem:s17], [sflag:$0x1] =	stream.strided.gather @!p1 [hbm4b:s14+s15], $0x800, s16, s15, $0x38;
	[tilespmem:$0x8880] =	vst v63  }
0x18b: {  	s14 =	spop @!p1 (v2sf)  }
0x18c: {  	(v2sf) =	vpush @!p1 v9, $0x7;
	s14 =	sand.u32 @!p1 $0xFFFFF80, s14  }
0x18d: {  	s17 =	simm.s32 @!p1 $0x1880;
	s14 =	sadd.s32 @!p1 s2, s14  }
0x18e: {  	[tilespmem:s17], [sflag:$0x1] =	stream.strided.gather @!p1 [hbm4b:s14+s15], $0x800, s16, s15, $0x38;
	[tilespmem:$0x8880] =	vst v63  }
0x18f: {  	s14 =	spop @!p1 (v2sf)  }
0x190: {  	s14 =	sand.u32 @!p1 $0xFFFFF80, s14  }
0x191: {  	s17 =	simm.s32 @!p1 $0x2080;
	s14 =	sadd.s32 @!p1 s2, s14  }
0x192: {  	[tilespmem:s17], [sflag:$0x1] =	stream.strided.gather @!p1 [hbm4b:s14+s15], $0x800, s16, s15, $0x38;
	[tilespmem:$0x8880] =	vst v63  }
0x193: {  	s14 =	spop @!p1 (v2sf)  }
0x194: {  	s14 =	sand.u32 @!p1 $0xFFFFF80, s14  }
0x195: {  	s17 =	simm.s32 @!p1 $0x2880;
	s14 =	sadd.s32 @!p1 s2, s14  }
0x196: {  	[tilespmem:s17], [sflag:$0x1] =	stream.strided.gather @!p1 [hbm4b:s14+s15], $0x800, s16, s15, $0x38;
	[tilespmem:$0x8880] =	vst v63  }
0x197: {  	s14 =	spop @!p1 (v2sf)  }
0x198: {  	s14 =	sand.u32 @!p1 $0xFFFFF80, s14  }
0x199: {  	s17 =	simm.s32 @!p1 $0x3080;
	s14 =	sadd.s32 @!p1 s2, s14  }
0x19a: {  	[tilespmem:s17], [sflag:$0x1] =	stream.strided.gather @!p1 [hbm4b:s14+s15], $0x800, s16, s15, $0x38;
	[tilespmem:$0x8880] =	vst v63  }
0x19b: {  	s14 =	spop @!p1 (v2sf)  }
0x19c: {  	s14 =	sand.u32 @!p1 $0xFFFFF80, s14  }
0x19d: {  	s17 =	simm.s32 @!p1 $0x3880;
	s14 =	sadd.s32 @!p1 s2, s14  }
0x19e: {  	[tilespmem:s17], [sflag:$0x1] =	stream.strided.gather @!p1 [hbm4b:s14+s15], $0x800, s16, s15, $0x38;
	[tilespmem:$0x8880] =	vst v63  }
0x19f: {  	s15 =	sor.u32 $0x8, s13  }
0x1a0: {  	v0 =	vld.msk [tilespmem:s15+$0x0], $0xff;
	_ =	sdelay $0x3  }
0x1a1: {  	_ =	swait.ge [sflag:s30], $0x800  }
0x1a2: {  	(v2sf) =	vpush v0, $0x0;
	_ =	sdelay $0xe  }
0x1a3: {  	s16 =	spop (v2sf)  }
0x1a4: {  	[sflag:s30] =	ssyncset.done $0x0;
	s14 =	sand.u32 $0x7F, s16  }
0x1a5: {  	[sflag:s30] =	ssyncadd.s32 $0xFFFFF800;
	s17 =	sor.u32 $0x4080, s14  }
0x1a6: {  	s16 =	sor.u32 $0x4100, s14;
	v24 =	vld.msk [tilespmem:s17+$0x0], $0x1  }
0x1a7: {  	v25 =	vld.msk [tilespmem:s16+$0x0], $0x1;
	s17 =	sor.u32 $0x4180, s14  }
0x1a8: {  	s16 =	sor.u32 $0x4200, s14;
	v26 =	vld.msk [tilespmem:s17+$0x0], $0x1  }
0x1a9: {  	v27 =	vld.msk [tilespmem:s16+$0x0], $0x1;
	s17 =	sor.u32 $0x4280, s14  }
0x1aa: {  	s16 =	sor.u32 $0x4300, s14;
	v28 =	vld.msk [tilespmem:s17+$0x0], $0x1  }
0x1ab: {  	v29 =	vld.msk [tilespmem:s16+$0x0], $0x1;
	s17 =	sor.u32 $0x4380, s14  }
0x1ac: {  	s16 =	sor.u32 $0x4400, s14;
	v30 =	vld.msk [tilespmem:s17+$0x0], $0x1  }
0x1ad: {  	v31 =	vld.msk [tilespmem:s16+$0x0], $0x1;
	s17 =	sor.u32 $0x4480, s14  }
0x1ae: {  	s16 =	sor.u32 $0x4500, s14;
	v32 =	vld.msk [tilespmem:s17+$0x0], $0x1  }
0x1af: {  	v33 =	vld.msk [tilespmem:s16+$0x0], $0x1;
	s17 =	sor.u32 $0x4580, s14  }
0x1b0: {  	s16 =	sor.u32 $0x4600, s14;
	v34 =	vld.msk [tilespmem:s17+$0x0], $0x1  }
0x1b1: {  	v35 =	vld.msk [tilespmem:s16+$0x0], $0x1;
	s17 =	sor.u32 $0x4680, s14  }
0x1b2: {  	s16 =	sor.u32 $0x4700, s14;
	v36 =	vld.msk [tilespmem:s17+$0x0], $0x1  }
0x1b3: {  	v37 =	vld.msk [tilespmem:s16+$0x0], $0x1;
	s17 =	sor.u32 $0x4780, s14  }
0x1b4: {  	s14 =	sor.u32 $0x4800, s14;
	v38 =	vld.msk [tilespmem:s17+$0x0], $0x1  }
0x1b5: {  	v39 =	vld.msk [tilespmem:s14+$0x0], $0x1;
	[tilespmem:s13+$0x8088] =	vst.msk $0x1, v24  }
0x1b6: {  	[tilespmem:s13+$0x8108] =	vst.msk $0x1, v25  }
0x1b7: {  	[tilespmem:s13+$0x8188] =	vst.msk $0x1, v26  }
0x1b8: {  	[tilespmem:s13+$0x8208] =	vst.msk $0x1, v27  }
0x1b9: {  	[tilespmem:s13+$0x8288] =	vst.msk $0x1, v28  }
0x1ba: {  	[tilespmem:s13+$0x8308] =	vst.msk $0x1, v29  }
0x1bb: {  	[tilespmem:s13+$0x8388] =	vst.msk $0x1, v30  }
0x1bc: {  	[tilespmem:s13+$0x8408] =	vst.msk $0x1, v31  }
0x1bd: {  	[tilespmem:s13+$0x8488] =	vst.msk $0x1, v32  }
0x1be: {  	[tilespmem:s13+$0x8508] =	vst.msk $0x1, v33  }
0x1bf: {  	[tilespmem:s13+$0x8588] =	vst.msk $0x1, v34  }
0x1c0: {  	[tilespmem:s13+$0x8608] =	vst.msk $0x1, v35  }
0x1c1: {  	[tilespmem:s13+$0x8688] =	vst.msk $0x1, v36  }
0x1c2: {  	[tilespmem:s13+$0x8708] =	vst.msk $0x1, v37  }
0x1c3: {  	[tilespmem:s13+$0x8788] =	vst.msk $0x1, v38  }
0x1c4: {  	[tilespmem:s13+$0x8808] =	vst.msk $0x1, v39  }
0x1c5: {  	_ =	swait.ge [sflag:s30], $0x800  }
0x1c6: {  	(v2sf) =	vpush v0, $0x1;
	_ =	sdelay $0xe  }
0x1c7: {  	s16 =	spop (v2sf)  }
0x1c8: {  	[sflag:s30] =	ssyncset.done $0x0;
	s14 =	sand.u32 $0x7F, s16  }
0x1c9: {  	[sflag:s30] =	ssyncadd.s32 $0xFFFFF800;
	s17 =	sor.u32 $0x4880, s14  }
0x1ca: {  	s16 =	sor.u32 $0x4900, s14;
	v40 =	vld.msk [tilespmem:s17+$0x0], $0x1  }
0x1cb: {  	v41 =	vld.msk [tilespmem:s16+$0x0], $0x1;
	s17 =	sor.u32 $0x4980, s14  }
0x1cc: {  	s16 =	sor.u32 $0x4A00, s14;
	v42 =	vld.msk [tilespmem:s17+$0x0], $0x1  }
0x1cd: {  	v43 =	vld.msk [tilespmem:s16+$0x0], $0x1;
	s17 =	sor.u32 $0x4A80, s14  }
0x1ce: {  	s16 =	sor.u32 $0x4B00, s14;
	v44 =	vld.msk [tilespmem:s17+$0x0], $0x1  }
0x1cf: {  	v45 =	vld.msk [tilespmem:s16+$0x0], $0x1;
	s17 =	sor.u32 $0x4B80, s14  }
0x1d0: {  	s16 =	sor.u32 $0x4C00, s14;
	v46 =	vld.msk [tilespmem:s17+$0x0], $0x1  }
0x1d1: {  	v47 =	vld.msk [tilespmem:s16+$0x0], $0x1;
	s17 =	sor.u32 $0x4C80, s14  }
0x1d2: {  	s16 =	sor.u32 $0x4D00, s14;
	v48 =	vld.msk [tilespmem:s17+$0x0], $0x1  }
0x1d3: {  	v49 =	vld.msk [tilespmem:s16+$0x0], $0x1;
	s17 =	sor.u32 $0x4D80, s14  }
0x1d4: {  	s16 =	sor.u32 $0x4E00, s14;
	v50 =	vld.msk [tilespmem:s17+$0x0], $0x1  }
0x1d5: {  	v51 =	vld.msk [tilespmem:s16+$0x0], $0x1;
	s17 =	sor.u32 $0x4E80, s14  }
0x1d6: {  	s16 =	sor.u32 $0x4F00, s14;
	v52 =	vld.msk [tilespmem:s17+$0x0], $0x1  }
0x1d7: {  	v53 =	vld.msk [tilespmem:s16+$0x0], $0x1;
	s17 =	sor.u32 $0x4F80, s14  }
0x1d8: {  	s14 =	sor.u32 $0x5000, s14;
	v54 =	vld.msk [tilespmem:s17+$0x0], $0x1  }
0x1d9: {  	v55 =	vld.msk [tilespmem:s14+$0x0], $0x1;
	[tilespmem:s13+$0x8089] =	vst.msk $0x1, v40  }
0x1da: {  	[tilespmem:s13+$0x8109] =	vst.msk $0x1, v41  }
0x1db: {  	[tilespmem:s13+$0x8189] =	vst.msk $0x1, v42  }
0x1dc: {  	[tilespmem:s13+$0x8209] =	vst.msk $0x1, v43  }
0x1dd: {  	[tilespmem:s13+$0x8289] =	vst.msk $0x1, v44  }
0x1de: {  	[tilespmem:s13+$0x8309] =	vst.msk $0x1, v45  }
0x1df: {  	[tilespmem:s13+$0x8389] =	vst.msk $0x1, v46  }
0x1e0: {  	[tilespmem:s13+$0x8409] =	vst.msk $0x1, v47  }
0x1e1: {  	[tilespmem:s13+$0x8489] =	vst.msk $0x1, v48  }
0x1e2: {  	[tilespmem:s13+$0x8509] =	vst.msk $0x1, v49  }
0x1e3: {  	[tilespmem:s13+$0x8589] =	vst.msk $0x1, v50  }
0x1e4: {  	[tilespmem:s13+$0x8609] =	vst.msk $0x1, v51  }
0x1e5: {  	[tilespmem:s13+$0x8689] =	vst.msk $0x1, v52  }
0x1e6: {  	[tilespmem:s13+$0x8709] =	vst.msk $0x1, v53  }
0x1e7: {  	[tilespmem:s13+$0x8789] =	vst.msk $0x1, v54  }
0x1e8: {  	[tilespmem:s13+$0x8809] =	vst.msk $0x1, v55  }
0x1e9: {  	_ =	swait.ge [sflag:s30], $0x800  }
0x1ea: {  	(v2sf) =	vpush v0, $0x2;
	_ =	sdelay $0xe  }
0x1eb: {  	s16 =	spop (v2sf)  }
0x1ec: {  	[sflag:s30] =	ssyncset.done $0x0;
	s14 =	sand.u32 $0x7F, s16  }
0x1ed: {  	[sflag:s30] =	ssyncadd.s32 $0xFFFFF800;
	s17 =	sor.u32 $0x5080, s14  }
0x1ee: {  	s16 =	sor.u32 $0x5100, s14;
	v56 =	vld.msk [tilespmem:s17+$0x0], $0x1  }
0x1ef: {  	v57 =	vld.msk [tilespmem:s16+$0x0], $0x1;
	s17 =	sor.u32 $0x5180, s14  }
0x1f0: {  	s16 =	sor.u32 $0x5200, s14;
	v58 =	vld.msk [tilespmem:s17+$0x0], $0x1  }
0x1f1: {  	v59 =	vld.msk [tilespmem:s16+$0x0], $0x1;
	s17 =	sor.u32 $0x5280, s14  }
0x1f2: {  	s16 =	sor.u32 $0x5300, s14;
	v60 =	vld.msk [tilespmem:s17+$0x0], $0x1  }
0x1f3: {  	v61 =	vld.msk [tilespmem:s16+$0x0], $0x1;
	s17 =	sor.u32 $0x5380, s14  }
0x1f4: {  	s16 =	sor.u32 $0x5400, s14;
	v62 =	vld.msk [tilespmem:s17+$0x0], $0x1  }
0x1f5: {  	v63 =	vld.msk [tilespmem:s16+$0x0], $0x1;
	s17 =	sor.u32 $0x5480, s14  }
0x1f6: {  	s16 =	sor.u32 $0x5500, s14;
	v20 =	vld.msk [tilespmem:s17+$0x0], $0x1  }
0x1f7: {  	v21 =	vld.msk [tilespmem:s16+$0x0], $0x1;
	s17 =	sor.u32 $0x5580, s14  }
0x1f8: {  	s16 =	sor.u32 $0x5600, s14;
	v22 =	vld.msk [tilespmem:s17+$0x0], $0x1  }
0x1f9: {  	v23 =	vld.msk [tilespmem:s16+$0x0], $0x1;
	s17 =	sor.u32 $0x5680, s14  }
0x1fa: {  	s16 =	sor.u32 $0x5700, s14;
	v24 =	vld.msk [tilespmem:s17+$0x0], $0x1  }
0x1fb: {  	v25 =	vld.msk [tilespmem:s16+$0x0], $0x1;
	s17 =	sor.u32 $0x5780, s14  }
0x1fc: {  	s14 =	sor.u32 $0x5800, s14;
	v26 =	vld.msk [tilespmem:s17+$0x0], $0x1  }
0x1fd: {  	v27 =	vld.msk [tilespmem:s14+$0x0], $0x1;
	[tilespmem:s13+$0x808A] =	vst.msk $0x1, v56  }
0x1fe: {  	[tilespmem:s13+$0x810A] =	vst.msk $0x1, v57  }
0x1ff: {  	[tilespmem:s13+$0x818A] =	vst.msk $0x1, v58  }
0x200: {  	[tilespmem:s13+$0x820A] =	vst.msk $0x1, v59  }
0x201: {  	[tilespmem:s13+$0x828A] =	vst.msk $0x1, v60  }
0x202: {  	[tilespmem:s13+$0x830A] =	vst.msk $0x1, v61  }
0x203: {  	[tilespmem:s13+$0x838A] =	vst.msk $0x1, v62  }
0x204: {  	[tilespmem:s13+$0x840A] =	vst.msk $0x1, v63  }
0x205: {  	[tilespmem:s13+$0x848A] =	vst.msk $0x1, v20  }
0x206: {  	[tilespmem:s13+$0x850A] =	vst.msk $0x1, v21  }
0x207: {  	[tilespmem:s13+$0x858A] =	vst.msk $0x1, v22  }
0x208: {  	[tilespmem:s13+$0x860A] =	vst.msk $0x1, v23  }
0x209: {  	[tilespmem:s13+$0x868A] =	vst.msk $0x1, v24  }
0x20a: {  	[tilespmem:s13+$0x870A] =	vst.msk $0x1, v25  }
0x20b: {  	[tilespmem:s13+$0x878A] =	vst.msk $0x1, v26  }
0x20c: {  	[tilespmem:s13+$0x880A] =	vst.msk $0x1, v27  }
0x20d: {  	_ =	swait.ge [sflag:s30], $0x800  }
0x20e: {  	(v2sf) =	vpush v0, $0x3;
	_ =	sdelay $0xe  }
0x20f: {  	s16 =	spop (v2sf)  }
0x210: {  	[sflag:s30] =	ssyncset.done $0x0;
	s14 =	sand.u32 $0x7F, s16  }
0x211: {  	[sflag:s30] =	ssyncadd.s32 $0xFFFFF800;
	s17 =	sor.u32 $0x5880, s14  }
0x212: {  	s16 =	sor.u32 $0x5900, s14;
	v28 =	vld.msk [tilespmem:s17+$0x0], $0x1  }
0x213: {  	v29 =	vld.msk [tilespmem:s16+$0x0], $0x1;
	s17 =	sor.u32 $0x5980, s14  }
0x214: {  	s16 =	sor.u32 $0x5A00, s14;
	v30 =	vld.msk [tilespmem:s17+$0x0], $0x1  }
0x215: {  	v31 =	vld.msk [tilespmem:s16+$0x0], $0x1;
	s17 =	sor.u32 $0x5A80, s14  }
0x216: {  	s16 =	sor.u32 $0x5B00, s14;
	v32 =	vld.msk [tilespmem:s17+$0x0], $0x1  }
0x217: {  	v33 =	vld.msk [tilespmem:s16+$0x0], $0x1;
	s17 =	sor.u32 $0x5B80, s14  }
0x218: {  	s16 =	sor.u32 $0x5C00, s14;
	v34 =	vld.msk [tilespmem:s17+$0x0], $0x1  }
0x219: {  	v35 =	vld.msk [tilespmem:s16+$0x0], $0x1;
	s17 =	sor.u32 $0x5C80, s14  }
0x21a: {  	s16 =	sor.u32 $0x5D00, s14;
	v36 =	vld.msk [tilespmem:s17+$0x0], $0x1  }
0x21b: {  	v37 =	vld.msk [tilespmem:s16+$0x0], $0x1;
	s17 =	sor.u32 $0x5D80, s14  }
0x21c: {  	s16 =	sor.u32 $0x5E00, s14;
	v38 =	vld.msk [tilespmem:s17+$0x0], $0x1  }
0x21d: {  	v39 =	vld.msk [tilespmem:s16+$0x0], $0x1;
	s17 =	sor.u32 $0x5E80, s14  }
0x21e: {  	s16 =	sor.u32 $0x5F00, s14;
	v40 =	vld.msk [tilespmem:s17+$0x0], $0x1  }
0x21f: {  	v41 =	vld.msk [tilespmem:s16+$0x0], $0x1;
	s17 =	sor.u32 $0x5F80, s14  }
0x220: {  	s14 =	sor.u32 $0x6000, s14;
	v42 =	vld.msk [tilespmem:s17+$0x0], $0x1  }
0x221: {  	v43 =	vld.msk [tilespmem:s14+$0x0], $0x1;
	[tilespmem:s13+$0x808B] =	vst.msk $0x1, v28  }
0x222: {  	[tilespmem:s13+$0x810B] =	vst.msk $0x1, v29  }
0x223: {  	[tilespmem:s13+$0x818B] =	vst.msk $0x1, v30  }
0x224: {  	[tilespmem:s13+$0x820B] =	vst.msk $0x1, v31  }
0x225: {  	[tilespmem:s13+$0x828B] =	vst.msk $0x1, v32  }
0x226: {  	[tilespmem:s13+$0x830B] =	vst.msk $0x1, v33  }
0x227: {  	[tilespmem:s13+$0x838B] =	vst.msk $0x1, v34  }
0x228: {  	[tilespmem:s13+$0x840B] =	vst.msk $0x1, v35  }
0x229: {  	[tilespmem:s13+$0x848B] =	vst.msk $0x1, v36  }
0x22a: {  	[tilespmem:s13+$0x850B] =	vst.msk $0x1, v37  }
0x22b: {  	[tilespmem:s13+$0x858B] =	vst.msk $0x1, v38  }
0x22c: {  	[tilespmem:s13+$0x860B] =	vst.msk $0x1, v39  }
0x22d: {  	[tilespmem:s13+$0x868B] =	vst.msk $0x1, v40  }
0x22e: {  	[tilespmem:s13+$0x870B] =	vst.msk $0x1, v41  }
0x22f: {  	[tilespmem:s13+$0x878B] =	vst.msk $0x1, v42  }
0x230: {  	[tilespmem:s13+$0x880B] =	vst.msk $0x1, v43  }
0x231: {  	_ =	swait.ge [sflag:s30], $0x800  }
0x232: {  	(v2sf) =	vpush v0, $0x4;
	_ =	sdelay $0xe  }
0x233: {  	s16 =	spop (v2sf)  }
0x234: {  	[sflag:s30] =	ssyncset.done $0x0;
	s14 =	sand.u32 $0x7F, s16  }
0x235: {  	[sflag:s30] =	ssyncadd.s32 $0xFFFFF800;
	s17 =	sor.u32 $0x6080, s14  }
0x236: {  	s16 =	sor.u32 $0x6100, s14;
	v44 =	vld.msk [tilespmem:s17+$0x0], $0x1  }
0x237: {  	v45 =	vld.msk [tilespmem:s16+$0x0], $0x1;
	s17 =	sor.u32 $0x6180, s14  }
0x238: {  	s16 =	sor.u32 $0x6200, s14;
	v46 =	vld.msk [tilespmem:s17+$0x0], $0x1  }
0x239: {  	v47 =	vld.msk [tilespmem:s16+$0x0], $0x1;
	s17 =	sor.u32 $0x6280, s14  }
0x23a: {  	s16 =	sor.u32 $0x6300, s14;
	v48 =	vld.msk [tilespmem:s17+$0x0], $0x1  }
0x23b: {  	v49 =	vld.msk [tilespmem:s16+$0x0], $0x1;
	s17 =	sor.u32 $0x6380, s14  }
0x23c: {  	s16 =	sor.u32 $0x6400, s14;
	v50 =	vld.msk [tilespmem:s17+$0x0], $0x1  }
0x23d: {  	v51 =	vld.msk [tilespmem:s16+$0x0], $0x1;
	s17 =	sor.u32 $0x6480, s14  }
0x23e: {  	s16 =	sor.u32 $0x6500, s14;
	v52 =	vld.msk [tilespmem:s17+$0x0], $0x1  }
0x23f: {  	v53 =	vld.msk [tilespmem:s16+$0x0], $0x1;
	s17 =	sor.u32 $0x6580, s14  }
0x240: {  	s16 =	sor.u32 $0x6600, s14;
	v54 =	vld.msk [tilespmem:s17+$0x0], $0x1  }
0x241: {  	v55 =	vld.msk [tilespmem:s16+$0x0], $0x1;
	s17 =	sor.u32 $0x6680, s14  }
0x242: {  	s16 =	sor.u32 $0x6700, s14;
	v56 =	vld.msk [tilespmem:s17+$0x0], $0x1  }
0x243: {  	v57 =	vld.msk [tilespmem:s16+$0x0], $0x1;
	s17 =	sor.u32 $0x6780, s14  }
0x244: {  	s14 =	sor.u32 $0x6800, s14;
	v58 =	vld.msk [tilespmem:s17+$0x0], $0x1  }
0x245: {  	v59 =	vld.msk [tilespmem:s14+$0x0], $0x1;
	[tilespmem:s13+$0x808C] =	vst.msk $0x1, v44  }
0x246: {  	[tilespmem:s13+$0x810C] =	vst.msk $0x1, v45  }
0x247: {  	[tilespmem:s13+$0x818C] =	vst.msk $0x1, v46  }
0x248: {  	[tilespmem:s13+$0x820C] =	vst.msk $0x1, v47  }
0x249: {  	[tilespmem:s13+$0x828C] =	vst.msk $0x1, v48  }
0x24a: {  	[tilespmem:s13+$0x830C] =	vst.msk $0x1, v49  }
0x24b: {  	[tilespmem:s13+$0x838C] =	vst.msk $0x1, v50  }
0x24c: {  	[tilespmem:s13+$0x840C] =	vst.msk $0x1, v51  }
0x24d: {  	[tilespmem:s13+$0x848C] =	vst.msk $0x1, v52  }
0x24e: {  	[tilespmem:s13+$0x850C] =	vst.msk $0x1, v53  }
0x24f: {  	[tilespmem:s13+$0x858C] =	vst.msk $0x1, v54  }
0x250: {  	[tilespmem:s13+$0x860C] =	vst.msk $0x1, v55  }
0x251: {  	[tilespmem:s13+$0x868C] =	vst.msk $0x1, v56  }
0x252: {  	[tilespmem:s13+$0x870C] =	vst.msk $0x1, v57  }
0x253: {  	[tilespmem:s13+$0x878C] =	vst.msk $0x1, v58  }
0x254: {  	[tilespmem:s13+$0x880C] =	vst.msk $0x1, v59  }
0x255: {  	_ =	swait.ge [sflag:s30], $0x800  }
0x256: {  	(v2sf) =	vpush v0, $0x5;
	_ =	sdelay $0xe  }
0x257: {  	s16 =	spop (v2sf)  }
0x258: {  	[sflag:s30] =	ssyncset.done $0x0;
	s14 =	sand.u32 $0x7F, s16  }
0x259: {  	[sflag:s30] =	ssyncadd.s32 $0xFFFFF800;
	s17 =	sor.u32 $0x6880, s14  }
0x25a: {  	s16 =	sor.u32 $0x6900, s14;
	v60 =	vld.msk [tilespmem:s17+$0x0], $0x1  }
0x25b: {  	v61 =	vld.msk [tilespmem:s16+$0x0], $0x1;
	s17 =	sor.u32 $0x6980, s14  }
0x25c: {  	s16 =	sor.u32 $0x6A00, s14;
	v62 =	vld.msk [tilespmem:s17+$0x0], $0x1  }
0x25d: {  	v63 =	vld.msk [tilespmem:s16+$0x0], $0x1;
	s17 =	sor.u32 $0x6A80, s14  }
0x25e: {  	s16 =	sor.u32 $0x6B00, s14;
	v20 =	vld.msk [tilespmem:s17+$0x0], $0x1  }
0x25f: {  	v21 =	vld.msk [tilespmem:s16+$0x0], $0x1;
	s17 =	sor.u32 $0x6B80, s14  }
0x260: {  	s16 =	sor.u32 $0x6C00, s14;
	v22 =	vld.msk [tilespmem:s17+$0x0], $0x1  }
0x261: {  	v23 =	vld.msk [tilespmem:s16+$0x0], $0x1;
	s17 =	sor.u32 $0x6C80, s14  }
0x262: {  	s16 =	sor.u32 $0x6D00, s14;
	v24 =	vld.msk [tilespmem:s17+$0x0], $0x1  }
0x263: {  	v25 =	vld.msk [tilespmem:s16+$0x0], $0x1;
	s17 =	sor.u32 $0x6D80, s14  }
0x264: {  	s16 =	sor.u32 $0x6E00, s14;
	v26 =	vld.msk [tilespmem:s17+$0x0], $0x1  }
0x265: {  	v27 =	vld.msk [tilespmem:s16+$0x0], $0x1;
	s17 =	sor.u32 $0x6E80, s14  }
0x266: {  	s16 =	sor.u32 $0x6F00, s14;
	v28 =	vld.msk [tilespmem:s17+$0x0], $0x1  }
0x267: {  	v29 =	vld.msk [tilespmem:s16+$0x0], $0x1;
	s17 =	sor.u32 $0x6F80, s14  }
0x268: {  	s14 =	sor.u32 $0x7000, s14;
	v30 =	vld.msk [tilespmem:s17+$0x0], $0x1  }
0x269: {  	v31 =	vld.msk [tilespmem:s14+$0x0], $0x1;
	[tilespmem:s13+$0x808D] =	vst.msk $0x1, v60  }
0x26a: {  	[tilespmem:s13+$0x810D] =	vst.msk $0x1, v61  }
0x26b: {  	[tilespmem:s13+$0x818D] =	vst.msk $0x1, v62  }
0x26c: {  	[tilespmem:s13+$0x820D] =	vst.msk $0x1, v63  }
0x26d: {  	[tilespmem:s13+$0x828D] =	vst.msk $0x1, v20  }
0x26e: {  	[tilespmem:s13+$0x830D] =	vst.msk $0x1, v21  }
0x26f: {  	[tilespmem:s13+$0x838D] =	vst.msk $0x1, v22  }
0x270: {  	[tilespmem:s13+$0x840D] =	vst.msk $0x1, v23  }
0x271: {  	[tilespmem:s13+$0x848D] =	vst.msk $0x1, v24  }
0x272: {  	[tilespmem:s13+$0x850D] =	vst.msk $0x1, v25  }
0x273: {  	[tilespmem:s13+$0x858D] =	vst.msk $0x1, v26  }
0x274: {  	[tilespmem:s13+$0x860D] =	vst.msk $0x1, v27  }
0x275: {  	[tilespmem:s13+$0x868D] =	vst.msk $0x1, v28  }
0x276: {  	[tilespmem:s13+$0x870D] =	vst.msk $0x1, v29  }
0x277: {  	[tilespmem:s13+$0x878D] =	vst.msk $0x1, v30  }
0x278: {  	[tilespmem:s13+$0x880D] =	vst.msk $0x1, v31  }
0x279: {  	_ =	swait.ge [sflag:s30], $0x800  }
0x27a: {  	(v2sf) =	vpush v0, $0x6;
	_ =	sdelay $0xe  }
0x27b: {  	s16 =	spop (v2sf)  }
0x27c: {  	[sflag:s30] =	ssyncset.done $0x0;
	s14 =	sand.u32 $0x7F, s16  }
0x27d: {  	[sflag:s30] =	ssyncadd.s32 $0xFFFFF800;
	s17 =	sor.u32 $0x7080, s14  }
0x27e: {  	s16 =	sor.u32 $0x7100, s14;
	v32 =	vld.msk [tilespmem:s17+$0x0], $0x1  }
0x27f: {  	v33 =	vld.msk [tilespmem:s16+$0x0], $0x1;
	s17 =	sor.u32 $0x7180, s14  }
0x280: {  	s16 =	sor.u32 $0x7200, s14;
	v34 =	vld.msk [tilespmem:s17+$0x0], $0x1  }
0x281: {  	v35 =	vld.msk [tilespmem:s16+$0x0], $0x1;
	s17 =	sor.u32 $0x7280, s14  }
0x282: {  	s16 =	sor.u32 $0x7300, s14;
	v36 =	vld.msk [tilespmem:s17+$0x0], $0x1  }
0x283: {  	v37 =	vld.msk [tilespmem:s16+$0x0], $0x1;
	s17 =	sor.u32 $0x7380, s14  }
0x284: {  	s16 =	sor.u32 $0x7400, s14;
	v38 =	vld.msk [tilespmem:s17+$0x0], $0x1  }
0x285: {  	v39 =	vld.msk [tilespmem:s16+$0x0], $0x1;
	s17 =	sor.u32 $0x7480, s14  }
0x286: {  	s16 =	sor.u32 $0x7500, s14;
	v40 =	vld.msk [tilespmem:s17+$0x0], $0x1  }
0x287: {  	v41 =	vld.msk [tilespmem:s16+$0x0], $0x1;
	s17 =	sor.u32 $0x7580, s14  }
0x288: {  	s16 =	sor.u32 $0x7600, s14;
	v42 =	vld.msk [tilespmem:s17+$0x0], $0x1  }
0x289: {  	v43 =	vld.msk [tilespmem:s16+$0x0], $0x1;
	s17 =	sor.u32 $0x7680, s14  }
0x28a: {  	s16 =	sor.u32 $0x7700, s14;
	v44 =	vld.msk [tilespmem:s17+$0x0], $0x1  }
0x28b: {  	v45 =	vld.msk [tilespmem:s16+$0x0], $0x1;
	s17 =	sor.u32 $0x7780, s14  }
0x28c: {  	s14 =	sor.u32 $0x7800, s14;
	v46 =	vld.msk [tilespmem:s17+$0x0], $0x1  }
0x28d: {  	v47 =	vld.msk [tilespmem:s14+$0x0], $0x1;
	[tilespmem:s13+$0x808E] =	vst.msk $0x1, v32  }
0x28e: {  	[tilespmem:s13+$0x810E] =	vst.msk $0x1, v33  }
0x28f: {  	[tilespmem:s13+$0x818E] =	vst.msk $0x1, v34  }
0x290: {  	[tilespmem:s13+$0x820E] =	vst.msk $0x1, v35  }
0x291: {  	[tilespmem:s13+$0x828E] =	vst.msk $0x1, v36  }
0x292: {  	[tilespmem:s13+$0x830E] =	vst.msk $0x1, v37  }
0x293: {  	[tilespmem:s13+$0x838E] =	vst.msk $0x1, v38  }
0x294: {  	[tilespmem:s13+$0x840E] =	vst.msk $0x1, v39  }
0x295: {  	[tilespmem:s13+$0x848E] =	vst.msk $0x1, v40  }
0x296: {  	[tilespmem:s13+$0x850E] =	vst.msk $0x1, v41  }
0x297: {  	[tilespmem:s13+$0x858E] =	vst.msk $0x1, v42  }
0x298: {  	[tilespmem:s13+$0x860E] =	vst.msk $0x1, v43  }
0x299: {  	[tilespmem:s13+$0x868E] =	vst.msk $0x1, v44  }
0x29a: {  	[tilespmem:s13+$0x870E] =	vst.msk $0x1, v45  }
0x29b: {  	[tilespmem:s13+$0x878E] =	vst.msk $0x1, v46  }
0x29c: {  	[tilespmem:s13+$0x880E] =	vst.msk $0x1, v47  }
0x29d: {  	_ =	swait.ge [sflag:s30], $0x800  }
0x29e: {  	(v2sf) =	vpush v0, $0x7;
	_ =	sdelay $0xe  }
0x29f: {  	s16 =	spop (v2sf)  }
0x2a0: {  	[sflag:s30] =	ssyncset.done $0x0;
	s14 =	sand.u32 $0x7F, s16  }
0x2a1: {  	[sflag:s30] =	ssyncadd.s32 $0xFFFFF800;
	s17 =	sor.u32 $0x7880, s14  }
0x2a2: {  	s16 =	sor.u32 $0x7900, s14;
	v48 =	vld.msk [tilespmem:s17+$0x0], $0x1  }
0x2a3: {  	v49 =	vld.msk [tilespmem:s16+$0x0], $0x1;
	s17 =	sor.u32 $0x7980, s14  }
0x2a4: {  	s16 =	sor.u32 $0x7A00, s14;
	v50 =	vld.msk [tilespmem:s17+$0x0], $0x1  }
0x2a5: {  	v51 =	vld.msk [tilespmem:s16+$0x0], $0x1;
	s17 =	sor.u32 $0x7A80, s14  }
0x2a6: {  	s16 =	sor.u32 $0x7B00, s14;
	v52 =	vld.msk [tilespmem:s17+$0x0], $0x1  }
0x2a7: {  	v53 =	vld.msk [tilespmem:s16+$0x0], $0x1;
	s17 =	sor.u32 $0x7B80, s14  }
0x2a8: {  	s16 =	sor.u32 $0x7C00, s14;
	v54 =	vld.msk [tilespmem:s17+$0x0], $0x1  }
0x2a9: {  	v55 =	vld.msk [tilespmem:s16+$0x0], $0x1;
	s17 =	sor.u32 $0x7C80, s14  }
0x2aa: {  	s16 =	sor.u32 $0x7D00, s14;
	v56 =	vld.msk [tilespmem:s17+$0x0], $0x1  }
0x2ab: {  	v57 =	vld.msk [tilespmem:s16+$0x0], $0x1;
	s17 =	sor.u32 $0x7D80, s14  }
0x2ac: {  	s16 =	sor.u32 $0x7E00, s14;
	v58 =	vld.msk [tilespmem:s17+$0x0], $0x1  }
0x2ad: {  	v59 =	vld.msk [tilespmem:s16+$0x0], $0x1;
	s17 =	sor.u32 $0x7E80, s14  }
0x2ae: {  	s16 =	sor.u32 $0x7F00, s14;
	v60 =	vld.msk [tilespmem:s17+$0x0], $0x1  }
0x2af: {  	v61 =	vld.msk [tilespmem:s16+$0x0], $0x1;
	s17 =	sor.u32 $0x7F80, s14  }
0x2b0: {  	s14 =	sor.u32 $0x8000, s14;
	v62 =	vld.msk [tilespmem:s17+$0x0], $0x1  }
0x2b1: {  	v63 =	vld.msk [tilespmem:s14+$0x0], $0x1;
	[tilespmem:s13+$0x808F] =	vst.msk $0x1, v48  }
0x2b2: {  	[tilespmem:s13+$0x810F] =	vst.msk $0x1, v49  }
0x2b3: {  	[tilespmem:s13+$0x818F] =	vst.msk $0x1, v50  }
0x2b4: {  	[tilespmem:s13+$0x820F] =	vst.msk $0x1, v51  }
0x2b5: {  	[tilespmem:s13+$0x828F] =	vst.msk $0x1, v52  }
0x2b6: {  	[tilespmem:s13+$0x830F] =	vst.msk $0x1, v53  }
0x2b7: {  	[tilespmem:s13+$0x838F] =	vst.msk $0x1, v54  }
0x2b8: {  	[tilespmem:s13+$0x840F] =	vst.msk $0x1, v55  }
0x2b9: {  	[tilespmem:s13+$0x848F] =	vst.msk $0x1, v56  }
0x2ba: {  	[tilespmem:s13+$0x850F] =	vst.msk $0x1, v57  }
0x2bb: {  	[tilespmem:s13+$0x858F] =	vst.msk $0x1, v58  }
.Ltmp3:
0x2bc: {  	[tilespmem:s13+$0x860F] =	vst.msk $0x1, v59;
	(pc) =	sbr.rel @p1 .LBB2_4-.Ltmp3, $4  }
0x2bd: {  	[tilespmem:s13+$0x868F] =	vst.msk $0x1, v60  }
0x2be: {  	[tilespmem:s13+$0x870F] =	vst.msk $0x1, v61  }
0x2bf: {  	[tilespmem:s13+$0x878F] =	vst.msk $0x1, v62  }
0x2c0: {  	[tilespmem:s13+$0x880F] =	vst.msk $0x1, v63  }
0x2c1: {  	v0 =	vld.msk [tilespmem:s13+$0x18], $0xff;
	_ =	sdelay $0x4  }
0x2c2: {  	(v2sf) =	vpush v0, $0x0;
	_ =	sdelay $0x1  }
0x2c3: {  	(v2sf) =	vpush v0, $0x1;
	_ =	sdelay $0x1  }
0x2c4: {  	(v2sf) =	vpush v0, $0x2;
	_ =	sdelay $0x2  }
0x2c5: {  	(v2sf) =	vpush v0, $0x3;
	_ =	sdelay $0x7  }
0x2c6: {  	s14 =	spop (v2sf);
	(v2sf) =	vpush v0, $0x4;
	_ =	sdelay $0x1  }
0x2c7: {  	s15 =	spop (v2sf);
	(v2sf) =	vpush v0, $0x5  }
0x2c8: {  	s13 =	sand.u32 $0xFFFFF80, s14  }
0x2c9: {  	s13 =	sadd.s32 s2, s13;
	s16 =	spop (v2sf)  }
0x2ca: {  	(v2sf) =	vpush v0, $0x6;
	[tilespmem:s20], [sflag:$0x2] =	stream.strided.gather [hbm4b:s13+s10], $0x800, s11, s10, $0x38;
	[tilespmem:$0x8880] =	vst v63  }
0x2cb: {  	s13 =	sand.u32 $0xFFFFF80, s15  }
0x2cc: {  	s17 =	spop (v2sf);
	s13 =	sadd.s32 s2, s13  }
0x2cd: {  	(v2sf) =	vpush v0, $0x7;
	[tilespmem:s21], [sflag:$0x2] =	stream.strided.gather [hbm4b:s13+s10], $0x800, s11, s10, $0x38;
	[tilespmem:$0x8880] =	vst v63  }
0x2ce: {  	s13 =	sand.u32 $0xFFFFF80, s16  }
0x2cf: {  	s13 =	sadd.s32 s2, s13  }
0x2d0: {  	[tilespmem:s22], [sflag:$0x2] =	stream.strided.gather [hbm4b:s13+s10], $0x800, s11, s10, $0x38;
	[tilespmem:$0x8880] =	vst v63  }
0x2d1: {  	s13 =	sand.u32 $0xFFFFF80, s17  }
0x2d2: {  	s13 =	sadd.s32 s2, s13  }
0x2d3: {  	[tilespmem:s23], [sflag:$0x2] =	stream.strided.gather [hbm4b:s13+s10], $0x800, s11, s10, $0x38;
	[tilespmem:$0x8880] =	vst v63  }
0x2d4: {  	s14 =	spop (v2sf)  }
0x2d5: {  	s13 =	sand.u32 $0xFFFFF80, s14  }
0x2d6: {  	s15 =	spop (v2sf);
	s13 =	sadd.s32 s2, s13  }
0x2d7: {  	[tilespmem:s24], [sflag:$0x2] =	stream.strided.gather [hbm4b:s13+s10], $0x800, s11, s10, $0x38;
	[tilespmem:$0x8880] =	vst v63  }
0x2d8: {  	s13 =	sand.u32 $0xFFFFF80, s15  }
0x2d9: {  	s16 =	spop (v2sf);
	s13 =	sadd.s32 s2, s13  }
0x2da: {  	[tilespmem:s25], [sflag:$0x2] =	stream.strided.gather [hbm4b:s13+s10], $0x800, s11, s10, $0x38;
	[tilespmem:$0x8880] =	vst v63  }
0x2db: {  	s13 =	sand.u32 $0xFFFFF80, s16  }
.Ltmp4:
0x2dc: {  	s17 =	spop (v2sf);
	s13 =	sadd.s32 s2, s13;
	(pc) =	sbr.rel .LBB2_3-.Ltmp4, $4  }
0x2dd: {  	[tilespmem:s26], [sflag:$0x2] =	stream.strided.gather [hbm4b:s13+s10], $0x800, s11, s10, $0x38;
	[tilespmem:$0x8880] =	vst v63  }
0x2de: {  	s13 =	sand.u32 $0xFFFFF80, s17  }
0x2df: {  	s12 =	sadd.s32 $0x1, s12;
	s13 =	sadd.s32 s2, s13  }
0x2e0: {  	[tilespmem:s28], [sflag:$0x2] =	stream.strided.gather [hbm4b:s13+s10], $0x800, s11, s10, $0x38;
	[tilespmem:$0x8880] =	vst v63  }
.LBB2_6:
0x2e1: {  	(v2sf) =	vpush v0, $0x5;
	_ =	sdelay $0x1  }
0x2e2: {  	(v2sf) =	vpush v0, $0x6;
	_ =	sdelay $0x2  }
0x2e3: {  	s16 =	sadd.s32 s16, s6;
	s17 =	simm.s32 $0x80;
	(v2sf) =	vpush v0, $0x7  }
0x2e4: {  	[tilespmem:s17], [sflag:$0x1] =	stream.strided.gather [hbm4b:s16+s10], $0x800, s11, s10, $0x38;
	[tilespmem:$0x8880] =	vst v63  }
0x2e5: {  	s15 =	sadd.s32 s15, s6;
	s17 =	simm.s32 $0x880  }
0x2e6: {  	[tilespmem:s17], [sflag:$0x1] =	stream.strided.gather [hbm4b:s15+s10], $0x800, s11, s10, $0x38;
	[tilespmem:$0x8880] =	vst v63  }
0x2e7: {  	s14 =	sadd.s32 s14, s6;
	s16 =	simm.s32 $0x1080  }
0x2e8: {  	[tilespmem:s16], [sflag:$0x1] =	stream.strided.gather [hbm4b:s14+s10], $0x800, s11, s10, $0x38;
	[tilespmem:$0x8880] =	vst v63  }
0x2e9: {  	s13 =	sadd.s32 s13, s6;
	s17 =	simm.s32 $0x1880  }
0x2ea: {  	[tilespmem:s17], [sflag:$0x1] =	stream.strided.gather [hbm4b:s13+s10], $0x800, s11, s10, $0x38;
	[tilespmem:$0x8880] =	vst v63  }
0x2eb: {  	s12 =	sadd.s32 s12, s6;
	s14 =	simm.s32 $0x2080  }
0x2ec: {  	[tilespmem:s14], [sflag:$0x1] =	stream.strided.gather [hbm4b:s12+s10], $0x800, s11, s10, $0x38;
	[tilespmem:$0x8880] =	vst v63  }
0x2ed: {  	s15 =	spop (v2sf)  }
0x2ee: {  	s12 =	sand.u32 $0xFFFFF80, s15  }
0x2ef: {  	s16 =	simm.s32 $0x2880;
	s17 =	spop (v2sf);
	s12 =	sadd.s32 s12, s6  }
0x2f0: {  	[tilespmem:s16], [sflag:$0x1] =	stream.strided.gather [hbm4b:s12+s10], $0x800, s11, s10, $0x38;
	[tilespmem:$0x8880] =	vst v63  }
0x2f1: {  	s12 =	sand.u32 $0xFFFFF80, s17  }
0x2f2: {  	s13 =	spop (v2sf);
	s12 =	sadd.s32 s12, s6  }
0x2f3: {  	[tilespmem:s18], [sflag:$0x1] =	stream.strided.gather [hbm4b:s12+s10], $0x800, s11, s10, $0x38;
	[tilespmem:$0x8880] =	vst v63  }
0x2f4: {  	s12 =	sand.u32 $0xFFFFF80, s13  }
0x2f5: {  	s12 =	sadd.s32 s12, s6  }
0x2f6: {  	[tilespmem:s19], [sflag:$0x1] =	stream.strided.gather [hbm4b:s12+s10], $0x800, s11, s10, $0x38;
	[tilespmem:$0x8880] =	vst v63  }
0x2f7: {  	v63 =	vld.msk [tilespmem:$0x8], $0xff;
	_ =	sdelay $0x4  }
0x2f8: {  	(v2sf) =	vpush v63, $0x0  }
0x2f9: {  	(v2sf) =	vpush v63, $0x1;
	_ =	sdelay $0x1  }
0x2fa: {  	(v2sf) =	vpush v63, $0x2;
	_ =	sdelay $0x4  }
0x2fb: {  	(v2sf) =	vpush v63, $0x3  }
0x2fc: {  	(v2sf) =	vpush v63, $0x4;
	_ =	sdelay $0x5  }
0x2fd: {  	s14 =	spop (v2sf);
	(v2sf) =	vpush v63, $0x5  }
0x2fe: {  	s15 =	spop (v2sf);
	(v2sf) =	vpush v63, $0x6  }
0x2ff: {  	s12 =	sand.u32 $0xFFFFF80, s14  }
0x300: {  	s12 =	sadd.s32 s12, s6;
	s16 =	spop (v2sf)  }
0x301: {  	(v2sf) =	vpush v63, $0x7;
	[tilespmem:s20], [sflag:$0x2] =	stream.strided.gather [hbm4b:s12+s10], $0x800, s11, s10, $0x38;
	[tilespmem:$0x8880] =	vst v63  }
0x302: {  	s12 =	sand.u32 $0xFFFFF80, s15  }
0x303: {  	s12 =	sadd.s32 s12, s6  }
0x304: {  	[tilespmem:s21], [sflag:$0x2] =	stream.strided.gather [hbm4b:s12+s10], $0x800, s11, s10, $0x38;
	[tilespmem:$0x8880] =	vst v63  }
0x305: {  	s17 =	spop (v2sf);
	s12 =	sand.u32 $0xFFFFF80, s16  }
0x306: {  	s14 =	sand.u32 $0xFFFFF80, s17;
	s15 =	spop (v2sf);
	s12 =	sadd.s32 s12, s6  }
0x307: {  	[tilespmem:s22], [sflag:$0x2] =	stream.strided.gather [hbm4b:s12+s10], $0x800, s11, s10, $0x38;
	[tilespmem:$0x8880] =	vst v63  }
0x308: {  	s16 =	sand.u32 $0xFFFFF80, s15;
	s12 =	sadd.s32 s14, s6  }
0x309: {  	[tilespmem:s23], [sflag:$0x2] =	stream.strided.gather [hbm4b:s12+s10], $0x800, s11, s10, $0x38;
	[tilespmem:$0x8880] =	vst v63  }
0x30a: {  	s12 =	sadd.s32 s16, s6  }
0x30b: {  	[tilespmem:s24], [sflag:$0x2] =	stream.strided.gather [hbm4b:s12+s10], $0x800, s11, s10, $0x38;
	[tilespmem:$0x8880] =	vst v63  }
0x30c: {  	s17 =	spop (v2sf)  }
0x30d: {  	s14 =	sand.u32 $0xFFFFF80, s17;
	s15 =	spop (v2sf)  }
0x30e: {  	s12 =	sadd.s32 s14, s6;
	s16 =	sand.u32 $0xFFFFF80, s15  }
0x30f: {  	[tilespmem:s25], [sflag:$0x2] =	stream.strided.gather [hbm4b:s12+s10], $0x800, s11, s10, $0x38;
	[tilespmem:$0x8880] =	vst v63  }
0x310: {  	s17 =	spop (v2sf);
	s12 =	sadd.s32 s16, s6  }
0x311: {  	[tilespmem:s26], [sflag:$0x2] =	stream.strided.gather [hbm4b:s12+s10], $0x800, s11, s10, $0x38;
	[tilespmem:$0x8880] =	vst v63  }
0x312: {  	s12 =	sand.u32 $0xFFFFF80, s17  }
0x313: {  	s12 =	sadd.s32 s12, s6  }
0x314: {  	[tilespmem:s28], [sflag:$0x2] =	stream.strided.gather [hbm4b:s12+s10], $0x800, s11, s10, $0x38;
	[tilespmem:$0x8880] =	vst v63  }
0x315: {  	s12 =	simm.s32 $0x0  }
.LBB2_7:
0x316: {  	s13 =	sshll.u32 s12, $0x4  }
0x317: {  	v0 =	vld.msk [tilespmem:s13+$0x0], $0xff;
	_ =	sdelay $0x3  }
0x318: {  	_ =	swait.ge [sflag:s29], $0x800  }
0x319: {  	(v2sf) =	vpush v0, $0x0;
	_ =	sdelay $0xe  }
0x31a: {  	s14 =	spop (v2sf)  }
0x31b: {  	[sflag:s29] =	ssyncset.done $0x0;
	s14 =	sand.u32 $0x7F, s14  }
0x31c: {  	[sflag:s29] =	ssyncadd.s32 $0xFFFFF800;
	s15 =	sor.u32 $0x80, s14  }
0x31d: {  	s16 =	sor.u32 $0x100, s14;
	v1 =	vld.msk [tilespmem:s15+$0x0], $0x1  }
0x31e: {  	s17 =	sor.u32 $0x180, s14;
	v2 =	vld.msk [tilespmem:s16+$0x0], $0x1  }
0x31f: {  	v3 =	vld.msk [tilespmem:s17+$0x0], $0x1;
	s16 =	sor.u32 $0x200, s14  }
0x320: {  	s17 =	sor.u32 $0x280, s14;
	v4 =	vld.msk [tilespmem:s16+$0x0], $0x1  }
0x321: {  	v5 =	vld.msk [tilespmem:s17+$0x0], $0x1;
	s16 =	sor.u32 $0x300, s14  }
0x322: {  	s17 =	sor.u32 $0x380, s14;
	v6 =	vld.msk [tilespmem:s16+$0x0], $0x1  }
0x323: {  	v7 =	vld.msk [tilespmem:s17+$0x0], $0x1;
	s16 =	sor.u32 $0x400, s14  }
0x324: {  	s17 =	sor.u32 $0x480, s14;
	v8 =	vld.msk [tilespmem:s16+$0x0], $0x1  }
0x325: {  	v9 =	vld.msk [tilespmem:s17+$0x0], $0x1;
	s16 =	sor.u32 $0x500, s14  }
0x326: {  	s17 =	sor.u32 $0x580, s14;
	v10 =	vld.msk [tilespmem:s16+$0x0], $0x1  }
0x327: {  	v11 =	vld.msk [tilespmem:s17+$0x0], $0x1;
	s16 =	sor.u32 $0x600, s14  }
0x328: {  	s17 =	sor.u32 $0x680, s14;
	v12 =	vld.msk [tilespmem:s16+$0x0], $0x1  }
0x329: {  	v13 =	vld.msk [tilespmem:s17+$0x0], $0x1;
	s16 =	sor.u32 $0x700, s14  }
0x32a: {  	s17 =	sor.u32 $0x780, s14;
	v14 =	vld.msk [tilespmem:s16+$0x0], $0x1  }
0x32b: {  	s14 =	sor.u32 $0x800, s14;
	v15 =	vld.msk [tilespmem:s17+$0x0], $0x1  }
0x32c: {  	v16 =	vld.msk [tilespmem:s14+$0x0], $0x1;
	[tilespmem:s13+$0x8080] =	vst.msk $0x1, v1  }
0x32d: {  	[tilespmem:s13+$0x8100] =	vst.msk $0x1, v2  }
0x32e: {  	[tilespmem:s13+$0x8180] =	vst.msk $0x1, v3  }
0x32f: {  	[tilespmem:s13+$0x8200] =	vst.msk $0x1, v4  }
0x330: {  	[tilespmem:s13+$0x8280] =	vst.msk $0x1, v5  }
0x331: {  	[tilespmem:s13+$0x8300] =	vst.msk $0x1, v6  }
0x332: {  	[tilespmem:s13+$0x8380] =	vst.msk $0x1, v7  }
0x333: {  	[tilespmem:s13+$0x8400] =	vst.msk $0x1, v8  }
0x334: {  	[tilespmem:s13+$0x8480] =	vst.msk $0x1, v9  }
0x335: {  	[tilespmem:s13+$0x8500] =	vst.msk $0x1, v10  }
0x336: {  	[tilespmem:s13+$0x8580] =	vst.msk $0x1, v11  }
0x337: {  	[tilespmem:s13+$0x8600] =	vst.msk $0x1, v12  }
0x338: {  	[tilespmem:s13+$0x8680] =	vst.msk $0x1, v13  }
0x339: {  	[tilespmem:s13+$0x8700] =	vst.msk $0x1, v14  }
0x33a: {  	[tilespmem:s13+$0x8780] =	vst.msk $0x1, v15  }
0x33b: {  	[tilespmem:s13+$0x8800] =	vst.msk $0x1, v16  }
0x33c: {  	_ =	swait.ge [sflag:s29], $0x800  }
0x33d: {  	(v2sf) =	vpush v0, $0x1;
	_ =	sdelay $0xe  }
0x33e: {  	s16 =	spop (v2sf)  }
0x33f: {  	[sflag:s29] =	ssyncset.done $0x0;
	s14 =	sand.u32 $0x7F, s16  }
0x340: {  	[sflag:s29] =	ssyncadd.s32 $0xFFFFF800;
	s17 =	sor.u32 $0x880, s14  }
0x341: {  	s16 =	sor.u32 $0x900, s14;
	v44 =	vld.msk [tilespmem:s17+$0x0], $0x1  }
0x342: {  	v45 =	vld.msk [tilespmem:s16+$0x0], $0x1;
	s17 =	sor.u32 $0x980, s14  }
0x343: {  	s16 =	sor.u32 $0xA00, s14;
	v46 =	vld.msk [tilespmem:s17+$0x0], $0x1  }
0x344: {  	v47 =	vld.msk [tilespmem:s16+$0x0], $0x1;
	s17 =	sor.u32 $0xA80, s14  }
0x345: {  	s16 =	sor.u32 $0xB00, s14;
	v48 =	vld.msk [tilespmem:s17+$0x0], $0x1  }
0x346: {  	v49 =	vld.msk [tilespmem:s16+$0x0], $0x1;
	s17 =	sor.u32 $0xB80, s14  }
0x347: {  	s16 =	sor.u32 $0xC00, s14;
	v50 =	vld.msk [tilespmem:s17+$0x0], $0x1  }
0x348: {  	v51 =	vld.msk [tilespmem:s16+$0x0], $0x1;
	s17 =	sor.u32 $0xC80, s14  }
0x349: {  	s16 =	sor.u32 $0xD00, s14;
	v52 =	vld.msk [tilespmem:s17+$0x0], $0x1  }
0x34a: {  	v53 =	vld.msk [tilespmem:s16+$0x0], $0x1;
	s17 =	sor.u32 $0xD80, s14  }
0x34b: {  	s16 =	sor.u32 $0xE00, s14;
	v54 =	vld.msk [tilespmem:s17+$0x0], $0x1  }
0x34c: {  	v55 =	vld.msk [tilespmem:s16+$0x0], $0x1;
	s17 =	sor.u32 $0xE80, s14  }
0x34d: {  	s16 =	sor.u32 $0xF00, s14;
	v56 =	vld.msk [tilespmem:s17+$0x0], $0x1  }
0x34e: {  	v57 =	vld.msk [tilespmem:s16+$0x0], $0x1;
	s17 =	sor.u32 $0xF80, s14  }
0x34f: {  	s14 =	sor.u32 $0x1000, s14;
	v58 =	vld.msk [tilespmem:s17+$0x0], $0x1  }
0x350: {  	v59 =	vld.msk [tilespmem:s14+$0x0], $0x1;
	[tilespmem:s13+$0x8081] =	vst.msk $0x1, v44  }
0x351: {  	[tilespmem:s13+$0x8101] =	vst.msk $0x1, v45  }
0x352: {  	[tilespmem:s13+$0x8181] =	vst.msk $0x1, v46  }
0x353: {  	[tilespmem:s13+$0x8201] =	vst.msk $0x1, v47  }
0x354: {  	[tilespmem:s13+$0x8281] =	vst.msk $0x1, v48  }
0x355: {  	[tilespmem:s13+$0x8301] =	vst.msk $0x1, v49  }
0x356: {  	[tilespmem:s13+$0x8381] =	vst.msk $0x1, v50  }
0x357: {  	[tilespmem:s13+$0x8401] =	vst.msk $0x1, v51  }
0x358: {  	[tilespmem:s13+$0x8481] =	vst.msk $0x1, v52  }
0x359: {  	[tilespmem:s13+$0x8501] =	vst.msk $0x1, v53  }
0x35a: {  	[tilespmem:s13+$0x8581] =	vst.msk $0x1, v54  }
0x35b: {  	[tilespmem:s13+$0x8601] =	vst.msk $0x1, v55  }
0x35c: {  	[tilespmem:s13+$0x8681] =	vst.msk $0x1, v56  }
0x35d: {  	[tilespmem:s13+$0x8701] =	vst.msk $0x1, v57  }
0x35e: {  	[tilespmem:s13+$0x8781] =	vst.msk $0x1, v58  }
0x35f: {  	[tilespmem:s13+$0x8801] =	vst.msk $0x1, v59  }
0x360: {  	_ =	swait.ge [sflag:s29], $0x800  }
0x361: {  	(v2sf) =	vpush v0, $0x2;
	_ =	sdelay $0xe  }
0x362: {  	s16 =	spop (v2sf)  }
0x363: {  	[sflag:s29] =	ssyncset.done $0x0;
	s14 =	sand.u32 $0x7F, s16  }
0x364: {  	[sflag:s29] =	ssyncadd.s32 $0xFFFFF800;
	s17 =	sor.u32 $0x1080, s14  }
0x365: {  	s16 =	sor.u32 $0x1100, s14;
	v60 =	vld.msk [tilespmem:s17+$0x0], $0x1  }
0x366: {  	v61 =	vld.msk [tilespmem:s16+$0x0], $0x1;
	s17 =	sor.u32 $0x1180, s14  }
0x367: {  	s16 =	sor.u32 $0x1200, s14;
	v62 =	vld.msk [tilespmem:s17+$0x0], $0x1  }
0x368: {  	v63 =	vld.msk [tilespmem:s16+$0x0], $0x1;
	s17 =	sor.u32 $0x1280, s14  }
0x369: {  	s16 =	sor.u32 $0x1300, s14;
	v20 =	vld.msk [tilespmem:s17+$0x0], $0x1  }
0x36a: {  	v21 =	vld.msk [tilespmem:s16+$0x0], $0x1;
	s17 =	sor.u32 $0x1380, s14  }
0x36b: {  	s16 =	sor.u32 $0x1400, s14;
	v22 =	vld.msk [tilespmem:s17+$0x0], $0x1  }
0x36c: {  	v23 =	vld.msk [tilespmem:s16+$0x0], $0x1;
	s17 =	sor.u32 $0x1480, s14  }
0x36d: {  	s16 =	sor.u32 $0x1500, s14;
	v24 =	vld.msk [tilespmem:s17+$0x0], $0x1  }
0x36e: {  	v25 =	vld.msk [tilespmem:s16+$0x0], $0x1;
	s17 =	sor.u32 $0x1580, s14  }
0x36f: {  	s16 =	sor.u32 $0x1600, s14;
	v26 =	vld.msk [tilespmem:s17+$0x0], $0x1  }
0x370: {  	v27 =	vld.msk [tilespmem:s16+$0x0], $0x1;
	s17 =	sor.u32 $0x1680, s14  }
0x371: {  	s16 =	sor.u32 $0x1700, s14;
	v28 =	vld.msk [tilespmem:s17+$0x0], $0x1  }
0x372: {  	v29 =	vld.msk [tilespmem:s16+$0x0], $0x1;
	s17 =	sor.u32 $0x1780, s14  }
0x373: {  	s14 =	sor.u32 $0x1800, s14;
	v30 =	vld.msk [tilespmem:s17+$0x0], $0x1  }
0x374: {  	v31 =	vld.msk [tilespmem:s14+$0x0], $0x1;
	[tilespmem:s13+$0x8082] =	vst.msk $0x1, v60  }
0x375: {  	[tilespmem:s13+$0x8102] =	vst.msk $0x1, v61  }
0x376: {  	[tilespmem:s13+$0x8182] =	vst.msk $0x1, v62  }
0x377: {  	[tilespmem:s13+$0x8202] =	vst.msk $0x1, v63  }
0x378: {  	[tilespmem:s13+$0x8282] =	vst.msk $0x1, v20  }
0x379: {  	[tilespmem:s13+$0x8302] =	vst.msk $0x1, v21  }
0x37a: {  	[tilespmem:s13+$0x8382] =	vst.msk $0x1, v22  }
0x37b: {  	[tilespmem:s13+$0x8402] =	vst.msk $0x1, v23  }
0x37c: {  	[tilespmem:s13+$0x8482] =	vst.msk $0x1, v24  }
0x37d: {  	[tilespmem:s13+$0x8502] =	vst.msk $0x1, v25  }
0x37e: {  	[tilespmem:s13+$0x8582] =	vst.msk $0x1, v26  }
0x37f: {  	[tilespmem:s13+$0x8602] =	vst.msk $0x1, v27  }
0x380: {  	[tilespmem:s13+$0x8682] =	vst.msk $0x1, v28  }
0x381: {  	[tilespmem:s13+$0x8702] =	vst.msk $0x1, v29  }
0x382: {  	[tilespmem:s13+$0x8782] =	vst.msk $0x1, v30  }
0x383: {  	[tilespmem:s13+$0x8802] =	vst.msk $0x1, v31  }
0x384: {  	_ =	swait.ge [sflag:s29], $0x800  }
0x385: {  	(v2sf) =	vpush v0, $0x3;
	_ =	sdelay $0xe  }
0x386: {  	s16 =	spop (v2sf)  }
0x387: {  	[sflag:s29] =	ssyncset.done $0x0;
	s14 =	sand.u32 $0x7F, s16  }
0x388: {  	[sflag:s29] =	ssyncadd.s32 $0xFFFFF800;
	s17 =	sor.u32 $0x1880, s14  }
0x389: {  	s16 =	sor.u32 $0x1900, s14;
	v32 =	vld.msk [tilespmem:s17+$0x0], $0x1  }
0x38a: {  	v33 =	vld.msk [tilespmem:s16+$0x0], $0x1;
	s17 =	sor.u32 $0x1980, s14  }
0x38b: {  	s16 =	sor.u32 $0x1A00, s14;
	v34 =	vld.msk [tilespmem:s17+$0x0], $0x1  }
0x38c: {  	v35 =	vld.msk [tilespmem:s16+$0x0], $0x1;
	s17 =	sor.u32 $0x1A80, s14  }
0x38d: {  	s16 =	sor.u32 $0x1B00, s14;
	v36 =	vld.msk [tilespmem:s17+$0x0], $0x1  }
0x38e: {  	v37 =	vld.msk [tilespmem:s16+$0x0], $0x1;
	s17 =	sor.u32 $0x1B80, s14  }
0x38f: {  	s16 =	sor.u32 $0x1C00, s14;
	v38 =	vld.msk [tilespmem:s17+$0x0], $0x1  }
0x390: {  	v39 =	vld.msk [tilespmem:s16+$0x0], $0x1;
	s17 =	sor.u32 $0x1C80, s14  }
0x391: {  	s16 =	sor.u32 $0x1D00, s14;
	v40 =	vld.msk [tilespmem:s17+$0x0], $0x1  }
0x392: {  	v41 =	vld.msk [tilespmem:s16+$0x0], $0x1;
	s17 =	sor.u32 $0x1D80, s14  }
0x393: {  	s16 =	sor.u32 $0x1E00, s14;
	v42 =	vld.msk [tilespmem:s17+$0x0], $0x1  }
0x394: {  	v43 =	vld.msk [tilespmem:s16+$0x0], $0x1;
	s17 =	sor.u32 $0x1E80, s14  }
0x395: {  	s16 =	sor.u32 $0x1F00, s14;
	v44 =	vld.msk [tilespmem:s17+$0x0], $0x1  }
0x396: {  	v45 =	vld.msk [tilespmem:s16+$0x0], $0x1;
	s17 =	sor.u32 $0x1F80, s14  }
0x397: {  	s14 =	sor.u32 $0x2000, s14;
	v46 =	vld.msk [tilespmem:s17+$0x0], $0x1  }
0x398: {  	v47 =	vld.msk [tilespmem:s14+$0x0], $0x1;
	[tilespmem:s13+$0x8083] =	vst.msk $0x1, v32  }
0x399: {  	[tilespmem:s13+$0x8103] =	vst.msk $0x1, v33  }
0x39a: {  	[tilespmem:s13+$0x8183] =	vst.msk $0x1, v34  }
0x39b: {  	[tilespmem:s13+$0x8203] =	vst.msk $0x1, v35  }
0x39c: {  	[tilespmem:s13+$0x8283] =	vst.msk $0x1, v36  }
0x39d: {  	[tilespmem:s13+$0x8303] =	vst.msk $0x1, v37  }
0x39e: {  	[tilespmem:s13+$0x8383] =	vst.msk $0x1, v38  }
0x39f: {  	[tilespmem:s13+$0x8403] =	vst.msk $0x1, v39  }
0x3a0: {  	[tilespmem:s13+$0x8483] =	vst.msk $0x1, v40  }
0x3a1: {  	[tilespmem:s13+$0x8503] =	vst.msk $0x1, v41  }
0x3a2: {  	[tilespmem:s13+$0x8583] =	vst.msk $0x1, v42  }
0x3a3: {  	[tilespmem:s13+$0x8603] =	vst.msk $0x1, v43  }
0x3a4: {  	[tilespmem:s13+$0x8683] =	vst.msk $0x1, v44  }
0x3a5: {  	[tilespmem:s13+$0x8703] =	vst.msk $0x1, v45  }
0x3a6: {  	[tilespmem:s13+$0x8783] =	vst.msk $0x1, v46  }
0x3a7: {  	[tilespmem:s13+$0x8803] =	vst.msk $0x1, v47  }
0x3a8: {  	_ =	swait.ge [sflag:s29], $0x800  }
0x3a9: {  	(v2sf) =	vpush v0, $0x4;
	_ =	sdelay $0xe  }
0x3aa: {  	s16 =	spop (v2sf)  }
0x3ab: {  	[sflag:s29] =	ssyncset.done $0x0;
	s14 =	sand.u32 $0x7F, s16  }
0x3ac: {  	[sflag:s29] =	ssyncadd.s32 $0xFFFFF800;
	s17 =	sor.u32 $0x2080, s14  }
0x3ad: {  	s16 =	sor.u32 $0x2100, s14;
	v48 =	vld.msk [tilespmem:s17+$0x0], $0x1  }
0x3ae: {  	v49 =	vld.msk [tilespmem:s16+$0x0], $0x1;
	s17 =	sor.u32 $0x2180, s14  }
0x3af: {  	s16 =	sor.u32 $0x2200, s14;
	v50 =	vld.msk [tilespmem:s17+$0x0], $0x1  }
0x3b0: {  	v51 =	vld.msk [tilespmem:s16+$0x0], $0x1;
	s17 =	sor.u32 $0x2280, s14  }
0x3b1: {  	s16 =	sor.u32 $0x2300, s14;
	v52 =	vld.msk [tilespmem:s17+$0x0], $0x1  }
0x3b2: {  	v53 =	vld.msk [tilespmem:s16+$0x0], $0x1;
	s17 =	sor.u32 $0x2380, s14  }
0x3b3: {  	s16 =	sor.u32 $0x2400, s14;
	v54 =	vld.msk [tilespmem:s17+$0x0], $0x1  }
0x3b4: {  	v55 =	vld.msk [tilespmem:s16+$0x0], $0x1;
	s17 =	sor.u32 $0x2480, s14  }
0x3b5: {  	s16 =	sor.u32 $0x2500, s14;
	v56 =	vld.msk [tilespmem:s17+$0x0], $0x1  }
0x3b6: {  	v57 =	vld.msk [tilespmem:s16+$0x0], $0x1;
	s17 =	sor.u32 $0x2580, s14  }
0x3b7: {  	s16 =	sor.u32 $0x2600, s14;
	v58 =	vld.msk [tilespmem:s17+$0x0], $0x1  }
0x3b8: {  	v59 =	vld.msk [tilespmem:s16+$0x0], $0x1;
	s17 =	sor.u32 $0x2680, s14  }
0x3b9: {  	s16 =	sor.u32 $0x2700, s14;
	v60 =	vld.msk [tilespmem:s17+$0x0], $0x1  }
0x3ba: {  	v61 =	vld.msk [tilespmem:s16+$0x0], $0x1;
	s17 =	sor.u32 $0x2780, s14  }
0x3bb: {  	s14 =	sor.u32 $0x2800, s14;
	v62 =	vld.msk [tilespmem:s17+$0x0], $0x1  }
0x3bc: {  	v63 =	vld.msk [tilespmem:s14+$0x0], $0x1;
	[tilespmem:s13+$0x8084] =	vst.msk $0x1, v48  }
0x3bd: {  	[tilespmem:s13+$0x8104] =	vst.msk $0x1, v49  }
0x3be: {  	[tilespmem:s13+$0x8184] =	vst.msk $0x1, v50  }
0x3bf: {  	[tilespmem:s13+$0x8204] =	vst.msk $0x1, v51  }
0x3c0: {  	[tilespmem:s13+$0x8284] =	vst.msk $0x1, v52  }
0x3c1: {  	[tilespmem:s13+$0x8304] =	vst.msk $0x1, v53  }
0x3c2: {  	[tilespmem:s13+$0x8384] =	vst.msk $0x1, v54  }
0x3c3: {  	[tilespmem:s13+$0x8404] =	vst.msk $0x1, v55  }
0x3c4: {  	[tilespmem:s13+$0x8484] =	vst.msk $0x1, v56  }
0x3c5: {  	[tilespmem:s13+$0x8504] =	vst.msk $0x1, v57  }
0x3c6: {  	[tilespmem:s13+$0x8584] =	vst.msk $0x1, v58  }
0x3c7: {  	[tilespmem:s13+$0x8604] =	vst.msk $0x1, v59  }
0x3c8: {  	[tilespmem:s13+$0x8684] =	vst.msk $0x1, v60  }
0x3c9: {  	[tilespmem:s13+$0x8704] =	vst.msk $0x1, v61  }
0x3ca: {  	[tilespmem:s13+$0x8784] =	vst.msk $0x1, v62  }
0x3cb: {  	[tilespmem:s13+$0x8804] =	vst.msk $0x1, v63  }
0x3cc: {  	_ =	swait.ge [sflag:s29], $0x800  }
0x3cd: {  	(v2sf) =	vpush v0, $0x5;
	_ =	sdelay $0xe  }
0x3ce: {  	s16 =	spop (v2sf)  }
0x3cf: {  	[sflag:s29] =	ssyncset.done $0x0;
	s14 =	sand.u32 $0x7F, s16  }
0x3d0: {  	[sflag:s29] =	ssyncadd.s32 $0xFFFFF800;
	s17 =	sor.u32 $0x2880, s14  }
0x3d1: {  	s16 =	sor.u32 $0x2900, s14;
	v20 =	vld.msk [tilespmem:s17+$0x0], $0x1  }
0x3d2: {  	v21 =	vld.msk [tilespmem:s16+$0x0], $0x1;
	s17 =	sor.u32 $0x2980, s14  }
0x3d3: {  	s16 =	sor.u32 $0x2A00, s14;
	v22 =	vld.msk [tilespmem:s17+$0x0], $0x1  }
0x3d4: {  	v23 =	vld.msk [tilespmem:s16+$0x0], $0x1;
	s17 =	sor.u32 $0x2A80, s14  }
0x3d5: {  	s16 =	sor.u32 $0x2B00, s14;
	v24 =	vld.msk [tilespmem:s17+$0x0], $0x1  }
0x3d6: {  	v25 =	vld.msk [tilespmem:s16+$0x0], $0x1;
	s17 =	sor.u32 $0x2B80, s14  }
0x3d7: {  	s16 =	sor.u32 $0x2C00, s14;
	v26 =	vld.msk [tilespmem:s17+$0x0], $0x1  }
0x3d8: {  	v27 =	vld.msk [tilespmem:s16+$0x0], $0x1;
	s17 =	sor.u32 $0x2C80, s14  }
0x3d9: {  	s16 =	sor.u32 $0x2D00, s14;
	v28 =	vld.msk [tilespmem:s17+$0x0], $0x1  }
0x3da: {  	v29 =	vld.msk [tilespmem:s16+$0x0], $0x1;
	s17 =	sor.u32 $0x2D80, s14  }
0x3db: {  	s16 =	sor.u32 $0x2E00, s14;
	v30 =	vld.msk [tilespmem:s17+$0x0], $0x1  }
0x3dc: {  	v31 =	vld.msk [tilespmem:s16+$0x0], $0x1;
	s17 =	sor.u32 $0x2E80, s14  }
0x3dd: {  	s16 =	sor.u32 $0x2F00, s14;
	v32 =	vld.msk [tilespmem:s17+$0x0], $0x1  }
0x3de: {  	v33 =	vld.msk [tilespmem:s16+$0x0], $0x1;
	s17 =	sor.u32 $0x2F80, s14  }
0x3df: {  	s14 =	sor.u32 $0x3000, s14;
	v34 =	vld.msk [tilespmem:s17+$0x0], $0x1  }
0x3e0: {  	v35 =	vld.msk [tilespmem:s14+$0x0], $0x1;
	[tilespmem:s13+$0x8085] =	vst.msk $0x1, v20  }
0x3e1: {  	[tilespmem:s13+$0x8105] =	vst.msk $0x1, v21  }
0x3e2: {  	[tilespmem:s13+$0x8185] =	vst.msk $0x1, v22  }
0x3e3: {  	[tilespmem:s13+$0x8205] =	vst.msk $0x1, v23  }
0x3e4: {  	[tilespmem:s13+$0x8285] =	vst.msk $0x1, v24  }
0x3e5: {  	[tilespmem:s13+$0x8305] =	vst.msk $0x1, v25  }
0x3e6: {  	[tilespmem:s13+$0x8385] =	vst.msk $0x1, v26  }
0x3e7: {  	[tilespmem:s13+$0x8405] =	vst.msk $0x1, v27  }
0x3e8: {  	[tilespmem:s13+$0x8485] =	vst.msk $0x1, v28  }
0x3e9: {  	[tilespmem:s13+$0x8505] =	vst.msk $0x1, v29  }
0x3ea: {  	[tilespmem:s13+$0x8585] =	vst.msk $0x1, v30  }
0x3eb: {  	[tilespmem:s13+$0x8605] =	vst.msk $0x1, v31  }
0x3ec: {  	[tilespmem:s13+$0x8685] =	vst.msk $0x1, v32  }
0x3ed: {  	[tilespmem:s13+$0x8705] =	vst.msk $0x1, v33  }
0x3ee: {  	[tilespmem:s13+$0x8785] =	vst.msk $0x1, v34  }
0x3ef: {  	[tilespmem:s13+$0x8805] =	vst.msk $0x1, v35  }
0x3f0: {  	_ =	swait.ge [sflag:s29], $0x800  }
0x3f1: {  	(v2sf) =	vpush v0, $0x6;
	_ =	sdelay $0xe  }
0x3f2: {  	s16 =	spop (v2sf)  }
0x3f3: {  	[sflag:s29] =	ssyncset.done $0x0;
	s14 =	sand.u32 $0x7F, s16  }
0x3f4: {  	[sflag:s29] =	ssyncadd.s32 $0xFFFFF800;
	s17 =	sor.u32 $0x3080, s14  }
0x3f5: {  	s16 =	sor.u32 $0x3100, s14;
	v36 =	vld.msk [tilespmem:s17+$0x0], $0x1  }
0x3f6: {  	v37 =	vld.msk [tilespmem:s16+$0x0], $0x1;
	s17 =	sor.u32 $0x3180, s14  }
0x3f7: {  	s16 =	sor.u32 $0x3200, s14;
	v38 =	vld.msk [tilespmem:s17+$0x0], $0x1  }
0x3f8: {  	v39 =	vld.msk [tilespmem:s16+$0x0], $0x1;
	s17 =	sor.u32 $0x3280, s14  }
0x3f9: {  	s16 =	sor.u32 $0x3300, s14;
	v40 =	vld.msk [tilespmem:s17+$0x0], $0x1  }
0x3fa: {  	v41 =	vld.msk [tilespmem:s16+$0x0], $0x1;
	s17 =	sor.u32 $0x3380, s14  }
0x3fb: {  	s16 =	sor.u32 $0x3400, s14;
	v42 =	vld.msk [tilespmem:s17+$0x0], $0x1  }
0x3fc: {  	v43 =	vld.msk [tilespmem:s16+$0x0], $0x1;
	s17 =	sor.u32 $0x3480, s14  }
0x3fd: {  	s16 =	sor.u32 $0x3500, s14;
	v44 =	vld.msk [tilespmem:s17+$0x0], $0x1  }
0x3fe: {  	v45 =	vld.msk [tilespmem:s16+$0x0], $0x1;
	s17 =	sor.u32 $0x3580, s14  }
0x3ff: {  	s16 =	sor.u32 $0x3600, s14;
	v46 =	vld.msk [tilespmem:s17+$0x0], $0x1  }
0x400: {  	v47 =	vld.msk [tilespmem:s16+$0x0], $0x1;
	s17 =	sor.u32 $0x3680, s14  }
0x401: {  	s16 =	sor.u32 $0x3700, s14;
	v48 =	vld.msk [tilespmem:s17+$0x0], $0x1  }
0x402: {  	v49 =	vld.msk [tilespmem:s16+$0x0], $0x1;
	s17 =	sor.u32 $0x3780, s14  }
0x403: {  	s14 =	sor.u32 $0x3800, s14;
	v50 =	vld.msk [tilespmem:s17+$0x0], $0x1  }
0x404: {  	v51 =	vld.msk [tilespmem:s14+$0x0], $0x1;
	[tilespmem:s13+$0x8086] =	vst.msk $0x1, v36  }
0x405: {  	[tilespmem:s13+$0x8106] =	vst.msk $0x1, v37  }
0x406: {  	[tilespmem:s13+$0x8186] =	vst.msk $0x1, v38  }
0x407: {  	[tilespmem:s13+$0x8206] =	vst.msk $0x1, v39  }
0x408: {  	[tilespmem:s13+$0x8286] =	vst.msk $0x1, v40  }
0x409: {  	[tilespmem:s13+$0x8306] =	vst.msk $0x1, v41  }
0x40a: {  	[tilespmem:s13+$0x8386] =	vst.msk $0x1, v42  }
0x40b: {  	[tilespmem:s13+$0x8406] =	vst.msk $0x1, v43  }
0x40c: {  	[tilespmem:s13+$0x8486] =	vst.msk $0x1, v44  }
0x40d: {  	[tilespmem:s13+$0x8506] =	vst.msk $0x1, v45  }
0x40e: {  	[tilespmem:s13+$0x8586] =	vst.msk $0x1, v46  }
0x40f: {  	[tilespmem:s13+$0x8606] =	vst.msk $0x1, v47  }
0x410: {  	[tilespmem:s13+$0x8686] =	vst.msk $0x1, v48  }
0x411: {  	[tilespmem:s13+$0x8706] =	vst.msk $0x1, v49  }
0x412: {  	[tilespmem:s13+$0x8786] =	vst.msk $0x1, v50  }
0x413: {  	[tilespmem:s13+$0x8806] =	vst.msk $0x1, v51  }
0x414: {  	_ =	swait.ge [sflag:s29], $0x800  }
0x415: {  	(v2sf) =	vpush v0, $0x7;
	_ =	sdelay $0xe  }
0x416: {  	[sflag:s29] =	ssyncset.done $0x0;
	s16 =	spop (v2sf)  }
0x417: {  	p1 =	seq.s32 s12, $0x7;
	[sflag:s29] =	ssyncadd.s32 $0xFFFFF800;
	s14 =	sand.u32 $0x7F, s16  }
0x418: {  	v9 =	vld.msk @!p1 [tilespmem:s13+$0x10], $0xff;
	s17 =	sor.u32 $0x3880, s14  }
0x419: {  	s16 =	sor.u32 $0x3900, s14;
	v52 =	vld.msk [tilespmem:s17+$0x0], $0x1  }
0x41a: {  	v53 =	vld.msk [tilespmem:s16+$0x0], $0x1;
	s17 =	sor.u32 $0x3980, s14  }
0x41b: {  	s16 =	sor.u32 $0x3A00, s14;
	v54 =	vld.msk [tilespmem:s17+$0x0], $0x1  }
0x41c: {  	v55 =	vld.msk [tilespmem:s16+$0x0], $0x1;
	s17 =	sor.u32 $0x3A80, s14  }
0x41d: {  	s16 =	sor.u32 $0x3B00, s14;
	v56 =	vld.msk [tilespmem:s17+$0x0], $0x1  }
0x41e: {  	v57 =	vld.msk [tilespmem:s16+$0x0], $0x1;
	s17 =	sor.u32 $0x3B80, s14  }
0x41f: {  	s16 =	sor.u32 $0x3C00, s14;
	v58 =	vld.msk [tilespmem:s17+$0x0], $0x1  }
0x420: {  	v59 =	vld.msk [tilespmem:s16+$0x0], $0x1;
	s17 =	sor.u32 $0x3C80, s14  }
0x421: {  	s16 =	sor.u32 $0x3D00, s14;
	v60 =	vld.msk [tilespmem:s17+$0x0], $0x1  }
0x422: {  	v61 =	vld.msk [tilespmem:s16+$0x0], $0x1;
	s17 =	sor.u32 $0x3D80, s14  }
0x423: {  	s16 =	sor.u32 $0x3E00, s14;
	v62 =	vld.msk [tilespmem:s17+$0x0], $0x1  }
0x424: {  	v63 =	vld.msk [tilespmem:s16+$0x0], $0x1;
	s17 =	sor.u32 $0x3E80, s14  }
0x425: {  	s16 =	sor.u32 $0x3F00, s14;
	v20 =	vld.msk [tilespmem:s17+$0x0], $0x1  }
0x426: {  	(v2sf) =	vpush @!p1 v9, $0x0;
	v21 =	vld.msk [tilespmem:s16+$0x0], $0x1;
	s17 =	sor.u32 $0x3F80, s14  }
0x427: {  	s14 =	sor.u32 $0x4000, s14;
	v22 =	vld.msk [tilespmem:s17+$0x0], $0x1  }
0x428: {  	v23 =	vld.msk [tilespmem:s14+$0x0], $0x1;
	[tilespmem:s13+$0x8087] =	vst.msk $0x1, v52  }
0x429: {  	[tilespmem:s13+$0x8107] =	vst.msk $0x1, v53  }
0x42a: {  	(v2sf) =	vpush @!p1 v9, $0x1;
	[tilespmem:s13+$0x8187] =	vst.msk $0x1, v54  }
0x42b: {  	[tilespmem:s13+$0x8207] =	vst.msk $0x1, v55  }
0x42c: {  	[tilespmem:s13+$0x8287] =	vst.msk $0x1, v56  }
0x42d: {  	[tilespmem:s13+$0x8307] =	vst.msk $0x1, v57  }
0x42e: {  	(v2sf) =	vpush @!p1 v9, $0x2;
	[tilespmem:s13+$0x8387] =	vst.msk $0x1, v58  }
0x42f: {  	[tilespmem:s13+$0x8407] =	vst.msk $0x1, v59  }
0x430: {  	[tilespmem:s13+$0x8487] =	vst.msk $0x1, v60  }
0x431: {  	[tilespmem:s13+$0x8507] =	vst.msk $0x1, v61  }
0x432: {  	(v2sf) =	vpush @!p1 v9, $0x3;
	[tilespmem:s13+$0x8587] =	vst.msk $0x1, v62  }
0x433: {  	[tilespmem:s13+$0x8607] =	vst.msk $0x1, v63  }
0x434: {  	[tilespmem:s13+$0x8687] =	vst.msk $0x1, v20  }
0x435: {  	s14 =	spop @!p1 (v2sf);
	[tilespmem:s13+$0x8707] =	vst.msk $0x1, v21  }
0x436: {  	s15 =	simm.s32 @!p1 $0x400;
	(v2sf) =	vpush @!p1 v9, $0x4;
	s14 =	sand.u32 @!p1 $0xFFFFF80, s14;
	[tilespmem:s13+$0x8787] =	vst.msk $0x1, v22  }
0x437: {  	s16 =	simm.s32 @!p1 $0x7A1400;
	s17 =	simm.s32 @!p1 $0x80;
	s14 =	sadd.s32 @!p1 s14, s6;
	[tilespmem:s13+$0x8807] =	vst.msk $0x1, v23  }
0x438: {  	[tilespmem:s17], [sflag:$0x1] =	stream.strided.gather @!p1 [hbm4b:s14+s15], $0x800, s16, s15, $0x38;
	[tilespmem:$0x8880] =	vst v63  }
0x439: {  	s14 =	spop @!p1 (v2sf)  }
0x43a: {  	(v2sf) =	vpush @!p1 v9, $0x5;
	s14 =	sand.u32 @!p1 $0xFFFFF80, s14  }
0x43b: {  	s17 =	simm.s32 @!p1 $0x880;
	s14 =	sadd.s32 @!p1 s14, s6  }
0x43c: {  	[tilespmem:s17], [sflag:$0x1] =	stream.strided.gather @!p1 [hbm4b:s14+s15], $0x800, s16, s15, $0x38;
	[tilespmem:$0x8880] =	vst v63  }
0x43d: {  	s14 =	spop @!p1 (v2sf)  }
0x43e: {  	(v2sf) =	vpush @!p1 v9, $0x6;
	s14 =	sand.u32 @!p1 $0xFFFFF80, s14  }
0x43f: {  	s17 =	simm.s32 @!p1 $0x1080;
	s14 =	sadd.s32 @!p1 s14, s6  }
0x440: {  	[tilespmem:s17], [sflag:$0x1] =	stream.strided.gather @!p1 [hbm4b:s14+s15], $0x800, s16, s15, $0x38;
	[tilespmem:$0x8880] =	vst v63  }
0x441: {  	s14 =	spop @!p1 (v2sf)  }
0x442: {  	(v2sf) =	vpush @!p1 v9, $0x7;
	s14 =	sand.u32 @!p1 $0xFFFFF80, s14  }
0x443: {  	s17 =	simm.s32 @!p1 $0x1880;
	s14 =	sadd.s32 @!p1 s14, s6  }
0x444: {  	[tilespmem:s17], [sflag:$0x1] =	stream.strided.gather @!p1 [hbm4b:s14+s15], $0x800, s16, s15, $0x38;
	[tilespmem:$0x8880] =	vst v63  }
0x445: {  	s14 =	spop @!p1 (v2sf)  }
0x446: {  	s14 =	sand.u32 @!p1 $0xFFFFF80, s14  }
0x447: {  	s17 =	simm.s32 @!p1 $0x2080;
	s14 =	sadd.s32 @!p1 s14, s6  }
0x448: {  	[tilespmem:s17], [sflag:$0x1] =	stream.strided.gather @!p1 [hbm4b:s14+s15], $0x800, s16, s15, $0x38;
	[tilespmem:$0x8880] =	vst v63  }
0x449: {  	s14 =	spop @!p1 (v2sf)  }
0x44a: {  	s14 =	sand.u32 @!p1 $0xFFFFF80, s14  }
0x44b: {  	s17 =	simm.s32 @!p1 $0x2880;
	s14 =	sadd.s32 @!p1 s14, s6  }
0x44c: {  	[tilespmem:s17], [sflag:$0x1] =	stream.strided.gather @!p1 [hbm4b:s14+s15], $0x800, s16, s15, $0x38;
	[tilespmem:$0x8880] =	vst v63  }
0x44d: {  	s14 =	spop @!p1 (v2sf)  }
0x44e: {  	s14 =	sand.u32 @!p1 $0xFFFFF80, s14  }
0x44f: {  	s17 =	simm.s32 @!p1 $0x3080;
	s14 =	sadd.s32 @!p1 s14, s6  }
0x450: {  	[tilespmem:s17], [sflag:$0x1] =	stream.strided.gather @!p1 [hbm4b:s14+s15], $0x800, s16, s15, $0x38;
	[tilespmem:$0x8880] =	vst v63  }
0x451: {  	s14 =	spop @!p1 (v2sf)  }
0x452: {  	s14 =	sand.u32 @!p1 $0xFFFFF80, s14  }
0x453: {  	s17 =	simm.s32 @!p1 $0x3880;
	s14 =	sadd.s32 @!p1 s14, s6  }
0x454: {  	[tilespmem:s17], [sflag:$0x1] =	stream.strided.gather @!p1 [hbm4b:s14+s15], $0x800, s16, s15, $0x38;
	[tilespmem:$0x8880] =	vst v63  }
0x455: {  	s15 =	sor.u32 $0x8, s13  }
0x456: {  	v0 =	vld.msk [tilespmem:s15+$0x0], $0xff;
	_ =	sdelay $0x3  }
0x457: {  	_ =	swait.ge [sflag:s30], $0x800  }
0x458: {  	(v2sf) =	vpush v0, $0x0;
	_ =	sdelay $0xe  }
0x459: {  	s16 =	spop (v2sf)  }
0x45a: {  	[sflag:s30] =	ssyncset.done $0x0;
	s14 =	sand.u32 $0x7F, s16  }
0x45b: {  	[sflag:s30] =	ssyncadd.s32 $0xFFFFF800;
	s17 =	sor.u32 $0x4080, s14  }
0x45c: {  	s16 =	sor.u32 $0x4100, s14;
	v24 =	vld.msk [tilespmem:s17+$0x0], $0x1  }
0x45d: {  	v25 =	vld.msk [tilespmem:s16+$0x0], $0x1;
	s17 =	sor.u32 $0x4180, s14  }
0x45e: {  	s16 =	sor.u32 $0x4200, s14;
	v26 =	vld.msk [tilespmem:s17+$0x0], $0x1  }
0x45f: {  	v27 =	vld.msk [tilespmem:s16+$0x0], $0x1;
	s17 =	sor.u32 $0x4280, s14  }
0x460: {  	s16 =	sor.u32 $0x4300, s14;
	v28 =	vld.msk [tilespmem:s17+$0x0], $0x1  }
0x461: {  	v29 =	vld.msk [tilespmem:s16+$0x0], $0x1;
	s17 =	sor.u32 $0x4380, s14  }
0x462: {  	s16 =	sor.u32 $0x4400, s14;
	v30 =	vld.msk [tilespmem:s17+$0x0], $0x1  }
0x463: {  	v31 =	vld.msk [tilespmem:s16+$0x0], $0x1;
	s17 =	sor.u32 $0x4480, s14  }
0x464: {  	s16 =	sor.u32 $0x4500, s14;
	v32 =	vld.msk [tilespmem:s17+$0x0], $0x1  }
0x465: {  	v33 =	vld.msk [tilespmem:s16+$0x0], $0x1;
	s17 =	sor.u32 $0x4580, s14  }
0x466: {  	s16 =	sor.u32 $0x4600, s14;
	v34 =	vld.msk [tilespmem:s17+$0x0], $0x1  }
0x467: {  	v35 =	vld.msk [tilespmem:s16+$0x0], $0x1;
	s17 =	sor.u32 $0x4680, s14  }
0x468: {  	s16 =	sor.u32 $0x4700, s14;
	v36 =	vld.msk [tilespmem:s17+$0x0], $0x1  }
0x469: {  	v37 =	vld.msk [tilespmem:s16+$0x0], $0x1;
	s17 =	sor.u32 $0x4780, s14  }
0x46a: {  	s14 =	sor.u32 $0x4800, s14;
	v38 =	vld.msk [tilespmem:s17+$0x0], $0x1  }
0x46b: {  	v39 =	vld.msk [tilespmem:s14+$0x0], $0x1;
	[tilespmem:s13+$0x8088] =	vst.msk $0x1, v24  }
0x46c: {  	[tilespmem:s13+$0x8108] =	vst.msk $0x1, v25  }
0x46d: {  	[tilespmem:s13+$0x8188] =	vst.msk $0x1, v26  }
0x46e: {  	[tilespmem:s13+$0x8208] =	vst.msk $0x1, v27  }
0x46f: {  	[tilespmem:s13+$0x8288] =	vst.msk $0x1, v28  }
0x470: {  	[tilespmem:s13+$0x8308] =	vst.msk $0x1, v29  }
0x471: {  	[tilespmem:s13+$0x8388] =	vst.msk $0x1, v30  }
0x472: {  	[tilespmem:s13+$0x8408] =	vst.msk $0x1, v31  }
0x473: {  	[tilespmem:s13+$0x8488] =	vst.msk $0x1, v32  }
0x474: {  	[tilespmem:s13+$0x8508] =	vst.msk $0x1, v33  }
0x475: {  	[tilespmem:s13+$0x8588] =	vst.msk $0x1, v34  }
0x476: {  	[tilespmem:s13+$0x8608] =	vst.msk $0x1, v35  }
0x477: {  	[tilespmem:s13+$0x8688] =	vst.msk $0x1, v36  }
0x478: {  	[tilespmem:s13+$0x8708] =	vst.msk $0x1, v37  }
0x479: {  	[tilespmem:s13+$0x8788] =	vst.msk $0x1, v38  }
0x47a: {  	[tilespmem:s13+$0x8808] =	vst.msk $0x1, v39  }
0x47b: {  	_ =	swait.ge [sflag:s30], $0x800  }
0x47c: {  	(v2sf) =	vpush v0, $0x1;
	_ =	sdelay $0xe  }
0x47d: {  	s16 =	spop (v2sf)  }
0x47e: {  	[sflag:s30] =	ssyncset.done $0x0;
	s14 =	sand.u32 $0x7F, s16  }
0x47f: {  	[sflag:s30] =	ssyncadd.s32 $0xFFFFF800;
	s17 =	sor.u32 $0x4880, s14  }
0x480: {  	s16 =	sor.u32 $0x4900, s14;
	v40 =	vld.msk [tilespmem:s17+$0x0], $0x1  }
0x481: {  	v41 =	vld.msk [tilespmem:s16+$0x0], $0x1;
	s17 =	sor.u32 $0x4980, s14  }
0x482: {  	s16 =	sor.u32 $0x4A00, s14;
	v42 =	vld.msk [tilespmem:s17+$0x0], $0x1  }
0x483: {  	v43 =	vld.msk [tilespmem:s16+$0x0], $0x1;
	s17 =	sor.u32 $0x4A80, s14  }
0x484: {  	s16 =	sor.u32 $0x4B00, s14;
	v44 =	vld.msk [tilespmem:s17+$0x0], $0x1  }
0x485: {  	v45 =	vld.msk [tilespmem:s16+$0x0], $0x1;
	s17 =	sor.u32 $0x4B80, s14  }
0x486: {  	s16 =	sor.u32 $0x4C00, s14;
	v46 =	vld.msk [tilespmem:s17+$0x0], $0x1  }
0x487: {  	v47 =	vld.msk [tilespmem:s16+$0x0], $0x1;
	s17 =	sor.u32 $0x4C80, s14  }
0x488: {  	s16 =	sor.u32 $0x4D00, s14;
	v48 =	vld.msk [tilespmem:s17+$0x0], $0x1  }
0x489: {  	v49 =	vld.msk [tilespmem:s16+$0x0], $0x1;
	s17 =	sor.u32 $0x4D80, s14  }
0x48a: {  	s16 =	sor.u32 $0x4E00, s14;
	v50 =	vld.msk [tilespmem:s17+$0x0], $0x1  }
0x48b: {  	v51 =	vld.msk [tilespmem:s16+$0x0], $0x1;
	s17 =	sor.u32 $0x4E80, s14  }
0x48c: {  	s16 =	sor.u32 $0x4F00, s14;
	v52 =	vld.msk [tilespmem:s17+$0x0], $0x1  }
0x48d: {  	v53 =	vld.msk [tilespmem:s16+$0x0], $0x1;
	s17 =	sor.u32 $0x4F80, s14  }
0x48e: {  	s14 =	sor.u32 $0x5000, s14;
	v54 =	vld.msk [tilespmem:s17+$0x0], $0x1  }
0x48f: {  	v55 =	vld.msk [tilespmem:s14+$0x0], $0x1;
	[tilespmem:s13+$0x8089] =	vst.msk $0x1, v40  }
0x490: {  	[tilespmem:s13+$0x8109] =	vst.msk $0x1, v41  }
0x491: {  	[tilespmem:s13+$0x8189] =	vst.msk $0x1, v42  }
0x492: {  	[tilespmem:s13+$0x8209] =	vst.msk $0x1, v43  }
0x493: {  	[tilespmem:s13+$0x8289] =	vst.msk $0x1, v44  }
0x494: {  	[tilespmem:s13+$0x8309] =	vst.msk $0x1, v45  }
0x495: {  	[tilespmem:s13+$0x8389] =	vst.msk $0x1, v46  }
0x496: {  	[tilespmem:s13+$0x8409] =	vst.msk $0x1, v47  }
0x497: {  	[tilespmem:s13+$0x8489] =	vst.msk $0x1, v48  }
0x498: {  	[tilespmem:s13+$0x8509] =	vst.msk $0x1, v49  }
0x499: {  	[tilespmem:s13+$0x8589] =	vst.msk $0x1, v50  }
0x49a: {  	[tilespmem:s13+$0x8609] =	vst.msk $0x1, v51  }
0x49b: {  	[tilespmem:s13+$0x8689] =	vst.msk $0x1, v52  }
0x49c: {  	[tilespmem:s13+$0x8709] =	vst.msk $0x1, v53  }
0x49d: {  	[tilespmem:s13+$0x8789] =	vst.msk $0x1, v54  }
0x49e: {  	[tilespmem:s13+$0x8809] =	vst.msk $0x1, v55  }
0x49f: {  	_ =	swait.ge [sflag:s30], $0x800  }
0x4a0: {  	(v2sf) =	vpush v0, $0x2;
	_ =	sdelay $0xe  }
0x4a1: {  	s16 =	spop (v2sf)  }
0x4a2: {  	[sflag:s30] =	ssyncset.done $0x0;
	s14 =	sand.u32 $0x7F, s16  }
0x4a3: {  	[sflag:s30] =	ssyncadd.s32 $0xFFFFF800;
	s17 =	sor.u32 $0x5080, s14  }
0x4a4: {  	s16 =	sor.u32 $0x5100, s14;
	v56 =	vld.msk [tilespmem:s17+$0x0], $0x1  }
0x4a5: {  	v57 =	vld.msk [tilespmem:s16+$0x0], $0x1;
	s17 =	sor.u32 $0x5180, s14  }
0x4a6: {  	s16 =	sor.u32 $0x5200, s14;
	v58 =	vld.msk [tilespmem:s17+$0x0], $0x1  }
0x4a7: {  	v59 =	vld.msk [tilespmem:s16+$0x0], $0x1;
	s17 =	sor.u32 $0x5280, s14  }
0x4a8: {  	s16 =	sor.u32 $0x5300, s14;
	v60 =	vld.msk [tilespmem:s17+$0x0], $0x1  }
0x4a9: {  	v61 =	vld.msk [tilespmem:s16+$0x0], $0x1;
	s17 =	sor.u32 $0x5380, s14  }
0x4aa: {  	s16 =	sor.u32 $0x5400, s14;
	v62 =	vld.msk [tilespmem:s17+$0x0], $0x1  }
0x4ab: {  	v63 =	vld.msk [tilespmem:s16+$0x0], $0x1;
	s17 =	sor.u32 $0x5480, s14  }
0x4ac: {  	s16 =	sor.u32 $0x5500, s14;
	v20 =	vld.msk [tilespmem:s17+$0x0], $0x1  }
0x4ad: {  	v21 =	vld.msk [tilespmem:s16+$0x0], $0x1;
	s17 =	sor.u32 $0x5580, s14  }
0x4ae: {  	s16 =	sor.u32 $0x5600, s14;
	v22 =	vld.msk [tilespmem:s17+$0x0], $0x1  }
0x4af: {  	v23 =	vld.msk [tilespmem:s16+$0x0], $0x1;
	s17 =	sor.u32 $0x5680, s14  }
0x4b0: {  	s16 =	sor.u32 $0x5700, s14;
	v24 =	vld.msk [tilespmem:s17+$0x0], $0x1  }
0x4b1: {  	v25 =	vld.msk [tilespmem:s16+$0x0], $0x1;
	s17 =	sor.u32 $0x5780, s14  }
0x4b2: {  	s14 =	sor.u32 $0x5800, s14;
	v26 =	vld.msk [tilespmem:s17+$0x0], $0x1  }
0x4b3: {  	v27 =	vld.msk [tilespmem:s14+$0x0], $0x1;
	[tilespmem:s13+$0x808A] =	vst.msk $0x1, v56  }
0x4b4: {  	[tilespmem:s13+$0x810A] =	vst.msk $0x1, v57  }
0x4b5: {  	[tilespmem:s13+$0x818A] =	vst.msk $0x1, v58  }
0x4b6: {  	[tilespmem:s13+$0x820A] =	vst.msk $0x1, v59  }
0x4b7: {  	[tilespmem:s13+$0x828A] =	vst.msk $0x1, v60  }
0x4b8: {  	[tilespmem:s13+$0x830A] =	vst.msk $0x1, v61  }
0x4b9: {  	[tilespmem:s13+$0x838A] =	vst.msk $0x1, v62  }
0x4ba: {  	[tilespmem:s13+$0x840A] =	vst.msk $0x1, v63  }
0x4bb: {  	[tilespmem:s13+$0x848A] =	vst.msk $0x1, v20  }
0x4bc: {  	[tilespmem:s13+$0x850A] =	vst.msk $0x1, v21  }
0x4bd: {  	[tilespmem:s13+$0x858A] =	vst.msk $0x1, v22  }
0x4be: {  	[tilespmem:s13+$0x860A] =	vst.msk $0x1, v23  }
0x4bf: {  	[tilespmem:s13+$0x868A] =	vst.msk $0x1, v24  }
0x4c0: {  	[tilespmem:s13+$0x870A] =	vst.msk $0x1, v25  }
0x4c1: {  	[tilespmem:s13+$0x878A] =	vst.msk $0x1, v26  }
0x4c2: {  	[tilespmem:s13+$0x880A] =	vst.msk $0x1, v27  }
0x4c3: {  	_ =	swait.ge [sflag:s30], $0x800  }
0x4c4: {  	(v2sf) =	vpush v0, $0x3;
	_ =	sdelay $0xe  }
0x4c5: {  	s16 =	spop (v2sf)  }
0x4c6: {  	[sflag:s30] =	ssyncset.done $0x0;
	s14 =	sand.u32 $0x7F, s16  }
0x4c7: {  	[sflag:s30] =	ssyncadd.s32 $0xFFFFF800;
	s17 =	sor.u32 $0x5880, s14  }
0x4c8: {  	s16 =	sor.u32 $0x5900, s14;
	v28 =	vld.msk [tilespmem:s17+$0x0], $0x1  }
0x4c9: {  	v29 =	vld.msk [tilespmem:s16+$0x0], $0x1;
	s17 =	sor.u32 $0x5980, s14  }
0x4ca: {  	s16 =	sor.u32 $0x5A00, s14;
	v30 =	vld.msk [tilespmem:s17+$0x0], $0x1  }
0x4cb: {  	v31 =	vld.msk [tilespmem:s16+$0x0], $0x1;
	s17 =	sor.u32 $0x5A80, s14  }
0x4cc: {  	s16 =	sor.u32 $0x5B00, s14;
	v32 =	vld.msk [tilespmem:s17+$0x0], $0x1  }
0x4cd: {  	v33 =	vld.msk [tilespmem:s16+$0x0], $0x1;
	s17 =	sor.u32 $0x5B80, s14  }
0x4ce: {  	s16 =	sor.u32 $0x5C00, s14;
	v34 =	vld.msk [tilespmem:s17+$0x0], $0x1  }
0x4cf: {  	v35 =	vld.msk [tilespmem:s16+$0x0], $0x1;
	s17 =	sor.u32 $0x5C80, s14  }
0x4d0: {  	s16 =	sor.u32 $0x5D00, s14;
	v36 =	vld.msk [tilespmem:s17+$0x0], $0x1  }
0x4d1: {  	v37 =	vld.msk [tilespmem:s16+$0x0], $0x1;
	s17 =	sor.u32 $0x5D80, s14  }
0x4d2: {  	s16 =	sor.u32 $0x5E00, s14;
	v38 =	vld.msk [tilespmem:s17+$0x0], $0x1  }
0x4d3: {  	v39 =	vld.msk [tilespmem:s16+$0x0], $0x1;
	s17 =	sor.u32 $0x5E80, s14  }
0x4d4: {  	s16 =	sor.u32 $0x5F00, s14;
	v40 =	vld.msk [tilespmem:s17+$0x0], $0x1  }
0x4d5: {  	v41 =	vld.msk [tilespmem:s16+$0x0], $0x1;
	s17 =	sor.u32 $0x5F80, s14  }
0x4d6: {  	s14 =	sor.u32 $0x6000, s14;
	v42 =	vld.msk [tilespmem:s17+$0x0], $0x1  }
0x4d7: {  	v43 =	vld.msk [tilespmem:s14+$0x0], $0x1;
	[tilespmem:s13+$0x808B] =	vst.msk $0x1, v28  }
0x4d8: {  	[tilespmem:s13+$0x810B] =	vst.msk $0x1, v29  }
0x4d9: {  	[tilespmem:s13+$0x818B] =	vst.msk $0x1, v30  }
0x4da: {  	[tilespmem:s13+$0x820B] =	vst.msk $0x1, v31  }
0x4db: {  	[tilespmem:s13+$0x828B] =	vst.msk $0x1, v32  }
0x4dc: {  	[tilespmem:s13+$0x830B] =	vst.msk $0x1, v33  }
0x4dd: {  	[tilespmem:s13+$0x838B] =	vst.msk $0x1, v34  }
0x4de: {  	[tilespmem:s13+$0x840B] =	vst.msk $0x1, v35  }
0x4df: {  	[tilespmem:s13+$0x848B] =	vst.msk $0x1, v36  }
0x4e0: {  	[tilespmem:s13+$0x850B] =	vst.msk $0x1, v37  }
0x4e1: {  	[tilespmem:s13+$0x858B] =	vst.msk $0x1, v38  }
0x4e2: {  	[tilespmem:s13+$0x860B] =	vst.msk $0x1, v39  }
0x4e3: {  	[tilespmem:s13+$0x868B] =	vst.msk $0x1, v40  }
0x4e4: {  	[tilespmem:s13+$0x870B] =	vst.msk $0x1, v41  }
0x4e5: {  	[tilespmem:s13+$0x878B] =	vst.msk $0x1, v42  }
0x4e6: {  	[tilespmem:s13+$0x880B] =	vst.msk $0x1, v43  }
0x4e7: {  	_ =	swait.ge [sflag:s30], $0x800  }
0x4e8: {  	(v2sf) =	vpush v0, $0x4;
	_ =	sdelay $0xe  }
0x4e9: {  	s16 =	spop (v2sf)  }
0x4ea: {  	[sflag:s30] =	ssyncset.done $0x0;
	s14 =	sand.u32 $0x7F, s16  }
0x4eb: {  	[sflag:s30] =	ssyncadd.s32 $0xFFFFF800;
	s17 =	sor.u32 $0x6080, s14  }
0x4ec: {  	s16 =	sor.u32 $0x6100, s14;
	v44 =	vld.msk [tilespmem:s17+$0x0], $0x1  }
0x4ed: {  	v45 =	vld.msk [tilespmem:s16+$0x0], $0x1;
	s17 =	sor.u32 $0x6180, s14  }
0x4ee: {  	s16 =	sor.u32 $0x6200, s14;
	v46 =	vld.msk [tilespmem:s17+$0x0], $0x1  }
0x4ef: {  	v47 =	vld.msk [tilespmem:s16+$0x0], $0x1;
	s17 =	sor.u32 $0x6280, s14  }
0x4f0: {  	s16 =	sor.u32 $0x6300, s14;
	v48 =	vld.msk [tilespmem:s17+$0x0], $0x1  }
0x4f1: {  	v49 =	vld.msk [tilespmem:s16+$0x0], $0x1;
	s17 =	sor.u32 $0x6380, s14  }
0x4f2: {  	s16 =	sor.u32 $0x6400, s14;
	v50 =	vld.msk [tilespmem:s17+$0x0], $0x1  }
0x4f3: {  	v51 =	vld.msk [tilespmem:s16+$0x0], $0x1;
	s17 =	sor.u32 $0x6480, s14  }
0x4f4: {  	s16 =	sor.u32 $0x6500, s14;
	v52 =	vld.msk [tilespmem:s17+$0x0], $0x1  }
0x4f5: {  	v53 =	vld.msk [tilespmem:s16+$0x0], $0x1;
	s17 =	sor.u32 $0x6580, s14  }
0x4f6: {  	s16 =	sor.u32 $0x6600, s14;
	v54 =	vld.msk [tilespmem:s17+$0x0], $0x1  }
0x4f7: {  	v55 =	vld.msk [tilespmem:s16+$0x0], $0x1;
	s17 =	sor.u32 $0x6680, s14  }
0x4f8: {  	s16 =	sor.u32 $0x6700, s14;
	v56 =	vld.msk [tilespmem:s17+$0x0], $0x1  }
0x4f9: {  	v57 =	vld.msk [tilespmem:s16+$0x0], $0x1;
	s17 =	sor.u32 $0x6780, s14  }
0x4fa: {  	s14 =	sor.u32 $0x6800, s14;
	v58 =	vld.msk [tilespmem:s17+$0x0], $0x1  }
0x4fb: {  	v59 =	vld.msk [tilespmem:s14+$0x0], $0x1;
	[tilespmem:s13+$0x808C] =	vst.msk $0x1, v44  }
0x4fc: {  	[tilespmem:s13+$0x810C] =	vst.msk $0x1, v45  }
0x4fd: {  	[tilespmem:s13+$0x818C] =	vst.msk $0x1, v46  }
0x4fe: {  	[tilespmem:s13+$0x820C] =	vst.msk $0x1, v47  }
0x4ff: {  	[tilespmem:s13+$0x828C] =	vst.msk $0x1, v48  }
0x500: {  	[tilespmem:s13+$0x830C] =	vst.msk $0x1, v49  }
0x501: {  	[tilespmem:s13+$0x838C] =	vst.msk $0x1, v50  }
0x502: {  	[tilespmem:s13+$0x840C] =	vst.msk $0x1, v51  }
0x503: {  	[tilespmem:s13+$0x848C] =	vst.msk $0x1, v52  }
0x504: {  	[tilespmem:s13+$0x850C] =	vst.msk $0x1, v53  }
0x505: {  	[tilespmem:s13+$0x858C] =	vst.msk $0x1, v54  }
0x506: {  	[tilespmem:s13+$0x860C] =	vst.msk $0x1, v55  }
0x507: {  	[tilespmem:s13+$0x868C] =	vst.msk $0x1, v56  }
0x508: {  	[tilespmem:s13+$0x870C] =	vst.msk $0x1, v57  }
0x509: {  	[tilespmem:s13+$0x878C] =	vst.msk $0x1, v58  }
0x50a: {  	[tilespmem:s13+$0x880C] =	vst.msk $0x1, v59  }
0x50b: {  	_ =	swait.ge [sflag:s30], $0x800  }
0x50c: {  	(v2sf) =	vpush v0, $0x5;
	_ =	sdelay $0xe  }
0x50d: {  	s16 =	spop (v2sf)  }
0x50e: {  	[sflag:s30] =	ssyncset.done $0x0;
	s14 =	sand.u32 $0x7F, s16  }
0x50f: {  	[sflag:s30] =	ssyncadd.s32 $0xFFFFF800;
	s17 =	sor.u32 $0x6880, s14  }
0x510: {  	s16 =	sor.u32 $0x6900, s14;
	v60 =	vld.msk [tilespmem:s17+$0x0], $0x1  }
0x511: {  	v61 =	vld.msk [tilespmem:s16+$0x0], $0x1;
	s17 =	sor.u32 $0x6980, s14  }
0x512: {  	s16 =	sor.u32 $0x6A00, s14;
	v62 =	vld.msk [tilespmem:s17+$0x0], $0x1  }
0x513: {  	v63 =	vld.msk [tilespmem:s16+$0x0], $0x1;
	s17 =	sor.u32 $0x6A80, s14  }
0x514: {  	s16 =	sor.u32 $0x6B00, s14;
	v20 =	vld.msk [tilespmem:s17+$0x0], $0x1  }
0x515: {  	v21 =	vld.msk [tilespmem:s16+$0x0], $0x1;
	s17 =	sor.u32 $0x6B80, s14  }
0x516: {  	s16 =	sor.u32 $0x6C00, s14;
	v22 =	vld.msk [tilespmem:s17+$0x0], $0x1  }
0x517: {  	v23 =	vld.msk [tilespmem:s16+$0x0], $0x1;
	s17 =	sor.u32 $0x6C80, s14  }
0x518: {  	s16 =	sor.u32 $0x6D00, s14;
	v24 =	vld.msk [tilespmem:s17+$0x0], $0x1  }
0x519: {  	v25 =	vld.msk [tilespmem:s16+$0x0], $0x1;
	s17 =	sor.u32 $0x6D80, s14  }
0x51a: {  	s16 =	sor.u32 $0x6E00, s14;
	v26 =	vld.msk [tilespmem:s17+$0x0], $0x1  }
0x51b: {  	v27 =	vld.msk [tilespmem:s16+$0x0], $0x1;
	s17 =	sor.u32 $0x6E80, s14  }
0x51c: {  	s16 =	sor.u32 $0x6F00, s14;
	v28 =	vld.msk [tilespmem:s17+$0x0], $0x1  }
0x51d: {  	v29 =	vld.msk [tilespmem:s16+$0x0], $0x1;
	s17 =	sor.u32 $0x6F80, s14  }
0x51e: {  	s14 =	sor.u32 $0x7000, s14;
	v30 =	vld.msk [tilespmem:s17+$0x0], $0x1  }
0x51f: {  	v31 =	vld.msk [tilespmem:s14+$0x0], $0x1;
	[tilespmem:s13+$0x808D] =	vst.msk $0x1, v60  }
0x520: {  	[tilespmem:s13+$0x810D] =	vst.msk $0x1, v61  }
0x521: {  	[tilespmem:s13+$0x818D] =	vst.msk $0x1, v62  }
0x522: {  	[tilespmem:s13+$0x820D] =	vst.msk $0x1, v63  }
0x523: {  	[tilespmem:s13+$0x828D] =	vst.msk $0x1, v20  }
0x524: {  	[tilespmem:s13+$0x830D] =	vst.msk $0x1, v21  }
0x525: {  	[tilespmem:s13+$0x838D] =	vst.msk $0x1, v22  }
0x526: {  	[tilespmem:s13+$0x840D] =	vst.msk $0x1, v23  }
0x527: {  	[tilespmem:s13+$0x848D] =	vst.msk $0x1, v24  }
0x528: {  	[tilespmem:s13+$0x850D] =	vst.msk $0x1, v25  }
0x529: {  	[tilespmem:s13+$0x858D] =	vst.msk $0x1, v26  }
0x52a: {  	[tilespmem:s13+$0x860D] =	vst.msk $0x1, v27  }
0x52b: {  	[tilespmem:s13+$0x868D] =	vst.msk $0x1, v28  }
0x52c: {  	[tilespmem:s13+$0x870D] =	vst.msk $0x1, v29  }
0x52d: {  	[tilespmem:s13+$0x878D] =	vst.msk $0x1, v30  }
0x52e: {  	[tilespmem:s13+$0x880D] =	vst.msk $0x1, v31  }
0x52f: {  	_ =	swait.ge [sflag:s30], $0x800  }
0x530: {  	(v2sf) =	vpush v0, $0x6;
	_ =	sdelay $0xe  }
0x531: {  	s16 =	spop (v2sf)  }
0x532: {  	[sflag:s30] =	ssyncset.done $0x0;
	s14 =	sand.u32 $0x7F, s16  }
0x533: {  	[sflag:s30] =	ssyncadd.s32 $0xFFFFF800;
	s17 =	sor.u32 $0x7080, s14  }
0x534: {  	s16 =	sor.u32 $0x7100, s14;
	v32 =	vld.msk [tilespmem:s17+$0x0], $0x1  }
0x535: {  	v33 =	vld.msk [tilespmem:s16+$0x0], $0x1;
	s17 =	sor.u32 $0x7180, s14  }
0x536: {  	s16 =	sor.u32 $0x7200, s14;
	v34 =	vld.msk [tilespmem:s17+$0x0], $0x1  }
0x537: {  	v35 =	vld.msk [tilespmem:s16+$0x0], $0x1;
	s17 =	sor.u32 $0x7280, s14  }
0x538: {  	s16 =	sor.u32 $0x7300, s14;
	v36 =	vld.msk [tilespmem:s17+$0x0], $0x1  }
0x539: {  	v37 =	vld.msk [tilespmem:s16+$0x0], $0x1;
	s17 =	sor.u32 $0x7380, s14  }
0x53a: {  	s16 =	sor.u32 $0x7400, s14;
	v38 =	vld.msk [tilespmem:s17+$0x0], $0x1  }
0x53b: {  	v39 =	vld.msk [tilespmem:s16+$0x0], $0x1;
	s17 =	sor.u32 $0x7480, s14  }
0x53c: {  	s16 =	sor.u32 $0x7500, s14;
	v40 =	vld.msk [tilespmem:s17+$0x0], $0x1  }
0x53d: {  	v41 =	vld.msk [tilespmem:s16+$0x0], $0x1;
	s17 =	sor.u32 $0x7580, s14  }
0x53e: {  	s16 =	sor.u32 $0x7600, s14;
	v42 =	vld.msk [tilespmem:s17+$0x0], $0x1  }
0x53f: {  	v43 =	vld.msk [tilespmem:s16+$0x0], $0x1;
	s17 =	sor.u32 $0x7680, s14  }
0x540: {  	s16 =	sor.u32 $0x7700, s14;
	v44 =	vld.msk [tilespmem:s17+$0x0], $0x1  }
0x541: {  	v45 =	vld.msk [tilespmem:s16+$0x0], $0x1;
	s17 =	sor.u32 $0x7780, s14  }
0x542: {  	s14 =	sor.u32 $0x7800, s14;
	v46 =	vld.msk [tilespmem:s17+$0x0], $0x1  }
0x543: {  	v47 =	vld.msk [tilespmem:s14+$0x0], $0x1;
	[tilespmem:s13+$0x808E] =	vst.msk $0x1, v32  }
0x544: {  	[tilespmem:s13+$0x810E] =	vst.msk $0x1, v33  }
0x545: {  	[tilespmem:s13+$0x818E] =	vst.msk $0x1, v34  }
0x546: {  	[tilespmem:s13+$0x820E] =	vst.msk $0x1, v35  }
0x547: {  	[tilespmem:s13+$0x828E] =	vst.msk $0x1, v36  }
0x548: {  	[tilespmem:s13+$0x830E] =	vst.msk $0x1, v37  }
0x549: {  	[tilespmem:s13+$0x838E] =	vst.msk $0x1, v38  }
0x54a: {  	[tilespmem:s13+$0x840E] =	vst.msk $0x1, v39  }
0x54b: {  	[tilespmem:s13+$0x848E] =	vst.msk $0x1, v40  }
0x54c: {  	[tilespmem:s13+$0x850E] =	vst.msk $0x1, v41  }
0x54d: {  	[tilespmem:s13+$0x858E] =	vst.msk $0x1, v42  }
0x54e: {  	[tilespmem:s13+$0x860E] =	vst.msk $0x1, v43  }
0x54f: {  	[tilespmem:s13+$0x868E] =	vst.msk $0x1, v44  }
0x550: {  	[tilespmem:s13+$0x870E] =	vst.msk $0x1, v45  }
0x551: {  	[tilespmem:s13+$0x878E] =	vst.msk $0x1, v46  }
0x552: {  	[tilespmem:s13+$0x880E] =	vst.msk $0x1, v47  }
0x553: {  	_ =	swait.ge [sflag:s30], $0x800  }
0x554: {  	(v2sf) =	vpush v0, $0x7;
	_ =	sdelay $0xe  }
0x555: {  	s16 =	spop (v2sf)  }
0x556: {  	[sflag:s30] =	ssyncset.done $0x0;
	s14 =	sand.u32 $0x7F, s16  }
0x557: {  	[sflag:s30] =	ssyncadd.s32 $0xFFFFF800;
	s17 =	sor.u32 $0x7880, s14  }
0x558: {  	s16 =	sor.u32 $0x7900, s14;
	v48 =	vld.msk [tilespmem:s17+$0x0], $0x1  }
0x559: {  	v49 =	vld.msk [tilespmem:s16+$0x0], $0x1;
	s17 =	sor.u32 $0x7980, s14  }
0x55a: {  	s16 =	sor.u32 $0x7A00, s14;
	v50 =	vld.msk [tilespmem:s17+$0x0], $0x1  }
0x55b: {  	v51 =	vld.msk [tilespmem:s16+$0x0], $0x1;
	s17 =	sor.u32 $0x7A80, s14  }
0x55c: {  	s16 =	sor.u32 $0x7B00, s14;
	v52 =	vld.msk [tilespmem:s17+$0x0], $0x1  }
0x55d: {  	v53 =	vld.msk [tilespmem:s16+$0x0], $0x1;
	s17 =	sor.u32 $0x7B80, s14  }
0x55e: {  	s16 =	sor.u32 $0x7C00, s14;
	v54 =	vld.msk [tilespmem:s17+$0x0], $0x1  }
0x55f: {  	v55 =	vld.msk [tilespmem:s16+$0x0], $0x1;
	s17 =	sor.u32 $0x7C80, s14  }
0x560: {  	s16 =	sor.u32 $0x7D00, s14;
	v56 =	vld.msk [tilespmem:s17+$0x0], $0x1  }
0x561: {  	v57 =	vld.msk [tilespmem:s16+$0x0], $0x1;
	s17 =	sor.u32 $0x7D80, s14  }
0x562: {  	s16 =	sor.u32 $0x7E00, s14;
	v58 =	vld.msk [tilespmem:s17+$0x0], $0x1  }
0x563: {  	v59 =	vld.msk [tilespmem:s16+$0x0], $0x1;
	s17 =	sor.u32 $0x7E80, s14  }
0x564: {  	s16 =	sor.u32 $0x7F00, s14;
	v60 =	vld.msk [tilespmem:s17+$0x0], $0x1  }
0x565: {  	v61 =	vld.msk [tilespmem:s16+$0x0], $0x1;
	s17 =	sor.u32 $0x7F80, s14  }
0x566: {  	s14 =	sor.u32 $0x8000, s14;
	v62 =	vld.msk [tilespmem:s17+$0x0], $0x1  }
0x567: {  	v63 =	vld.msk [tilespmem:s14+$0x0], $0x1;
	[tilespmem:s13+$0x808F] =	vst.msk $0x1, v48  }
0x568: {  	[tilespmem:s13+$0x810F] =	vst.msk $0x1, v49  }
0x569: {  	[tilespmem:s13+$0x818F] =	vst.msk $0x1, v50  }
0x56a: {  	[tilespmem:s13+$0x820F] =	vst.msk $0x1, v51  }
0x56b: {  	[tilespmem:s13+$0x828F] =	vst.msk $0x1, v52  }
0x56c: {  	[tilespmem:s13+$0x830F] =	vst.msk $0x1, v53  }
0x56d: {  	[tilespmem:s13+$0x838F] =	vst.msk $0x1, v54  }
0x56e: {  	[tilespmem:s13+$0x840F] =	vst.msk $0x1, v55  }
0x56f: {  	[tilespmem:s13+$0x848F] =	vst.msk $0x1, v56  }
0x570: {  	[tilespmem:s13+$0x850F] =	vst.msk $0x1, v57  }
0x571: {  	[tilespmem:s13+$0x858F] =	vst.msk $0x1, v58  }
.Ltmp5:
0x572: {  	[tilespmem:s13+$0x860F] =	vst.msk $0x1, v59;
	(pc) =	sbr.rel @p1 .LBB2_8-.Ltmp5, $4  }
0x573: {  	[tilespmem:s13+$0x868F] =	vst.msk $0x1, v60  }
0x574: {  	[tilespmem:s13+$0x870F] =	vst.msk $0x1, v61  }
0x575: {  	[tilespmem:s13+$0x878F] =	vst.msk $0x1, v62  }
0x576: {  	[tilespmem:s13+$0x880F] =	vst.msk $0x1, v63  }
0x577: {  	v0 =	vld.msk [tilespmem:s13+$0x18], $0xff;
	_ =	sdelay $0x4  }
0x578: {  	(v2sf) =	vpush v0, $0x0;
	_ =	sdelay $0x1  }
0x579: {  	(v2sf) =	vpush v0, $0x1;
	_ =	sdelay $0x1  }
0x57a: {  	(v2sf) =	vpush v0, $0x2;
	_ =	sdelay $0x2  }
0x57b: {  	(v2sf) =	vpush v0, $0x3;
	_ =	sdelay $0x7  }
0x57c: {  	s14 =	spop (v2sf);
	(v2sf) =	vpush v0, $0x4;
	_ =	sdelay $0x1  }
0x57d: {  	s15 =	spop (v2sf);
	(v2sf) =	vpush v0, $0x5  }
0x57e: {  	s13 =	sand.u32 $0xFFFFF80, s14  }
0x57f: {  	s13 =	sadd.s32 s13, s6;
	s16 =	spop (v2sf)  }
0x580: {  	(v2sf) =	vpush v0, $0x6;
	[tilespmem:s20], [sflag:$0x2] =	stream.strided.gather [hbm4b:s13+s10], $0x800, s11, s10, $0x38;
	[tilespmem:$0x8880] =	vst v63  }
0x581: {  	s13 =	sand.u32 $0xFFFFF80, s15  }
0x582: {  	s17 =	spop (v2sf);
	s13 =	sadd.s32 s13, s6  }
0x583: {  	(v2sf) =	vpush v0, $0x7;
	[tilespmem:s21], [sflag:$0x2] =	stream.strided.gather [hbm4b:s13+s10], $0x800, s11, s10, $0x38;
	[tilespmem:$0x8880] =	vst v63  }
0x584: {  	s13 =	sand.u32 $0xFFFFF80, s16  }
0x585: {  	s13 =	sadd.s32 s13, s6  }
0x586: {  	[tilespmem:s22], [sflag:$0x2] =	stream.strided.gather [hbm4b:s13+s10], $0x800, s11, s10, $0x38;
	[tilespmem:$0x8880] =	vst v63  }
0x587: {  	s13 =	sand.u32 $0xFFFFF80, s17  }
0x588: {  	s13 =	sadd.s32 s13, s6  }
0x589: {  	[tilespmem:s23], [sflag:$0x2] =	stream.strided.gather [hbm4b:s13+s10], $0x800, s11, s10, $0x38;
	[tilespmem:$0x8880] =	vst v63  }
0x58a: {  	s14 =	spop (v2sf)  }
0x58b: {  	s13 =	sand.u32 $0xFFFFF80, s14  }
0x58c: {  	s15 =	spop (v2sf);
	s13 =	sadd.s32 s13, s6  }
0x58d: {  	[tilespmem:s24], [sflag:$0x2] =	stream.strided.gather [hbm4b:s13+s10], $0x800, s11, s10, $0x38;
	[tilespmem:$0x8880] =	vst v63  }
0x58e: {  	s13 =	sand.u32 $0xFFFFF80, s15  }
0x58f: {  	s16 =	spop (v2sf);
	s13 =	sadd.s32 s13, s6  }
0x590: {  	[tilespmem:s25], [sflag:$0x2] =	stream.strided.gather [hbm4b:s13+s10], $0x800, s11, s10, $0x38;
	[tilespmem:$0x8880] =	vst v63  }
0x591: {  	s13 =	sand.u32 $0xFFFFF80, s16  }
.Ltmp6:
0x592: {  	s17 =	spop (v2sf);
	s13 =	sadd.s32 s13, s6;
	(pc) =	sbr.rel .LBB2_7-.Ltmp6, $4  }
0x593: {  	[tilespmem:s26], [sflag:$0x2] =	stream.strided.gather [hbm4b:s13+s10], $0x800, s11, s10, $0x38;
	[tilespmem:$0x8880] =	vst v63  }
0x594: {  	s13 =	sand.u32 $0xFFFFF80, s17  }
0x595: {  	s12 =	sadd.s32 $0x1, s12;
	s13 =	sadd.s32 s13, s6  }
0x596: {  	[tilespmem:s28], [sflag:$0x2] =	stream.strided.gather [hbm4b:s13+s10], $0x800, s11, s10, $0x38;
	[tilespmem:$0x8880] =	vst v63  }
.LBB2_4:
.Ltmp7:
0x597: {  	(pc) =	sbr.rel .LBB2_9-.Ltmp7, $2  }
0x598: {  	_ =	sdelay $0x2  }
0x599: {  	s12 =	smov.u32 s5  }
.LBB2_10:
0x59a: {  	_ =	sfence.sel $0x180000  }
0x59b: {  	[bflag:$0x0] =	sbarrier.arrive $0xFFFF  }
0x59c: {  	_ =	strace $0x90000047  }
0x59d: {  	s0 =	stileid.u32;
	[bflag:$0x2] =	sbarrier.arrive $0xFFFF  }
0x59e: {  	p0 =	sne.s32 s0, $0x0;
	s0 =	rddreg [dreg:$0x4]  }
0x59f: {  	s0 =	sadd.s32 @!p0 $0x100000, s0  }
0x5a0: {  	[sflag:s0] =	ssyncadd.tile.s32 @!p0 $0x1;
	_ =	shalt  }
.Lfunc_end2:
_tile_overlayer_lowered:
.L_overlay_start_2:
0x5a1: {  	(tag) =	ssettag $0x2  }
0x5a2: {  	s0 =	rddreg [dreg:$0x0];
	s2 =	stileid.u32  }
0x5a3: {  	s1 =	rddreg [dreg:$0x1];
	p0 =	sne.s32 s2, $0x0  }
0x5a4: {  	s3 =	rddreg [dreg:$0x2];
	[bflag:$0x3] =	sbarrier.arrive $0xFFFF;
	s2 =	simm.s32 @!p0 $0x1C03  }
0x5a5: {  	[timem:s3], [sflag:s2] =	dma.local @!p0 [hbm:s0], s1  }
0x5a6: {  	s0 =	simm.s32 @!p0 $0x3  }
0x5a7: {  	_ =	swait.ge @!p0 [sflag:s0], s1  }
0x5a8: {  	s1 =	ssub.s32 @!p0 $0x0, s1;
	[sflag:s0] =	ssyncset.done @!p0 $0x0  }
0x5a9: {  	[sflag:s0] =	ssyncadd.s32 @!p0 s1  }
0x5aa: {  	[bflag:$0x3] =	sbarrier.arrive $0xFFFF  }
0x5ab: {  	_ =	shalt  }

</sc_bundles>
